<compile_context>
chip_gen: v7x
topology: tpu7x:2x2x1
jax: 0.10.2.dev20260603
libtpu: 0.0.44.dev20260713+nightly
codegen_flags: <defaults>
</compile_context>

<pallas_src>
import functools

import numpy as np
import jax
import jax.numpy as jnp
from jax import lax
from jax.experimental import pallas as pl
from jax.experimental.pallas import tpu as pltpu
from jax.experimental.pallas import tpu_sc as plsc

_NEG_INF = float("-inf")
_EPS = 1e-4
_LOG_EPS = float(np.log(np.float32(_EPS)))
_TINY = np.float32(np.finfo(np.float32).tiny)

_DN_T = (((1,), (1,)), ((), ()))
_DN = (((1,), (0,)), ((), ()))


def _mm(x, w, dn):
    return lax.dot_general(x, w, dimension_numbers=dn,
                           preferred_element_type=jnp.float32)


def _threefry_gumbel(k1, k2, idx):
    rots = ((13, 15, 26, 6), (17, 29, 16, 24))
    ks0, ks1 = k1, k2
    ks2 = k1 ^ k2 ^ np.uint32(0x1BD11BDA)
    x0 = jnp.zeros_like(idx) + ks0
    x1 = idx + ks1
    kseq = (ks1, ks2, ks0)
    for i in range(5):
        for r in rots[i % 2]:
            x0 = x0 + x1
            x1 = lax.shift_left(x1, np.uint32(r)) | lax.shift_right_logical(
                x1, np.uint32(32 - r))
            x1 = x0 ^ x1
        x0 = x0 + kseq[i % 3]
        x1 = x1 + kseq[(i + 1) % 3] + np.uint32(i + 1)
    bits = x0 ^ x1
    fb = lax.shift_right_logical(bits, np.uint32(9)) | np.uint32(0x3F800000)
    u = lax.bitcast_convert_type(fb, jnp.float32) - np.float32(1.0)
    u = jnp.maximum(_TINY, u * np.float32(1.0 - _TINY) + _TINY)
    return -jnp.log(-jnp.log(u))


def _qhead_kernel(x_ref, w0, b0, w1, b1, w2, b2, wf, bf, wq, out_ref):
    o = out_ref.shape[1]
    q = x_ref[...]
    for w, b in ((w0, b0), (w1, b1), (w2, b2)):
        q = jnp.maximum(_mm(q, w[...], _DN_T) + b[...], 0.0)
    q = _mm(q, wf[...], _DN_T) + bf[...]
    out_ref[...] = _mm(jnp.maximum(q, 0.0), wq[:, :o], _DN_T)


def _kmain_kernel(x_ref, bi_ref, psb_ref, w0, b0, w1, b1, w2, b2, wf, bf,
                  wg, f0b, f1w, f1b, qf_ref,
                  logits_ref, z_ref, c_ref,
                  plog_ref, m_ref, s_ref):
    t = pl.program_id(0)
    nb = qf_ref.shape[0]
    tt = x_ref.shape[0]
    seg_iota = lax.broadcasted_iota(jnp.int32, (tt, nb), 1)

    valid = t > 0
    plog = plog_ref[0, :]
    psb = psb_ref[0, 0, :]
    mask = psb[:, None] == seg_iota
    tile_max = jnp.where(
        valid, jnp.max(jnp.where(mask, plog[:, None], _NEG_INF), axis=0),
        _NEG_INF)
    tile_cnt = jnp.where(valid, jnp.sum(mask.astype(jnp.float32), axis=0), 0.0)
    m_prev = jnp.where(t <= 1, _NEG_INF, m_ref[0, :])
    s_prev = jnp.where(t <= 1, 0.0, s_ref[0, :])
    c_prev = jnp.where(t <= 1, 0.0, c_ref[0, :])
    m_new = jnp.maximum(m_prev, tile_max)
    alpha = jnp.where(m_prev == _NEG_INF, 0.0, jnp.exp(m_prev - m_new))
    tile_sum = jnp.where(
        valid & mask, jnp.exp(plog[:, None] - m_new[None, :]), 0.0
    ).sum(axis=0)
    s_new = s_prev * alpha + tile_sum
    m_ref[0, :] = m_new
    s_ref[0, :] = s_new
    c_ref[0, :] = c_prev + tile_cnt
    z_ref[0, :] = m_new + jnp.log(s_new)

    h = x_ref[...]
    for w, b in ((w0, b0), (w1, b1), (w2, b2)):
        h = jnp.maximum(_mm(h, w[...], _DN_T) + b[...], 0.0)
    k = _mm(h, wf[...], _DN_T) + bf[...]
    kg = _mm(jnp.maximum(k, 0.0), wg[...], _DN_T)

    bi = bi_ref[0, 0, :]
    oh = (bi[:, None] == seg_iota).astype(jnp.float32)
    qe = _mm(oh, qf_ref[...], _DN)

    pre = jnp.maximum(kg + qe + f0b[...], 0.0)
    logit = jnp.sum(pre * f1w[...], axis=1) + f1b[0, 0]
    logits_ref[0, 0, :] = logit
    plog_ref[0, :] = logit


def _sc_probs(logits_flat, sb, z_flat):
    n = logits_flat.shape[0]
    nbz = z_flat.shape[0]
    info = plsc.get_sparse_core_info()
    nw = info.num_cores * info.num_subcores
    lanes = info.num_lanes
    chunk = n // nw
    mesh = plsc.VectorSubcoreMesh(core_axis_name="c", subcore_axis_name="s")

    @functools.partial(
        pl.kernel, mesh=mesh,
        out_type=jax.ShapeDtypeStruct((n,), jnp.float32),
        scratch_types=[
            pltpu.VMEM((chunk,), jnp.float32),
            pltpu.VMEM((chunk,), jnp.int32),
            pltpu.VMEM((nbz + lanes,), jnp.float32),
            pltpu.VMEM((chunk,), jnp.float32),
        ],
    )
    def k(lg_hbm, sb_hbm, z_hbm, out_hbm, lg_v, sb_v, z_s, pr_v):
        wid = lax.axis_index("s") * info.num_cores + lax.axis_index("c")
        base = wid * chunk
        pltpu.sync_copy(lg_hbm.at[pl.ds(base, chunk)], lg_v)
        pltpu.sync_copy(sb_hbm.at[pl.ds(base, chunk)], sb_v)
        pltpu.sync_copy(z_hbm, z_s)
        lo = sb_v[pl.ds(0, lanes)][0]
        hi = sb_v[pl.ds(chunk - lanes, lanes)][lanes - 1]
        for i in range(chunk // lanes):
            sl = pl.ds(i * lanes, lanes)
            sbv = sb_v[sl]

            def seg_body(s, zz):
                return jnp.where(sbv == s, z_s[pl.ds(s, lanes)][0], zz)

            zz = lax.fori_loop(lo, hi + 1, seg_body,
                               jnp.zeros((lanes,), jnp.float32))
            pr_v[sl] = jnp.exp(lg_v[sl] - zz)
        pltpu.sync_copy(pr_v, out_hbm.at[pl.ds(base, chunk)])

    return k(logits_flat, sb,
             jnp.pad(z_flat, (0, lanes)))


def _sample_kernel(logits_ref, sb_ref, kd_ref, z_ref, c_ref,
                   act_ref, alp_ref,
                   bv_ref, bix_ref, blp_ref):
    t = pl.program_id(0)
    nt = pl.num_programs(0)
    nb = z_ref.shape[1]
    tt = logits_ref.shape[2]
    n = nt * tt

    logit = logits_ref[0, 0, :]
    sb = sb_ref[0, 0, :]
    seg_iota = lax.broadcasted_iota(jnp.int32, (tt, nb), 1)
    mask = sb[:, None] == seg_iota
    z_e = jnp.sum(jnp.where(mask, z_ref[0, :][None, :], 0.0), axis=1)
    lp = logit - z_e

    col = t * tt + lax.broadcasted_iota(jnp.int32, (tt,), 0)
    idx = (sb * n + col).astype(jnp.uint32)
    g = _threefry_gumbel(kd_ref[0, 0], kd_ref[0, 1], idx)

    score = jnp.where(lp > _LOG_EPS, g + lp, _NEG_INF)
    tbest = jnp.max(jnp.where(mask, score[:, None], _NEG_INF), axis=0)
    row_iota = lax.broadcasted_iota(jnp.int32, (tt, nb), 0)
    hit = mask & (score[:, None] == tbest[None, :])
    targ = jnp.min(jnp.where(hit, row_iota, tt), axis=0)
    first = mask & (row_iota == targ[None, :])
    t_lp = jnp.sum(jnp.where(first, lp[:, None], 0.0), axis=0)

    @pl.when(t == 0)
    def _init():
        bv_ref[...] = jnp.full(bv_ref.shape, _NEG_INF, jnp.float32)
        bix_ref[...] = jnp.zeros(bix_ref.shape, jnp.int32)
        blp_ref[...] = jnp.full(blp_ref.shape, lp[0], jnp.float32)

    upd = tbest > bv_ref[0, :]
    bv_ref[0, :] = jnp.where(upd, tbest, bv_ref[0, :])
    bix_ref[0, :] = jnp.where(upd, t * tt + targ, bix_ref[0, :])
    blp_ref[0, :] = jnp.where(upd, t_lp, blp_ref[0, :])

    @pl.when(t == nt - 1)
    def _fin():
        c = c_ref[0, :]
        i = lax.broadcasted_iota(jnp.int32, (nb, nb), 0)
        j = lax.broadcasted_iota(jnp.int32, (nb, nb), 1)
        shifts = jnp.sum(jnp.where(i < j, c[:, None], 0.0), axis=0)
        act_ref[0, :] = bix_ref[0, :] - shifts.astype(jnp.int32)
        alp_ref[0, :] = blp_ref[0, :]


def kernel(states, candidates, batch_idx, Qw0, Qb0, Qw1, Qb1, Qw2, Qb2,
           Kw0, Kb0, Kw1, Kb1, Kw2, Kb2, Qfw, Qfb, Kfw, Kfb,
           F0w, F0b, F1w, F1b):
    nb, d = states.shape
    n = candidates.shape[0]
    o = Qfw.shape[0]
    h = Qw0.shape[0]
    tt = 512
    nt = n // tt
    tts = 2048
    nts = n // tts

    f32 = jnp.float32
    row = lambda v: v.reshape(1, -1).astype(f32)

    bi = batch_idx.astype(jnp.int32)
    trans = (bi[1:] != bi[:-1]).astype(jnp.int32)
    sb = jnp.cumsum(jnp.concatenate([jnp.zeros((1,), jnp.int32), trans]))
    bi3 = bi.reshape(nt, 1, tt)
    sb3 = sb.reshape(nt, 1, tt)
    sb3s = sb.reshape(nts, 1, tts)

    kd = jax.random.key_data(jax.random.key(1234)).reshape(1, 2)

    full = lambda shp: pl.BlockSpec(shp, lambda i: (0,) * len(shp))

    qf = pl.pallas_call(
        _qhead_kernel,
        out_shape=jax.ShapeDtypeStruct((nb, o), f32),
    )(states, Qw0, row(Qb0), Qw1, row(Qb1), Qw2, row(Qb2),
      Qfw, row(Qfb), F0w)

    tile3 = pl.BlockSpec((1, 1, tt), lambda i: (i, 0, 0))
    last = nt - 1
    tile3c = pl.BlockSpec((1, 1, tt), lambda i: (jnp.minimum(i, last), 0, 0))
    tile3p = pl.BlockSpec((1, 1, tt), lambda i: (jnp.maximum(i - 1, 0), 0, 0))

    logits3, z, c = pl.pallas_call(
        _kmain_kernel,
        grid=(nt + 1,),
        in_specs=[
            pl.BlockSpec((tt, d), lambda i: (jnp.minimum(i, nt - 1), 0)),
            tile3c, tile3p,
            full((h, d)), full((1, h)),
            full((h, h)), full((1, h)),
            full((h, h)), full((1, h)),
            full((o, h)), full((1, o)),
            pl.BlockSpec((o, o), lambda i: (0, 1)),
            full((1, o)), full((1, o)), full((1, 1)),
            full((nb, o)),
        ],
        out_specs=[
            tile3c,
            full((1, nb)), full((1, nb)),
        ],
        out_shape=[
            jax.ShapeDtypeStruct((nt, 1, tt), f32),
            jax.ShapeDtypeStruct((1, nb), f32),
            jax.ShapeDtypeStruct((1, nb), f32),
        ],
        scratch_shapes=[
            pltpu.VMEM((1, tt), f32),
            pltpu.VMEM((1, nb), f32),
            pltpu.VMEM((1, nb), f32),
        ],
        compiler_params=pltpu.CompilerParams(
            vmem_limit_bytes=110 * 1024 * 1024),
    )(candidates, bi3, sb3,
      Kw0, row(Kb0), Kw1, row(Kb1), Kw2, row(Kb2),
      Kfw, row(Kfb), F0w, row(F0b), row(F1w), F1b.reshape(1, 1), qf)

    act, alp = pl.pallas_call(
        _sample_kernel,
        grid=(nts,),
        in_specs=[
            pl.BlockSpec((1, 1, tts), lambda i: (i, 0, 0)),
            pl.BlockSpec((1, 1, tts), lambda i: (i, 0, 0)),
            full((1, 2)),
            full((1, nb)), full((1, nb)),
        ],
        out_specs=[
            full((1, nb)), full((1, nb)),
        ],
        out_shape=[
            jax.ShapeDtypeStruct((1, nb), jnp.int32),
            jax.ShapeDtypeStruct((1, nb), f32),
        ],
        scratch_shapes=[
            pltpu.VMEM((1, nb), f32),
            pltpu.VMEM((1, nb), jnp.int32),
            pltpu.VMEM((1, nb), f32),
        ],
    )(logits3.reshape(nts, 1, tts), sb3s, kd, z, c)

    probs = _sc_probs(logits3.reshape(n), sb, z.reshape(nb))

    return probs, alp.reshape(nb), act.reshape(nb)

# --- scband reference (transcript-rebuilt; emitter-appended) ---
"""Pipeline reference for scband-actor-critic-gapn-62448824484487 (READ-ONLY COPY).

The authoritative reference and input builder live on the scoring server;
editing this copy changes nothing except your own understanding.
"""

import jax, jax.numpy as jnp
import numpy as np

B, N, D, H, O = 64, 32768, 1024, 1024, 512

def _init_linear(key, out_dim, in_dim):
    k1, k2 = jax.random.split(key)
    bound = 1.0 / np.sqrt(in_dim)
    w = jax.random.uniform(k1, (out_dim, in_dim), jnp.float32, -bound, bound)
    b = jax.random.uniform(k2, (out_dim,), jnp.float32, -bound, bound)
    return w, b

def setup_inputs(seed: int = 0) -> dict:
    key = jax.random.key(seed)
    ks = jax.random.split(key, 16)
    inp = {}
    inp['states'] = jax.random.normal(ks[0], (B, D), jnp.float32)
    inp['candidates'] = jax.random.normal(ks[1], (N, D), jnp.float32)
    inp['batch_idx'] = jnp.sort(jax.random.randint(ks[2], (N,), 0, B))
    dims = [D, H, H, H]
    for i in range(3):
        inp['Qw%d' % i], inp['Qb%d' % i] = _init_linear(ks[3 + 2 * i], dims[i + 1], dims[i])
        inp['Kw%d' % i], inp['Kb%d' % i] = _init_linear(ks[4 + 2 * i], dims[i + 1], dims[i])
    inp['Qfw'], inp['Qfb'] = _init_linear(ks[9], O, H)
    inp['Kfw'], inp['Kfb'] = _init_linear(ks[10], O, H)
    inp['F0w'], inp['F0b'] = _init_linear(ks[11], O, 2 * O)
    inp['F1w'], inp['F1b'] = _init_linear(ks[12], 1, O)
    return inp

def reference(states, candidates, batch_idx, Qw0, Qb0, Qw1, Qb1, Qw2, Qb2, Kw0, Kb0, Kw1, Kb1, Kw2, Kb2, Qfw, Qfb, Kfw, Kfb, F0w, F0b, F1w, F1b):
    relu = jax.nn.relu
    Q = states
    K = candidates
    for (w, b) in [(Qw0, Qb0), (Qw1, Qb1), (Qw2, Qb2)]:
        Q = relu(Q @ w.T + b)
    for (w, b) in [(Kw0, Kb0), (Kw1, Kb1), (Kw2, Kb2)]:
        K = relu(K @ w.T + b)
    Q = Q @ Qfw.T + Qfb
    K = K @ Kfw.T + Kfb
    # reset_batch_index -> contiguous segment ids
    transitions = (batch_idx[1:] != batch_idx[:-1]).astype(batch_idx.dtype)
    b_idx = jnp.cumsum(jnp.concatenate([jnp.zeros((1,), batch_idx.dtype), transitions]))
    nseg = states.shape[0]
    # batched_expand: repeat_interleave(Q, bincount(batch)) == gather for sorted batch
    Qe = Q[batch_idx]
    logits = jnp.concatenate([Qe, K], axis=-1)
    logits = relu(logits) @ F0w.T + F0b
    logits = relu(logits) @ F1w.T + F1b
    logits = logits[:, 0]
    # batched_softmax (pyg.utils.softmax): segment softmax
    mx = jax.ops.segment_max(logits, b_idx, num_segments=nseg)
    ex = jnp.exp(logits - mx[b_idx])
    sm = jax.ops.segment_sum(ex, b_idx, num_segments=nseg)
    probs = ex / sm[b_idx]
    # batched_sample
    eps = 1e-4
    mask = (b_idx[None, :] == jnp.arange(nseg)[:, None])
    p = probs[None, :] * mask
    p = jnp.where(p > eps, p, 0.0)
    logp = jnp.where(p > 0, jnp.log(jnp.maximum(p, 1e-38)), -jnp.inf)
    shifted_actions = jax.random.categorical(jax.random.key(1234), logp, axis=-1)
    # get_batch_shift
    counts = jnp.bincount(b_idx, length=nseg)
    shifts = jnp.concatenate([jnp.zeros((1,), counts.dtype), jnp.cumsum(counts)[:-1]])
    actions = shifted_actions - shifts
    action_logprobs = jnp.log(probs[shifted_actions])
    return (probs, action_logprobs, actions)

if __name__ == "__main__":
    import jax
    _d = setup_inputs()
    print(jax.jit(kernel)(*tuple(_d.values())))

</pallas_src>

<mosaic_0001>
#map = affine_map<(d0, d1) -> (0)>
module attributes {stable_mosaic.version = 14 : i64} {
  func.func @k(%arg0: i32, %arg1: i32, %arg2: memref<32768xf32, #tpu.memory_space<hbm>>, %arg3: memref<32768xi32, #tpu.memory_space<hbm>>, %arg4: memref<80xf32, #tpu.memory_space<hbm>>, %arg5: memref<32768xf32, #tpu.memory_space<hbm>>, %arg6: memref<1024xf32, #tpu.memory_space<vmem>>, %arg7: memref<1024xi32, #tpu.memory_space<vmem>>, %arg8: memref<80xf32, #tpu.memory_space<vmem>>, %arg9: memref<1024xf32, #tpu.memory_space<vmem>>) attributes {dimension_semantics = [#tpu.dimension_semantics<core_parallel>, #tpu.dimension_semantics<subcore_parallel>], iteration_bounds = array<i64: 2, 16>, scalar_prefetch = 0 : i64, scratch_operands = 4 : i64, tpu.core_type = #tpu.core_type<sc_vector_subcore>, window_params = [{transform_indices = #map}, {transform_indices = #map}, {transform_indices = #map}, {transform_indices = #map}]} {
    %mul3A = arith.constant 2 : i32
    %mul3A_0 = arith.muli %arg1, %mul3A : i32
    %add3A = arith.addi %mul3A_0, %arg0 : i32
    %mul3A_1 = arith.constant 1024 : i32
    %mul3A_2 = arith.muli %add3A, %mul3A_1 : i32
    "tpu.region"() ({
      %run_scoped3A = tpu.sem_alloc : memref<!tpu.dma_semaphore, #tpu.memory_space<semaphore_mem>>
      %dma_start3A = tpu.memref_slice %arg2[%mul3A_2] : memref<32768xf32, #tpu.memory_space<hbm>> -> memref<1024xf32, #tpu.memory_space<hbm>>
      %dma_start3A_1669 = tpu.memref_slice %arg2[%mul3A_2] : memref<32768xf32, #tpu.memory_space<hbm>> -> memref<1024xf32, #tpu.memory_space<hbm>>
      tpu.enqueue_dma source(%dma_start3A_1669 : memref<1024xf32, #tpu.memory_space<hbm>>) target(%arg6 : memref<1024xf32, #tpu.memory_space<vmem>>) target_semaphore(%run_scoped3A : memref<!tpu.dma_semaphore, #tpu.memory_space<semaphore_mem>>)
      %dma_wait3A = tpu.memref_slice %arg2[%mul3A_2] : memref<32768xf32, #tpu.memory_space<hbm>> -> memref<1024xf32, #tpu.memory_space<hbm>>
      %dma_wait3A_1670 = tpu.memref_slice %arg2[%mul3A_2] : memref<32768xf32, #tpu.memory_space<hbm>> -> memref<1024xf32, #tpu.memory_space<hbm>>
      tpu.wait_dma2 semaphore(%run_scoped3A : memref<!tpu.dma_semaphore, #tpu.memory_space<semaphore_mem>>) src(%dma_wait3A_1670 : memref<1024xf32, #tpu.memory_space<hbm>>) dst(%arg6 : memref<1024xf32, #tpu.memory_space<vmem>>)
      tpu.yield
    }) : () -> ()
    "tpu.region"() ({
      %run_scoped3A = tpu.sem_alloc : memref<!tpu.dma_semaphore, #tpu.memory_space<semaphore_mem>>
      %dma_start3A = tpu.memref_slice %arg3[%mul3A_2] : memref<32768xi32, #tpu.memory_space<hbm>> -> memref<1024xi32, #tpu.memory_space<hbm>>
      %dma_start3A_1669 = tpu.memref_slice %arg3[%mul3A_2] : memref<32768xi32, #tpu.memory_space<hbm>> -> memref<1024xi32, #tpu.memory_space<hbm>>
      tpu.enqueue_dma source(%dma_start3A_1669 : memref<1024xi32, #tpu.memory_space<hbm>>) target(%arg7 : memref<1024xi32, #tpu.memory_space<vmem>>) target_semaphore(%run_scoped3A : memref<!tpu.dma_semaphore, #tpu.memory_space<semaphore_mem>>)
      %dma_wait3A = tpu.memref_slice %arg3[%mul3A_2] : memref<32768xi32, #tpu.memory_space<hbm>> -> memref<1024xi32, #tpu.memory_space<hbm>>
      %dma_wait3A_1670 = tpu.memref_slice %arg3[%mul3A_2] : memref<32768xi32, #tpu.memory_space<hbm>> -> memref<1024xi32, #tpu.memory_space<hbm>>
      tpu.wait_dma2 semaphore(%run_scoped3A : memref<!tpu.dma_semaphore, #tpu.memory_space<semaphore_mem>>) src(%dma_wait3A_1670 : memref<1024xi32, #tpu.memory_space<hbm>>) dst(%arg7 : memref<1024xi32, #tpu.memory_space<vmem>>)
      tpu.yield
    }) : () -> ()
    "tpu.region"() ({
      %run_scoped3A = tpu.sem_alloc : memref<!tpu.dma_semaphore, #tpu.memory_space<semaphore_mem>>
      tpu.enqueue_dma source(%arg4 : memref<80xf32, #tpu.memory_space<hbm>>) target(%arg8 : memref<80xf32, #tpu.memory_space<vmem>>) target_semaphore(%run_scoped3A : memref<!tpu.dma_semaphore, #tpu.memory_space<semaphore_mem>>)
      tpu.wait_dma2 semaphore(%run_scoped3A : memref<!tpu.dma_semaphore, #tpu.memory_space<semaphore_mem>>) src(%arg4 : memref<80xf32, #tpu.memory_space<hbm>>) dst(%arg8 : memref<80xf32, #tpu.memory_space<vmem>>)
      tpu.yield
    }) : () -> ()
    %get3A = arith.constant 0 : index
    %get3A_3 = tpu.vector_load %arg7[%get3A] {strides = array<i32>} : memref<1024xi32, #tpu.memory_space<vmem>>, vector<16xi32>,
    %get3A_4 = vector.shape_cast %get3A_3 : vector<16xi32> to vector<16xi32>
    %slice3A = vector.extract_strided_slice %get3A_4 {offsets = [0], sizes = [1], strides = [1]} : vector<16xi32> to vector<1xi32>
    %squeeze3A = vector.extract %slice3A[0] : i32 from vector<1xi32>
    %get3A_5 = arith.constant 1008 : index
    %get3A_6 = tpu.vector_load %arg7[%get3A_5] {strides = array<i32>} : memref<1024xi32, #tpu.memory_space<vmem>>, vector<16xi32>,
    %get3A_7 = vector.shape_cast %get3A_6 : vector<16xi32> to vector<16xi32>
    %slice3A_8 = vector.extract_strided_slice %get3A_7 {offsets = [15], sizes = [1], strides = [1]} : vector<16xi32> to vector<1xi32>
    %squeeze3A_9 = vector.extract %slice3A_8[0] : i32 from vector<1xi32>
    %get3A_10 = arith.constant 0 : index
    %get3A_11 = tpu.vector_load %arg7[%get3A_10] {strides = array<i32>} : memref<1024xi32, #tpu.memory_space<vmem>>, vector<16xi32>,
    %get3A_12 = vector.shape_cast %get3A_11 : vector<16xi32> to vector<16xi32>
    %add3A_13 = arith.constant 1 : i32
    %add3A_14 = arith.addi %squeeze3A_9, %add3A_13 : i32
    %broadcast_in_dim3A = arith.constant 0.000000e+00 : f32
    %broadcast_in_dim3A_15 = vector.broadcast %broadcast_in_dim3A : f32 to vector<16xf32>
    %while3A = arith.subi %add3A_14, %squeeze3A : i32
    %while3A_16 = arith.addi %squeeze3A, %while3A : i32
    %while3A_17 = arith.constant 1 : i32
    %while3A_18 = arith.divsi %while3A, %while3A_17 : i32
    %while3A_19 = arith.muli %while3A_18, %while3A_17 : i32
    %while3A_20 = arith.addi %squeeze3A, %while3A_19 : i32
    %while3A_21 = arith.constant 1 : i32
    %while3A_22 = scf.for %while3A_1669 = %squeeze3A to %while3A_20 step %while3A_21 iter_args(%while3A_1670 = %broadcast_in_dim3A_15) -> (vector<16xf32>)  : i32 {
      %eq3A = vector.broadcast %while3A_1669 : i32 to vector<16xi32>
      %eq3A_1671 = arith.cmpi eq, %get3A_12, %eq3A : vector<16xi32>
      %get3A_1672 = arith.index_cast %while3A_1669 : i32 to index
      %get3A_1673 = tpu.vector_load %arg8[%get3A_1672] {strides = array<i32>} : memref<80xf32, #tpu.memory_space<vmem>>, vector<16xf32>,
      %get3A_1674 = vector.shape_cast %get3A_1673 : vector<16xf32> to vector<16xf32>
      %slice3A_1675 = vector.extract_strided_slice %get3A_1674 {offsets = [0], sizes = [1], strides = [1]} : vector<16xf32> to vector<1xf32>
      %squeeze3A_1676 = vector.extract %slice3A_1675[0] : f32 from vector<1xf32>
      %broadcast_in_dim3A_1677 = vector.broadcast %squeeze3A_1676 : f32 to vector<16xf32>
      %select_n3A = arith.select %eq3A_1671, %broadcast_in_dim3A_1677, %while3A_1670 : vector<16xi1>, vector<16xf32>
      scf.yield %select_n3A : vector<16xf32>
    }
    %while3A_23 = arith.constant 1 : i32
    %while3A_24 = scf.for %while3A_1669 = %while3A_20 to %while3A_16 step %while3A_23 iter_args(%while3A_1670 = %while3A_22) -> (vector<16xf32>)  : i32 {
      %eq3A = vector.broadcast %while3A_1669 : i32 to vector<16xi32>
      %eq3A_1671 = arith.cmpi eq, %get3A_12, %eq3A : vector<16xi32>
      %get3A_1672 = arith.index_cast %while3A_1669 : i32 to index
      %get3A_1673 = tpu.vector_load %arg8[%get3A_1672] {strides = array<i32>} : memref<80xf32, #tpu.memory_space<vmem>>, vector<16xf32>,
      %get3A_1674 = vector.shape_cast %get3A_1673 : vector<16xf32> to vector<16xf32>
      %slice3A_1675 = vector.extract_strided_slice %get3A_1674 {offsets = [0], sizes = [1], strides = [1]} : vector<16xf32> to vector<1xf32>
      %squeeze3A_1676 = vector.extract %slice3A_1675[0] : f32 from vector<1xf32>
      %broadcast_in_dim3A_1677 = vector.broadcast %squeeze3A_1676 : f32 to vector<16xf32>
      %select_n3A = arith.select %eq3A_1671, %broadcast_in_dim3A_1677, %while3A_1670 : vector<16xi1>, vector<16xf32>
      scf.yield %select_n3A : vector<16xf32>
    }
    %get3A_25 = arith.constant 0 : index
    %get3A_26 = tpu.vector_load %arg6[%get3A_25] {strides = array<i32>} : memref<1024xf32, #tpu.memory_space<vmem>>, vector<16xf32>,
    %get3A_27 = vector.shape_cast %get3A_26 : vector<16xf32> to vector<16xf32>
    %sub3A = arith.subf %get3A_27, %while3A_24 : vector<16xf32>
    %exp3A = math.exp %sub3A : vector<16xf32>
    %swap3A = arith.constant 0 : index
    %swap3A_28 = tpu.vector_load %arg9[%swap3A] {strides = array<i32>} : memref<1024xf32, #tpu.memory_space<vmem>>, vector<16xf32>,
    %swap3A_29 = vector.shape_cast %swap3A_28 : vector<16xf32> to vector<16xf32>
    %swap3A_30 = vector.shape_cast %exp3A : vector<16xf32> to vector<16xf32>
    tpu.vector_store %arg9[%swap3A], %swap3A_30 {strides = array<i32>} : memref<1024xf32, #tpu.memory_space<vmem>>, vector<16xf32>,
    %get3A_31 = arith.constant 16 : index
    %get3A_32 = tpu.vector_load %arg7[%get3A_31] {strides = array<i32>} : memref<1024xi32, #tpu.memory_space<vmem>>, vector<16xi32>,
    %get3A_33 = vector.shape_cast %get3A_32 : vector<16xi32> to vector<16xi32>
    %add3A_34 = arith.constant 1 : i32
    %add3A_35 = arith.addi %squeeze3A_9, %add3A_34 : i32
    %broadcast_in_dim3A_36 = arith.constant 0.000000e+00 : f32
    %broadcast_in_dim3A_37 = vector.broadcast %broadcast_in_dim3A_36 : f32 to vector<16xf32>
    %while3A_38 = arith.subi %add3A_35, %squeeze3A : i32
    %while3A_39 = arith.addi %squeeze3A, %while3A_38 : i32
    %while3A_40 = arith.constant 1 : i32
    %while3A_41 = arith.divsi %while3A_38, %while3A_40 : i32
    %while3A_42 = arith.muli %while3A_41, %while3A_40 : i32
    %while3A_43 = arith.addi %squeeze3A, %while3A_42 : i32
    %while3A_44 = arith.constant 1 : i32
    %while3A_45 = scf.for %while3A_1669 = %squeeze3A to %while3A_43 step %while3A_44 iter_args(%while3A_1670 = %broadcast_in_dim3A_37) -> (vector<16xf32>)  : i32 {
      %eq3A = vector.broadcast %while3A_1669 : i32 to vector<16xi32>
      %eq3A_1671 = arith.cmpi eq, %get3A_33, %eq3A : vector<16xi32>
      %get3A_1672 = arith.index_cast %while3A_1669 : i32 to index
      %get3A_1673 = tpu.vector_load %arg8[%get3A_1672] {strides = array<i32>} : memref<80xf32, #tpu.memory_space<vmem>>, vector<16xf32>,
      %get3A_1674 = vector.shape_cast %get3A_1673 : vector<16xf32> to vector<16xf32>
      %slice3A_1675 = vector.extract_strided_slice %get3A_1674 {offsets = [0], sizes = [1], strides = [1]} : vector<16xf32> to vector<1xf32>
      %squeeze3A_1676 = vector.extract %slice3A_1675[0] : f32 from vector<1xf32>
      %broadcast_in_dim3A_1677 = vector.broadcast %squeeze3A_1676 : f32 to vector<16xf32>
      %select_n3A = arith.select %eq3A_1671, %broadcast_in_dim3A_1677, %while3A_1670 : vector<16xi1>, vector<16xf32>
      scf.yield %select_n3A : vector<16xf32>
    }
    %while3A_46 = arith.constant 1 : i32
    %while3A_47 = scf.for %while3A_1669 = %while3A_43 to %while3A_39 step %while3A_46 iter_args(%while3A_1670 = %while3A_45) -> (vector<16xf32>)  : i32 {
      %eq3A = vector.broadcast %while3A_1669 : i32 to vector<16xi32>
      %eq3A_1671 = arith.cmpi eq, %get3A_33, %eq3A : vector<16xi32>
      %get3A_1672 = arith.index_cast %while3A_1669 : i32 to index
      %get3A_1673 = tpu.vector_load %arg8[%get3A_1672] {strides = array<i32>} : memref<80xf32, #tpu.memory_space<vmem>>, vector<16xf32>,
      %get3A_1674 = vector.shape_cast %get3A_1673 : vector<16xf32> to vector<16xf32>
      %slice3A_1675 = vector.extract_strided_slice %get3A_1674 {offsets = [0], sizes = [1], strides = [1]} : vector<16xf32> to vector<1xf32>
      %squeeze3A_1676 = vector.extract %slice3A_1675[0] : f32 from vector<1xf32>
      %broadcast_in_dim3A_1677 = vector.broadcast %squeeze3A_1676 : f32 to vector<16xf32>
      %select_n3A = arith.select %eq3A_1671, %broadcast_in_dim3A_1677, %while3A_1670 : vector<16xi1>, vector<16xf32>
      scf.yield %select_n3A : vector<16xf32>
    }
    %get3A_48 = arith.constant 16 : index
    %get3A_49 = tpu.vector_load %arg6[%get3A_48] {strides = array<i32>} : memref<1024xf32, #tpu.memory_space<vmem>>, vector<16xf32>,
    %get3A_50 = vector.shape_cast %get3A_49 : vector<16xf32> to vector<16xf32>
    %sub3A_51 = arith.subf %get3A_50, %while3A_47 : vector<16xf32>
    %exp3A_52 = math.exp %sub3A_51 : vector<16xf32>
    %swap3A_53 = arith.constant 16 : index
    %swap3A_54 = tpu.vector_load %arg9[%swap3A_53] {strides = array<i32>} : memref<1024xf32, #tpu.memory_space<vmem>>, vector<16xf32>,
    %swap3A_55 = vector.shape_cast %swap3A_54 : vector<16xf32> to vector<16xf32>
    %swap3A_56 = vector.shape_cast %exp3A_52 : vector<16xf32> to vector<16xf32>
    tpu.vector_store %arg9[%swap3A_53], %swap3A_56 {strides = array<i32>} : memref<1024xf32, #tpu.memory_space<vmem>>, vector<16xf32>,
    %get3A_57 = arith.constant 32 : index
    %get3A_58 = tpu.vector_load %arg7[%get3A_57] {strides = array<i32>} : memref<1024xi32, #tpu.memory_space<vmem>>, vector<16xi32>,
    %get3A_59 = vector.shape_cast %get3A_58 : vector<16xi32> to vector<16xi32>
    %add3A_60 = arith.constant 1 : i32
    %add3A_61 = arith.addi %squeeze3A_9, %add3A_60 : i32
    %broadcast_in_dim3A_62 = arith.constant 0.000000e+00 : f32
    %broadcast_in_dim3A_63 = vector.broadcast %broadcast_in_dim3A_62 : f32 to vector<16xf32>
    %while3A_64 = arith.subi %add3A_61, %squeeze3A : i32
    %while3A_65 = arith.addi %squeeze3A, %while3A_64 : i32
    %while3A_66 = arith.constant 1 : i32
    %while3A_67 = arith.divsi %while3A_64, %while3A_66 : i32
    %while3A_68 = arith.muli %while3A_67, %while3A_66 : i32
    %while3A_69 = arith.addi %squeeze3A, %while3A_68 : i32
    %while3A_70 = arith.constant 1 : i32
    %while3A_71 = scf.for %while3A_1669 = %squeeze3A to %while3A_69 step %while3A_70 iter_args(%while3A_1670 = %broadcast_in_dim3A_63) -> (vector<16xf32>)  : i32 {
      %eq3A = vector.broadcast %while3A_1669 : i32 to vector<16xi32>
      %eq3A_1671 = arith.cmpi eq, %get3A_59, %eq3A : vector<16xi32>
      %get3A_1672 = arith.index_cast %while3A_1669 : i32 to index
      %get3A_1673 = tpu.vector_load %arg8[%get3A_1672] {strides = array<i32>} : memref<80xf32, #tpu.memory_space<vmem>>, vector<16xf32>,
      %get3A_1674 = vector.shape_cast %get3A_1673 : vector<16xf32> to vector<16xf32>
      %slice3A_1675 = vector.extract_strided_slice %get3A_1674 {offsets = [0], sizes = [1], strides = [1]} : vector<16xf32> to vector<1xf32>
      %squeeze3A_1676 = vector.extract %slice3A_1675[0] : f32 from vector<1xf32>
      %broadcast_in_dim3A_1677 = vector.broadcast %squeeze3A_1676 : f32 to vector<16xf32>
      %select_n3A = arith.select %eq3A_1671, %broadcast_in_dim3A_1677, %while3A_1670 : vector<16xi1>, vector<16xf32>
      scf.yield %select_n3A : vector<16xf32>
    }
    %while3A_72 = arith.constant 1 : i32
    %while3A_73 = scf.for %while3A_1669 = %while3A_69 to %while3A_65 step %while3A_72 iter_args(%while3A_1670 = %while3A_71) -> (vector<16xf32>)  : i32 {
      %eq3A = vector.broadcast %while3A_1669 : i32 to vector<16xi32>
      %eq3A_1671 = arith.cmpi eq, %get3A_59, %eq3A : vector<16xi32>
      %get3A_1672 = arith.index_cast %while3A_1669 : i32 to index
      %get3A_1673 = tpu.vector_load %arg8[%get3A_1672] {strides = array<i32>} : memref<80xf32, #tpu.memory_space<vmem>>, vector<16xf32>,
      %get3A_1674 = vector.shape_cast %get3A_1673 : vector<16xf32> to vector<16xf32>
      %slice3A_1675 = vector.extract_strided_slice %get3A_1674 {offsets = [0], sizes = [1], strides = [1]} : vector<16xf32> to vector<1xf32>
      %squeeze3A_1676 = vector.extract %slice3A_1675[0] : f32 from vector<1xf32>
      %broadcast_in_dim3A_1677 = vector.broadcast %squeeze3A_1676 : f32 to vector<16xf32>
      %select_n3A = arith.select %eq3A_1671, %broadcast_in_dim3A_1677, %while3A_1670 : vector<16xi1>, vector<16xf32>
      scf.yield %select_n3A : vector<16xf32>
    }
    %get3A_74 = arith.constant 32 : index
    %get3A_75 = tpu.vector_load %arg6[%get3A_74] {strides = array<i32>} : memref<1024xf32, #tpu.memory_space<vmem>>, vector<16xf32>,
    %get3A_76 = vector.shape_cast %get3A_75 : vector<16xf32> to vector<16xf32>
    %sub3A_77 = arith.subf %get3A_76, %while3A_73 : vector<16xf32>
    %exp3A_78 = math.exp %sub3A_77 : vector<16xf32>
    %swap3A_79 = arith.constant 32 : index
    %swap3A_80 = tpu.vector_load %arg9[%swap3A_79] {strides = array<i32>} : memref<1024xf32, #tpu.memory_space<vmem>>, vector<16xf32>,
    %swap3A_81 = vector.shape_cast %swap3A_80 : vector<16xf32> to vector<16xf32>
    %swap3A_82 = vector.shape_cast %exp3A_78 : vector<16xf32> to vector<16xf32>
    tpu.vector_store %arg9[%swap3A_79], %swap3A_82 {strides = array<i32>} : memref<1024xf32, #tpu.memory_space<vmem>>, vector<16xf32>,
    %get3A_83 = arith.constant 48 : index
    %get3A_84 = tpu.vector_load %arg7[%get3A_83] {strides = array<i32>} : memref<1024xi32, #tpu.memory_space<vmem>>, vector<16xi32>,
    %get3A_85 = vector.shape_cast %get3A_84 : vector<16xi32> to vector<16xi32>
    %add3A_86 = arith.constant 1 : i32
    %add3A_87 = arith.addi %squeeze3A_9, %add3A_86 : i32
    %broadcast_in_dim3A_88 = arith.constant 0.000000e+00 : f32
    %broadcast_in_dim3A_89 = vector.broadcast %broadcast_in_dim3A_88 : f32 to vector<16xf32>
    %while3A_90 = arith.subi %add3A_87, %squeeze3A : i32
    %while3A_91 = arith.addi %squeeze3A, %while3A_90 : i32
    %while3A_92 = arith.constant 1 : i32
    %while3A_93 = arith.divsi %while3A_90, %while3A_92 : i32
    %while3A_94 = arith.muli %while3A_93, %while3A_92 : i32
    %while3A_95 = arith.addi %squeeze3A, %while3A_94 : i32
    %while3A_96 = arith.constant 1 : i32
    %while3A_97 = scf.for %while3A_1669 = %squeeze3A to %while3A_95 step %while3A_96 iter_args(%while3A_1670 = %broadcast_in_dim3A_89) -> (vector<16xf32>)  : i32 {
      %eq3A = vector.broadcast %while3A_1669 : i32 to vector<16xi32>
      %eq3A_1671 = arith.cmpi eq, %get3A_85, %eq3A : vector<16xi32>
      %get3A_1672 = arith.index_cast %while3A_1669 : i32 to index
      %get3A_1673 = tpu.vector_load %arg8[%get3A_1672] {strides = array<i32>} : memref<80xf32, #tpu.memory_space<vmem>>, vector<16xf32>,
      %get3A_1674 = vector.shape_cast %get3A_1673 : vector<16xf32> to vector<16xf32>
      %slice3A_1675 = vector.extract_strided_slice %get3A_1674 {offsets = [0], sizes = [1], strides = [1]} : vector<16xf32> to vector<1xf32>
      %squeeze3A_1676 = vector.extract %slice3A_1675[0] : f32 from vector<1xf32>
      %broadcast_in_dim3A_1677 = vector.broadcast %squeeze3A_1676 : f32 to vector<16xf32>
      %select_n3A = arith.select %eq3A_1671, %broadcast_in_dim3A_1677, %while3A_1670 : vector<16xi1>, vector<16xf32>
      scf.yield %select_n3A : vector<16xf32>
    }
    %while3A_98 = arith.constant 1 : i32
    %while3A_99 = scf.for %while3A_1669 = %while3A_95 to %while3A_91 step %while3A_98 iter_args(%while3A_1670 = %while3A_97) -> (vector<16xf32>)  : i32 {
      %eq3A = vector.broadcast %while3A_1669 : i32 to vector<16xi32>
      %eq3A_1671 = arith.cmpi eq, %get3A_85, %eq3A : vector<16xi32>
      %get3A_1672 = arith.index_cast %while3A_1669 : i32 to index
      %get3A_1673 = tpu.vector_load %arg8[%get3A_1672] {strides = array<i32>} : memref<80xf32, #tpu.memory_space<vmem>>, vector<16xf32>,
      %get3A_1674 = vector.shape_cast %get3A_1673 : vector<16xf32> to vector<16xf32>
      %slice3A_1675 = vector.extract_strided_slice %get3A_1674 {offsets = [0], sizes = [1], strides = [1]} : vector<16xf32> to vector<1xf32>
      %squeeze3A_1676 = vector.extract %slice3A_1675[0] : f32 from vector<1xf32>
      %broadcast_in_dim3A_1677 = vector.broadcast %squeeze3A_1676 : f32 to vector<16xf32>
      %select_n3A = arith.select %eq3A_1671, %broadcast_in_dim3A_1677, %while3A_1670 : vector<16xi1>, vector<16xf32>
      scf.yield %select_n3A : vector<16xf32>
    }
    %get3A_100 = arith.constant 48 : index
    %get3A_101 = tpu.vector_load %arg6[%get3A_100] {strides = array<i32>} : memref<1024xf32, #tpu.memory_space<vmem>>, vector<16xf32>,
    %get3A_102 = vector.shape_cast %get3A_101 : vector<16xf32> to vector<16xf32>
    %sub3A_103 = arith.subf %get3A_102, %while3A_99 : vector<16xf32>
    %exp3A_104 = math.exp %sub3A_103 : vector<16xf32>
    %swap3A_105 = arith.constant 48 : index
    %swap3A_106 = tpu.vector_load %arg9[%swap3A_105] {strides = array<i32>} : memref<1024xf32, #tpu.memory_space<vmem>>, vector<16xf32>,
    %swap3A_107 = vector.shape_cast %swap3A_106 : vector<16xf32> to vector<16xf32>
    %swap3A_108 = vector.shape_cast %exp3A_104 : vector<16xf32> to vector<16xf32>
    tpu.vector_store %arg9[%swap3A_105], %swap3A_108 {strides = array<i32>} : memref<1024xf32, #tpu.memory_space<vmem>>, vector<16xf32>,
    %get3A_109 = arith.constant 64 : index
    %get3A_110 = tpu.vector_load %arg7[%get3A_109] {strides = array<i32>} : memref<1024xi32, #tpu.memory_space<vmem>>, vector<16xi32>,
    %get3A_111 = vector.shape_cast %get3A_110 : vector<16xi32> to vector<16xi32>
    %add3A_112 = arith.constant 1 : i32
    %add3A_113 = arith.addi %squeeze3A_9, %add3A_112 : i32
    %broadcast_in_dim3A_114 = arith.constant 0.000000e+00 : f32
    %broadcast_in_dim3A_115 = vector.broadcast %broadcast_in_dim3A_114 : f32 to vector<16xf32>
    %while3A_116 = arith.subi %add3A_113, %squeeze3A : i32
    %while3A_117 = arith.addi %squeeze3A, %while3A_116 : i32
    %while3A_118 = arith.constant 1 : i32
    %while3A_119 = arith.divsi %while3A_116, %while3A_118 : i32
    %while3A_120 = arith.muli %while3A_119, %while3A_118 : i32
    %while3A_121 = arith.addi %squeeze3A, %while3A_120 : i32
    %while3A_122 = arith.constant 1 : i32
    %while3A_123 = scf.for %while3A_1669 = %squeeze3A to %while3A_121 step %while3A_122 iter_args(%while3A_1670 = %broadcast_in_dim3A_115) -> (vector<16xf32>)  : i32 {
      %eq3A = vector.broadcast %while3A_1669 : i32 to vector<16xi32>
      %eq3A_1671 = arith.cmpi eq, %get3A_111, %eq3A : vector<16xi32>
      %get3A_1672 = arith.index_cast %while3A_1669 : i32 to index
      %get3A_1673 = tpu.vector_load %arg8[%get3A_1672] {strides = array<i32>} : memref<80xf32, #tpu.memory_space<vmem>>, vector<16xf32>,
      %get3A_1674 = vector.shape_cast %get3A_1673 : vector<16xf32> to vector<16xf32>
      %slice3A_1675 = vector.extract_strided_slice %get3A_1674 {offsets = [0], sizes = [1], strides = [1]} : vector<16xf32> to vector<1xf32>
      %squeeze3A_1676 = vector.extract %slice3A_1675[0] : f32 from vector<1xf32>
      %broadcast_in_dim3A_1677 = vector.broadcast %squeeze3A_1676 : f32 to vector<16xf32>
      %select_n3A = arith.select %eq3A_1671, %broadcast_in_dim3A_1677, %while3A_1670 : vector<16xi1>, vector<16xf32>
      scf.yield %select_n3A : vector<16xf32>
    }
    %while3A_124 = arith.constant 1 : i32
    %while3A_125 = scf.for %while3A_1669 = %while3A_121 to %while3A_117 step %while3A_124 iter_args(%while3A_1670 = %while3A_123) -> (vector<16xf32>)  : i32 {
      %eq3A = vector.broadcast %while3A_1669 : i32 to vector<16xi32>
      %eq3A_1671 = arith.cmpi eq, %get3A_111, %eq3A : vector<16xi32>
      %get3A_1672 = arith.index_cast %while3A_1669 : i32 to index
      %get3A_1673 = tpu.vector_load %arg8[%get3A_1672] {strides = array<i32>} : memref<80xf32, #tpu.memory_space<vmem>>, vector<16xf32>,
      %get3A_1674 = vector.shape_cast %get3A_1673 : vector<16xf32> to vector<16xf32>
      %slice3A_1675 = vector.extract_strided_slice %get3A_1674 {offsets = [0], sizes = [1], strides = [1]} : vector<16xf32> to vector<1xf32>
      %squeeze3A_1676 = vector.extract %slice3A_1675[0] : f32 from vector<1xf32>
      %broadcast_in_dim3A_1677 = vector.broadcast %squeeze3A_1676 : f32 to vector<16xf32>
      %select_n3A = arith.select %eq3A_1671, %broadcast_in_dim3A_1677, %while3A_1670 : vector<16xi1>, vector<16xf32>
      scf.yield %select_n3A : vector<16xf32>
    }
    %get3A_126 = arith.constant 64 : index
    %get3A_127 = tpu.vector_load %arg6[%get3A_126] {strides = array<i32>} : memref<1024xf32, #tpu.memory_space<vmem>>, vector<16xf32>,
    %get3A_128 = vector.shape_cast %get3A_127 : vector<16xf32> to vector<16xf32>
    %sub3A_129 = arith.subf %get3A_128, %while3A_125 : vector<16xf32>
    %exp3A_130 = math.exp %sub3A_129 : vector<16xf32>
    %swap3A_131 = arith.constant 64 : index
    %swap3A_132 = tpu.vector_load %arg9[%swap3A_131] {strides = array<i32>} : memref<1024xf32, #tpu.memory_space<vmem>>, vector<16xf32>,
    %swap3A_133 = vector.shape_cast %swap3A_132 : vector<16xf32> to vector<16xf32>
    %swap3A_134 = vector.shape_cast %exp3A_130 : vector<16xf32> to vector<16xf32>
    tpu.vector_store %arg9[%swap3A_131], %swap3A_134 {strides = array<i32>} : memref<1024xf32, #tpu.memory_space<vmem>>, vector<16xf32>,
    %get3A_135 = arith.constant 80 : index
    %get3A_136 = tpu.vector_load %arg7[%get3A_135] {strides = array<i32>} : memref<1024xi32, #tpu.memory_space<vmem>>, vector<16xi32>,
    %get3A_137 = vector.shape_cast %get3A_136 : vector<16xi32> to vector<16xi32>
    %add3A_138 = arith.constant 1 : i32
    %add3A_139 = arith.addi %squeeze3A_9, %add3A_138 : i32
    %broadcast_in_dim3A_140 = arith.constant 0.000000e+00 : f32
    %broadcast_in_dim3A_141 = vector.broadcast %broadcast_in_dim3A_140 : f32 to vector<16xf32>
    %while3A_142 = arith.subi %add3A_139, %squeeze3A : i32
    %while3A_143 = arith.addi %squeeze3A, %while3A_142 : i32
    %while3A_144 = arith.constant 1 : i32
    %while3A_145 = arith.divsi %while3A_142, %while3A_144 : i32
    %while3A_146 = arith.muli %while3A_145, %while3A_144 : i32
    %while3A_147 = arith.addi %squeeze3A, %while3A_146 : i32
    %while3A_148 = arith.constant 1 : i32
    %while3A_149 = scf.for %while3A_1669 = %squeeze3A to %while3A_147 step %while3A_148 iter_args(%while3A_1670 = %broadcast_in_dim3A_141) -> (vector<16xf32>)  : i32 {
      %eq3A = vector.broadcast %while3A_1669 : i32 to vector<16xi32>
      %eq3A_1671 = arith.cmpi eq, %get3A_137, %eq3A : vector<16xi32>
      %get3A_1672 = arith.index_cast %while3A_1669 : i32 to index
      %get3A_1673 = tpu.vector_load %arg8[%get3A_1672] {strides = array<i32>} : memref<80xf32, #tpu.memory_space<vmem>>, vector<16xf32>,
      %get3A_1674 = vector.shape_cast %get3A_1673 : vector<16xf32> to vector<16xf32>
      %slice3A_1675 = vector.extract_strided_slice %get3A_1674 {offsets = [0], sizes = [1], strides = [1]} : vector<16xf32> to vector<1xf32>
      %squeeze3A_1676 = vector.extract %slice3A_1675[0] : f32 from vector<1xf32>
      %broadcast_in_dim3A_1677 = vector.broadcast %squeeze3A_1676 : f32 to vector<16xf32>
      %select_n3A = arith.select %eq3A_1671, %broadcast_in_dim3A_1677, %while3A_1670 : vector<16xi1>, vector<16xf32>
      scf.yield %select_n3A : vector<16xf32>
    }
    %while3A_150 = arith.constant 1 : i32
    %while3A_151 = scf.for %while3A_1669 = %while3A_147 to %while3A_143 step %while3A_150 iter_args(%while3A_1670 = %while3A_149) -> (vector<16xf32>)  : i32 {
      %eq3A = vector.broadcast %while3A_1669 : i32 to vector<16xi32>
      %eq3A_1671 = arith.cmpi eq, %get3A_137, %eq3A : vector<16xi32>
      %get3A_1672 = arith.index_cast %while3A_1669 : i32 to index
      %get3A_1673 = tpu.vector_load %arg8[%get3A_1672] {strides = array<i32>} : memref<80xf32, #tpu.memory_space<vmem>>, vector<16xf32>,
      %get3A_1674 = vector.shape_cast %get3A_1673 : vector<16xf32> to vector<16xf32>
      %slice3A_1675 = vector.extract_strided_slice %get3A_1674 {offsets = [0], sizes = [1], strides = [1]} : vector<16xf32> to vector<1xf32>
      %squeeze3A_1676 = vector.extract %slice3A_1675[0] : f32 from vector<1xf32>
      %broadcast_in_dim3A_1677 = vector.broadcast %squeeze3A_1676 : f32 to vector<16xf32>
      %select_n3A = arith.select %eq3A_1671, %broadcast_in_dim3A_1677, %while3A_1670 : vector<16xi1>, vector<16xf32>
      scf.yield %select_n3A : vector<16xf32>
    }
    %get3A_152 = arith.constant 80 : index
    %get3A_153 = tpu.vector_load %arg6[%get3A_152] {strides = array<i32>} : memref<1024xf32, #tpu.memory_space<vmem>>, vector<16xf32>,
    %get3A_154 = vector.shape_cast %get3A_153 : vector<16xf32> to vector<16xf32>
    %sub3A_155 = arith.subf %get3A_154, %while3A_151 : vector<16xf32>
    %exp3A_156 = math.exp %sub3A_155 : vector<16xf32>
    %swap3A_157 = arith.constant 80 : index
    %swap3A_158 = tpu.vector_load %arg9[%swap3A_157] {strides = array<i32>} : memref<1024xf32, #tpu.memory_space<vmem>>, vector<16xf32>,
    %swap3A_159 = vector.shape_cast %swap3A_158 : vector<16xf32> to vector<16xf32>
    %swap3A_160 = vector.shape_cast %exp3A_156 : vector<16xf32> to vector<16xf32>
    tpu.vector_store %arg9[%swap3A_157], %swap3A_160 {strides = array<i32>} : memref<1024xf32, #tpu.memory_space<vmem>>, vector<16xf32>,
    %get3A_161 = arith.constant 96 : index
    %get3A_162 = tpu.vector_load %arg7[%get3A_161] {strides = array<i32>} : memref<1024xi32, #tpu.memory_space<vmem>>, vector<16xi32>,
    %get3A_163 = vector.shape_cast %get3A_162 : vector<16xi32> to vector<16xi32>
    %add3A_164 = arith.constant 1 : i32
    %add3A_165 = arith.addi %squeeze3A_9, %add3A_164 : i32
    %broadcast_in_dim3A_166 = arith.constant 0.000000e+00 : f32
    %broadcast_in_dim3A_167 = vector.broadcast %broadcast_in_dim3A_166 : f32 to vector<16xf32>
    %while3A_168 = arith.subi %add3A_165, %squeeze3A : i32
    %while3A_169 = arith.addi %squeeze3A, %while3A_168 : i32
    %while3A_170 = arith.constant 1 : i32
    %while3A_171 = arith.divsi %while3A_168, %while3A_170 : i32
    %while3A_172 = arith.muli %while3A_171, %while3A_170 : i32
    %while3A_173 = arith.addi %squeeze3A, %while3A_172 : i32
    %while3A_174 = arith.constant 1 : i32
    %while3A_175 = scf.for %while3A_1669 = %squeeze3A to %while3A_173 step %while3A_174 iter_args(%while3A_1670 = %broadcast_in_dim3A_167) -> (vector<16xf32>)  : i32 {
      %eq3A = vector.broadcast %while3A_1669 : i32 to vector<16xi32>
      %eq3A_1671 = arith.cmpi eq, %get3A_163, %eq3A : vector<16xi32>
      %get3A_1672 = arith.index_cast %while3A_1669 : i32 to index
      %get3A_1673 = tpu.vector_load %arg8[%get3A_1672] {strides = array<i32>} : memref<80xf32, #tpu.memory_space<vmem>>, vector<16xf32>,
      %get3A_1674 = vector.shape_cast %get3A_1673 : vector<16xf32> to vector<16xf32>
      %slice3A_1675 = vector.extract_strided_slice %get3A_1674 {offsets = [0], sizes = [1], strides = [1]} : vector<16xf32> to vector<1xf32>
      %squeeze3A_1676 = vector.extract %slice3A_1675[0] : f32 from vector<1xf32>
      %broadcast_in_dim3A_1677 = vector.broadcast %squeeze3A_1676 : f32 to vector<16xf32>
      %select_n3A = arith.select %eq3A_1671, %broadcast_in_dim3A_1677, %while3A_1670 : vector<16xi1>, vector<16xf32>
      scf.yield %select_n3A : vector<16xf32>
    }
    %while3A_176 = arith.constant 1 : i32
    %while3A_177 = scf.for %while3A_1669 = %while3A_173 to %while3A_169 step %while3A_176 iter_args(%while3A_1670 = %while3A_175) -> (vector<16xf32>)  : i32 {
      %eq3A = vector.broadcast %while3A_1669 : i32 to vector<16xi32>
      %eq3A_1671 = arith.cmpi eq, %get3A_163, %eq3A : vector<16xi32>
      %get3A_1672 = arith.index_cast %while3A_1669 : i32 to index
      %get3A_1673 = tpu.vector_load %arg8[%get3A_1672] {strides = array<i32>} : memref<80xf32, #tpu.memory_space<vmem>>, vector<16xf32>,
      %get3A_1674 = vector.shape_cast %get3A_1673 : vector<16xf32> to vector<16xf32>
      %slice3A_1675 = vector.extract_strided_slice %get3A_1674 {offsets = [0], sizes = [1], strides = [1]} : vector<16xf32> to vector<1xf32>
      %squeeze3A_1676 = vector.extract %slice3A_1675[0] : f32 from vector<1xf32>
      %broadcast_in_dim3A_1677 = vector.broadcast %squeeze3A_1676 : f32 to vector<16xf32>
      %select_n3A = arith.select %eq3A_1671, %broadcast_in_dim3A_1677, %while3A_1670 : vector<16xi1>, vector<16xf32>
      scf.yield %select_n3A : vector<16xf32>
    }
    %get3A_178 = arith.constant 96 : index
    %get3A_179 = tpu.vector_load %arg6[%get3A_178] {strides = array<i32>} : memref<1024xf32, #tpu.memory_space<vmem>>, vector<16xf32>,
    %get3A_180 = vector.shape_cast %get3A_179 : vector<16xf32> to vector<16xf32>
    %sub3A_181 = arith.subf %get3A_180, %while3A_177 : vector<16xf32>
    %exp3A_182 = math.exp %sub3A_181 : vector<16xf32>
    %swap3A_183 = arith.constant 96 : index
    %swap3A_184 = tpu.vector_load %arg9[%swap3A_183] {strides = array<i32>} : memref<1024xf32, #tpu.memory_space<vmem>>, vector<16xf32>,
    %swap3A_185 = vector.shape_cast %swap3A_184 : vector<16xf32> to vector<16xf32>
    %swap3A_186 = vector.shape_cast %exp3A_182 : vector<16xf32> to vector<16xf32>
    tpu.vector_store %arg9[%swap3A_183], %swap3A_186 {strides = array<i32>} : memref<1024xf32, #tpu.memory_space<vmem>>, vector<16xf32>,
    %get3A_187 = arith.constant 112 : index
    %get3A_188 = tpu.vector_load %arg7[%get3A_187] {strides = array<i32>} : memref<1024xi32, #tpu.memory_space<vmem>>, vector<16xi32>,
    %get3A_189 = vector.shape_cast %get3A_188 : vector<16xi32> to vector<16xi32>
    %add3A_190 = arith.constant 1 : i32
    %add3A_191 = arith.addi %squeeze3A_9, %add3A_190 : i32
    %broadcast_in_dim3A_192 = arith.constant 0.000000e+00 : f32
    %broadcast_in_dim3A_193 = vector.broadcast %broadcast_in_dim3A_192 : f32 to vector<16xf32>
    %while3A_194 = arith.subi %add3A_191, %squeeze3A : i32
    %while3A_195 = arith.addi %squeeze3A, %while3A_194 : i32
    %while3A_196 = arith.constant 1 : i32
    %while3A_197 = arith.divsi %while3A_194, %while3A_196 : i32
    %while3A_198 = arith.muli %while3A_197, %while3A_196 : i32
    %while3A_199 = arith.addi %squeeze3A, %while3A_198 : i32
    %while3A_200 = arith.constant 1 : i32
    %while3A_201 = scf.for %while3A_1669 = %squeeze3A to %while3A_199 step %while3A_200 iter_args(%while3A_1670 = %broadcast_in_dim3A_193) -> (vector<16xf32>)  : i32 {
      %eq3A = vector.broadcast %while3A_1669 : i32 to vector<16xi32>
      %eq3A_1671 = arith.cmpi eq, %get3A_189, %eq3A : vector<16xi32>
      %get3A_1672 = arith.index_cast %while3A_1669 : i32 to index
      %get3A_1673 = tpu.vector_load %arg8[%get3A_1672] {strides = array<i32>} : memref<80xf32, #tpu.memory_space<vmem>>, vector<16xf32>,
      %get3A_1674 = vector.shape_cast %get3A_1673 : vector<16xf32> to vector<16xf32>
      %slice3A_1675 = vector.extract_strided_slice %get3A_1674 {offsets = [0], sizes = [1], strides = [1]} : vector<16xf32> to vector<1xf32>
      %squeeze3A_1676 = vector.extract %slice3A_1675[0] : f32 from vector<1xf32>
      %broadcast_in_dim3A_1677 = vector.broadcast %squeeze3A_1676 : f32 to vector<16xf32>
      %select_n3A = arith.select %eq3A_1671, %broadcast_in_dim3A_1677, %while3A_1670 : vector<16xi1>, vector<16xf32>
      scf.yield %select_n3A : vector<16xf32>
    }
    %while3A_202 = arith.constant 1 : i32
    %while3A_203 = scf.for %while3A_1669 = %while3A_199 to %while3A_195 step %while3A_202 iter_args(%while3A_1670 = %while3A_201) -> (vector<16xf32>)  : i32 {
      %eq3A = vector.broadcast %while3A_1669 : i32 to vector<16xi32>
      %eq3A_1671 = arith.cmpi eq, %get3A_189, %eq3A : vector<16xi32>
      %get3A_1672 = arith.index_cast %while3A_1669 : i32 to index
      %get3A_1673 = tpu.vector_load %arg8[%get3A_1672] {strides = array<i32>} : memref<80xf32, #tpu.memory_space<vmem>>, vector<16xf32>,
      %get3A_1674 = vector.shape_cast %get3A_1673 : vector<16xf32> to vector<16xf32>
      %slice3A_1675 = vector.extract_strided_slice %get3A_1674 {offsets = [0], sizes = [1], strides = [1]} : vector<16xf32> to vector<1xf32>
      %squeeze3A_1676 = vector.extract %slice3A_1675[0] : f32 from vector<1xf32>
      %broadcast_in_dim3A_1677 = vector.broadcast %squeeze3A_1676 : f32 to vector<16xf32>
      %select_n3A = arith.select %eq3A_1671, %broadcast_in_dim3A_1677, %while3A_1670 : vector<16xi1>, vector<16xf32>
      scf.yield %select_n3A : vector<16xf32>
    }
    %get3A_204 = arith.constant 112 : index
    %get3A_205 = tpu.vector_load %arg6[%get3A_204] {strides = array<i32>} : memref<1024xf32, #tpu.memory_space<vmem>>, vector<16xf32>,
    %get3A_206 = vector.shape_cast %get3A_205 : vector<16xf32> to vector<16xf32>
    %sub3A_207 = arith.subf %get3A_206, %while3A_203 : vector<16xf32>
    %exp3A_208 = math.exp %sub3A_207 : vector<16xf32>
    %swap3A_209 = arith.constant 112 : index
    %swap3A_210 = tpu.vector_load %arg9[%swap3A_209] {strides = array<i32>} : memref<1024xf32, #tpu.memory_space<vmem>>, vector<16xf32>,
    %swap3A_211 = vector.shape_cast %swap3A_210 : vector<16xf32> to vector<16xf32>
    %swap3A_212 = vector.shape_cast %exp3A_208 : vector<16xf32> to vector<16xf32>
    tpu.vector_store %arg9[%swap3A_209], %swap3A_212 {strides = array<i32>} : memref<1024xf32, #tpu.memory_space<vmem>>, vector<16xf32>,
    %get3A_213 = arith.constant 128 : index
    %get3A_214 = tpu.vector_load %arg7[%get3A_213] {strides = array<i32>} : memref<1024xi32, #tpu.memory_space<vmem>>, vector<16xi32>,
    %get3A_215 = vector.shape_cast %get3A_214 : vector<16xi32> to vector<16xi32>
    %add3A_216 = arith.constant 1 : i32
    %add3A_217 = arith.addi %squeeze3A_9, %add3A_216 : i32
    %broadcast_in_dim3A_218 = arith.constant 0.000000e+00 : f32
    %broadcast_in_dim3A_219 = vector.broadcast %broadcast_in_dim3A_218 : f32 to vector<16xf32>
    %while3A_220 = arith.subi %add3A_217, %squeeze3A : i32
    %while3A_221 = arith.addi %squeeze3A, %while3A_220 : i32
    %while3A_222 = arith.constant 1 : i32
    %while3A_223 = arith.divsi %while3A_220, %while3A_222 : i32
    %while3A_224 = arith.muli %while3A_223, %while3A_222 : i32
    %while3A_225 = arith.addi %squeeze3A, %while3A_224 : i32
    %while3A_226 = arith.constant 1 : i32
    %while3A_227 = scf.for %while3A_1669 = %squeeze3A to %while3A_225 step %while3A_226 iter_args(%while3A_1670 = %broadcast_in_dim3A_219) -> (vector<16xf32>)  : i32 {
      %eq3A = vector.broadcast %while3A_1669 : i32 to vector<16xi32>
      %eq3A_1671 = arith.cmpi eq, %get3A_215, %eq3A : vector<16xi32>
      %get3A_1672 = arith.index_cast %while3A_1669 : i32 to index
      %get3A_1673 = tpu.vector_load %arg8[%get3A_1672] {strides = array<i32>} : memref<80xf32, #tpu.memory_space<vmem>>, vector<16xf32>,
      %get3A_1674 = vector.shape_cast %get3A_1673 : vector<16xf32> to vector<16xf32>
      %slice3A_1675 = vector.extract_strided_slice %get3A_1674 {offsets = [0], sizes = [1], strides = [1]} : vector<16xf32> to vector<1xf32>
      %squeeze3A_1676 = vector.extract %slice3A_1675[0] : f32 from vector<1xf32>
      %broadcast_in_dim3A_1677 = vector.broadcast %squeeze3A_1676 : f32 to vector<16xf32>
      %select_n3A = arith.select %eq3A_1671, %broadcast_in_dim3A_1677, %while3A_1670 : vector<16xi1>, vector<16xf32>
      scf.yield %select_n3A : vector<16xf32>
    }
    %while3A_228 = arith.constant 1 : i32
    %while3A_229 = scf.for %while3A_1669 = %while3A_225 to %while3A_221 step %while3A_228 iter_args(%while3A_1670 = %while3A_227) -> (vector<16xf32>)  : i32 {
      %eq3A = vector.broadcast %while3A_1669 : i32 to vector<16xi32>
      %eq3A_1671 = arith.cmpi eq, %get3A_215, %eq3A : vector<16xi32>
      %get3A_1672 = arith.index_cast %while3A_1669 : i32 to index
      %get3A_1673 = tpu.vector_load %arg8[%get3A_1672] {strides = array<i32>} : memref<80xf32, #tpu.memory_space<vmem>>, vector<16xf32>,
      %get3A_1674 = vector.shape_cast %get3A_1673 : vector<16xf32> to vector<16xf32>
      %slice3A_1675 = vector.extract_strided_slice %get3A_1674 {offsets = [0], sizes = [1], strides = [1]} : vector<16xf32> to vector<1xf32>
      %squeeze3A_1676 = vector.extract %slice3A_1675[0] : f32 from vector<1xf32>
      %broadcast_in_dim3A_1677 = vector.broadcast %squeeze3A_1676 : f32 to vector<16xf32>
      %select_n3A = arith.select %eq3A_1671, %broadcast_in_dim3A_1677, %while3A_1670 : vector<16xi1>, vector<16xf32>
      scf.yield %select_n3A : vector<16xf32>
    }
    %get3A_230 = arith.constant 128 : index
    %get3A_231 = tpu.vector_load %arg6[%get3A_230] {strides = array<i32>} : memref<1024xf32, #tpu.memory_space<vmem>>, vector<16xf32>,
    %get3A_232 = vector.shape_cast %get3A_231 : vector<16xf32> to vector<16xf32>
    %sub3A_233 = arith.subf %get3A_232, %while3A_229 : vector<16xf32>
    %exp3A_234 = math.exp %sub3A_233 : vector<16xf32>
    %swap3A_235 = arith.constant 128 : index
    %swap3A_236 = tpu.vector_load %arg9[%swap3A_235] {strides = array<i32>} : memref<1024xf32, #tpu.memory_space<vmem>>, vector<16xf32>,
    %swap3A_237 = vector.shape_cast %swap3A_236 : vector<16xf32> to vector<16xf32>
    %swap3A_238 = vector.shape_cast %exp3A_234 : vector<16xf32> to vector<16xf32>
    tpu.vector_store %arg9[%swap3A_235], %swap3A_238 {strides = array<i32>} : memref<1024xf32, #tpu.memory_space<vmem>>, vector<16xf32>,
    %get3A_239 = arith.constant 144 : index
    %get3A_240 = tpu.vector_load %arg7[%get3A_239] {strides = array<i32>} : memref<1024xi32, #tpu.memory_space<vmem>>, vector<16xi32>,
    %get3A_241 = vector.shape_cast %get3A_240 : vector<16xi32> to vector<16xi32>
    %add3A_242 = arith.constant 1 : i32
    %add3A_243 = arith.addi %squeeze3A_9, %add3A_242 : i32
    %broadcast_in_dim3A_244 = arith.constant 0.000000e+00 : f32
    %broadcast_in_dim3A_245 = vector.broadcast %broadcast_in_dim3A_244 : f32 to vector<16xf32>
    %while3A_246 = arith.subi %add3A_243, %squeeze3A : i32
    %while3A_247 = arith.addi %squeeze3A, %while3A_246 : i32
    %while3A_248 = arith.constant 1 : i32
    %while3A_249 = arith.divsi %while3A_246, %while3A_248 : i32
    %while3A_250 = arith.muli %while3A_249, %while3A_248 : i32
    %while3A_251 = arith.addi %squeeze3A, %while3A_250 : i32
    %while3A_252 = arith.constant 1 : i32
    %while3A_253 = scf.for %while3A_1669 = %squeeze3A to %while3A_251 step %while3A_252 iter_args(%while3A_1670 = %broadcast_in_dim3A_245) -> (vector<16xf32>)  : i32 {
      %eq3A = vector.broadcast %while3A_1669 : i32 to vector<16xi32>
      %eq3A_1671 = arith.cmpi eq, %get3A_241, %eq3A : vector<16xi32>
      %get3A_1672 = arith.index_cast %while3A_1669 : i32 to index
      %get3A_1673 = tpu.vector_load %arg8[%get3A_1672] {strides = array<i32>} : memref<80xf32, #tpu.memory_space<vmem>>, vector<16xf32>,
      %get3A_1674 = vector.shape_cast %get3A_1673 : vector<16xf32> to vector<16xf32>
      %slice3A_1675 = vector.extract_strided_slice %get3A_1674 {offsets = [0], sizes = [1], strides = [1]} : vector<16xf32> to vector<1xf32>
      %squeeze3A_1676 = vector.extract %slice3A_1675[0] : f32 from vector<1xf32>
      %broadcast_in_dim3A_1677 = vector.broadcast %squeeze3A_1676 : f32 to vector<16xf32>
      %select_n3A = arith.select %eq3A_1671, %broadcast_in_dim3A_1677, %while3A_1670 : vector<16xi1>, vector<16xf32>
      scf.yield %select_n3A : vector<16xf32>
    }
    %while3A_254 = arith.constant 1 : i32
    %while3A_255 = scf.for %while3A_1669 = %while3A_251 to %while3A_247 step %while3A_254 iter_args(%while3A_1670 = %while3A_253) -> (vector<16xf32>)  : i32 {
      %eq3A = vector.broadcast %while3A_1669 : i32 to vector<16xi32>
      %eq3A_1671 = arith.cmpi eq, %get3A_241, %eq3A : vector<16xi32>
      %get3A_1672 = arith.index_cast %while3A_1669 : i32 to index
      %get3A_1673 = tpu.vector_load %arg8[%get3A_1672] {strides = array<i32>} : memref<80xf32, #tpu.memory_space<vmem>>, vector<16xf32>,
      %get3A_1674 = vector.shape_cast %get3A_1673 : vector<16xf32> to vector<16xf32>
      %slice3A_1675 = vector.extract_strided_slice %get3A_1674 {offsets = [0], sizes = [1], strides = [1]} : vector<16xf32> to vector<1xf32>
      %squeeze3A_1676 = vector.extract %slice3A_1675[0] : f32 from vector<1xf32>
      %broadcast_in_dim3A_1677 = vector.broadcast %squeeze3A_1676 : f32 to vector<16xf32>
      %select_n3A = arith.select %eq3A_1671, %broadcast_in_dim3A_1677, %while3A_1670 : vector<16xi1>, vector<16xf32>
      scf.yield %select_n3A : vector<16xf32>
    }
    %get3A_256 = arith.constant 144 : index
    %get3A_257 = tpu.vector_load %arg6[%get3A_256] {strides = array<i32>} : memref<1024xf32, #tpu.memory_space<vmem>>, vector<16xf32>,
    %get3A_258 = vector.shape_cast %get3A_257 : vector<16xf32> to vector<16xf32>
    %sub3A_259 = arith.subf %get3A_258, %while3A_255 : vector<16xf32>
    %exp3A_260 = math.exp %sub3A_259 : vector<16xf32>
    %swap3A_261 = arith.constant 144 : index
    %swap3A_262 = tpu.vector_load %arg9[%swap3A_261] {strides = array<i32>} : memref<1024xf32, #tpu.memory_space<vmem>>, vector<16xf32>,
    %swap3A_263 = vector.shape_cast %swap3A_262 : vector<16xf32> to vector<16xf32>
    %swap3A_264 = vector.shape_cast %exp3A_260 : vector<16xf32> to vector<16xf32>
    tpu.vector_store %arg9[%swap3A_261], %swap3A_264 {strides = array<i32>} : memref<1024xf32, #tpu.memory_space<vmem>>, vector<16xf32>,
    %get3A_265 = arith.constant 160 : index
    %get3A_266 = tpu.vector_load %arg7[%get3A_265] {strides = array<i32>} : memref<1024xi32, #tpu.memory_space<vmem>>, vector<16xi32>,
    %get3A_267 = vector.shape_cast %get3A_266 : vector<16xi32> to vector<16xi32>
    %add3A_268 = arith.constant 1 : i32
    %add3A_269 = arith.addi %squeeze3A_9, %add3A_268 : i32
    %broadcast_in_dim3A_270 = arith.constant 0.000000e+00 : f32
    %broadcast_in_dim3A_271 = vector.broadcast %broadcast_in_dim3A_270 : f32 to vector<16xf32>
    %while3A_272 = arith.subi %add3A_269, %squeeze3A : i32
    %while3A_273 = arith.addi %squeeze3A, %while3A_272 : i32
    %while3A_274 = arith.constant 1 : i32
    %while3A_275 = arith.divsi %while3A_272, %while3A_274 : i32
    %while3A_276 = arith.muli %while3A_275, %while3A_274 : i32
    %while3A_277 = arith.addi %squeeze3A, %while3A_276 : i32
    %while3A_278 = arith.constant 1 : i32
    %while3A_279 = scf.for %while3A_1669 = %squeeze3A to %while3A_277 step %while3A_278 iter_args(%while3A_1670 = %broadcast_in_dim3A_271) -> (vector<16xf32>)  : i32 {
      %eq3A = vector.broadcast %while3A_1669 : i32 to vector<16xi32>
      %eq3A_1671 = arith.cmpi eq, %get3A_267, %eq3A : vector<16xi32>
      %get3A_1672 = arith.index_cast %while3A_1669 : i32 to index
      %get3A_1673 = tpu.vector_load %arg8[%get3A_1672] {strides = array<i32>} : memref<80xf32, #tpu.memory_space<vmem>>, vector<16xf32>,
      %get3A_1674 = vector.shape_cast %get3A_1673 : vector<16xf32> to vector<16xf32>
      %slice3A_1675 = vector.extract_strided_slice %get3A_1674 {offsets = [0], sizes = [1], strides = [1]} : vector<16xf32> to vector<1xf32>
      %squeeze3A_1676 = vector.extract %slice3A_1675[0] : f32 from vector<1xf32>
      %broadcast_in_dim3A_1677 = vector.broadcast %squeeze3A_1676 : f32 to vector<16xf32>
      %select_n3A = arith.select %eq3A_1671, %broadcast_in_dim3A_1677, %while3A_1670 : vector<16xi1>, vector<16xf32>
      scf.yield %select_n3A : vector<16xf32>
    }
    %while3A_280 = arith.constant 1 : i32
    %while3A_281 = scf.for %while3A_1669 = %while3A_277 to %while3A_273 step %while3A_280 iter_args(%while3A_1670 = %while3A_279) -> (vector<16xf32>)  : i32 {
      %eq3A = vector.broadcast %while3A_1669 : i32 to vector<16xi32>
      %eq3A_1671 = arith.cmpi eq, %get3A_267, %eq3A : vector<16xi32>
      %get3A_1672 = arith.index_cast %while3A_1669 : i32 to index
      %get3A_1673 = tpu.vector_load %arg8[%get3A_1672] {strides = array<i32>} : memref<80xf32, #tpu.memory_space<vmem>>, vector<16xf32>,
      %get3A_1674 = vector.shape_cast %get3A_1673 : vector<16xf32> to vector<16xf32>
      %slice3A_1675 = vector.extract_strided_slice %get3A_1674 {offsets = [0], sizes = [1], strides = [1]} : vector<16xf32> to vector<1xf32>
      %squeeze3A_1676 = vector.extract %slice3A_1675[0] : f32 from vector<1xf32>
      %broadcast_in_dim3A_1677 = vector.broadcast %squeeze3A_1676 : f32 to vector<16xf32>
      %select_n3A = arith.select %eq3A_1671, %broadcast_in_dim3A_1677, %while3A_1670 : vector<16xi1>, vector<16xf32>
      scf.yield %select_n3A : vector<16xf32>
    }
    %get3A_282 = arith.constant 160 : index
    %get3A_283 = tpu.vector_load %arg6[%get3A_282] {strides = array<i32>} : memref<1024xf32, #tpu.memory_space<vmem>>, vector<16xf32>,
    %get3A_284 = vector.shape_cast %get3A_283 : vector<16xf32> to vector<16xf32>
    %sub3A_285 = arith.subf %get3A_284, %while3A_281 : vector<16xf32>
    %exp3A_286 = math.exp %sub3A_285 : vector<16xf32>
    %swap3A_287 = arith.constant 160 : index
    %swap3A_288 = tpu.vector_load %arg9[%swap3A_287] {strides = array<i32>} : memref<1024xf32, #tpu.memory_space<vmem>>, vector<16xf32>,
    %swap3A_289 = vector.shape_cast %swap3A_288 : vector<16xf32> to vector<16xf32>
    %swap3A_290 = vector.shape_cast %exp3A_286 : vector<16xf32> to vector<16xf32>
    tpu.vector_store %arg9[%swap3A_287], %swap3A_290 {strides = array<i32>} : memref<1024xf32, #tpu.memory_space<vmem>>, vector<16xf32>,
    %get3A_291 = arith.constant 176 : index
    %get3A_292 = tpu.vector_load %arg7[%get3A_291] {strides = array<i32>} : memref<1024xi32, #tpu.memory_space<vmem>>, vector<16xi32>,
    %get3A_293 = vector.shape_cast %get3A_292 : vector<16xi32> to vector<16xi32>
    %add3A_294 = arith.constant 1 : i32
    %add3A_295 = arith.addi %squeeze3A_9, %add3A_294 : i32
    %broadcast_in_dim3A_296 = arith.constant 0.000000e+00 : f32
    %broadcast_in_dim3A_297 = vector.broadcast %broadcast_in_dim3A_296 : f32 to vector<16xf32>
    %while3A_298 = arith.subi %add3A_295, %squeeze3A : i32
    %while3A_299 = arith.addi %squeeze3A, %while3A_298 : i32
    %while3A_300 = arith.constant 1 : i32
    %while3A_301 = arith.divsi %while3A_298, %while3A_300 : i32
    %while3A_302 = arith.muli %while3A_301, %while3A_300 : i32
    %while3A_303 = arith.addi %squeeze3A, %while3A_302 : i32
    %while3A_304 = arith.constant 1 : i32
    %while3A_305 = scf.for %while3A_1669 = %squeeze3A to %while3A_303 step %while3A_304 iter_args(%while3A_1670 = %broadcast_in_dim3A_297) -> (vector<16xf32>)  : i32 {
      %eq3A = vector.broadcast %while3A_1669 : i32 to vector<16xi32>
      %eq3A_1671 = arith.cmpi eq, %get3A_293, %eq3A : vector<16xi32>
      %get3A_1672 = arith.index_cast %while3A_1669 : i32 to index
      %get3A_1673 = tpu.vector_load %arg8[%get3A_1672] {strides = array<i32>} : memref<80xf32, #tpu.memory_space<vmem>>, vector<16xf32>,
      %get3A_1674 = vector.shape_cast %get3A_1673 : vector<16xf32> to vector<16xf32>
      %slice3A_1675 = vector.extract_strided_slice %get3A_1674 {offsets = [0], sizes = [1], strides = [1]} : vector<16xf32> to vector<1xf32>
      %squeeze3A_1676 = vector.extract %slice3A_1675[0] : f32 from vector<1xf32>
      %broadcast_in_dim3A_1677 = vector.broadcast %squeeze3A_1676 : f32 to vector<16xf32>
      %select_n3A = arith.select %eq3A_1671, %broadcast_in_dim3A_1677, %while3A_1670 : vector<16xi1>, vector<16xf32>
      scf.yield %select_n3A : vector<16xf32>
    }
    %while3A_306 = arith.constant 1 : i32
    %while3A_307 = scf.for %while3A_1669 = %while3A_303 to %while3A_299 step %while3A_306 iter_args(%while3A_1670 = %while3A_305) -> (vector<16xf32>)  : i32 {
      %eq3A = vector.broadcast %while3A_1669 : i32 to vector<16xi32>
      %eq3A_1671 = arith.cmpi eq, %get3A_293, %eq3A : vector<16xi32>
      %get3A_1672 = arith.index_cast %while3A_1669 : i32 to index
      %get3A_1673 = tpu.vector_load %arg8[%get3A_1672] {strides = array<i32>} : memref<80xf32, #tpu.memory_space<vmem>>, vector<16xf32>,
      %get3A_1674 = vector.shape_cast %get3A_1673 : vector<16xf32> to vector<16xf32>
      %slice3A_1675 = vector.extract_strided_slice %get3A_1674 {offsets = [0], sizes = [1], strides = [1]} : vector<16xf32> to vector<1xf32>
      %squeeze3A_1676 = vector.extract %slice3A_1675[0] : f32 from vector<1xf32>
      %broadcast_in_dim3A_1677 = vector.broadcast %squeeze3A_1676 : f32 to vector<16xf32>
      %select_n3A = arith.select %eq3A_1671, %broadcast_in_dim3A_1677, %while3A_1670 : vector<16xi1>, vector<16xf32>
      scf.yield %select_n3A : vector<16xf32>
    }
    %get3A_308 = arith.constant 176 : index
    %get3A_309 = tpu.vector_load %arg6[%get3A_308] {strides = array<i32>} : memref<1024xf32, #tpu.memory_space<vmem>>, vector<16xf32>,
    %get3A_310 = vector.shape_cast %get3A_309 : vector<16xf32> to vector<16xf32>
    %sub3A_311 = arith.subf %get3A_310, %while3A_307 : vector<16xf32>
    %exp3A_312 = math.exp %sub3A_311 : vector<16xf32>
    %swap3A_313 = arith.constant 176 : index
    %swap3A_314 = tpu.vector_load %arg9[%swap3A_313] {strides = array<i32>} : memref<1024xf32, #tpu.memory_space<vmem>>, vector<16xf32>,
    %swap3A_315 = vector.shape_cast %swap3A_314 : vector<16xf32> to vector<16xf32>
    %swap3A_316 = vector.shape_cast %exp3A_312 : vector<16xf32> to vector<16xf32>
    tpu.vector_store %arg9[%swap3A_313], %swap3A_316 {strides = array<i32>} : memref<1024xf32, #tpu.memory_space<vmem>>, vector<16xf32>,
    %get3A_317 = arith.constant 192 : index
    %get3A_318 = tpu.vector_load %arg7[%get3A_317] {strides = array<i32>} : memref<1024xi32, #tpu.memory_space<vmem>>, vector<16xi32>,
    %get3A_319 = vector.shape_cast %get3A_318 : vector<16xi32> to vector<16xi32>
    %add3A_320 = arith.constant 1 : i32
    %add3A_321 = arith.addi %squeeze3A_9, %add3A_320 : i32
    %broadcast_in_dim3A_322 = arith.constant 0.000000e+00 : f32
    %broadcast_in_dim3A_323 = vector.broadcast %broadcast_in_dim3A_322 : f32 to vector<16xf32>
    %while3A_324 = arith.subi %add3A_321, %squeeze3A : i32
    %while3A_325 = arith.addi %squeeze3A, %while3A_324 : i32
    %while3A_326 = arith.constant 1 : i32
    %while3A_327 = arith.divsi %while3A_324, %while3A_326 : i32
    %while3A_328 = arith.muli %while3A_327, %while3A_326 : i32
    %while3A_329 = arith.addi %squeeze3A, %while3A_328 : i32
    %while3A_330 = arith.constant 1 : i32
    %while3A_331 = scf.for %while3A_1669 = %squeeze3A to %while3A_329 step %while3A_330 iter_args(%while3A_1670 = %broadcast_in_dim3A_323) -> (vector<16xf32>)  : i32 {
      %eq3A = vector.broadcast %while3A_1669 : i32 to vector<16xi32>
      %eq3A_1671 = arith.cmpi eq, %get3A_319, %eq3A : vector<16xi32>
      %get3A_1672 = arith.index_cast %while3A_1669 : i32 to index
      %get3A_1673 = tpu.vector_load %arg8[%get3A_1672] {strides = array<i32>} : memref<80xf32, #tpu.memory_space<vmem>>, vector<16xf32>,
      %get3A_1674 = vector.shape_cast %get3A_1673 : vector<16xf32> to vector<16xf32>
      %slice3A_1675 = vector.extract_strided_slice %get3A_1674 {offsets = [0], sizes = [1], strides = [1]} : vector<16xf32> to vector<1xf32>
      %squeeze3A_1676 = vector.extract %slice3A_1675[0] : f32 from vector<1xf32>
      %broadcast_in_dim3A_1677 = vector.broadcast %squeeze3A_1676 : f32 to vector<16xf32>
      %select_n3A = arith.select %eq3A_1671, %broadcast_in_dim3A_1677, %while3A_1670 : vector<16xi1>, vector<16xf32>
      scf.yield %select_n3A : vector<16xf32>
    }
    %while3A_332 = arith.constant 1 : i32
    %while3A_333 = scf.for %while3A_1669 = %while3A_329 to %while3A_325 step %while3A_332 iter_args(%while3A_1670 = %while3A_331) -> (vector<16xf32>)  : i32 {
      %eq3A = vector.broadcast %while3A_1669 : i32 to vector<16xi32>
      %eq3A_1671 = arith.cmpi eq, %get3A_319, %eq3A : vector<16xi32>
      %get3A_1672 = arith.index_cast %while3A_1669 : i32 to index
      %get3A_1673 = tpu.vector_load %arg8[%get3A_1672] {strides = array<i32>} : memref<80xf32, #tpu.memory_space<vmem>>, vector<16xf32>,
      %get3A_1674 = vector.shape_cast %get3A_1673 : vector<16xf32> to vector<16xf32>
      %slice3A_1675 = vector.extract_strided_slice %get3A_1674 {offsets = [0], sizes = [1], strides = [1]} : vector<16xf32> to vector<1xf32>
      %squeeze3A_1676 = vector.extract %slice3A_1675[0] : f32 from vector<1xf32>
      %broadcast_in_dim3A_1677 = vector.broadcast %squeeze3A_1676 : f32 to vector<16xf32>
      %select_n3A = arith.select %eq3A_1671, %broadcast_in_dim3A_1677, %while3A_1670 : vector<16xi1>, vector<16xf32>
      scf.yield %select_n3A : vector<16xf32>
    }
    %get3A_334 = arith.constant 192 : index
    %get3A_335 = tpu.vector_load %arg6[%get3A_334] {strides = array<i32>} : memref<1024xf32, #tpu.memory_space<vmem>>, vector<16xf32>,
    %get3A_336 = vector.shape_cast %get3A_335 : vector<16xf32> to vector<16xf32>
    %sub3A_337 = arith.subf %get3A_336, %while3A_333 : vector<16xf32>
    %exp3A_338 = math.exp %sub3A_337 : vector<16xf32>
    %swap3A_339 = arith.constant 192 : index
    %swap3A_340 = tpu.vector_load %arg9[%swap3A_339] {strides = array<i32>} : memref<1024xf32, #tpu.memory_space<vmem>>, vector<16xf32>,
    %swap3A_341 = vector.shape_cast %swap3A_340 : vector<16xf32> to vector<16xf32>
    %swap3A_342 = vector.shape_cast %exp3A_338 : vector<16xf32> to vector<16xf32>
    tpu.vector_store %arg9[%swap3A_339], %swap3A_342 {strides = array<i32>} : memref<1024xf32, #tpu.memory_space<vmem>>, vector<16xf32>,
    %get3A_343 = arith.constant 208 : index
    %get3A_344 = tpu.vector_load %arg7[%get3A_343] {strides = array<i32>} : memref<1024xi32, #tpu.memory_space<vmem>>, vector<16xi32>,
    %get3A_345 = vector.shape_cast %get3A_344 : vector<16xi32> to vector<16xi32>
    %add3A_346 = arith.constant 1 : i32
    %add3A_347 = arith.addi %squeeze3A_9, %add3A_346 : i32
    %broadcast_in_dim3A_348 = arith.constant 0.000000e+00 : f32
    %broadcast_in_dim3A_349 = vector.broadcast %broadcast_in_dim3A_348 : f32 to vector<16xf32>
    %while3A_350 = arith.subi %add3A_347, %squeeze3A : i32
    %while3A_351 = arith.addi %squeeze3A, %while3A_350 : i32
    %while3A_352 = arith.constant 1 : i32
    %while3A_353 = arith.divsi %while3A_350, %while3A_352 : i32
    %while3A_354 = arith.muli %while3A_353, %while3A_352 : i32
    %while3A_355 = arith.addi %squeeze3A, %while3A_354 : i32
    %while3A_356 = arith.constant 1 : i32
    %while3A_357 = scf.for %while3A_1669 = %squeeze3A to %while3A_355 step %while3A_356 iter_args(%while3A_1670 = %broadcast_in_dim3A_349) -> (vector<16xf32>)  : i32 {
      %eq3A = vector.broadcast %while3A_1669 : i32 to vector<16xi32>
      %eq3A_1671 = arith.cmpi eq, %get3A_345, %eq3A : vector<16xi32>
      %get3A_1672 = arith.index_cast %while3A_1669 : i32 to index
      %get3A_1673 = tpu.vector_load %arg8[%get3A_1672] {strides = array<i32>} : memref<80xf32, #tpu.memory_space<vmem>>, vector<16xf32>,
      %get3A_1674 = vector.shape_cast %get3A_1673 : vector<16xf32> to vector<16xf32>
      %slice3A_1675 = vector.extract_strided_slice %get3A_1674 {offsets = [0], sizes = [1], strides = [1]} : vector<16xf32> to vector<1xf32>
      %squeeze3A_1676 = vector.extract %slice3A_1675[0] : f32 from vector<1xf32>
      %broadcast_in_dim3A_1677 = vector.broadcast %squeeze3A_1676 : f32 to vector<16xf32>
      %select_n3A = arith.select %eq3A_1671, %broadcast_in_dim3A_1677, %while3A_1670 : vector<16xi1>, vector<16xf32>
      scf.yield %select_n3A : vector<16xf32>
    }
    %while3A_358 = arith.constant 1 : i32
    %while3A_359 = scf.for %while3A_1669 = %while3A_355 to %while3A_351 step %while3A_358 iter_args(%while3A_1670 = %while3A_357) -> (vector<16xf32>)  : i32 {
      %eq3A = vector.broadcast %while3A_1669 : i32 to vector<16xi32>
      %eq3A_1671 = arith.cmpi eq, %get3A_345, %eq3A : vector<16xi32>
      %get3A_1672 = arith.index_cast %while3A_1669 : i32 to index
      %get3A_1673 = tpu.vector_load %arg8[%get3A_1672] {strides = array<i32>} : memref<80xf32, #tpu.memory_space<vmem>>, vector<16xf32>,
      %get3A_1674 = vector.shape_cast %get3A_1673 : vector<16xf32> to vector<16xf32>
      %slice3A_1675 = vector.extract_strided_slice %get3A_1674 {offsets = [0], sizes = [1], strides = [1]} : vector<16xf32> to vector<1xf32>
      %squeeze3A_1676 = vector.extract %slice3A_1675[0] : f32 from vector<1xf32>
      %broadcast_in_dim3A_1677 = vector.broadcast %squeeze3A_1676 : f32 to vector<16xf32>
      %select_n3A = arith.select %eq3A_1671, %broadcast_in_dim3A_1677, %while3A_1670 : vector<16xi1>, vector<16xf32>
      scf.yield %select_n3A : vector<16xf32>
    }
    %get3A_360 = arith.constant 208 : index
    %get3A_361 = tpu.vector_load %arg6[%get3A_360] {strides = array<i32>} : memref<1024xf32, #tpu.memory_space<vmem>>, vector<16xf32>,
    %get3A_362 = vector.shape_cast %get3A_361 : vector<16xf32> to vector<16xf32>
    %sub3A_363 = arith.subf %get3A_362, %while3A_359 : vector<16xf32>
    %exp3A_364 = math.exp %sub3A_363 : vector<16xf32>
    %swap3A_365 = arith.constant 208 : index
    %swap3A_366 = tpu.vector_load %arg9[%swap3A_365] {strides = array<i32>} : memref<1024xf32, #tpu.memory_space<vmem>>, vector<16xf32>,
    %swap3A_367 = vector.shape_cast %swap3A_366 : vector<16xf32> to vector<16xf32>
    %swap3A_368 = vector.shape_cast %exp3A_364 : vector<16xf32> to vector<16xf32>
    tpu.vector_store %arg9[%swap3A_365], %swap3A_368 {strides = array<i32>} : memref<1024xf32, #tpu.memory_space<vmem>>, vector<16xf32>,
    %get3A_369 = arith.constant 224 : index
    %get3A_370 = tpu.vector_load %arg7[%get3A_369] {strides = array<i32>} : memref<1024xi32, #tpu.memory_space<vmem>>, vector<16xi32>,
    %get3A_371 = vector.shape_cast %get3A_370 : vector<16xi32> to vector<16xi32>
    %add3A_372 = arith.constant 1 : i32
    %add3A_373 = arith.addi %squeeze3A_9, %add3A_372 : i32
    %broadcast_in_dim3A_374 = arith.constant 0.000000e+00 : f32
    %broadcast_in_dim3A_375 = vector.broadcast %broadcast_in_dim3A_374 : f32 to vector<16xf32>
    %while3A_376 = arith.subi %add3A_373, %squeeze3A : i32
    %while3A_377 = arith.addi %squeeze3A, %while3A_376 : i32
    %while3A_378 = arith.constant 1 : i32
    %while3A_379 = arith.divsi %while3A_376, %while3A_378 : i32
    %while3A_380 = arith.muli %while3A_379, %while3A_378 : i32
    %while3A_381 = arith.addi %squeeze3A, %while3A_380 : i32
    %while3A_382 = arith.constant 1 : i32
    %while3A_383 = scf.for %while3A_1669 = %squeeze3A to %while3A_381 step %while3A_382 iter_args(%while3A_1670 = %broadcast_in_dim3A_375) -> (vector<16xf32>)  : i32 {
      %eq3A = vector.broadcast %while3A_1669 : i32 to vector<16xi32>
      %eq3A_1671 = arith.cmpi eq, %get3A_371, %eq3A : vector<16xi32>
      %get3A_1672 = arith.index_cast %while3A_1669 : i32 to index
      %get3A_1673 = tpu.vector_load %arg8[%get3A_1672] {strides = array<i32>} : memref<80xf32, #tpu.memory_space<vmem>>, vector<16xf32>,
      %get3A_1674 = vector.shape_cast %get3A_1673 : vector<16xf32> to vector<16xf32>
      %slice3A_1675 = vector.extract_strided_slice %get3A_1674 {offsets = [0], sizes = [1], strides = [1]} : vector<16xf32> to vector<1xf32>
      %squeeze3A_1676 = vector.extract %slice3A_1675[0] : f32 from vector<1xf32>
      %broadcast_in_dim3A_1677 = vector.broadcast %squeeze3A_1676 : f32 to vector<16xf32>
      %select_n3A = arith.select %eq3A_1671, %broadcast_in_dim3A_1677, %while3A_1670 : vector<16xi1>, vector<16xf32>
      scf.yield %select_n3A : vector<16xf32>
    }
    %while3A_384 = arith.constant 1 : i32
    %while3A_385 = scf.for %while3A_1669 = %while3A_381 to %while3A_377 step %while3A_384 iter_args(%while3A_1670 = %while3A_383) -> (vector<16xf32>)  : i32 {
      %eq3A = vector.broadcast %while3A_1669 : i32 to vector<16xi32>
      %eq3A_1671 = arith.cmpi eq, %get3A_371, %eq3A : vector<16xi32>
      %get3A_1672 = arith.index_cast %while3A_1669 : i32 to index
      %get3A_1673 = tpu.vector_load %arg8[%get3A_1672] {strides = array<i32>} : memref<80xf32, #tpu.memory_space<vmem>>, vector<16xf32>,
      %get3A_1674 = vector.shape_cast %get3A_1673 : vector<16xf32> to vector<16xf32>
      %slice3A_1675 = vector.extract_strided_slice %get3A_1674 {offsets = [0], sizes = [1], strides = [1]} : vector<16xf32> to vector<1xf32>
      %squeeze3A_1676 = vector.extract %slice3A_1675[0] : f32 from vector<1xf32>
      %broadcast_in_dim3A_1677 = vector.broadcast %squeeze3A_1676 : f32 to vector<16xf32>
      %select_n3A = arith.select %eq3A_1671, %broadcast_in_dim3A_1677, %while3A_1670 : vector<16xi1>, vector<16xf32>
      scf.yield %select_n3A : vector<16xf32>
    }
    %get3A_386 = arith.constant 224 : index
    %get3A_387 = tpu.vector_load %arg6[%get3A_386] {strides = array<i32>} : memref<1024xf32, #tpu.memory_space<vmem>>, vector<16xf32>,
    %get3A_388 = vector.shape_cast %get3A_387 : vector<16xf32> to vector<16xf32>
    %sub3A_389 = arith.subf %get3A_388, %while3A_385 : vector<16xf32>
    %exp3A_390 = math.exp %sub3A_389 : vector<16xf32>
    %swap3A_391 = arith.constant 224 : index
    %swap3A_392 = tpu.vector_load %arg9[%swap3A_391] {strides = array<i32>} : memref<1024xf32, #tpu.memory_space<vmem>>, vector<16xf32>,
    %swap3A_393 = vector.shape_cast %swap3A_392 : vector<16xf32> to vector<16xf32>
    %swap3A_394 = vector.shape_cast %exp3A_390 : vector<16xf32> to vector<16xf32>
    tpu.vector_store %arg9[%swap3A_391], %swap3A_394 {strides = array<i32>} : memref<1024xf32, #tpu.memory_space<vmem>>, vector<16xf32>,
    %get3A_395 = arith.constant 240 : index
    %get3A_396 = tpu.vector_load %arg7[%get3A_395] {strides = array<i32>} : memref<1024xi32, #tpu.memory_space<vmem>>, vector<16xi32>,
    %get3A_397 = vector.shape_cast %get3A_396 : vector<16xi32> to vector<16xi32>
    %add3A_398 = arith.constant 1 : i32
    %add3A_399 = arith.addi %squeeze3A_9, %add3A_398 : i32
    %broadcast_in_dim3A_400 = arith.constant 0.000000e+00 : f32
    %broadcast_in_dim3A_401 = vector.broadcast %broadcast_in_dim3A_400 : f32 to vector<16xf32>
    %while3A_402 = arith.subi %add3A_399, %squeeze3A : i32
    %while3A_403 = arith.addi %squeeze3A, %while3A_402 : i32
    %while3A_404 = arith.constant 1 : i32
    %while3A_405 = arith.divsi %while3A_402, %while3A_404 : i32
    %while3A_406 = arith.muli %while3A_405, %while3A_404 : i32
    %while3A_407 = arith.addi %squeeze3A, %while3A_406 : i32
    %while3A_408 = arith.constant 1 : i32
    %while3A_409 = scf.for %while3A_1669 = %squeeze3A to %while3A_407 step %while3A_408 iter_args(%while3A_1670 = %broadcast_in_dim3A_401) -> (vector<16xf32>)  : i32 {
      %eq3A = vector.broadcast %while3A_1669 : i32 to vector<16xi32>
      %eq3A_1671 = arith.cmpi eq, %get3A_397, %eq3A : vector<16xi32>
      %get3A_1672 = arith.index_cast %while3A_1669 : i32 to index
      %get3A_1673 = tpu.vector_load %arg8[%get3A_1672] {strides = array<i32>} : memref<80xf32, #tpu.memory_space<vmem>>, vector<16xf32>,
      %get3A_1674 = vector.shape_cast %get3A_1673 : vector<16xf32> to vector<16xf32>
      %slice3A_1675 = vector.extract_strided_slice %get3A_1674 {offsets = [0], sizes = [1], strides = [1]} : vector<16xf32> to vector<1xf32>
      %squeeze3A_1676 = vector.extract %slice3A_1675[0] : f32 from vector<1xf32>
      %broadcast_in_dim3A_1677 = vector.broadcast %squeeze3A_1676 : f32 to vector<16xf32>
      %select_n3A = arith.select %eq3A_1671, %broadcast_in_dim3A_1677, %while3A_1670 : vector<16xi1>, vector<16xf32>
      scf.yield %select_n3A : vector<16xf32>
    }
    %while3A_410 = arith.constant 1 : i32
    %while3A_411 = scf.for %while3A_1669 = %while3A_407 to %while3A_403 step %while3A_410 iter_args(%while3A_1670 = %while3A_409) -> (vector<16xf32>)  : i32 {
      %eq3A = vector.broadcast %while3A_1669 : i32 to vector<16xi32>
      %eq3A_1671 = arith.cmpi eq, %get3A_397, %eq3A : vector<16xi32>
      %get3A_1672 = arith.index_cast %while3A_1669 : i32 to index
      %get3A_1673 = tpu.vector_load %arg8[%get3A_1672] {strides = array<i32>} : memref<80xf32, #tpu.memory_space<vmem>>, vector<16xf32>,
      %get3A_1674 = vector.shape_cast %get3A_1673 : vector<16xf32> to vector<16xf32>
      %slice3A_1675 = vector.extract_strided_slice %get3A_1674 {offsets = [0], sizes = [1], strides = [1]} : vector<16xf32> to vector<1xf32>
      %squeeze3A_1676 = vector.extract %slice3A_1675[0] : f32 from vector<1xf32>
      %broadcast_in_dim3A_1677 = vector.broadcast %squeeze3A_1676 : f32 to vector<16xf32>
      %select_n3A = arith.select %eq3A_1671, %broadcast_in_dim3A_1677, %while3A_1670 : vector<16xi1>, vector<16xf32>
      scf.yield %select_n3A : vector<16xf32>
    }
    %get3A_412 = arith.constant 240 : index
    %get3A_413 = tpu.vector_load %arg6[%get3A_412] {strides = array<i32>} : memref<1024xf32, #tpu.memory_space<vmem>>, vector<16xf32>,
    %get3A_414 = vector.shape_cast %get3A_413 : vector<16xf32> to vector<16xf32>
    %sub3A_415 = arith.subf %get3A_414, %while3A_411 : vector<16xf32>
    %exp3A_416 = math.exp %sub3A_415 : vector<16xf32>
    %swap3A_417 = arith.constant 240 : index
    %swap3A_418 = tpu.vector_load %arg9[%swap3A_417] {strides = array<i32>} : memref<1024xf32, #tpu.memory_space<vmem>>, vector<16xf32>,
    %swap3A_419 = vector.shape_cast %swap3A_418 : vector<16xf32> to vector<16xf32>
    %swap3A_420 = vector.shape_cast %exp3A_416 : vector<16xf32> to vector<16xf32>
    tpu.vector_store %arg9[%swap3A_417], %swap3A_420 {strides = array<i32>} : memref<1024xf32, #tpu.memory_space<vmem>>, vector<16xf32>,
    %get3A_421 = arith.constant 256 : index
    %get3A_422 = tpu.vector_load %arg7[%get3A_421] {strides = array<i32>} : memref<1024xi32, #tpu.memory_space<vmem>>, vector<16xi32>,
    %get3A_423 = vector.shape_cast %get3A_422 : vector<16xi32> to vector<16xi32>
    %add3A_424 = arith.constant 1 : i32
    %add3A_425 = arith.addi %squeeze3A_9, %add3A_424 : i32
    %broadcast_in_dim3A_426 = arith.constant 0.000000e+00 : f32
    %broadcast_in_dim3A_427 = vector.broadcast %broadcast_in_dim3A_426 : f32 to vector<16xf32>
    %while3A_428 = arith.subi %add3A_425, %squeeze3A : i32
    %while3A_429 = arith.addi %squeeze3A, %while3A_428 : i32
    %while3A_430 = arith.constant 1 : i32
    %while3A_431 = arith.divsi %while3A_428, %while3A_430 : i32
    %while3A_432 = arith.muli %while3A_431, %while3A_430 : i32
    %while3A_433 = arith.addi %squeeze3A, %while3A_432 : i32
    %while3A_434 = arith.constant 1 : i32
    %while3A_435 = scf.for %while3A_1669 = %squeeze3A to %while3A_433 step %while3A_434 iter_args(%while3A_1670 = %broadcast_in_dim3A_427) -> (vector<16xf32>)  : i32 {
      %eq3A = vector.broadcast %while3A_1669 : i32 to vector<16xi32>
      %eq3A_1671 = arith.cmpi eq, %get3A_423, %eq3A : vector<16xi32>
      %get3A_1672 = arith.index_cast %while3A_1669 : i32 to index
      %get3A_1673 = tpu.vector_load %arg8[%get3A_1672] {strides = array<i32>} : memref<80xf32, #tpu.memory_space<vmem>>, vector<16xf32>,
      %get3A_1674 = vector.shape_cast %get3A_1673 : vector<16xf32> to vector<16xf32>
      %slice3A_1675 = vector.extract_strided_slice %get3A_1674 {offsets = [0], sizes = [1], strides = [1]} : vector<16xf32> to vector<1xf32>
      %squeeze3A_1676 = vector.extract %slice3A_1675[0] : f32 from vector<1xf32>
      %broadcast_in_dim3A_1677 = vector.broadcast %squeeze3A_1676 : f32 to vector<16xf32>
      %select_n3A = arith.select %eq3A_1671, %broadcast_in_dim3A_1677, %while3A_1670 : vector<16xi1>, vector<16xf32>
      scf.yield %select_n3A : vector<16xf32>
    }
    %while3A_436 = arith.constant 1 : i32
    %while3A_437 = scf.for %while3A_1669 = %while3A_433 to %while3A_429 step %while3A_436 iter_args(%while3A_1670 = %while3A_435) -> (vector<16xf32>)  : i32 {
      %eq3A = vector.broadcast %while3A_1669 : i32 to vector<16xi32>
      %eq3A_1671 = arith.cmpi eq, %get3A_423, %eq3A : vector<16xi32>
      %get3A_1672 = arith.index_cast %while3A_1669 : i32 to index
      %get3A_1673 = tpu.vector_load %arg8[%get3A_1672] {strides = array<i32>} : memref<80xf32, #tpu.memory_space<vmem>>, vector<16xf32>,
      %get3A_1674 = vector.shape_cast %get3A_1673 : vector<16xf32> to vector<16xf32>
      %slice3A_1675 = vector.extract_strided_slice %get3A_1674 {offsets = [0], sizes = [1], strides = [1]} : vector<16xf32> to vector<1xf32>
      %squeeze3A_1676 = vector.extract %slice3A_1675[0] : f32 from vector<1xf32>
      %broadcast_in_dim3A_1677 = vector.broadcast %squeeze3A_1676 : f32 to vector<16xf32>
      %select_n3A = arith.select %eq3A_1671, %broadcast_in_dim3A_1677, %while3A_1670 : vector<16xi1>, vector<16xf32>
      scf.yield %select_n3A : vector<16xf32>
    }
    %get3A_438 = arith.constant 256 : index
    %get3A_439 = tpu.vector_load %arg6[%get3A_438] {strides = array<i32>} : memref<1024xf32, #tpu.memory_space<vmem>>, vector<16xf32>,
    %get3A_440 = vector.shape_cast %get3A_439 : vector<16xf32> to vector<16xf32>
    %sub3A_441 = arith.subf %get3A_440, %while3A_437 : vector<16xf32>
    %exp3A_442 = math.exp %sub3A_441 : vector<16xf32>
    %swap3A_443 = arith.constant 256 : index
    %swap3A_444 = tpu.vector_load %arg9[%swap3A_443] {strides = array<i32>} : memref<1024xf32, #tpu.memory_space<vmem>>, vector<16xf32>,
    %swap3A_445 = vector.shape_cast %swap3A_444 : vector<16xf32> to vector<16xf32>
    %swap3A_446 = vector.shape_cast %exp3A_442 : vector<16xf32> to vector<16xf32>
    tpu.vector_store %arg9[%swap3A_443], %swap3A_446 {strides = array<i32>} : memref<1024xf32, #tpu.memory_space<vmem>>, vector<16xf32>,
    %get3A_447 = arith.constant 272 : index
    %get3A_448 = tpu.vector_load %arg7[%get3A_447] {strides = array<i32>} : memref<1024xi32, #tpu.memory_space<vmem>>, vector<16xi32>,
    %get3A_449 = vector.shape_cast %get3A_448 : vector<16xi32> to vector<16xi32>
    %add3A_450 = arith.constant 1 : i32
    %add3A_451 = arith.addi %squeeze3A_9, %add3A_450 : i32
    %broadcast_in_dim3A_452 = arith.constant 0.000000e+00 : f32
    %broadcast_in_dim3A_453 = vector.broadcast %broadcast_in_dim3A_452 : f32 to vector<16xf32>
    %while3A_454 = arith.subi %add3A_451, %squeeze3A : i32
    %while3A_455 = arith.addi %squeeze3A, %while3A_454 : i32
    %while3A_456 = arith.constant 1 : i32
    %while3A_457 = arith.divsi %while3A_454, %while3A_456 : i32
    %while3A_458 = arith.muli %while3A_457, %while3A_456 : i32
    %while3A_459 = arith.addi %squeeze3A, %while3A_458 : i32
    %while3A_460 = arith.constant 1 : i32
    %while3A_461 = scf.for %while3A_1669 = %squeeze3A to %while3A_459 step %while3A_460 iter_args(%while3A_1670 = %broadcast_in_dim3A_453) -> (vector<16xf32>)  : i32 {
      %eq3A = vector.broadcast %while3A_1669 : i32 to vector<16xi32>
      %eq3A_1671 = arith.cmpi eq, %get3A_449, %eq3A : vector<16xi32>
      %get3A_1672 = arith.index_cast %while3A_1669 : i32 to index
      %get3A_1673 = tpu.vector_load %arg8[%get3A_1672] {strides = array<i32>} : memref<80xf32, #tpu.memory_space<vmem>>, vector<16xf32>,
      %get3A_1674 = vector.shape_cast %get3A_1673 : vector<16xf32> to vector<16xf32>
      %slice3A_1675 = vector.extract_strided_slice %get3A_1674 {offsets = [0], sizes = [1], strides = [1]} : vector<16xf32> to vector<1xf32>
      %squeeze3A_1676 = vector.extract %slice3A_1675[0] : f32 from vector<1xf32>
      %broadcast_in_dim3A_1677 = vector.broadcast %squeeze3A_1676 : f32 to vector<16xf32>
      %select_n3A = arith.select %eq3A_1671, %broadcast_in_dim3A_1677, %while3A_1670 : vector<16xi1>, vector<16xf32>
      scf.yield %select_n3A : vector<16xf32>
    }
    %while3A_462 = arith.constant 1 : i32
    %while3A_463 = scf.for %while3A_1669 = %while3A_459 to %while3A_455 step %while3A_462 iter_args(%while3A_1670 = %while3A_461) -> (vector<16xf32>)  : i32 {
      %eq3A = vector.broadcast %while3A_1669 : i32 to vector<16xi32>
      %eq3A_1671 = arith.cmpi eq, %get3A_449, %eq3A : vector<16xi32>
      %get3A_1672 = arith.index_cast %while3A_1669 : i32 to index
      %get3A_1673 = tpu.vector_load %arg8[%get3A_1672] {strides = array<i32>} : memref<80xf32, #tpu.memory_space<vmem>>, vector<16xf32>,
      %get3A_1674 = vector.shape_cast %get3A_1673 : vector<16xf32> to vector<16xf32>
      %slice3A_1675 = vector.extract_strided_slice %get3A_1674 {offsets = [0], sizes = [1], strides = [1]} : vector<16xf32> to vector<1xf32>
      %squeeze3A_1676 = vector.extract %slice3A_1675[0] : f32 from vector<1xf32>
      %broadcast_in_dim3A_1677 = vector.broadcast %squeeze3A_1676 : f32 to vector<16xf32>
      %select_n3A = arith.select %eq3A_1671, %broadcast_in_dim3A_1677, %while3A_1670 : vector<16xi1>, vector<16xf32>
      scf.yield %select_n3A : vector<16xf32>
    }
    %get3A_464 = arith.constant 272 : index
    %get3A_465 = tpu.vector_load %arg6[%get3A_464] {strides = array<i32>} : memref<1024xf32, #tpu.memory_space<vmem>>, vector<16xf32>,
    %get3A_466 = vector.shape_cast %get3A_465 : vector<16xf32> to vector<16xf32>
    %sub3A_467 = arith.subf %get3A_466, %while3A_463 : vector<16xf32>
    %exp3A_468 = math.exp %sub3A_467 : vector<16xf32>
    %swap3A_469 = arith.constant 272 : index
    %swap3A_470 = tpu.vector_load %arg9[%swap3A_469] {strides = array<i32>} : memref<1024xf32, #tpu.memory_space<vmem>>, vector<16xf32>,
    %swap3A_471 = vector.shape_cast %swap3A_470 : vector<16xf32> to vector<16xf32>
    %swap3A_472 = vector.shape_cast %exp3A_468 : vector<16xf32> to vector<16xf32>
    tpu.vector_store %arg9[%swap3A_469], %swap3A_472 {strides = array<i32>} : memref<1024xf32, #tpu.memory_space<vmem>>, vector<16xf32>,
    %get3A_473 = arith.constant 288 : index
    %get3A_474 = tpu.vector_load %arg7[%get3A_473] {strides = array<i32>} : memref<1024xi32, #tpu.memory_space<vmem>>, vector<16xi32>,
    %get3A_475 = vector.shape_cast %get3A_474 : vector<16xi32> to vector<16xi32>
    %add3A_476 = arith.constant 1 : i32
    %add3A_477 = arith.addi %squeeze3A_9, %add3A_476 : i32
    %broadcast_in_dim3A_478 = arith.constant 0.000000e+00 : f32
    %broadcast_in_dim3A_479 = vector.broadcast %broadcast_in_dim3A_478 : f32 to vector<16xf32>
    %while3A_480 = arith.subi %add3A_477, %squeeze3A : i32
    %while3A_481 = arith.addi %squeeze3A, %while3A_480 : i32
    %while3A_482 = arith.constant 1 : i32
    %while3A_483 = arith.divsi %while3A_480, %while3A_482 : i32
    %while3A_484 = arith.muli %while3A_483, %while3A_482 : i32
    %while3A_485 = arith.addi %squeeze3A, %while3A_484 : i32
    %while3A_486 = arith.constant 1 : i32
    %while3A_487 = scf.for %while3A_1669 = %squeeze3A to %while3A_485 step %while3A_486 iter_args(%while3A_1670 = %broadcast_in_dim3A_479) -> (vector<16xf32>)  : i32 {
      %eq3A = vector.broadcast %while3A_1669 : i32 to vector<16xi32>
      %eq3A_1671 = arith.cmpi eq, %get3A_475, %eq3A : vector<16xi32>
      %get3A_1672 = arith.index_cast %while3A_1669 : i32 to index
      %get3A_1673 = tpu.vector_load %arg8[%get3A_1672] {strides = array<i32>} : memref<80xf32, #tpu.memory_space<vmem>>, vector<16xf32>,
      %get3A_1674 = vector.shape_cast %get3A_1673 : vector<16xf32> to vector<16xf32>
      %slice3A_1675 = vector.extract_strided_slice %get3A_1674 {offsets = [0], sizes = [1], strides = [1]} : vector<16xf32> to vector<1xf32>
      %squeeze3A_1676 = vector.extract %slice3A_1675[0] : f32 from vector<1xf32>
      %broadcast_in_dim3A_1677 = vector.broadcast %squeeze3A_1676 : f32 to vector<16xf32>
      %select_n3A = arith.select %eq3A_1671, %broadcast_in_dim3A_1677, %while3A_1670 : vector<16xi1>, vector<16xf32>
      scf.yield %select_n3A : vector<16xf32>
    }
    %while3A_488 = arith.constant 1 : i32
    %while3A_489 = scf.for %while3A_1669 = %while3A_485 to %while3A_481 step %while3A_488 iter_args(%while3A_1670 = %while3A_487) -> (vector<16xf32>)  : i32 {
      %eq3A = vector.broadcast %while3A_1669 : i32 to vector<16xi32>
      %eq3A_1671 = arith.cmpi eq, %get3A_475, %eq3A : vector<16xi32>
      %get3A_1672 = arith.index_cast %while3A_1669 : i32 to index
      %get3A_1673 = tpu.vector_load %arg8[%get3A_1672] {strides = array<i32>} : memref<80xf32, #tpu.memory_space<vmem>>, vector<16xf32>,
      %get3A_1674 = vector.shape_cast %get3A_1673 : vector<16xf32> to vector<16xf32>
      %slice3A_1675 = vector.extract_strided_slice %get3A_1674 {offsets = [0], sizes = [1], strides = [1]} : vector<16xf32> to vector<1xf32>
      %squeeze3A_1676 = vector.extract %slice3A_1675[0] : f32 from vector<1xf32>
      %broadcast_in_dim3A_1677 = vector.broadcast %squeeze3A_1676 : f32 to vector<16xf32>
      %select_n3A = arith.select %eq3A_1671, %broadcast_in_dim3A_1677, %while3A_1670 : vector<16xi1>, vector<16xf32>
      scf.yield %select_n3A : vector<16xf32>
    }
    %get3A_490 = arith.constant 288 : index
    %get3A_491 = tpu.vector_load %arg6[%get3A_490] {strides = array<i32>} : memref<1024xf32, #tpu.memory_space<vmem>>, vector<16xf32>,
    %get3A_492 = vector.shape_cast %get3A_491 : vector<16xf32> to vector<16xf32>
    %sub3A_493 = arith.subf %get3A_492, %while3A_489 : vector<16xf32>
    %exp3A_494 = math.exp %sub3A_493 : vector<16xf32>
    %swap3A_495 = arith.constant 288 : index
    %swap3A_496 = tpu.vector_load %arg9[%swap3A_495] {strides = array<i32>} : memref<1024xf32, #tpu.memory_space<vmem>>, vector<16xf32>,
    %swap3A_497 = vector.shape_cast %swap3A_496 : vector<16xf32> to vector<16xf32>
    %swap3A_498 = vector.shape_cast %exp3A_494 : vector<16xf32> to vector<16xf32>
    tpu.vector_store %arg9[%swap3A_495], %swap3A_498 {strides = array<i32>} : memref<1024xf32, #tpu.memory_space<vmem>>, vector<16xf32>,
    %get3A_499 = arith.constant 304 : index
    %get3A_500 = tpu.vector_load %arg7[%get3A_499] {strides = array<i32>} : memref<1024xi32, #tpu.memory_space<vmem>>, vector<16xi32>,
    %get3A_501 = vector.shape_cast %get3A_500 : vector<16xi32> to vector<16xi32>
    %add3A_502 = arith.constant 1 : i32
    %add3A_503 = arith.addi %squeeze3A_9, %add3A_502 : i32
    %broadcast_in_dim3A_504 = arith.constant 0.000000e+00 : f32
    %broadcast_in_dim3A_505 = vector.broadcast %broadcast_in_dim3A_504 : f32 to vector<16xf32>
    %while3A_506 = arith.subi %add3A_503, %squeeze3A : i32
    %while3A_507 = arith.addi %squeeze3A, %while3A_506 : i32
    %while3A_508 = arith.constant 1 : i32
    %while3A_509 = arith.divsi %while3A_506, %while3A_508 : i32
    %while3A_510 = arith.muli %while3A_509, %while3A_508 : i32
    %while3A_511 = arith.addi %squeeze3A, %while3A_510 : i32
    %while3A_512 = arith.constant 1 : i32
    %while3A_513 = scf.for %while3A_1669 = %squeeze3A to %while3A_511 step %while3A_512 iter_args(%while3A_1670 = %broadcast_in_dim3A_505) -> (vector<16xf32>)  : i32 {
      %eq3A = vector.broadcast %while3A_1669 : i32 to vector<16xi32>
      %eq3A_1671 = arith.cmpi eq, %get3A_501, %eq3A : vector<16xi32>
      %get3A_1672 = arith.index_cast %while3A_1669 : i32 to index
      %get3A_1673 = tpu.vector_load %arg8[%get3A_1672] {strides = array<i32>} : memref<80xf32, #tpu.memory_space<vmem>>, vector<16xf32>,
      %get3A_1674 = vector.shape_cast %get3A_1673 : vector<16xf32> to vector<16xf32>
      %slice3A_1675 = vector.extract_strided_slice %get3A_1674 {offsets = [0], sizes = [1], strides = [1]} : vector<16xf32> to vector<1xf32>
      %squeeze3A_1676 = vector.extract %slice3A_1675[0] : f32 from vector<1xf32>
      %broadcast_in_dim3A_1677 = vector.broadcast %squeeze3A_1676 : f32 to vector<16xf32>
      %select_n3A = arith.select %eq3A_1671, %broadcast_in_dim3A_1677, %while3A_1670 : vector<16xi1>, vector<16xf32>
      scf.yield %select_n3A : vector<16xf32>
    }
    %while3A_514 = arith.constant 1 : i32
    %while3A_515 = scf.for %while3A_1669 = %while3A_511 to %while3A_507 step %while3A_514 iter_args(%while3A_1670 = %while3A_513) -> (vector<16xf32>)  : i32 {
      %eq3A = vector.broadcast %while3A_1669 : i32 to vector<16xi32>
      %eq3A_1671 = arith.cmpi eq, %get3A_501, %eq3A : vector<16xi32>
      %get3A_1672 = arith.index_cast %while3A_1669 : i32 to index
      %get3A_1673 = tpu.vector_load %arg8[%get3A_1672] {strides = array<i32>} : memref<80xf32, #tpu.memory_space<vmem>>, vector<16xf32>,
      %get3A_1674 = vector.shape_cast %get3A_1673 : vector<16xf32> to vector<16xf32>
      %slice3A_1675 = vector.extract_strided_slice %get3A_1674 {offsets = [0], sizes = [1], strides = [1]} : vector<16xf32> to vector<1xf32>
      %squeeze3A_1676 = vector.extract %slice3A_1675[0] : f32 from vector<1xf32>
      %broadcast_in_dim3A_1677 = vector.broadcast %squeeze3A_1676 : f32 to vector<16xf32>
      %select_n3A = arith.select %eq3A_1671, %broadcast_in_dim3A_1677, %while3A_1670 : vector<16xi1>, vector<16xf32>
      scf.yield %select_n3A : vector<16xf32>
    }
    %get3A_516 = arith.constant 304 : index
    %get3A_517 = tpu.vector_load %arg6[%get3A_516] {strides = array<i32>} : memref<1024xf32, #tpu.memory_space<vmem>>, vector<16xf32>,
    %get3A_518 = vector.shape_cast %get3A_517 : vector<16xf32> to vector<16xf32>
    %sub3A_519 = arith.subf %get3A_518, %while3A_515 : vector<16xf32>
    %exp3A_520 = math.exp %sub3A_519 : vector<16xf32>
    %swap3A_521 = arith.constant 304 : index
    %swap3A_522 = tpu.vector_load %arg9[%swap3A_521] {strides = array<i32>} : memref<1024xf32, #tpu.memory_space<vmem>>, vector<16xf32>,
    %swap3A_523 = vector.shape_cast %swap3A_522 : vector<16xf32> to vector<16xf32>
    %swap3A_524 = vector.shape_cast %exp3A_520 : vector<16xf32> to vector<16xf32>
    tpu.vector_store %arg9[%swap3A_521], %swap3A_524 {strides = array<i32>} : memref<1024xf32, #tpu.memory_space<vmem>>, vector<16xf32>,
    %get3A_525 = arith.constant 320 : index
    %get3A_526 = tpu.vector_load %arg7[%get3A_525] {strides = array<i32>} : memref<1024xi32, #tpu.memory_space<vmem>>, vector<16xi32>,
    %get3A_527 = vector.shape_cast %get3A_526 : vector<16xi32> to vector<16xi32>
    %add3A_528 = arith.constant 1 : i32
    %add3A_529 = arith.addi %squeeze3A_9, %add3A_528 : i32
    %broadcast_in_dim3A_530 = arith.constant 0.000000e+00 : f32
    %broadcast_in_dim3A_531 = vector.broadcast %broadcast_in_dim3A_530 : f32 to vector<16xf32>
    %while3A_532 = arith.subi %add3A_529, %squeeze3A : i32
    %while3A_533 = arith.addi %squeeze3A, %while3A_532 : i32
    %while3A_534 = arith.constant 1 : i32
    %while3A_535 = arith.divsi %while3A_532, %while3A_534 : i32
    %while3A_536 = arith.muli %while3A_535, %while3A_534 : i32
    %while3A_537 = arith.addi %squeeze3A, %while3A_536 : i32
    %while3A_538 = arith.constant 1 : i32
    %while3A_539 = scf.for %while3A_1669 = %squeeze3A to %while3A_537 step %while3A_538 iter_args(%while3A_1670 = %broadcast_in_dim3A_531) -> (vector<16xf32>)  : i32 {
      %eq3A = vector.broadcast %while3A_1669 : i32 to vector<16xi32>
      %eq3A_1671 = arith.cmpi eq, %get3A_527, %eq3A : vector<16xi32>
      %get3A_1672 = arith.index_cast %while3A_1669 : i32 to index
      %get3A_1673 = tpu.vector_load %arg8[%get3A_1672] {strides = array<i32>} : memref<80xf32, #tpu.memory_space<vmem>>, vector<16xf32>,
      %get3A_1674 = vector.shape_cast %get3A_1673 : vector<16xf32> to vector<16xf32>
      %slice3A_1675 = vector.extract_strided_slice %get3A_1674 {offsets = [0], sizes = [1], strides = [1]} : vector<16xf32> to vector<1xf32>
      %squeeze3A_1676 = vector.extract %slice3A_1675[0] : f32 from vector<1xf32>
      %broadcast_in_dim3A_1677 = vector.broadcast %squeeze3A_1676 : f32 to vector<16xf32>
      %select_n3A = arith.select %eq3A_1671, %broadcast_in_dim3A_1677, %while3A_1670 : vector<16xi1>, vector<16xf32>
      scf.yield %select_n3A : vector<16xf32>
    }
    %while3A_540 = arith.constant 1 : i32
    %while3A_541 = scf.for %while3A_1669 = %while3A_537 to %while3A_533 step %while3A_540 iter_args(%while3A_1670 = %while3A_539) -> (vector<16xf32>)  : i32 {
      %eq3A = vector.broadcast %while3A_1669 : i32 to vector<16xi32>
      %eq3A_1671 = arith.cmpi eq, %get3A_527, %eq3A : vector<16xi32>
      %get3A_1672 = arith.index_cast %while3A_1669 : i32 to index
      %get3A_1673 = tpu.vector_load %arg8[%get3A_1672] {strides = array<i32>} : memref<80xf32, #tpu.memory_space<vmem>>, vector<16xf32>,
      %get3A_1674 = vector.shape_cast %get3A_1673 : vector<16xf32> to vector<16xf32>
      %slice3A_1675 = vector.extract_strided_slice %get3A_1674 {offsets = [0], sizes = [1], strides = [1]} : vector<16xf32> to vector<1xf32>
      %squeeze3A_1676 = vector.extract %slice3A_1675[0] : f32 from vector<1xf32>
      %broadcast_in_dim3A_1677 = vector.broadcast %squeeze3A_1676 : f32 to vector<16xf32>
      %select_n3A = arith.select %eq3A_1671, %broadcast_in_dim3A_1677, %while3A_1670 : vector<16xi1>, vector<16xf32>
      scf.yield %select_n3A : vector<16xf32>
    }
    %get3A_542 = arith.constant 320 : index
    %get3A_543 = tpu.vector_load %arg6[%get3A_542] {strides = array<i32>} : memref<1024xf32, #tpu.memory_space<vmem>>, vector<16xf32>,
    %get3A_544 = vector.shape_cast %get3A_543 : vector<16xf32> to vector<16xf32>
    %sub3A_545 = arith.subf %get3A_544, %while3A_541 : vector<16xf32>
    %exp3A_546 = math.exp %sub3A_545 : vector<16xf32>
    %swap3A_547 = arith.constant 320 : index
    %swap3A_548 = tpu.vector_load %arg9[%swap3A_547] {strides = array<i32>} : memref<1024xf32, #tpu.memory_space<vmem>>, vector<16xf32>,
    %swap3A_549 = vector.shape_cast %swap3A_548 : vector<16xf32> to vector<16xf32>
    %swap3A_550 = vector.shape_cast %exp3A_546 : vector<16xf32> to vector<16xf32>
    tpu.vector_store %arg9[%swap3A_547], %swap3A_550 {strides = array<i32>} : memref<1024xf32, #tpu.memory_space<vmem>>, vector<16xf32>,
    %get3A_551 = arith.constant 336 : index
    %get3A_552 = tpu.vector_load %arg7[%get3A_551] {strides = array<i32>} : memref<1024xi32, #tpu.memory_space<vmem>>, vector<16xi32>,
    %get3A_553 = vector.shape_cast %get3A_552 : vector<16xi32> to vector<16xi32>
    %add3A_554 = arith.constant 1 : i32
    %add3A_555 = arith.addi %squeeze3A_9, %add3A_554 : i32
    %broadcast_in_dim3A_556 = arith.constant 0.000000e+00 : f32
    %broadcast_in_dim3A_557 = vector.broadcast %broadcast_in_dim3A_556 : f32 to vector<16xf32>
    %while3A_558 = arith.subi %add3A_555, %squeeze3A : i32
    %while3A_559 = arith.addi %squeeze3A, %while3A_558 : i32
    %while3A_560 = arith.constant 1 : i32
    %while3A_561 = arith.divsi %while3A_558, %while3A_560 : i32
    %while3A_562 = arith.muli %while3A_561, %while3A_560 : i32
    %while3A_563 = arith.addi %squeeze3A, %while3A_562 : i32
    %while3A_564 = arith.constant 1 : i32
    %while3A_565 = scf.for %while3A_1669 = %squeeze3A to %while3A_563 step %while3A_564 iter_args(%while3A_1670 = %broadcast_in_dim3A_557) -> (vector<16xf32>)  : i32 {
      %eq3A = vector.broadcast %while3A_1669 : i32 to vector<16xi32>
      %eq3A_1671 = arith.cmpi eq, %get3A_553, %eq3A : vector<16xi32>
      %get3A_1672 = arith.index_cast %while3A_1669 : i32 to index
      %get3A_1673 = tpu.vector_load %arg8[%get3A_1672] {strides = array<i32>} : memref<80xf32, #tpu.memory_space<vmem>>, vector<16xf32>,
      %get3A_1674 = vector.shape_cast %get3A_1673 : vector<16xf32> to vector<16xf32>
      %slice3A_1675 = vector.extract_strided_slice %get3A_1674 {offsets = [0], sizes = [1], strides = [1]} : vector<16xf32> to vector<1xf32>
      %squeeze3A_1676 = vector.extract %slice3A_1675[0] : f32 from vector<1xf32>
      %broadcast_in_dim3A_1677 = vector.broadcast %squeeze3A_1676 : f32 to vector<16xf32>
      %select_n3A = arith.select %eq3A_1671, %broadcast_in_dim3A_1677, %while3A_1670 : vector<16xi1>, vector<16xf32>
      scf.yield %select_n3A : vector<16xf32>
    }
    %while3A_566 = arith.constant 1 : i32
    %while3A_567 = scf.for %while3A_1669 = %while3A_563 to %while3A_559 step %while3A_566 iter_args(%while3A_1670 = %while3A_565) -> (vector<16xf32>)  : i32 {
      %eq3A = vector.broadcast %while3A_1669 : i32 to vector<16xi32>
      %eq3A_1671 = arith.cmpi eq, %get3A_553, %eq3A : vector<16xi32>
      %get3A_1672 = arith.index_cast %while3A_1669 : i32 to index
      %get3A_1673 = tpu.vector_load %arg8[%get3A_1672] {strides = array<i32>} : memref<80xf32, #tpu.memory_space<vmem>>, vector<16xf32>,
      %get3A_1674 = vector.shape_cast %get3A_1673 : vector<16xf32> to vector<16xf32>
      %slice3A_1675 = vector.extract_strided_slice %get3A_1674 {offsets = [0], sizes = [1], strides = [1]} : vector<16xf32> to vector<1xf32>
      %squeeze3A_1676 = vector.extract %slice3A_1675[0] : f32 from vector<1xf32>
      %broadcast_in_dim3A_1677 = vector.broadcast %squeeze3A_1676 : f32 to vector<16xf32>
      %select_n3A = arith.select %eq3A_1671, %broadcast_in_dim3A_1677, %while3A_1670 : vector<16xi1>, vector<16xf32>
      scf.yield %select_n3A : vector<16xf32>
    }
    %get3A_568 = arith.constant 336 : index
    %get3A_569 = tpu.vector_load %arg6[%get3A_568] {strides = array<i32>} : memref<1024xf32, #tpu.memory_space<vmem>>, vector<16xf32>,
    %get3A_570 = vector.shape_cast %get3A_569 : vector<16xf32> to vector<16xf32>
    %sub3A_571 = arith.subf %get3A_570, %while3A_567 : vector<16xf32>
    %exp3A_572 = math.exp %sub3A_571 : vector<16xf32>
    %swap3A_573 = arith.constant 336 : index
    %swap3A_574 = tpu.vector_load %arg9[%swap3A_573] {strides = array<i32>} : memref<1024xf32, #tpu.memory_space<vmem>>, vector<16xf32>,
    %swap3A_575 = vector.shape_cast %swap3A_574 : vector<16xf32> to vector<16xf32>
    %swap3A_576 = vector.shape_cast %exp3A_572 : vector<16xf32> to vector<16xf32>
    tpu.vector_store %arg9[%swap3A_573], %swap3A_576 {strides = array<i32>} : memref<1024xf32, #tpu.memory_space<vmem>>, vector<16xf32>,
    %get3A_577 = arith.constant 352 : index
    %get3A_578 = tpu.vector_load %arg7[%get3A_577] {strides = array<i32>} : memref<1024xi32, #tpu.memory_space<vmem>>, vector<16xi32>,
    %get3A_579 = vector.shape_cast %get3A_578 : vector<16xi32> to vector<16xi32>
    %add3A_580 = arith.constant 1 : i32
    %add3A_581 = arith.addi %squeeze3A_9, %add3A_580 : i32
    %broadcast_in_dim3A_582 = arith.constant 0.000000e+00 : f32
    %broadcast_in_dim3A_583 = vector.broadcast %broadcast_in_dim3A_582 : f32 to vector<16xf32>
    %while3A_584 = arith.subi %add3A_581, %squeeze3A : i32
    %while3A_585 = arith.addi %squeeze3A, %while3A_584 : i32
    %while3A_586 = arith.constant 1 : i32
    %while3A_587 = arith.divsi %while3A_584, %while3A_586 : i32
    %while3A_588 = arith.muli %while3A_587, %while3A_586 : i32
    %while3A_589 = arith.addi %squeeze3A, %while3A_588 : i32
    %while3A_590 = arith.constant 1 : i32
    %while3A_591 = scf.for %while3A_1669 = %squeeze3A to %while3A_589 step %while3A_590 iter_args(%while3A_1670 = %broadcast_in_dim3A_583) -> (vector<16xf32>)  : i32 {
      %eq3A = vector.broadcast %while3A_1669 : i32 to vector<16xi32>
      %eq3A_1671 = arith.cmpi eq, %get3A_579, %eq3A : vector<16xi32>
      %get3A_1672 = arith.index_cast %while3A_1669 : i32 to index
      %get3A_1673 = tpu.vector_load %arg8[%get3A_1672] {strides = array<i32>} : memref<80xf32, #tpu.memory_space<vmem>>, vector<16xf32>,
      %get3A_1674 = vector.shape_cast %get3A_1673 : vector<16xf32> to vector<16xf32>
      %slice3A_1675 = vector.extract_strided_slice %get3A_1674 {offsets = [0], sizes = [1], strides = [1]} : vector<16xf32> to vector<1xf32>
      %squeeze3A_1676 = vector.extract %slice3A_1675[0] : f32 from vector<1xf32>
      %broadcast_in_dim3A_1677 = vector.broadcast %squeeze3A_1676 : f32 to vector<16xf32>
      %select_n3A = arith.select %eq3A_1671, %broadcast_in_dim3A_1677, %while3A_1670 : vector<16xi1>, vector<16xf32>
      scf.yield %select_n3A : vector<16xf32>
    }
    %while3A_592 = arith.constant 1 : i32
    %while3A_593 = scf.for %while3A_1669 = %while3A_589 to %while3A_585 step %while3A_592 iter_args(%while3A_1670 = %while3A_591) -> (vector<16xf32>)  : i32 {
      %eq3A = vector.broadcast %while3A_1669 : i32 to vector<16xi32>
      %eq3A_1671 = arith.cmpi eq, %get3A_579, %eq3A : vector<16xi32>
      %get3A_1672 = arith.index_cast %while3A_1669 : i32 to index
      %get3A_1673 = tpu.vector_load %arg8[%get3A_1672] {strides = array<i32>} : memref<80xf32, #tpu.memory_space<vmem>>, vector<16xf32>,
      %get3A_1674 = vector.shape_cast %get3A_1673 : vector<16xf32> to vector<16xf32>
      %slice3A_1675 = vector.extract_strided_slice %get3A_1674 {offsets = [0], sizes = [1], strides = [1]} : vector<16xf32> to vector<1xf32>
      %squeeze3A_1676 = vector.extract %slice3A_1675[0] : f32 from vector<1xf32>
      %broadcast_in_dim3A_1677 = vector.broadcast %squeeze3A_1676 : f32 to vector<16xf32>
      %select_n3A = arith.select %eq3A_1671, %broadcast_in_dim3A_1677, %while3A_1670 : vector<16xi1>, vector<16xf32>
      scf.yield %select_n3A : vector<16xf32>
    }
    %get3A_594 = arith.constant 352 : index
    %get3A_595 = tpu.vector_load %arg6[%get3A_594] {strides = array<i32>} : memref<1024xf32, #tpu.memory_space<vmem>>, vector<16xf32>,
    %get3A_596 = vector.shape_cast %get3A_595 : vector<16xf32> to vector<16xf32>
    %sub3A_597 = arith.subf %get3A_596, %while3A_593 : vector<16xf32>
    %exp3A_598 = math.exp %sub3A_597 : vector<16xf32>
    %swap3A_599 = arith.constant 352 : index
    %swap3A_600 = tpu.vector_load %arg9[%swap3A_599] {strides = array<i32>} : memref<1024xf32, #tpu.memory_space<vmem>>, vector<16xf32>,
    %swap3A_601 = vector.shape_cast %swap3A_600 : vector<16xf32> to vector<16xf32>
    %swap3A_602 = vector.shape_cast %exp3A_598 : vector<16xf32> to vector<16xf32>
    tpu.vector_store %arg9[%swap3A_599], %swap3A_602 {strides = array<i32>} : memref<1024xf32, #tpu.memory_space<vmem>>, vector<16xf32>,
    %get3A_603 = arith.constant 368 : index
    %get3A_604 = tpu.vector_load %arg7[%get3A_603] {strides = array<i32>} : memref<1024xi32, #tpu.memory_space<vmem>>, vector<16xi32>,
    %get3A_605 = vector.shape_cast %get3A_604 : vector<16xi32> to vector<16xi32>
    %add3A_606 = arith.constant 1 : i32
    %add3A_607 = arith.addi %squeeze3A_9, %add3A_606 : i32
    %broadcast_in_dim3A_608 = arith.constant 0.000000e+00 : f32
    %broadcast_in_dim3A_609 = vector.broadcast %broadcast_in_dim3A_608 : f32 to vector<16xf32>
    %while3A_610 = arith.subi %add3A_607, %squeeze3A : i32
    %while3A_611 = arith.addi %squeeze3A, %while3A_610 : i32
    %while3A_612 = arith.constant 1 : i32
    %while3A_613 = arith.divsi %while3A_610, %while3A_612 : i32
    %while3A_614 = arith.muli %while3A_613, %while3A_612 : i32
    %while3A_615 = arith.addi %squeeze3A, %while3A_614 : i32
    %while3A_616 = arith.constant 1 : i32
    %while3A_617 = scf.for %while3A_1669 = %squeeze3A to %while3A_615 step %while3A_616 iter_args(%while3A_1670 = %broadcast_in_dim3A_609) -> (vector<16xf32>)  : i32 {
      %eq3A = vector.broadcast %while3A_1669 : i32 to vector<16xi32>
      %eq3A_1671 = arith.cmpi eq, %get3A_605, %eq3A : vector<16xi32>
      %get3A_1672 = arith.index_cast %while3A_1669 : i32 to index
      %get3A_1673 = tpu.vector_load %arg8[%get3A_1672] {strides = array<i32>} : memref<80xf32, #tpu.memory_space<vmem>>, vector<16xf32>,
      %get3A_1674 = vector.shape_cast %get3A_1673 : vector<16xf32> to vector<16xf32>
      %slice3A_1675 = vector.extract_strided_slice %get3A_1674 {offsets = [0], sizes = [1], strides = [1]} : vector<16xf32> to vector<1xf32>
      %squeeze3A_1676 = vector.extract %slice3A_1675[0] : f32 from vector<1xf32>
      %broadcast_in_dim3A_1677 = vector.broadcast %squeeze3A_1676 : f32 to vector<16xf32>
      %select_n3A = arith.select %eq3A_1671, %broadcast_in_dim3A_1677, %while3A_1670 : vector<16xi1>, vector<16xf32>
      scf.yield %select_n3A : vector<16xf32>
    }
    %while3A_618 = arith.constant 1 : i32
    %while3A_619 = scf.for %while3A_1669 = %while3A_615 to %while3A_611 step %while3A_618 iter_args(%while3A_1670 = %while3A_617) -> (vector<16xf32>)  : i32 {
      %eq3A = vector.broadcast %while3A_1669 : i32 to vector<16xi32>
      %eq3A_1671 = arith.cmpi eq, %get3A_605, %eq3A : vector<16xi32>
      %get3A_1672 = arith.index_cast %while3A_1669 : i32 to index
      %get3A_1673 = tpu.vector_load %arg8[%get3A_1672] {strides = array<i32>} : memref<80xf32, #tpu.memory_space<vmem>>, vector<16xf32>,
      %get3A_1674 = vector.shape_cast %get3A_1673 : vector<16xf32> to vector<16xf32>
      %slice3A_1675 = vector.extract_strided_slice %get3A_1674 {offsets = [0], sizes = [1], strides = [1]} : vector<16xf32> to vector<1xf32>
      %squeeze3A_1676 = vector.extract %slice3A_1675[0] : f32 from vector<1xf32>
      %broadcast_in_dim3A_1677 = vector.broadcast %squeeze3A_1676 : f32 to vector<16xf32>
      %select_n3A = arith.select %eq3A_1671, %broadcast_in_dim3A_1677, %while3A_1670 : vector<16xi1>, vector<16xf32>
      scf.yield %select_n3A : vector<16xf32>
    }
    %get3A_620 = arith.constant 368 : index
    %get3A_621 = tpu.vector_load %arg6[%get3A_620] {strides = array<i32>} : memref<1024xf32, #tpu.memory_space<vmem>>, vector<16xf32>,
    %get3A_622 = vector.shape_cast %get3A_621 : vector<16xf32> to vector<16xf32>
    %sub3A_623 = arith.subf %get3A_622, %while3A_619 : vector<16xf32>
    %exp3A_624 = math.exp %sub3A_623 : vector<16xf32>
    %swap3A_625 = arith.constant 368 : index
    %swap3A_626 = tpu.vector_load %arg9[%swap3A_625] {strides = array<i32>} : memref<1024xf32, #tpu.memory_space<vmem>>, vector<16xf32>,
    %swap3A_627 = vector.shape_cast %swap3A_626 : vector<16xf32> to vector<16xf32>
    %swap3A_628 = vector.shape_cast %exp3A_624 : vector<16xf32> to vector<16xf32>
    tpu.vector_store %arg9[%swap3A_625], %swap3A_628 {strides = array<i32>} : memref<1024xf32, #tpu.memory_space<vmem>>, vector<16xf32>,
    %get3A_629 = arith.constant 384 : index
    %get3A_630 = tpu.vector_load %arg7[%get3A_629] {strides = array<i32>} : memref<1024xi32, #tpu.memory_space<vmem>>, vector<16xi32>,
    %get3A_631 = vector.shape_cast %get3A_630 : vector<16xi32> to vector<16xi32>
    %add3A_632 = arith.constant 1 : i32
    %add3A_633 = arith.addi %squeeze3A_9, %add3A_632 : i32
    %broadcast_in_dim3A_634 = arith.constant 0.000000e+00 : f32
    %broadcast_in_dim3A_635 = vector.broadcast %broadcast_in_dim3A_634 : f32 to vector<16xf32>
    %while3A_636 = arith.subi %add3A_633, %squeeze3A : i32
    %while3A_637 = arith.addi %squeeze3A, %while3A_636 : i32
    %while3A_638 = arith.constant 1 : i32
    %while3A_639 = arith.divsi %while3A_636, %while3A_638 : i32
    %while3A_640 = arith.muli %while3A_639, %while3A_638 : i32
    %while3A_641 = arith.addi %squeeze3A, %while3A_640 : i32
    %while3A_642 = arith.constant 1 : i32
    %while3A_643 = scf.for %while3A_1669 = %squeeze3A to %while3A_641 step %while3A_642 iter_args(%while3A_1670 = %broadcast_in_dim3A_635) -> (vector<16xf32>)  : i32 {
      %eq3A = vector.broadcast %while3A_1669 : i32 to vector<16xi32>
      %eq3A_1671 = arith.cmpi eq, %get3A_631, %eq3A : vector<16xi32>
      %get3A_1672 = arith.index_cast %while3A_1669 : i32 to index
      %get3A_1673 = tpu.vector_load %arg8[%get3A_1672] {strides = array<i32>} : memref<80xf32, #tpu.memory_space<vmem>>, vector<16xf32>,
      %get3A_1674 = vector.shape_cast %get3A_1673 : vector<16xf32> to vector<16xf32>
      %slice3A_1675 = vector.extract_strided_slice %get3A_1674 {offsets = [0], sizes = [1], strides = [1]} : vector<16xf32> to vector<1xf32>
      %squeeze3A_1676 = vector.extract %slice3A_1675[0] : f32 from vector<1xf32>
      %broadcast_in_dim3A_1677 = vector.broadcast %squeeze3A_1676 : f32 to vector<16xf32>
      %select_n3A = arith.select %eq3A_1671, %broadcast_in_dim3A_1677, %while3A_1670 : vector<16xi1>, vector<16xf32>
      scf.yield %select_n3A : vector<16xf32>
    }
    %while3A_644 = arith.constant 1 : i32
    %while3A_645 = scf.for %while3A_1669 = %while3A_641 to %while3A_637 step %while3A_644 iter_args(%while3A_1670 = %while3A_643) -> (vector<16xf32>)  : i32 {
      %eq3A = vector.broadcast %while3A_1669 : i32 to vector<16xi32>
      %eq3A_1671 = arith.cmpi eq, %get3A_631, %eq3A : vector<16xi32>
      %get3A_1672 = arith.index_cast %while3A_1669 : i32 to index
      %get3A_1673 = tpu.vector_load %arg8[%get3A_1672] {strides = array<i32>} : memref<80xf32, #tpu.memory_space<vmem>>, vector<16xf32>,
      %get3A_1674 = vector.shape_cast %get3A_1673 : vector<16xf32> to vector<16xf32>
      %slice3A_1675 = vector.extract_strided_slice %get3A_1674 {offsets = [0], sizes = [1], strides = [1]} : vector<16xf32> to vector<1xf32>
      %squeeze3A_1676 = vector.extract %slice3A_1675[0] : f32 from vector<1xf32>
      %broadcast_in_dim3A_1677 = vector.broadcast %squeeze3A_1676 : f32 to vector<16xf32>
      %select_n3A = arith.select %eq3A_1671, %broadcast_in_dim3A_1677, %while3A_1670 : vector<16xi1>, vector<16xf32>
      scf.yield %select_n3A : vector<16xf32>
    }
    %get3A_646 = arith.constant 384 : index
    %get3A_647 = tpu.vector_load %arg6[%get3A_646] {strides = array<i32>} : memref<1024xf32, #tpu.memory_space<vmem>>, vector<16xf32>,
    %get3A_648 = vector.shape_cast %get3A_647 : vector<16xf32> to vector<16xf32>
    %sub3A_649 = arith.subf %get3A_648, %while3A_645 : vector<16xf32>
    %exp3A_650 = math.exp %sub3A_649 : vector<16xf32>
    %swap3A_651 = arith.constant 384 : index
    %swap3A_652 = tpu.vector_load %arg9[%swap3A_651] {strides = array<i32>} : memref<1024xf32, #tpu.memory_space<vmem>>, vector<16xf32>,
    %swap3A_653 = vector.shape_cast %swap3A_652 : vector<16xf32> to vector<16xf32>
    %swap3A_654 = vector.shape_cast %exp3A_650 : vector<16xf32> to vector<16xf32>
    tpu.vector_store %arg9[%swap3A_651], %swap3A_654 {strides = array<i32>} : memref<1024xf32, #tpu.memory_space<vmem>>, vector<16xf32>,
    %get3A_655 = arith.constant 400 : index
    %get3A_656 = tpu.vector_load %arg7[%get3A_655] {strides = array<i32>} : memref<1024xi32, #tpu.memory_space<vmem>>, vector<16xi32>,
    %get3A_657 = vector.shape_cast %get3A_656 : vector<16xi32> to vector<16xi32>
    %add3A_658 = arith.constant 1 : i32
    %add3A_659 = arith.addi %squeeze3A_9, %add3A_658 : i32
    %broadcast_in_dim3A_660 = arith.constant 0.000000e+00 : f32
    %broadcast_in_dim3A_661 = vector.broadcast %broadcast_in_dim3A_660 : f32 to vector<16xf32>
    %while3A_662 = arith.subi %add3A_659, %squeeze3A : i32
    %while3A_663 = arith.addi %squeeze3A, %while3A_662 : i32
    %while3A_664 = arith.constant 1 : i32
    %while3A_665 = arith.divsi %while3A_662, %while3A_664 : i32
    %while3A_666 = arith.muli %while3A_665, %while3A_664 : i32
    %while3A_667 = arith.addi %squeeze3A, %while3A_666 : i32
    %while3A_668 = arith.constant 1 : i32
    %while3A_669 = scf.for %while3A_1669 = %squeeze3A to %while3A_667 step %while3A_668 iter_args(%while3A_1670 = %broadcast_in_dim3A_661) -> (vector<16xf32>)  : i32 {
      %eq3A = vector.broadcast %while3A_1669 : i32 to vector<16xi32>
      %eq3A_1671 = arith.cmpi eq, %get3A_657, %eq3A : vector<16xi32>
      %get3A_1672 = arith.index_cast %while3A_1669 : i32 to index
      %get3A_1673 = tpu.vector_load %arg8[%get3A_1672] {strides = array<i32>} : memref<80xf32, #tpu.memory_space<vmem>>, vector<16xf32>,
      %get3A_1674 = vector.shape_cast %get3A_1673 : vector<16xf32> to vector<16xf32>
      %slice3A_1675 = vector.extract_strided_slice %get3A_1674 {offsets = [0], sizes = [1], strides = [1]} : vector<16xf32> to vector<1xf32>
      %squeeze3A_1676 = vector.extract %slice3A_1675[0] : f32 from vector<1xf32>
      %broadcast_in_dim3A_1677 = vector.broadcast %squeeze3A_1676 : f32 to vector<16xf32>
      %select_n3A = arith.select %eq3A_1671, %broadcast_in_dim3A_1677, %while3A_1670 : vector<16xi1>, vector<16xf32>
      scf.yield %select_n3A : vector<16xf32>
    }
    %while3A_670 = arith.constant 1 : i32
    %while3A_671 = scf.for %while3A_1669 = %while3A_667 to %while3A_663 step %while3A_670 iter_args(%while3A_1670 = %while3A_669) -> (vector<16xf32>)  : i32 {
      %eq3A = vector.broadcast %while3A_1669 : i32 to vector<16xi32>
      %eq3A_1671 = arith.cmpi eq, %get3A_657, %eq3A : vector<16xi32>
      %get3A_1672 = arith.index_cast %while3A_1669 : i32 to index
      %get3A_1673 = tpu.vector_load %arg8[%get3A_1672] {strides = array<i32>} : memref<80xf32, #tpu.memory_space<vmem>>, vector<16xf32>,
      %get3A_1674 = vector.shape_cast %get3A_1673 : vector<16xf32> to vector<16xf32>
      %slice3A_1675 = vector.extract_strided_slice %get3A_1674 {offsets = [0], sizes = [1], strides = [1]} : vector<16xf32> to vector<1xf32>
      %squeeze3A_1676 = vector.extract %slice3A_1675[0] : f32 from vector<1xf32>
      %broadcast_in_dim3A_1677 = vector.broadcast %squeeze3A_1676 : f32 to vector<16xf32>
      %select_n3A = arith.select %eq3A_1671, %broadcast_in_dim3A_1677, %while3A_1670 : vector<16xi1>, vector<16xf32>
      scf.yield %select_n3A : vector<16xf32>
    }
    %get3A_672 = arith.constant 400 : index
    %get3A_673 = tpu.vector_load %arg6[%get3A_672] {strides = array<i32>} : memref<1024xf32, #tpu.memory_space<vmem>>, vector<16xf32>,
    %get3A_674 = vector.shape_cast %get3A_673 : vector<16xf32> to vector<16xf32>
    %sub3A_675 = arith.subf %get3A_674, %while3A_671 : vector<16xf32>
    %exp3A_676 = math.exp %sub3A_675 : vector<16xf32>
    %swap3A_677 = arith.constant 400 : index
    %swap3A_678 = tpu.vector_load %arg9[%swap3A_677] {strides = array<i32>} : memref<1024xf32, #tpu.memory_space<vmem>>, vector<16xf32>,
    %swap3A_679 = vector.shape_cast %swap3A_678 : vector<16xf32> to vector<16xf32>
    %swap3A_680 = vector.shape_cast %exp3A_676 : vector<16xf32> to vector<16xf32>
    tpu.vector_store %arg9[%swap3A_677], %swap3A_680 {strides = array<i32>} : memref<1024xf32, #tpu.memory_space<vmem>>, vector<16xf32>,
    %get3A_681 = arith.constant 416 : index
    %get3A_682 = tpu.vector_load %arg7[%get3A_681] {strides = array<i32>} : memref<1024xi32, #tpu.memory_space<vmem>>, vector<16xi32>,
    %get3A_683 = vector.shape_cast %get3A_682 : vector<16xi32> to vector<16xi32>
    %add3A_684 = arith.constant 1 : i32
    %add3A_685 = arith.addi %squeeze3A_9, %add3A_684 : i32
    %broadcast_in_dim3A_686 = arith.constant 0.000000e+00 : f32
    %broadcast_in_dim3A_687 = vector.broadcast %broadcast_in_dim3A_686 : f32 to vector<16xf32>
    %while3A_688 = arith.subi %add3A_685, %squeeze3A : i32
    %while3A_689 = arith.addi %squeeze3A, %while3A_688 : i32
    %while3A_690 = arith.constant 1 : i32
    %while3A_691 = arith.divsi %while3A_688, %while3A_690 : i32
    %while3A_692 = arith.muli %while3A_691, %while3A_690 : i32
    %while3A_693 = arith.addi %squeeze3A, %while3A_692 : i32
    %while3A_694 = arith.constant 1 : i32
    %while3A_695 = scf.for %while3A_1669 = %squeeze3A to %while3A_693 step %while3A_694 iter_args(%while3A_1670 = %broadcast_in_dim3A_687) -> (vector<16xf32>)  : i32 {
      %eq3A = vector.broadcast %while3A_1669 : i32 to vector<16xi32>
      %eq3A_1671 = arith.cmpi eq, %get3A_683, %eq3A : vector<16xi32>
      %get3A_1672 = arith.index_cast %while3A_1669 : i32 to index
      %get3A_1673 = tpu.vector_load %arg8[%get3A_1672] {strides = array<i32>} : memref<80xf32, #tpu.memory_space<vmem>>, vector<16xf32>,
      %get3A_1674 = vector.shape_cast %get3A_1673 : vector<16xf32> to vector<16xf32>
      %slice3A_1675 = vector.extract_strided_slice %get3A_1674 {offsets = [0], sizes = [1], strides = [1]} : vector<16xf32> to vector<1xf32>
      %squeeze3A_1676 = vector.extract %slice3A_1675[0] : f32 from vector<1xf32>
      %broadcast_in_dim3A_1677 = vector.broadcast %squeeze3A_1676 : f32 to vector<16xf32>
      %select_n3A = arith.select %eq3A_1671, %broadcast_in_dim3A_1677, %while3A_1670 : vector<16xi1>, vector<16xf32>
      scf.yield %select_n3A : vector<16xf32>
    }
    %while3A_696 = arith.constant 1 : i32
    %while3A_697 = scf.for %while3A_1669 = %while3A_693 to %while3A_689 step %while3A_696 iter_args(%while3A_1670 = %while3A_695) -> (vector<16xf32>)  : i32 {
      %eq3A = vector.broadcast %while3A_1669 : i32 to vector<16xi32>
      %eq3A_1671 = arith.cmpi eq, %get3A_683, %eq3A : vector<16xi32>
      %get3A_1672 = arith.index_cast %while3A_1669 : i32 to index
      %get3A_1673 = tpu.vector_load %arg8[%get3A_1672] {strides = array<i32>} : memref<80xf32, #tpu.memory_space<vmem>>, vector<16xf32>,
      %get3A_1674 = vector.shape_cast %get3A_1673 : vector<16xf32> to vector<16xf32>
      %slice3A_1675 = vector.extract_strided_slice %get3A_1674 {offsets = [0], sizes = [1], strides = [1]} : vector<16xf32> to vector<1xf32>
      %squeeze3A_1676 = vector.extract %slice3A_1675[0] : f32 from vector<1xf32>
      %broadcast_in_dim3A_1677 = vector.broadcast %squeeze3A_1676 : f32 to vector<16xf32>
      %select_n3A = arith.select %eq3A_1671, %broadcast_in_dim3A_1677, %while3A_1670 : vector<16xi1>, vector<16xf32>
      scf.yield %select_n3A : vector<16xf32>
    }
    %get3A_698 = arith.constant 416 : index
    %get3A_699 = tpu.vector_load %arg6[%get3A_698] {strides = array<i32>} : memref<1024xf32, #tpu.memory_space<vmem>>, vector<16xf32>,
    %get3A_700 = vector.shape_cast %get3A_699 : vector<16xf32> to vector<16xf32>
    %sub3A_701 = arith.subf %get3A_700, %while3A_697 : vector<16xf32>
    %exp3A_702 = math.exp %sub3A_701 : vector<16xf32>
    %swap3A_703 = arith.constant 416 : index
    %swap3A_704 = tpu.vector_load %arg9[%swap3A_703] {strides = array<i32>} : memref<1024xf32, #tpu.memory_space<vmem>>, vector<16xf32>,
    %swap3A_705 = vector.shape_cast %swap3A_704 : vector<16xf32> to vector<16xf32>
    %swap3A_706 = vector.shape_cast %exp3A_702 : vector<16xf32> to vector<16xf32>
    tpu.vector_store %arg9[%swap3A_703], %swap3A_706 {strides = array<i32>} : memref<1024xf32, #tpu.memory_space<vmem>>, vector<16xf32>,
    %get3A_707 = arith.constant 432 : index
    %get3A_708 = tpu.vector_load %arg7[%get3A_707] {strides = array<i32>} : memref<1024xi32, #tpu.memory_space<vmem>>, vector<16xi32>,
    %get3A_709 = vector.shape_cast %get3A_708 : vector<16xi32> to vector<16xi32>
    %add3A_710 = arith.constant 1 : i32
    %add3A_711 = arith.addi %squeeze3A_9, %add3A_710 : i32
    %broadcast_in_dim3A_712 = arith.constant 0.000000e+00 : f32
    %broadcast_in_dim3A_713 = vector.broadcast %broadcast_in_dim3A_712 : f32 to vector<16xf32>
    %while3A_714 = arith.subi %add3A_711, %squeeze3A : i32
    %while3A_715 = arith.addi %squeeze3A, %while3A_714 : i32
    %while3A_716 = arith.constant 1 : i32
    %while3A_717 = arith.divsi %while3A_714, %while3A_716 : i32
    %while3A_718 = arith.muli %while3A_717, %while3A_716 : i32
    %while3A_719 = arith.addi %squeeze3A, %while3A_718 : i32
    %while3A_720 = arith.constant 1 : i32
    %while3A_721 = scf.for %while3A_1669 = %squeeze3A to %while3A_719 step %while3A_720 iter_args(%while3A_1670 = %broadcast_in_dim3A_713) -> (vector<16xf32>)  : i32 {
      %eq3A = vector.broadcast %while3A_1669 : i32 to vector<16xi32>
      %eq3A_1671 = arith.cmpi eq, %get3A_709, %eq3A : vector<16xi32>
      %get3A_1672 = arith.index_cast %while3A_1669 : i32 to index
      %get3A_1673 = tpu.vector_load %arg8[%get3A_1672] {strides = array<i32>} : memref<80xf32, #tpu.memory_space<vmem>>, vector<16xf32>,
      %get3A_1674 = vector.shape_cast %get3A_1673 : vector<16xf32> to vector<16xf32>
      %slice3A_1675 = vector.extract_strided_slice %get3A_1674 {offsets = [0], sizes = [1], strides = [1]} : vector<16xf32> to vector<1xf32>
      %squeeze3A_1676 = vector.extract %slice3A_1675[0] : f32 from vector<1xf32>
      %broadcast_in_dim3A_1677 = vector.broadcast %squeeze3A_1676 : f32 to vector<16xf32>
      %select_n3A = arith.select %eq3A_1671, %broadcast_in_dim3A_1677, %while3A_1670 : vector<16xi1>, vector<16xf32>
      scf.yield %select_n3A : vector<16xf32>
    }
    %while3A_722 = arith.constant 1 : i32
    %while3A_723 = scf.for %while3A_1669 = %while3A_719 to %while3A_715 step %while3A_722 iter_args(%while3A_1670 = %while3A_721) -> (vector<16xf32>)  : i32 {
      %eq3A = vector.broadcast %while3A_1669 : i32 to vector<16xi32>
      %eq3A_1671 = arith.cmpi eq, %get3A_709, %eq3A : vector<16xi32>
      %get3A_1672 = arith.index_cast %while3A_1669 : i32 to index
      %get3A_1673 = tpu.vector_load %arg8[%get3A_1672] {strides = array<i32>} : memref<80xf32, #tpu.memory_space<vmem>>, vector<16xf32>,
      %get3A_1674 = vector.shape_cast %get3A_1673 : vector<16xf32> to vector<16xf32>
      %slice3A_1675 = vector.extract_strided_slice %get3A_1674 {offsets = [0], sizes = [1], strides = [1]} : vector<16xf32> to vector<1xf32>
      %squeeze3A_1676 = vector.extract %slice3A_1675[0] : f32 from vector<1xf32>
      %broadcast_in_dim3A_1677 = vector.broadcast %squeeze3A_1676 : f32 to vector<16xf32>
      %select_n3A = arith.select %eq3A_1671, %broadcast_in_dim3A_1677, %while3A_1670 : vector<16xi1>, vector<16xf32>
      scf.yield %select_n3A : vector<16xf32>
    }
    %get3A_724 = arith.constant 432 : index
    %get3A_725 = tpu.vector_load %arg6[%get3A_724] {strides = array<i32>} : memref<1024xf32, #tpu.memory_space<vmem>>, vector<16xf32>,
    %get3A_726 = vector.shape_cast %get3A_725 : vector<16xf32> to vector<16xf32>
    %sub3A_727 = arith.subf %get3A_726, %while3A_723 : vector<16xf32>
    %exp3A_728 = math.exp %sub3A_727 : vector<16xf32>
    %swap3A_729 = arith.constant 432 : index
    %swap3A_730 = tpu.vector_load %arg9[%swap3A_729] {strides = array<i32>} : memref<1024xf32, #tpu.memory_space<vmem>>, vector<16xf32>,
    %swap3A_731 = vector.shape_cast %swap3A_730 : vector<16xf32> to vector<16xf32>
    %swap3A_732 = vector.shape_cast %exp3A_728 : vector<16xf32> to vector<16xf32>
    tpu.vector_store %arg9[%swap3A_729], %swap3A_732 {strides = array<i32>} : memref<1024xf32, #tpu.memory_space<vmem>>, vector<16xf32>,
    %get3A_733 = arith.constant 448 : index
    %get3A_734 = tpu.vector_load %arg7[%get3A_733] {strides = array<i32>} : memref<1024xi32, #tpu.memory_space<vmem>>, vector<16xi32>,
    %get3A_735 = vector.shape_cast %get3A_734 : vector<16xi32> to vector<16xi32>
    %add3A_736 = arith.constant 1 : i32
    %add3A_737 = arith.addi %squeeze3A_9, %add3A_736 : i32
    %broadcast_in_dim3A_738 = arith.constant 0.000000e+00 : f32
    %broadcast_in_dim3A_739 = vector.broadcast %broadcast_in_dim3A_738 : f32 to vector<16xf32>
    %while3A_740 = arith.subi %add3A_737, %squeeze3A : i32
    %while3A_741 = arith.addi %squeeze3A, %while3A_740 : i32
    %while3A_742 = arith.constant 1 : i32
    %while3A_743 = arith.divsi %while3A_740, %while3A_742 : i32
    %while3A_744 = arith.muli %while3A_743, %while3A_742 : i32
    %while3A_745 = arith.addi %squeeze3A, %while3A_744 : i32
    %while3A_746 = arith.constant 1 : i32
    %while3A_747 = scf.for %while3A_1669 = %squeeze3A to %while3A_745 step %while3A_746 iter_args(%while3A_1670 = %broadcast_in_dim3A_739) -> (vector<16xf32>)  : i32 {
      %eq3A = vector.broadcast %while3A_1669 : i32 to vector<16xi32>
      %eq3A_1671 = arith.cmpi eq, %get3A_735, %eq3A : vector<16xi32>
      %get3A_1672 = arith.index_cast %while3A_1669 : i32 to index
      %get3A_1673 = tpu.vector_load %arg8[%get3A_1672] {strides = array<i32>} : memref<80xf32, #tpu.memory_space<vmem>>, vector<16xf32>,
      %get3A_1674 = vector.shape_cast %get3A_1673 : vector<16xf32> to vector<16xf32>
      %slice3A_1675 = vector.extract_strided_slice %get3A_1674 {offsets = [0], sizes = [1], strides = [1]} : vector<16xf32> to vector<1xf32>
      %squeeze3A_1676 = vector.extract %slice3A_1675[0] : f32 from vector<1xf32>
      %broadcast_in_dim3A_1677 = vector.broadcast %squeeze3A_1676 : f32 to vector<16xf32>
      %select_n3A = arith.select %eq3A_1671, %broadcast_in_dim3A_1677, %while3A_1670 : vector<16xi1>, vector<16xf32>
      scf.yield %select_n3A : vector<16xf32>
    }
    %while3A_748 = arith.constant 1 : i32
    %while3A_749 = scf.for %while3A_1669 = %while3A_745 to %while3A_741 step %while3A_748 iter_args(%while3A_1670 = %while3A_747) -> (vector<16xf32>)  : i32 {
      %eq3A = vector.broadcast %while3A_1669 : i32 to vector<16xi32>
      %eq3A_1671 = arith.cmpi eq, %get3A_735, %eq3A : vector<16xi32>
      %get3A_1672 = arith.index_cast %while3A_1669 : i32 to index
      %get3A_1673 = tpu.vector_load %arg8[%get3A_1672] {strides = array<i32>} : memref<80xf32, #tpu.memory_space<vmem>>, vector<16xf32>,
      %get3A_1674 = vector.shape_cast %get3A_1673 : vector<16xf32> to vector<16xf32>
      %slice3A_1675 = vector.extract_strided_slice %get3A_1674 {offsets = [0], sizes = [1], strides = [1]} : vector<16xf32> to vector<1xf32>
      %squeeze3A_1676 = vector.extract %slice3A_1675[0] : f32 from vector<1xf32>
      %broadcast_in_dim3A_1677 = vector.broadcast %squeeze3A_1676 : f32 to vector<16xf32>
      %select_n3A = arith.select %eq3A_1671, %broadcast_in_dim3A_1677, %while3A_1670 : vector<16xi1>, vector<16xf32>
      scf.yield %select_n3A : vector<16xf32>
    }
    %get3A_750 = arith.constant 448 : index
    %get3A_751 = tpu.vector_load %arg6[%get3A_750] {strides = array<i32>} : memref<1024xf32, #tpu.memory_space<vmem>>, vector<16xf32>,
    %get3A_752 = vector.shape_cast %get3A_751 : vector<16xf32> to vector<16xf32>
    %sub3A_753 = arith.subf %get3A_752, %while3A_749 : vector<16xf32>
    %exp3A_754 = math.exp %sub3A_753 : vector<16xf32>
    %swap3A_755 = arith.constant 448 : index
    %swap3A_756 = tpu.vector_load %arg9[%swap3A_755] {strides = array<i32>} : memref<1024xf32, #tpu.memory_space<vmem>>, vector<16xf32>,
    %swap3A_757 = vector.shape_cast %swap3A_756 : vector<16xf32> to vector<16xf32>
    %swap3A_758 = vector.shape_cast %exp3A_754 : vector<16xf32> to vector<16xf32>
    tpu.vector_store %arg9[%swap3A_755], %swap3A_758 {strides = array<i32>} : memref<1024xf32, #tpu.memory_space<vmem>>, vector<16xf32>,
    %get3A_759 = arith.constant 464 : index
    %get3A_760 = tpu.vector_load %arg7[%get3A_759] {strides = array<i32>} : memref<1024xi32, #tpu.memory_space<vmem>>, vector<16xi32>,
    %get3A_761 = vector.shape_cast %get3A_760 : vector<16xi32> to vector<16xi32>
    %add3A_762 = arith.constant 1 : i32
    %add3A_763 = arith.addi %squeeze3A_9, %add3A_762 : i32
    %broadcast_in_dim3A_764 = arith.constant 0.000000e+00 : f32
    %broadcast_in_dim3A_765 = vector.broadcast %broadcast_in_dim3A_764 : f32 to vector<16xf32>
    %while3A_766 = arith.subi %add3A_763, %squeeze3A : i32
    %while3A_767 = arith.addi %squeeze3A, %while3A_766 : i32
    %while3A_768 = arith.constant 1 : i32
    %while3A_769 = arith.divsi %while3A_766, %while3A_768 : i32
    %while3A_770 = arith.muli %while3A_769, %while3A_768 : i32
    %while3A_771 = arith.addi %squeeze3A, %while3A_770 : i32
    %while3A_772 = arith.constant 1 : i32
    %while3A_773 = scf.for %while3A_1669 = %squeeze3A to %while3A_771 step %while3A_772 iter_args(%while3A_1670 = %broadcast_in_dim3A_765) -> (vector<16xf32>)  : i32 {
      %eq3A = vector.broadcast %while3A_1669 : i32 to vector<16xi32>
      %eq3A_1671 = arith.cmpi eq, %get3A_761, %eq3A : vector<16xi32>
      %get3A_1672 = arith.index_cast %while3A_1669 : i32 to index
      %get3A_1673 = tpu.vector_load %arg8[%get3A_1672] {strides = array<i32>} : memref<80xf32, #tpu.memory_space<vmem>>, vector<16xf32>,
      %get3A_1674 = vector.shape_cast %get3A_1673 : vector<16xf32> to vector<16xf32>
      %slice3A_1675 = vector.extract_strided_slice %get3A_1674 {offsets = [0], sizes = [1], strides = [1]} : vector<16xf32> to vector<1xf32>
      %squeeze3A_1676 = vector.extract %slice3A_1675[0] : f32 from vector<1xf32>
      %broadcast_in_dim3A_1677 = vector.broadcast %squeeze3A_1676 : f32 to vector<16xf32>
      %select_n3A = arith.select %eq3A_1671, %broadcast_in_dim3A_1677, %while3A_1670 : vector<16xi1>, vector<16xf32>
      scf.yield %select_n3A : vector<16xf32>
    }
    %while3A_774 = arith.constant 1 : i32
    %while3A_775 = scf.for %while3A_1669 = %while3A_771 to %while3A_767 step %while3A_774 iter_args(%while3A_1670 = %while3A_773) -> (vector<16xf32>)  : i32 {
      %eq3A = vector.broadcast %while3A_1669 : i32 to vector<16xi32>
      %eq3A_1671 = arith.cmpi eq, %get3A_761, %eq3A : vector<16xi32>
      %get3A_1672 = arith.index_cast %while3A_1669 : i32 to index
      %get3A_1673 = tpu.vector_load %arg8[%get3A_1672] {strides = array<i32>} : memref<80xf32, #tpu.memory_space<vmem>>, vector<16xf32>,
      %get3A_1674 = vector.shape_cast %get3A_1673 : vector<16xf32> to vector<16xf32>
      %slice3A_1675 = vector.extract_strided_slice %get3A_1674 {offsets = [0], sizes = [1], strides = [1]} : vector<16xf32> to vector<1xf32>
      %squeeze3A_1676 = vector.extract %slice3A_1675[0] : f32 from vector<1xf32>
      %broadcast_in_dim3A_1677 = vector.broadcast %squeeze3A_1676 : f32 to vector<16xf32>
      %select_n3A = arith.select %eq3A_1671, %broadcast_in_dim3A_1677, %while3A_1670 : vector<16xi1>, vector<16xf32>
      scf.yield %select_n3A : vector<16xf32>
    }
    %get3A_776 = arith.constant 464 : index
    %get3A_777 = tpu.vector_load %arg6[%get3A_776] {strides = array<i32>} : memref<1024xf32, #tpu.memory_space<vmem>>, vector<16xf32>,
    %get3A_778 = vector.shape_cast %get3A_777 : vector<16xf32> to vector<16xf32>
    %sub3A_779 = arith.subf %get3A_778, %while3A_775 : vector<16xf32>
    %exp3A_780 = math.exp %sub3A_779 : vector<16xf32>
    %swap3A_781 = arith.constant 464 : index
    %swap3A_782 = tpu.vector_load %arg9[%swap3A_781] {strides = array<i32>} : memref<1024xf32, #tpu.memory_space<vmem>>, vector<16xf32>,
    %swap3A_783 = vector.shape_cast %swap3A_782 : vector<16xf32> to vector<16xf32>
    %swap3A_784 = vector.shape_cast %exp3A_780 : vector<16xf32> to vector<16xf32>
    tpu.vector_store %arg9[%swap3A_781], %swap3A_784 {strides = array<i32>} : memref<1024xf32, #tpu.memory_space<vmem>>, vector<16xf32>,
    %get3A_785 = arith.constant 480 : index
    %get3A_786 = tpu.vector_load %arg7[%get3A_785] {strides = array<i32>} : memref<1024xi32, #tpu.memory_space<vmem>>, vector<16xi32>,
    %get3A_787 = vector.shape_cast %get3A_786 : vector<16xi32> to vector<16xi32>
    %add3A_788 = arith.constant 1 : i32
    %add3A_789 = arith.addi %squeeze3A_9, %add3A_788 : i32
    %broadcast_in_dim3A_790 = arith.constant 0.000000e+00 : f32
    %broadcast_in_dim3A_791 = vector.broadcast %broadcast_in_dim3A_790 : f32 to vector<16xf32>
    %while3A_792 = arith.subi %add3A_789, %squeeze3A : i32
    %while3A_793 = arith.addi %squeeze3A, %while3A_792 : i32
    %while3A_794 = arith.constant 1 : i32
    %while3A_795 = arith.divsi %while3A_792, %while3A_794 : i32
    %while3A_796 = arith.muli %while3A_795, %while3A_794 : i32
    %while3A_797 = arith.addi %squeeze3A, %while3A_796 : i32
    %while3A_798 = arith.constant 1 : i32
    %while3A_799 = scf.for %while3A_1669 = %squeeze3A to %while3A_797 step %while3A_798 iter_args(%while3A_1670 = %broadcast_in_dim3A_791) -> (vector<16xf32>)  : i32 {
      %eq3A = vector.broadcast %while3A_1669 : i32 to vector<16xi32>
      %eq3A_1671 = arith.cmpi eq, %get3A_787, %eq3A : vector<16xi32>
      %get3A_1672 = arith.index_cast %while3A_1669 : i32 to index
      %get3A_1673 = tpu.vector_load %arg8[%get3A_1672] {strides = array<i32>} : memref<80xf32, #tpu.memory_space<vmem>>, vector<16xf32>,
      %get3A_1674 = vector.shape_cast %get3A_1673 : vector<16xf32> to vector<16xf32>
      %slice3A_1675 = vector.extract_strided_slice %get3A_1674 {offsets = [0], sizes = [1], strides = [1]} : vector<16xf32> to vector<1xf32>
      %squeeze3A_1676 = vector.extract %slice3A_1675[0] : f32 from vector<1xf32>
      %broadcast_in_dim3A_1677 = vector.broadcast %squeeze3A_1676 : f32 to vector<16xf32>
      %select_n3A = arith.select %eq3A_1671, %broadcast_in_dim3A_1677, %while3A_1670 : vector<16xi1>, vector<16xf32>
      scf.yield %select_n3A : vector<16xf32>
    }
    %while3A_800 = arith.constant 1 : i32
    %while3A_801 = scf.for %while3A_1669 = %while3A_797 to %while3A_793 step %while3A_800 iter_args(%while3A_1670 = %while3A_799) -> (vector<16xf32>)  : i32 {
      %eq3A = vector.broadcast %while3A_1669 : i32 to vector<16xi32>
      %eq3A_1671 = arith.cmpi eq, %get3A_787, %eq3A : vector<16xi32>
      %get3A_1672 = arith.index_cast %while3A_1669 : i32 to index
      %get3A_1673 = tpu.vector_load %arg8[%get3A_1672] {strides = array<i32>} : memref<80xf32, #tpu.memory_space<vmem>>, vector<16xf32>,
      %get3A_1674 = vector.shape_cast %get3A_1673 : vector<16xf32> to vector<16xf32>
      %slice3A_1675 = vector.extract_strided_slice %get3A_1674 {offsets = [0], sizes = [1], strides = [1]} : vector<16xf32> to vector<1xf32>
      %squeeze3A_1676 = vector.extract %slice3A_1675[0] : f32 from vector<1xf32>
      %broadcast_in_dim3A_1677 = vector.broadcast %squeeze3A_1676 : f32 to vector<16xf32>
      %select_n3A = arith.select %eq3A_1671, %broadcast_in_dim3A_1677, %while3A_1670 : vector<16xi1>, vector<16xf32>
      scf.yield %select_n3A : vector<16xf32>
    }
    %get3A_802 = arith.constant 480 : index
    %get3A_803 = tpu.vector_load %arg6[%get3A_802] {strides = array<i32>} : memref<1024xf32, #tpu.memory_space<vmem>>, vector<16xf32>,
    %get3A_804 = vector.shape_cast %get3A_803 : vector<16xf32> to vector<16xf32>
    %sub3A_805 = arith.subf %get3A_804, %while3A_801 : vector<16xf32>
    %exp3A_806 = math.exp %sub3A_805 : vector<16xf32>
    %swap3A_807 = arith.constant 480 : index
    %swap3A_808 = tpu.vector_load %arg9[%swap3A_807] {strides = array<i32>} : memref<1024xf32, #tpu.memory_space<vmem>>, vector<16xf32>,
    %swap3A_809 = vector.shape_cast %swap3A_808 : vector<16xf32> to vector<16xf32>
    %swap3A_810 = vector.shape_cast %exp3A_806 : vector<16xf32> to vector<16xf32>
    tpu.vector_store %arg9[%swap3A_807], %swap3A_810 {strides = array<i32>} : memref<1024xf32, #tpu.memory_space<vmem>>, vector<16xf32>,
    %get3A_811 = arith.constant 496 : index
    %get3A_812 = tpu.vector_load %arg7[%get3A_811] {strides = array<i32>} : memref<1024xi32, #tpu.memory_space<vmem>>, vector<16xi32>,
    %get3A_813 = vector.shape_cast %get3A_812 : vector<16xi32> to vector<16xi32>
    %add3A_814 = arith.constant 1 : i32
    %add3A_815 = arith.addi %squeeze3A_9, %add3A_814 : i32
    %broadcast_in_dim3A_816 = arith.constant 0.000000e+00 : f32
    %broadcast_in_dim3A_817 = vector.broadcast %broadcast_in_dim3A_816 : f32 to vector<16xf32>
    %while3A_818 = arith.subi %add3A_815, %squeeze3A : i32
    %while3A_819 = arith.addi %squeeze3A, %while3A_818 : i32
    %while3A_820 = arith.constant 1 : i32
    %while3A_821 = arith.divsi %while3A_818, %while3A_820 : i32
    %while3A_822 = arith.muli %while3A_821, %while3A_820 : i32
    %while3A_823 = arith.addi %squeeze3A, %while3A_822 : i32
    %while3A_824 = arith.constant 1 : i32
    %while3A_825 = scf.for %while3A_1669 = %squeeze3A to %while3A_823 step %while3A_824 iter_args(%while3A_1670 = %broadcast_in_dim3A_817) -> (vector<16xf32>)  : i32 {
      %eq3A = vector.broadcast %while3A_1669 : i32 to vector<16xi32>
      %eq3A_1671 = arith.cmpi eq, %get3A_813, %eq3A : vector<16xi32>
      %get3A_1672 = arith.index_cast %while3A_1669 : i32 to index
      %get3A_1673 = tpu.vector_load %arg8[%get3A_1672] {strides = array<i32>} : memref<80xf32, #tpu.memory_space<vmem>>, vector<16xf32>,
      %get3A_1674 = vector.shape_cast %get3A_1673 : vector<16xf32> to vector<16xf32>
      %slice3A_1675 = vector.extract_strided_slice %get3A_1674 {offsets = [0], sizes = [1], strides = [1]} : vector<16xf32> to vector<1xf32>
      %squeeze3A_1676 = vector.extract %slice3A_1675[0] : f32 from vector<1xf32>
      %broadcast_in_dim3A_1677 = vector.broadcast %squeeze3A_1676 : f32 to vector<16xf32>
      %select_n3A = arith.select %eq3A_1671, %broadcast_in_dim3A_1677, %while3A_1670 : vector<16xi1>, vector<16xf32>
      scf.yield %select_n3A : vector<16xf32>
    }
    %while3A_826 = arith.constant 1 : i32
    %while3A_827 = scf.for %while3A_1669 = %while3A_823 to %while3A_819 step %while3A_826 iter_args(%while3A_1670 = %while3A_825) -> (vector<16xf32>)  : i32 {
      %eq3A = vector.broadcast %while3A_1669 : i32 to vector<16xi32>
      %eq3A_1671 = arith.cmpi eq, %get3A_813, %eq3A : vector<16xi32>
      %get3A_1672 = arith.index_cast %while3A_1669 : i32 to index
      %get3A_1673 = tpu.vector_load %arg8[%get3A_1672] {strides = array<i32>} : memref<80xf32, #tpu.memory_space<vmem>>, vector<16xf32>,
      %get3A_1674 = vector.shape_cast %get3A_1673 : vector<16xf32> to vector<16xf32>
      %slice3A_1675 = vector.extract_strided_slice %get3A_1674 {offsets = [0], sizes = [1], strides = [1]} : vector<16xf32> to vector<1xf32>
      %squeeze3A_1676 = vector.extract %slice3A_1675[0] : f32 from vector<1xf32>
      %broadcast_in_dim3A_1677 = vector.broadcast %squeeze3A_1676 : f32 to vector<16xf32>
      %select_n3A = arith.select %eq3A_1671, %broadcast_in_dim3A_1677, %while3A_1670 : vector<16xi1>, vector<16xf32>
      scf.yield %select_n3A : vector<16xf32>
    }
    %get3A_828 = arith.constant 496 : index
    %get3A_829 = tpu.vector_load %arg6[%get3A_828] {strides = array<i32>} : memref<1024xf32, #tpu.memory_space<vmem>>, vector<16xf32>,
    %get3A_830 = vector.shape_cast %get3A_829 : vector<16xf32> to vector<16xf32>
    %sub3A_831 = arith.subf %get3A_830, %while3A_827 : vector<16xf32>
    %exp3A_832 = math.exp %sub3A_831 : vector<16xf32>
    %swap3A_833 = arith.constant 496 : index
    %swap3A_834 = tpu.vector_load %arg9[%swap3A_833] {strides = array<i32>} : memref<1024xf32, #tpu.memory_space<vmem>>, vector<16xf32>,
    %swap3A_835 = vector.shape_cast %swap3A_834 : vector<16xf32> to vector<16xf32>
    %swap3A_836 = vector.shape_cast %exp3A_832 : vector<16xf32> to vector<16xf32>
    tpu.vector_store %arg9[%swap3A_833], %swap3A_836 {strides = array<i32>} : memref<1024xf32, #tpu.memory_space<vmem>>, vector<16xf32>,
    %get3A_837 = arith.constant 512 : index
    %get3A_838 = tpu.vector_load %arg7[%get3A_837] {strides = array<i32>} : memref<1024xi32, #tpu.memory_space<vmem>>, vector<16xi32>,
    %get3A_839 = vector.shape_cast %get3A_838 : vector<16xi32> to vector<16xi32>
    %add3A_840 = arith.constant 1 : i32
    %add3A_841 = arith.addi %squeeze3A_9, %add3A_840 : i32
    %broadcast_in_dim3A_842 = arith.constant 0.000000e+00 : f32
    %broadcast_in_dim3A_843 = vector.broadcast %broadcast_in_dim3A_842 : f32 to vector<16xf32>
    %while3A_844 = arith.subi %add3A_841, %squeeze3A : i32
    %while3A_845 = arith.addi %squeeze3A, %while3A_844 : i32
    %while3A_846 = arith.constant 1 : i32
    %while3A_847 = arith.divsi %while3A_844, %while3A_846 : i32
    %while3A_848 = arith.muli %while3A_847, %while3A_846 : i32
    %while3A_849 = arith.addi %squeeze3A, %while3A_848 : i32
    %while3A_850 = arith.constant 1 : i32
    %while3A_851 = scf.for %while3A_1669 = %squeeze3A to %while3A_849 step %while3A_850 iter_args(%while3A_1670 = %broadcast_in_dim3A_843) -> (vector<16xf32>)  : i32 {
      %eq3A = vector.broadcast %while3A_1669 : i32 to vector<16xi32>
      %eq3A_1671 = arith.cmpi eq, %get3A_839, %eq3A : vector<16xi32>
      %get3A_1672 = arith.index_cast %while3A_1669 : i32 to index
      %get3A_1673 = tpu.vector_load %arg8[%get3A_1672] {strides = array<i32>} : memref<80xf32, #tpu.memory_space<vmem>>, vector<16xf32>,
      %get3A_1674 = vector.shape_cast %get3A_1673 : vector<16xf32> to vector<16xf32>
      %slice3A_1675 = vector.extract_strided_slice %get3A_1674 {offsets = [0], sizes = [1], strides = [1]} : vector<16xf32> to vector<1xf32>
      %squeeze3A_1676 = vector.extract %slice3A_1675[0] : f32 from vector<1xf32>
      %broadcast_in_dim3A_1677 = vector.broadcast %squeeze3A_1676 : f32 to vector<16xf32>
      %select_n3A = arith.select %eq3A_1671, %broadcast_in_dim3A_1677, %while3A_1670 : vector<16xi1>, vector<16xf32>
      scf.yield %select_n3A : vector<16xf32>
    }
    %while3A_852 = arith.constant 1 : i32
    %while3A_853 = scf.for %while3A_1669 = %while3A_849 to %while3A_845 step %while3A_852 iter_args(%while3A_1670 = %while3A_851) -> (vector<16xf32>)  : i32 {
      %eq3A = vector.broadcast %while3A_1669 : i32 to vector<16xi32>
      %eq3A_1671 = arith.cmpi eq, %get3A_839, %eq3A : vector<16xi32>
      %get3A_1672 = arith.index_cast %while3A_1669 : i32 to index
      %get3A_1673 = tpu.vector_load %arg8[%get3A_1672] {strides = array<i32>} : memref<80xf32, #tpu.memory_space<vmem>>, vector<16xf32>,
      %get3A_1674 = vector.shape_cast %get3A_1673 : vector<16xf32> to vector<16xf32>
      %slice3A_1675 = vector.extract_strided_slice %get3A_1674 {offsets = [0], sizes = [1], strides = [1]} : vector<16xf32> to vector<1xf32>
      %squeeze3A_1676 = vector.extract %slice3A_1675[0] : f32 from vector<1xf32>
      %broadcast_in_dim3A_1677 = vector.broadcast %squeeze3A_1676 : f32 to vector<16xf32>
      %select_n3A = arith.select %eq3A_1671, %broadcast_in_dim3A_1677, %while3A_1670 : vector<16xi1>, vector<16xf32>
      scf.yield %select_n3A : vector<16xf32>
    }
    %get3A_854 = arith.constant 512 : index
    %get3A_855 = tpu.vector_load %arg6[%get3A_854] {strides = array<i32>} : memref<1024xf32, #tpu.memory_space<vmem>>, vector<16xf32>,
    %get3A_856 = vector.shape_cast %get3A_855 : vector<16xf32> to vector<16xf32>
    %sub3A_857 = arith.subf %get3A_856, %while3A_853 : vector<16xf32>
    %exp3A_858 = math.exp %sub3A_857 : vector<16xf32>
    %swap3A_859 = arith.constant 512 : index
    %swap3A_860 = tpu.vector_load %arg9[%swap3A_859] {strides = array<i32>} : memref<1024xf32, #tpu.memory_space<vmem>>, vector<16xf32>,
    %swap3A_861 = vector.shape_cast %swap3A_860 : vector<16xf32> to vector<16xf32>
    %swap3A_862 = vector.shape_cast %exp3A_858 : vector<16xf32> to vector<16xf32>
    tpu.vector_store %arg9[%swap3A_859], %swap3A_862 {strides = array<i32>} : memref<1024xf32, #tpu.memory_space<vmem>>, vector<16xf32>,
    %get3A_863 = arith.constant 528 : index
    %get3A_864 = tpu.vector_load %arg7[%get3A_863] {strides = array<i32>} : memref<1024xi32, #tpu.memory_space<vmem>>, vector<16xi32>,
    %get3A_865 = vector.shape_cast %get3A_864 : vector<16xi32> to vector<16xi32>
    %add3A_866 = arith.constant 1 : i32
    %add3A_867 = arith.addi %squeeze3A_9, %add3A_866 : i32
    %broadcast_in_dim3A_868 = arith.constant 0.000000e+00 : f32
    %broadcast_in_dim3A_869 = vector.broadcast %broadcast_in_dim3A_868 : f32 to vector<16xf32>
    %while3A_870 = arith.subi %add3A_867, %squeeze3A : i32
    %while3A_871 = arith.addi %squeeze3A, %while3A_870 : i32
    %while3A_872 = arith.constant 1 : i32
    %while3A_873 = arith.divsi %while3A_870, %while3A_872 : i32
    %while3A_874 = arith.muli %while3A_873, %while3A_872 : i32
    %while3A_875 = arith.addi %squeeze3A, %while3A_874 : i32
    %while3A_876 = arith.constant 1 : i32
    %while3A_877 = scf.for %while3A_1669 = %squeeze3A to %while3A_875 step %while3A_876 iter_args(%while3A_1670 = %broadcast_in_dim3A_869) -> (vector<16xf32>)  : i32 {
      %eq3A = vector.broadcast %while3A_1669 : i32 to vector<16xi32>
      %eq3A_1671 = arith.cmpi eq, %get3A_865, %eq3A : vector<16xi32>
      %get3A_1672 = arith.index_cast %while3A_1669 : i32 to index
      %get3A_1673 = tpu.vector_load %arg8[%get3A_1672] {strides = array<i32>} : memref<80xf32, #tpu.memory_space<vmem>>, vector<16xf32>,
      %get3A_1674 = vector.shape_cast %get3A_1673 : vector<16xf32> to vector<16xf32>
      %slice3A_1675 = vector.extract_strided_slice %get3A_1674 {offsets = [0], sizes = [1], strides = [1]} : vector<16xf32> to vector<1xf32>
      %squeeze3A_1676 = vector.extract %slice3A_1675[0] : f32 from vector<1xf32>
      %broadcast_in_dim3A_1677 = vector.broadcast %squeeze3A_1676 : f32 to vector<16xf32>
      %select_n3A = arith.select %eq3A_1671, %broadcast_in_dim3A_1677, %while3A_1670 : vector<16xi1>, vector<16xf32>
      scf.yield %select_n3A : vector<16xf32>
    }
    %while3A_878 = arith.constant 1 : i32
    %while3A_879 = scf.for %while3A_1669 = %while3A_875 to %while3A_871 step %while3A_878 iter_args(%while3A_1670 = %while3A_877) -> (vector<16xf32>)  : i32 {
      %eq3A = vector.broadcast %while3A_1669 : i32 to vector<16xi32>
      %eq3A_1671 = arith.cmpi eq, %get3A_865, %eq3A : vector<16xi32>
      %get3A_1672 = arith.index_cast %while3A_1669 : i32 to index
      %get3A_1673 = tpu.vector_load %arg8[%get3A_1672] {strides = array<i32>} : memref<80xf32, #tpu.memory_space<vmem>>, vector<16xf32>,
      %get3A_1674 = vector.shape_cast %get3A_1673 : vector<16xf32> to vector<16xf32>
      %slice3A_1675 = vector.extract_strided_slice %get3A_1674 {offsets = [0], sizes = [1], strides = [1]} : vector<16xf32> to vector<1xf32>
      %squeeze3A_1676 = vector.extract %slice3A_1675[0] : f32 from vector<1xf32>
      %broadcast_in_dim3A_1677 = vector.broadcast %squeeze3A_1676 : f32 to vector<16xf32>
      %select_n3A = arith.select %eq3A_1671, %broadcast_in_dim3A_1677, %while3A_1670 : vector<16xi1>, vector<16xf32>
      scf.yield %select_n3A : vector<16xf32>
    }
    %get3A_880 = arith.constant 528 : index
    %get3A_881 = tpu.vector_load %arg6[%get3A_880] {strides = array<i32>} : memref<1024xf32, #tpu.memory_space<vmem>>, vector<16xf32>,
    %get3A_882 = vector.shape_cast %get3A_881 : vector<16xf32> to vector<16xf32>
    %sub3A_883 = arith.subf %get3A_882, %while3A_879 : vector<16xf32>
    %exp3A_884 = math.exp %sub3A_883 : vector<16xf32>
    %swap3A_885 = arith.constant 528 : index
    %swap3A_886 = tpu.vector_load %arg9[%swap3A_885] {strides = array<i32>} : memref<1024xf32, #tpu.memory_space<vmem>>, vector<16xf32>,
    %swap3A_887 = vector.shape_cast %swap3A_886 : vector<16xf32> to vector<16xf32>
    %swap3A_888 = vector.shape_cast %exp3A_884 : vector<16xf32> to vector<16xf32>
    tpu.vector_store %arg9[%swap3A_885], %swap3A_888 {strides = array<i32>} : memref<1024xf32, #tpu.memory_space<vmem>>, vector<16xf32>,
    %get3A_889 = arith.constant 544 : index
    %get3A_890 = tpu.vector_load %arg7[%get3A_889] {strides = array<i32>} : memref<1024xi32, #tpu.memory_space<vmem>>, vector<16xi32>,
    %get3A_891 = vector.shape_cast %get3A_890 : vector<16xi32> to vector<16xi32>
    %add3A_892 = arith.constant 1 : i32
    %add3A_893 = arith.addi %squeeze3A_9, %add3A_892 : i32
    %broadcast_in_dim3A_894 = arith.constant 0.000000e+00 : f32
    %broadcast_in_dim3A_895 = vector.broadcast %broadcast_in_dim3A_894 : f32 to vector<16xf32>
    %while3A_896 = arith.subi %add3A_893, %squeeze3A : i32
    %while3A_897 = arith.addi %squeeze3A, %while3A_896 : i32
    %while3A_898 = arith.constant 1 : i32
    %while3A_899 = arith.divsi %while3A_896, %while3A_898 : i32
    %while3A_900 = arith.muli %while3A_899, %while3A_898 : i32
    %while3A_901 = arith.addi %squeeze3A, %while3A_900 : i32
    %while3A_902 = arith.constant 1 : i32
    %while3A_903 = scf.for %while3A_1669 = %squeeze3A to %while3A_901 step %while3A_902 iter_args(%while3A_1670 = %broadcast_in_dim3A_895) -> (vector<16xf32>)  : i32 {
      %eq3A = vector.broadcast %while3A_1669 : i32 to vector<16xi32>
      %eq3A_1671 = arith.cmpi eq, %get3A_891, %eq3A : vector<16xi32>
      %get3A_1672 = arith.index_cast %while3A_1669 : i32 to index
      %get3A_1673 = tpu.vector_load %arg8[%get3A_1672] {strides = array<i32>} : memref<80xf32, #tpu.memory_space<vmem>>, vector<16xf32>,
      %get3A_1674 = vector.shape_cast %get3A_1673 : vector<16xf32> to vector<16xf32>
      %slice3A_1675 = vector.extract_strided_slice %get3A_1674 {offsets = [0], sizes = [1], strides = [1]} : vector<16xf32> to vector<1xf32>
      %squeeze3A_1676 = vector.extract %slice3A_1675[0] : f32 from vector<1xf32>
      %broadcast_in_dim3A_1677 = vector.broadcast %squeeze3A_1676 : f32 to vector<16xf32>
      %select_n3A = arith.select %eq3A_1671, %broadcast_in_dim3A_1677, %while3A_1670 : vector<16xi1>, vector<16xf32>
      scf.yield %select_n3A : vector<16xf32>
    }
    %while3A_904 = arith.constant 1 : i32
    %while3A_905 = scf.for %while3A_1669 = %while3A_901 to %while3A_897 step %while3A_904 iter_args(%while3A_1670 = %while3A_903) -> (vector<16xf32>)  : i32 {
      %eq3A = vector.broadcast %while3A_1669 : i32 to vector<16xi32>
      %eq3A_1671 = arith.cmpi eq, %get3A_891, %eq3A : vector<16xi32>
      %get3A_1672 = arith.index_cast %while3A_1669 : i32 to index
      %get3A_1673 = tpu.vector_load %arg8[%get3A_1672] {strides = array<i32>} : memref<80xf32, #tpu.memory_space<vmem>>, vector<16xf32>,
      %get3A_1674 = vector.shape_cast %get3A_1673 : vector<16xf32> to vector<16xf32>
      %slice3A_1675 = vector.extract_strided_slice %get3A_1674 {offsets = [0], sizes = [1], strides = [1]} : vector<16xf32> to vector<1xf32>
      %squeeze3A_1676 = vector.extract %slice3A_1675[0] : f32 from vector<1xf32>
      %broadcast_in_dim3A_1677 = vector.broadcast %squeeze3A_1676 : f32 to vector<16xf32>
      %select_n3A = arith.select %eq3A_1671, %broadcast_in_dim3A_1677, %while3A_1670 : vector<16xi1>, vector<16xf32>
      scf.yield %select_n3A : vector<16xf32>
    }
    %get3A_906 = arith.constant 544 : index
    %get3A_907 = tpu.vector_load %arg6[%get3A_906] {strides = array<i32>} : memref<1024xf32, #tpu.memory_space<vmem>>, vector<16xf32>,
    %get3A_908 = vector.shape_cast %get3A_907 : vector<16xf32> to vector<16xf32>
    %sub3A_909 = arith.subf %get3A_908, %while3A_905 : vector<16xf32>
    %exp3A_910 = math.exp %sub3A_909 : vector<16xf32>
    %swap3A_911 = arith.constant 544 : index
    %swap3A_912 = tpu.vector_load %arg9[%swap3A_911] {strides = array<i32>} : memref<1024xf32, #tpu.memory_space<vmem>>, vector<16xf32>,
    %swap3A_913 = vector.shape_cast %swap3A_912 : vector<16xf32> to vector<16xf32>
    %swap3A_914 = vector.shape_cast %exp3A_910 : vector<16xf32> to vector<16xf32>
    tpu.vector_store %arg9[%swap3A_911], %swap3A_914 {strides = array<i32>} : memref<1024xf32, #tpu.memory_space<vmem>>, vector<16xf32>,
    %get3A_915 = arith.constant 560 : index
    %get3A_916 = tpu.vector_load %arg7[%get3A_915] {strides = array<i32>} : memref<1024xi32, #tpu.memory_space<vmem>>, vector<16xi32>,
    %get3A_917 = vector.shape_cast %get3A_916 : vector<16xi32> to vector<16xi32>
    %add3A_918 = arith.constant 1 : i32
    %add3A_919 = arith.addi %squeeze3A_9, %add3A_918 : i32
    %broadcast_in_dim3A_920 = arith.constant 0.000000e+00 : f32
    %broadcast_in_dim3A_921 = vector.broadcast %broadcast_in_dim3A_920 : f32 to vector<16xf32>
    %while3A_922 = arith.subi %add3A_919, %squeeze3A : i32
    %while3A_923 = arith.addi %squeeze3A, %while3A_922 : i32
    %while3A_924 = arith.constant 1 : i32
    %while3A_925 = arith.divsi %while3A_922, %while3A_924 : i32
    %while3A_926 = arith.muli %while3A_925, %while3A_924 : i32
    %while3A_927 = arith.addi %squeeze3A, %while3A_926 : i32
    %while3A_928 = arith.constant 1 : i32
    %while3A_929 = scf.for %while3A_1669 = %squeeze3A to %while3A_927 step %while3A_928 iter_args(%while3A_1670 = %broadcast_in_dim3A_921) -> (vector<16xf32>)  : i32 {
      %eq3A = vector.broadcast %while3A_1669 : i32 to vector<16xi32>
      %eq3A_1671 = arith.cmpi eq, %get3A_917, %eq3A : vector<16xi32>
      %get3A_1672 = arith.index_cast %while3A_1669 : i32 to index
      %get3A_1673 = tpu.vector_load %arg8[%get3A_1672] {strides = array<i32>} : memref<80xf32, #tpu.memory_space<vmem>>, vector<16xf32>,
      %get3A_1674 = vector.shape_cast %get3A_1673 : vector<16xf32> to vector<16xf32>
      %slice3A_1675 = vector.extract_strided_slice %get3A_1674 {offsets = [0], sizes = [1], strides = [1]} : vector<16xf32> to vector<1xf32>
      %squeeze3A_1676 = vector.extract %slice3A_1675[0] : f32 from vector<1xf32>
      %broadcast_in_dim3A_1677 = vector.broadcast %squeeze3A_1676 : f32 to vector<16xf32>
      %select_n3A = arith.select %eq3A_1671, %broadcast_in_dim3A_1677, %while3A_1670 : vector<16xi1>, vector<16xf32>
      scf.yield %select_n3A : vector<16xf32>
    }
    %while3A_930 = arith.constant 1 : i32
    %while3A_931 = scf.for %while3A_1669 = %while3A_927 to %while3A_923 step %while3A_930 iter_args(%while3A_1670 = %while3A_929) -> (vector<16xf32>)  : i32 {
      %eq3A = vector.broadcast %while3A_1669 : i32 to vector<16xi32>
      %eq3A_1671 = arith.cmpi eq, %get3A_917, %eq3A : vector<16xi32>
      %get3A_1672 = arith.index_cast %while3A_1669 : i32 to index
      %get3A_1673 = tpu.vector_load %arg8[%get3A_1672] {strides = array<i32>} : memref<80xf32, #tpu.memory_space<vmem>>, vector<16xf32>,
      %get3A_1674 = vector.shape_cast %get3A_1673 : vector<16xf32> to vector<16xf32>
      %slice3A_1675 = vector.extract_strided_slice %get3A_1674 {offsets = [0], sizes = [1], strides = [1]} : vector<16xf32> to vector<1xf32>
      %squeeze3A_1676 = vector.extract %slice3A_1675[0] : f32 from vector<1xf32>
      %broadcast_in_dim3A_1677 = vector.broadcast %squeeze3A_1676 : f32 to vector<16xf32>
      %select_n3A = arith.select %eq3A_1671, %broadcast_in_dim3A_1677, %while3A_1670 : vector<16xi1>, vector<16xf32>
      scf.yield %select_n3A : vector<16xf32>
    }
    %get3A_932 = arith.constant 560 : index
    %get3A_933 = tpu.vector_load %arg6[%get3A_932] {strides = array<i32>} : memref<1024xf32, #tpu.memory_space<vmem>>, vector<16xf32>,
    %get3A_934 = vector.shape_cast %get3A_933 : vector<16xf32> to vector<16xf32>
    %sub3A_935 = arith.subf %get3A_934, %while3A_931 : vector<16xf32>
    %exp3A_936 = math.exp %sub3A_935 : vector<16xf32>
    %swap3A_937 = arith.constant 560 : index
    %swap3A_938 = tpu.vector_load %arg9[%swap3A_937] {strides = array<i32>} : memref<1024xf32, #tpu.memory_space<vmem>>, vector<16xf32>,
    %swap3A_939 = vector.shape_cast %swap3A_938 : vector<16xf32> to vector<16xf32>
    %swap3A_940 = vector.shape_cast %exp3A_936 : vector<16xf32> to vector<16xf32>
    tpu.vector_store %arg9[%swap3A_937], %swap3A_940 {strides = array<i32>} : memref<1024xf32, #tpu.memory_space<vmem>>, vector<16xf32>,
    %get3A_941 = arith.constant 576 : index
    %get3A_942 = tpu.vector_load %arg7[%get3A_941] {strides = array<i32>} : memref<1024xi32, #tpu.memory_space<vmem>>, vector<16xi32>,
    %get3A_943 = vector.shape_cast %get3A_942 : vector<16xi32> to vector<16xi32>
    %add3A_944 = arith.constant 1 : i32
    %add3A_945 = arith.addi %squeeze3A_9, %add3A_944 : i32
    %broadcast_in_dim3A_946 = arith.constant 0.000000e+00 : f32
    %broadcast_in_dim3A_947 = vector.broadcast %broadcast_in_dim3A_946 : f32 to vector<16xf32>
    %while3A_948 = arith.subi %add3A_945, %squeeze3A : i32
    %while3A_949 = arith.addi %squeeze3A, %while3A_948 : i32
    %while3A_950 = arith.constant 1 : i32
    %while3A_951 = arith.divsi %while3A_948, %while3A_950 : i32
    %while3A_952 = arith.muli %while3A_951, %while3A_950 : i32
    %while3A_953 = arith.addi %squeeze3A, %while3A_952 : i32
    %while3A_954 = arith.constant 1 : i32
    %while3A_955 = scf.for %while3A_1669 = %squeeze3A to %while3A_953 step %while3A_954 iter_args(%while3A_1670 = %broadcast_in_dim3A_947) -> (vector<16xf32>)  : i32 {
      %eq3A = vector.broadcast %while3A_1669 : i32 to vector<16xi32>
      %eq3A_1671 = arith.cmpi eq, %get3A_943, %eq3A : vector<16xi32>
      %get3A_1672 = arith.index_cast %while3A_1669 : i32 to index
      %get3A_1673 = tpu.vector_load %arg8[%get3A_1672] {strides = array<i32>} : memref<80xf32, #tpu.memory_space<vmem>>, vector<16xf32>,
      %get3A_1674 = vector.shape_cast %get3A_1673 : vector<16xf32> to vector<16xf32>
      %slice3A_1675 = vector.extract_strided_slice %get3A_1674 {offsets = [0], sizes = [1], strides = [1]} : vector<16xf32> to vector<1xf32>
      %squeeze3A_1676 = vector.extract %slice3A_1675[0] : f32 from vector<1xf32>
      %broadcast_in_dim3A_1677 = vector.broadcast %squeeze3A_1676 : f32 to vector<16xf32>
      %select_n3A = arith.select %eq3A_1671, %broadcast_in_dim3A_1677, %while3A_1670 : vector<16xi1>, vector<16xf32>
      scf.yield %select_n3A : vector<16xf32>
    }
    %while3A_956 = arith.constant 1 : i32
    %while3A_957 = scf.for %while3A_1669 = %while3A_953 to %while3A_949 step %while3A_956 iter_args(%while3A_1670 = %while3A_955) -> (vector<16xf32>)  : i32 {
      %eq3A = vector.broadcast %while3A_1669 : i32 to vector<16xi32>
      %eq3A_1671 = arith.cmpi eq, %get3A_943, %eq3A : vector<16xi32>
      %get3A_1672 = arith.index_cast %while3A_1669 : i32 to index
      %get3A_1673 = tpu.vector_load %arg8[%get3A_1672] {strides = array<i32>} : memref<80xf32, #tpu.memory_space<vmem>>, vector<16xf32>,
      %get3A_1674 = vector.shape_cast %get3A_1673 : vector<16xf32> to vector<16xf32>
      %slice3A_1675 = vector.extract_strided_slice %get3A_1674 {offsets = [0], sizes = [1], strides = [1]} : vector<16xf32> to vector<1xf32>
      %squeeze3A_1676 = vector.extract %slice3A_1675[0] : f32 from vector<1xf32>
      %broadcast_in_dim3A_1677 = vector.broadcast %squeeze3A_1676 : f32 to vector<16xf32>
      %select_n3A = arith.select %eq3A_1671, %broadcast_in_dim3A_1677, %while3A_1670 : vector<16xi1>, vector<16xf32>
      scf.yield %select_n3A : vector<16xf32>
    }
    %get3A_958 = arith.constant 576 : index
    %get3A_959 = tpu.vector_load %arg6[%get3A_958] {strides = array<i32>} : memref<1024xf32, #tpu.memory_space<vmem>>, vector<16xf32>,
    %get3A_960 = vector.shape_cast %get3A_959 : vector<16xf32> to vector<16xf32>
    %sub3A_961 = arith.subf %get3A_960, %while3A_957 : vector<16xf32>
    %exp3A_962 = math.exp %sub3A_961 : vector<16xf32>
    %swap3A_963 = arith.constant 576 : index
    %swap3A_964 = tpu.vector_load %arg9[%swap3A_963] {strides = array<i32>} : memref<1024xf32, #tpu.memory_space<vmem>>, vector<16xf32>,
    %swap3A_965 = vector.shape_cast %swap3A_964 : vector<16xf32> to vector<16xf32>
    %swap3A_966 = vector.shape_cast %exp3A_962 : vector<16xf32> to vector<16xf32>
    tpu.vector_store %arg9[%swap3A_963], %swap3A_966 {strides = array<i32>} : memref<1024xf32, #tpu.memory_space<vmem>>, vector<16xf32>,
    %get3A_967 = arith.constant 592 : index
    %get3A_968 = tpu.vector_load %arg7[%get3A_967] {strides = array<i32>} : memref<1024xi32, #tpu.memory_space<vmem>>, vector<16xi32>,
    %get3A_969 = vector.shape_cast %get3A_968 : vector<16xi32> to vector<16xi32>
    %add3A_970 = arith.constant 1 : i32
    %add3A_971 = arith.addi %squeeze3A_9, %add3A_970 : i32
    %broadcast_in_dim3A_972 = arith.constant 0.000000e+00 : f32
    %broadcast_in_dim3A_973 = vector.broadcast %broadcast_in_dim3A_972 : f32 to vector<16xf32>
    %while3A_974 = arith.subi %add3A_971, %squeeze3A : i32
    %while3A_975 = arith.addi %squeeze3A, %while3A_974 : i32
    %while3A_976 = arith.constant 1 : i32
    %while3A_977 = arith.divsi %while3A_974, %while3A_976 : i32
    %while3A_978 = arith.muli %while3A_977, %while3A_976 : i32
    %while3A_979 = arith.addi %squeeze3A, %while3A_978 : i32
    %while3A_980 = arith.constant 1 : i32
    %while3A_981 = scf.for %while3A_1669 = %squeeze3A to %while3A_979 step %while3A_980 iter_args(%while3A_1670 = %broadcast_in_dim3A_973) -> (vector<16xf32>)  : i32 {
      %eq3A = vector.broadcast %while3A_1669 : i32 to vector<16xi32>
      %eq3A_1671 = arith.cmpi eq, %get3A_969, %eq3A : vector<16xi32>
      %get3A_1672 = arith.index_cast %while3A_1669 : i32 to index
      %get3A_1673 = tpu.vector_load %arg8[%get3A_1672] {strides = array<i32>} : memref<80xf32, #tpu.memory_space<vmem>>, vector<16xf32>,
      %get3A_1674 = vector.shape_cast %get3A_1673 : vector<16xf32> to vector<16xf32>
      %slice3A_1675 = vector.extract_strided_slice %get3A_1674 {offsets = [0], sizes = [1], strides = [1]} : vector<16xf32> to vector<1xf32>
      %squeeze3A_1676 = vector.extract %slice3A_1675[0] : f32 from vector<1xf32>
      %broadcast_in_dim3A_1677 = vector.broadcast %squeeze3A_1676 : f32 to vector<16xf32>
      %select_n3A = arith.select %eq3A_1671, %broadcast_in_dim3A_1677, %while3A_1670 : vector<16xi1>, vector<16xf32>
      scf.yield %select_n3A : vector<16xf32>
    }
    %while3A_982 = arith.constant 1 : i32
    %while3A_983 = scf.for %while3A_1669 = %while3A_979 to %while3A_975 step %while3A_982 iter_args(%while3A_1670 = %while3A_981) -> (vector<16xf32>)  : i32 {
      %eq3A = vector.broadcast %while3A_1669 : i32 to vector<16xi32>
      %eq3A_1671 = arith.cmpi eq, %get3A_969, %eq3A : vector<16xi32>
      %get3A_1672 = arith.index_cast %while3A_1669 : i32 to index
      %get3A_1673 = tpu.vector_load %arg8[%get3A_1672] {strides = array<i32>} : memref<80xf32, #tpu.memory_space<vmem>>, vector<16xf32>,
      %get3A_1674 = vector.shape_cast %get3A_1673 : vector<16xf32> to vector<16xf32>
      %slice3A_1675 = vector.extract_strided_slice %get3A_1674 {offsets = [0], sizes = [1], strides = [1]} : vector<16xf32> to vector<1xf32>
      %squeeze3A_1676 = vector.extract %slice3A_1675[0] : f32 from vector<1xf32>
      %broadcast_in_dim3A_1677 = vector.broadcast %squeeze3A_1676 : f32 to vector<16xf32>
      %select_n3A = arith.select %eq3A_1671, %broadcast_in_dim3A_1677, %while3A_1670 : vector<16xi1>, vector<16xf32>
      scf.yield %select_n3A : vector<16xf32>
    }
    %get3A_984 = arith.constant 592 : index
    %get3A_985 = tpu.vector_load %arg6[%get3A_984] {strides = array<i32>} : memref<1024xf32, #tpu.memory_space<vmem>>, vector<16xf32>,
    %get3A_986 = vector.shape_cast %get3A_985 : vector<16xf32> to vector<16xf32>
    %sub3A_987 = arith.subf %get3A_986, %while3A_983 : vector<16xf32>
    %exp3A_988 = math.exp %sub3A_987 : vector<16xf32>
    %swap3A_989 = arith.constant 592 : index
    %swap3A_990 = tpu.vector_load %arg9[%swap3A_989] {strides = array<i32>} : memref<1024xf32, #tpu.memory_space<vmem>>, vector<16xf32>,
    %swap3A_991 = vector.shape_cast %swap3A_990 : vector<16xf32> to vector<16xf32>
    %swap3A_992 = vector.shape_cast %exp3A_988 : vector<16xf32> to vector<16xf32>
    tpu.vector_store %arg9[%swap3A_989], %swap3A_992 {strides = array<i32>} : memref<1024xf32, #tpu.memory_space<vmem>>, vector<16xf32>,
    %get3A_993 = arith.constant 608 : index
    %get3A_994 = tpu.vector_load %arg7[%get3A_993] {strides = array<i32>} : memref<1024xi32, #tpu.memory_space<vmem>>, vector<16xi32>,
    %get3A_995 = vector.shape_cast %get3A_994 : vector<16xi32> to vector<16xi32>
    %add3A_996 = arith.constant 1 : i32
    %add3A_997 = arith.addi %squeeze3A_9, %add3A_996 : i32
    %broadcast_in_dim3A_998 = arith.constant 0.000000e+00 : f32
    %broadcast_in_dim3A_999 = vector.broadcast %broadcast_in_dim3A_998 : f32 to vector<16xf32>
    %while3A_1000 = arith.subi %add3A_997, %squeeze3A : i32
    %while3A_1001 = arith.addi %squeeze3A, %while3A_1000 : i32
    %while3A_1002 = arith.constant 1 : i32
    %while3A_1003 = arith.divsi %while3A_1000, %while3A_1002 : i32
    %while3A_1004 = arith.muli %while3A_1003, %while3A_1002 : i32
    %while3A_1005 = arith.addi %squeeze3A, %while3A_1004 : i32
    %while3A_1006 = arith.constant 1 : i32
    %while3A_1007 = scf.for %while3A_1669 = %squeeze3A to %while3A_1005 step %while3A_1006 iter_args(%while3A_1670 = %broadcast_in_dim3A_999) -> (vector<16xf32>)  : i32 {
      %eq3A = vector.broadcast %while3A_1669 : i32 to vector<16xi32>
      %eq3A_1671 = arith.cmpi eq, %get3A_995, %eq3A : vector<16xi32>
      %get3A_1672 = arith.index_cast %while3A_1669 : i32 to index
      %get3A_1673 = tpu.vector_load %arg8[%get3A_1672] {strides = array<i32>} : memref<80xf32, #tpu.memory_space<vmem>>, vector<16xf32>,
      %get3A_1674 = vector.shape_cast %get3A_1673 : vector<16xf32> to vector<16xf32>
      %slice3A_1675 = vector.extract_strided_slice %get3A_1674 {offsets = [0], sizes = [1], strides = [1]} : vector<16xf32> to vector<1xf32>
      %squeeze3A_1676 = vector.extract %slice3A_1675[0] : f32 from vector<1xf32>
      %broadcast_in_dim3A_1677 = vector.broadcast %squeeze3A_1676 : f32 to vector<16xf32>
      %select_n3A = arith.select %eq3A_1671, %broadcast_in_dim3A_1677, %while3A_1670 : vector<16xi1>, vector<16xf32>
      scf.yield %select_n3A : vector<16xf32>
    }
    %while3A_1008 = arith.constant 1 : i32
    %while3A_1009 = scf.for %while3A_1669 = %while3A_1005 to %while3A_1001 step %while3A_1008 iter_args(%while3A_1670 = %while3A_1007) -> (vector<16xf32>)  : i32 {
      %eq3A = vector.broadcast %while3A_1669 : i32 to vector<16xi32>
      %eq3A_1671 = arith.cmpi eq, %get3A_995, %eq3A : vector<16xi32>
      %get3A_1672 = arith.index_cast %while3A_1669 : i32 to index
      %get3A_1673 = tpu.vector_load %arg8[%get3A_1672] {strides = array<i32>} : memref<80xf32, #tpu.memory_space<vmem>>, vector<16xf32>,
      %get3A_1674 = vector.shape_cast %get3A_1673 : vector<16xf32> to vector<16xf32>
      %slice3A_1675 = vector.extract_strided_slice %get3A_1674 {offsets = [0], sizes = [1], strides = [1]} : vector<16xf32> to vector<1xf32>
      %squeeze3A_1676 = vector.extract %slice3A_1675[0] : f32 from vector<1xf32>
      %broadcast_in_dim3A_1677 = vector.broadcast %squeeze3A_1676 : f32 to vector<16xf32>
      %select_n3A = arith.select %eq3A_1671, %broadcast_in_dim3A_1677, %while3A_1670 : vector<16xi1>, vector<16xf32>
      scf.yield %select_n3A : vector<16xf32>
    }
    %get3A_1010 = arith.constant 608 : index
    %get3A_1011 = tpu.vector_load %arg6[%get3A_1010] {strides = array<i32>} : memref<1024xf32, #tpu.memory_space<vmem>>, vector<16xf32>,
    %get3A_1012 = vector.shape_cast %get3A_1011 : vector<16xf32> to vector<16xf32>
    %sub3A_1013 = arith.subf %get3A_1012, %while3A_1009 : vector<16xf32>
    %exp3A_1014 = math.exp %sub3A_1013 : vector<16xf32>
    %swap3A_1015 = arith.constant 608 : index
    %swap3A_1016 = tpu.vector_load %arg9[%swap3A_1015] {strides = array<i32>} : memref<1024xf32, #tpu.memory_space<vmem>>, vector<16xf32>,
    %swap3A_1017 = vector.shape_cast %swap3A_1016 : vector<16xf32> to vector<16xf32>
    %swap3A_1018 = vector.shape_cast %exp3A_1014 : vector<16xf32> to vector<16xf32>
    tpu.vector_store %arg9[%swap3A_1015], %swap3A_1018 {strides = array<i32>} : memref<1024xf32, #tpu.memory_space<vmem>>, vector<16xf32>,
    %get3A_1019 = arith.constant 624 : index
    %get3A_1020 = tpu.vector_load %arg7[%get3A_1019] {strides = array<i32>} : memref<1024xi32, #tpu.memory_space<vmem>>, vector<16xi32>,
    %get3A_1021 = vector.shape_cast %get3A_1020 : vector<16xi32> to vector<16xi32>
    %add3A_1022 = arith.constant 1 : i32
    %add3A_1023 = arith.addi %squeeze3A_9, %add3A_1022 : i32
    %broadcast_in_dim3A_1024 = arith.constant 0.000000e+00 : f32
    %broadcast_in_dim3A_1025 = vector.broadcast %broadcast_in_dim3A_1024 : f32 to vector<16xf32>
    %while3A_1026 = arith.subi %add3A_1023, %squeeze3A : i32
    %while3A_1027 = arith.addi %squeeze3A, %while3A_1026 : i32
    %while3A_1028 = arith.constant 1 : i32
    %while3A_1029 = arith.divsi %while3A_1026, %while3A_1028 : i32
    %while3A_1030 = arith.muli %while3A_1029, %while3A_1028 : i32
    %while3A_1031 = arith.addi %squeeze3A, %while3A_1030 : i32
    %while3A_1032 = arith.constant 1 : i32
    %while3A_1033 = scf.for %while3A_1669 = %squeeze3A to %while3A_1031 step %while3A_1032 iter_args(%while3A_1670 = %broadcast_in_dim3A_1025) -> (vector<16xf32>)  : i32 {
      %eq3A = vector.broadcast %while3A_1669 : i32 to vector<16xi32>
      %eq3A_1671 = arith.cmpi eq, %get3A_1021, %eq3A : vector<16xi32>
      %get3A_1672 = arith.index_cast %while3A_1669 : i32 to index
      %get3A_1673 = tpu.vector_load %arg8[%get3A_1672] {strides = array<i32>} : memref<80xf32, #tpu.memory_space<vmem>>, vector<16xf32>,
      %get3A_1674 = vector.shape_cast %get3A_1673 : vector<16xf32> to vector<16xf32>
      %slice3A_1675 = vector.extract_strided_slice %get3A_1674 {offsets = [0], sizes = [1], strides = [1]} : vector<16xf32> to vector<1xf32>
      %squeeze3A_1676 = vector.extract %slice3A_1675[0] : f32 from vector<1xf32>
      %broadcast_in_dim3A_1677 = vector.broadcast %squeeze3A_1676 : f32 to vector<16xf32>
      %select_n3A = arith.select %eq3A_1671, %broadcast_in_dim3A_1677, %while3A_1670 : vector<16xi1>, vector<16xf32>
      scf.yield %select_n3A : vector<16xf32>
    }
    %while3A_1034 = arith.constant 1 : i32
    %while3A_1035 = scf.for %while3A_1669 = %while3A_1031 to %while3A_1027 step %while3A_1034 iter_args(%while3A_1670 = %while3A_1033) -> (vector<16xf32>)  : i32 {
      %eq3A = vector.broadcast %while3A_1669 : i32 to vector<16xi32>
      %eq3A_1671 = arith.cmpi eq, %get3A_1021, %eq3A : vector<16xi32>
      %get3A_1672 = arith.index_cast %while3A_1669 : i32 to index
      %get3A_1673 = tpu.vector_load %arg8[%get3A_1672] {strides = array<i32>} : memref<80xf32, #tpu.memory_space<vmem>>, vector<16xf32>,
      %get3A_1674 = vector.shape_cast %get3A_1673 : vector<16xf32> to vector<16xf32>
      %slice3A_1675 = vector.extract_strided_slice %get3A_1674 {offsets = [0], sizes = [1], strides = [1]} : vector<16xf32> to vector<1xf32>
      %squeeze3A_1676 = vector.extract %slice3A_1675[0] : f32 from vector<1xf32>
      %broadcast_in_dim3A_1677 = vector.broadcast %squeeze3A_1676 : f32 to vector<16xf32>
      %select_n3A = arith.select %eq3A_1671, %broadcast_in_dim3A_1677, %while3A_1670 : vector<16xi1>, vector<16xf32>
      scf.yield %select_n3A : vector<16xf32>
    }
    %get3A_1036 = arith.constant 624 : index
    %get3A_1037 = tpu.vector_load %arg6[%get3A_1036] {strides = array<i32>} : memref<1024xf32, #tpu.memory_space<vmem>>, vector<16xf32>,
    %get3A_1038 = vector.shape_cast %get3A_1037 : vector<16xf32> to vector<16xf32>
    %sub3A_1039 = arith.subf %get3A_1038, %while3A_1035 : vector<16xf32>
    %exp3A_1040 = math.exp %sub3A_1039 : vector<16xf32>
    %swap3A_1041 = arith.constant 624 : index
    %swap3A_1042 = tpu.vector_load %arg9[%swap3A_1041] {strides = array<i32>} : memref<1024xf32, #tpu.memory_space<vmem>>, vector<16xf32>,
    %swap3A_1043 = vector.shape_cast %swap3A_1042 : vector<16xf32> to vector<16xf32>
    %swap3A_1044 = vector.shape_cast %exp3A_1040 : vector<16xf32> to vector<16xf32>
    tpu.vector_store %arg9[%swap3A_1041], %swap3A_1044 {strides = array<i32>} : memref<1024xf32, #tpu.memory_space<vmem>>, vector<16xf32>,
    %get3A_1045 = arith.constant 640 : index
    %get3A_1046 = tpu.vector_load %arg7[%get3A_1045] {strides = array<i32>} : memref<1024xi32, #tpu.memory_space<vmem>>, vector<16xi32>,
    %get3A_1047 = vector.shape_cast %get3A_1046 : vector<16xi32> to vector<16xi32>
    %add3A_1048 = arith.constant 1 : i32
    %add3A_1049 = arith.addi %squeeze3A_9, %add3A_1048 : i32
    %broadcast_in_dim3A_1050 = arith.constant 0.000000e+00 : f32
    %broadcast_in_dim3A_1051 = vector.broadcast %broadcast_in_dim3A_1050 : f32 to vector<16xf32>
    %while3A_1052 = arith.subi %add3A_1049, %squeeze3A : i32
    %while3A_1053 = arith.addi %squeeze3A, %while3A_1052 : i32
    %while3A_1054 = arith.constant 1 : i32
    %while3A_1055 = arith.divsi %while3A_1052, %while3A_1054 : i32
    %while3A_1056 = arith.muli %while3A_1055, %while3A_1054 : i32
    %while3A_1057 = arith.addi %squeeze3A, %while3A_1056 : i32
    %while3A_1058 = arith.constant 1 : i32
    %while3A_1059 = scf.for %while3A_1669 = %squeeze3A to %while3A_1057 step %while3A_1058 iter_args(%while3A_1670 = %broadcast_in_dim3A_1051) -> (vector<16xf32>)  : i32 {
      %eq3A = vector.broadcast %while3A_1669 : i32 to vector<16xi32>
      %eq3A_1671 = arith.cmpi eq, %get3A_1047, %eq3A : vector<16xi32>
      %get3A_1672 = arith.index_cast %while3A_1669 : i32 to index
      %get3A_1673 = tpu.vector_load %arg8[%get3A_1672] {strides = array<i32>} : memref<80xf32, #tpu.memory_space<vmem>>, vector<16xf32>,
      %get3A_1674 = vector.shape_cast %get3A_1673 : vector<16xf32> to vector<16xf32>
      %slice3A_1675 = vector.extract_strided_slice %get3A_1674 {offsets = [0], sizes = [1], strides = [1]} : vector<16xf32> to vector<1xf32>
      %squeeze3A_1676 = vector.extract %slice3A_1675[0] : f32 from vector<1xf32>
      %broadcast_in_dim3A_1677 = vector.broadcast %squeeze3A_1676 : f32 to vector<16xf32>
      %select_n3A = arith.select %eq3A_1671, %broadcast_in_dim3A_1677, %while3A_1670 : vector<16xi1>, vector<16xf32>
      scf.yield %select_n3A : vector<16xf32>
    }
    %while3A_1060 = arith.constant 1 : i32
    %while3A_1061 = scf.for %while3A_1669 = %while3A_1057 to %while3A_1053 step %while3A_1060 iter_args(%while3A_1670 = %while3A_1059) -> (vector<16xf32>)  : i32 {
      %eq3A = vector.broadcast %while3A_1669 : i32 to vector<16xi32>
      %eq3A_1671 = arith.cmpi eq, %get3A_1047, %eq3A : vector<16xi32>
      %get3A_1672 = arith.index_cast %while3A_1669 : i32 to index
      %get3A_1673 = tpu.vector_load %arg8[%get3A_1672] {strides = array<i32>} : memref<80xf32, #tpu.memory_space<vmem>>, vector<16xf32>,
      %get3A_1674 = vector.shape_cast %get3A_1673 : vector<16xf32> to vector<16xf32>
      %slice3A_1675 = vector.extract_strided_slice %get3A_1674 {offsets = [0], sizes = [1], strides = [1]} : vector<16xf32> to vector<1xf32>
      %squeeze3A_1676 = vector.extract %slice3A_1675[0] : f32 from vector<1xf32>
      %broadcast_in_dim3A_1677 = vector.broadcast %squeeze3A_1676 : f32 to vector<16xf32>
      %select_n3A = arith.select %eq3A_1671, %broadcast_in_dim3A_1677, %while3A_1670 : vector<16xi1>, vector<16xf32>
      scf.yield %select_n3A : vector<16xf32>
    }
    %get3A_1062 = arith.constant 640 : index
    %get3A_1063 = tpu.vector_load %arg6[%get3A_1062] {strides = array<i32>} : memref<1024xf32, #tpu.memory_space<vmem>>, vector<16xf32>,
    %get3A_1064 = vector.shape_cast %get3A_1063 : vector<16xf32> to vector<16xf32>
    %sub3A_1065 = arith.subf %get3A_1064, %while3A_1061 : vector<16xf32>
    %exp3A_1066 = math.exp %sub3A_1065 : vector<16xf32>
    %swap3A_1067 = arith.constant 640 : index
    %swap3A_1068 = tpu.vector_load %arg9[%swap3A_1067] {strides = array<i32>} : memref<1024xf32, #tpu.memory_space<vmem>>, vector<16xf32>,
    %swap3A_1069 = vector.shape_cast %swap3A_1068 : vector<16xf32> to vector<16xf32>
    %swap3A_1070 = vector.shape_cast %exp3A_1066 : vector<16xf32> to vector<16xf32>
    tpu.vector_store %arg9[%swap3A_1067], %swap3A_1070 {strides = array<i32>} : memref<1024xf32, #tpu.memory_space<vmem>>, vector<16xf32>,
    %get3A_1071 = arith.constant 656 : index
    %get3A_1072 = tpu.vector_load %arg7[%get3A_1071] {strides = array<i32>} : memref<1024xi32, #tpu.memory_space<vmem>>, vector<16xi32>,
    %get3A_1073 = vector.shape_cast %get3A_1072 : vector<16xi32> to vector<16xi32>
    %add3A_1074 = arith.constant 1 : i32
    %add3A_1075 = arith.addi %squeeze3A_9, %add3A_1074 : i32
    %broadcast_in_dim3A_1076 = arith.constant 0.000000e+00 : f32
    %broadcast_in_dim3A_1077 = vector.broadcast %broadcast_in_dim3A_1076 : f32 to vector<16xf32>
    %while3A_1078 = arith.subi %add3A_1075, %squeeze3A : i32
    %while3A_1079 = arith.addi %squeeze3A, %while3A_1078 : i32
    %while3A_1080 = arith.constant 1 : i32
    %while3A_1081 = arith.divsi %while3A_1078, %while3A_1080 : i32
    %while3A_1082 = arith.muli %while3A_1081, %while3A_1080 : i32
    %while3A_1083 = arith.addi %squeeze3A, %while3A_1082 : i32
    %while3A_1084 = arith.constant 1 : i32
    %while3A_1085 = scf.for %while3A_1669 = %squeeze3A to %while3A_1083 step %while3A_1084 iter_args(%while3A_1670 = %broadcast_in_dim3A_1077) -> (vector<16xf32>)  : i32 {
      %eq3A = vector.broadcast %while3A_1669 : i32 to vector<16xi32>
      %eq3A_1671 = arith.cmpi eq, %get3A_1073, %eq3A : vector<16xi32>
      %get3A_1672 = arith.index_cast %while3A_1669 : i32 to index
      %get3A_1673 = tpu.vector_load %arg8[%get3A_1672] {strides = array<i32>} : memref<80xf32, #tpu.memory_space<vmem>>, vector<16xf32>,
      %get3A_1674 = vector.shape_cast %get3A_1673 : vector<16xf32> to vector<16xf32>
      %slice3A_1675 = vector.extract_strided_slice %get3A_1674 {offsets = [0], sizes = [1], strides = [1]} : vector<16xf32> to vector<1xf32>
      %squeeze3A_1676 = vector.extract %slice3A_1675[0] : f32 from vector<1xf32>
      %broadcast_in_dim3A_1677 = vector.broadcast %squeeze3A_1676 : f32 to vector<16xf32>
      %select_n3A = arith.select %eq3A_1671, %broadcast_in_dim3A_1677, %while3A_1670 : vector<16xi1>, vector<16xf32>
      scf.yield %select_n3A : vector<16xf32>
    }
    %while3A_1086 = arith.constant 1 : i32
    %while3A_1087 = scf.for %while3A_1669 = %while3A_1083 to %while3A_1079 step %while3A_1086 iter_args(%while3A_1670 = %while3A_1085) -> (vector<16xf32>)  : i32 {
      %eq3A = vector.broadcast %while3A_1669 : i32 to vector<16xi32>
      %eq3A_1671 = arith.cmpi eq, %get3A_1073, %eq3A : vector<16xi32>
      %get3A_1672 = arith.index_cast %while3A_1669 : i32 to index
      %get3A_1673 = tpu.vector_load %arg8[%get3A_1672] {strides = array<i32>} : memref<80xf32, #tpu.memory_space<vmem>>, vector<16xf32>,
      %get3A_1674 = vector.shape_cast %get3A_1673 : vector<16xf32> to vector<16xf32>
      %slice3A_1675 = vector.extract_strided_slice %get3A_1674 {offsets = [0], sizes = [1], strides = [1]} : vector<16xf32> to vector<1xf32>
      %squeeze3A_1676 = vector.extract %slice3A_1675[0] : f32 from vector<1xf32>
      %broadcast_in_dim3A_1677 = vector.broadcast %squeeze3A_1676 : f32 to vector<16xf32>
      %select_n3A = arith.select %eq3A_1671, %broadcast_in_dim3A_1677, %while3A_1670 : vector<16xi1>, vector<16xf32>
      scf.yield %select_n3A : vector<16xf32>
    }
    %get3A_1088 = arith.constant 656 : index
    %get3A_1089 = tpu.vector_load %arg6[%get3A_1088] {strides = array<i32>} : memref<1024xf32, #tpu.memory_space<vmem>>, vector<16xf32>,
    %get3A_1090 = vector.shape_cast %get3A_1089 : vector<16xf32> to vector<16xf32>
    %sub3A_1091 = arith.subf %get3A_1090, %while3A_1087 : vector<16xf32>
    %exp3A_1092 = math.exp %sub3A_1091 : vector<16xf32>
    %swap3A_1093 = arith.constant 656 : index
    %swap3A_1094 = tpu.vector_load %arg9[%swap3A_1093] {strides = array<i32>} : memref<1024xf32, #tpu.memory_space<vmem>>, vector<16xf32>,
    %swap3A_1095 = vector.shape_cast %swap3A_1094 : vector<16xf32> to vector<16xf32>
    %swap3A_1096 = vector.shape_cast %exp3A_1092 : vector<16xf32> to vector<16xf32>
    tpu.vector_store %arg9[%swap3A_1093], %swap3A_1096 {strides = array<i32>} : memref<1024xf32, #tpu.memory_space<vmem>>, vector<16xf32>,
    %get3A_1097 = arith.constant 672 : index
    %get3A_1098 = tpu.vector_load %arg7[%get3A_1097] {strides = array<i32>} : memref<1024xi32, #tpu.memory_space<vmem>>, vector<16xi32>,
    %get3A_1099 = vector.shape_cast %get3A_1098 : vector<16xi32> to vector<16xi32>
    %add3A_1100 = arith.constant 1 : i32
    %add3A_1101 = arith.addi %squeeze3A_9, %add3A_1100 : i32
    %broadcast_in_dim3A_1102 = arith.constant 0.000000e+00 : f32
    %broadcast_in_dim3A_1103 = vector.broadcast %broadcast_in_dim3A_1102 : f32 to vector<16xf32>
    %while3A_1104 = arith.subi %add3A_1101, %squeeze3A : i32
    %while3A_1105 = arith.addi %squeeze3A, %while3A_1104 : i32
    %while3A_1106 = arith.constant 1 : i32
    %while3A_1107 = arith.divsi %while3A_1104, %while3A_1106 : i32
    %while3A_1108 = arith.muli %while3A_1107, %while3A_1106 : i32
    %while3A_1109 = arith.addi %squeeze3A, %while3A_1108 : i32
    %while3A_1110 = arith.constant 1 : i32
    %while3A_1111 = scf.for %while3A_1669 = %squeeze3A to %while3A_1109 step %while3A_1110 iter_args(%while3A_1670 = %broadcast_in_dim3A_1103) -> (vector<16xf32>)  : i32 {
      %eq3A = vector.broadcast %while3A_1669 : i32 to vector<16xi32>
      %eq3A_1671 = arith.cmpi eq, %get3A_1099, %eq3A : vector<16xi32>
      %get3A_1672 = arith.index_cast %while3A_1669 : i32 to index
      %get3A_1673 = tpu.vector_load %arg8[%get3A_1672] {strides = array<i32>} : memref<80xf32, #tpu.memory_space<vmem>>, vector<16xf32>,
      %get3A_1674 = vector.shape_cast %get3A_1673 : vector<16xf32> to vector<16xf32>
      %slice3A_1675 = vector.extract_strided_slice %get3A_1674 {offsets = [0], sizes = [1], strides = [1]} : vector<16xf32> to vector<1xf32>
      %squeeze3A_1676 = vector.extract %slice3A_1675[0] : f32 from vector<1xf32>
      %broadcast_in_dim3A_1677 = vector.broadcast %squeeze3A_1676 : f32 to vector<16xf32>
      %select_n3A = arith.select %eq3A_1671, %broadcast_in_dim3A_1677, %while3A_1670 : vector<16xi1>, vector<16xf32>
      scf.yield %select_n3A : vector<16xf32>
    }
    %while3A_1112 = arith.constant 1 : i32
    %while3A_1113 = scf.for %while3A_1669 = %while3A_1109 to %while3A_1105 step %while3A_1112 iter_args(%while3A_1670 = %while3A_1111) -> (vector<16xf32>)  : i32 {
      %eq3A = vector.broadcast %while3A_1669 : i32 to vector<16xi32>
      %eq3A_1671 = arith.cmpi eq, %get3A_1099, %eq3A : vector<16xi32>
      %get3A_1672 = arith.index_cast %while3A_1669 : i32 to index
      %get3A_1673 = tpu.vector_load %arg8[%get3A_1672] {strides = array<i32>} : memref<80xf32, #tpu.memory_space<vmem>>, vector<16xf32>,
      %get3A_1674 = vector.shape_cast %get3A_1673 : vector<16xf32> to vector<16xf32>
      %slice3A_1675 = vector.extract_strided_slice %get3A_1674 {offsets = [0], sizes = [1], strides = [1]} : vector<16xf32> to vector<1xf32>
      %squeeze3A_1676 = vector.extract %slice3A_1675[0] : f32 from vector<1xf32>
      %broadcast_in_dim3A_1677 = vector.broadcast %squeeze3A_1676 : f32 to vector<16xf32>
      %select_n3A = arith.select %eq3A_1671, %broadcast_in_dim3A_1677, %while3A_1670 : vector<16xi1>, vector<16xf32>
      scf.yield %select_n3A : vector<16xf32>
    }
    %get3A_1114 = arith.constant 672 : index
    %get3A_1115 = tpu.vector_load %arg6[%get3A_1114] {strides = array<i32>} : memref<1024xf32, #tpu.memory_space<vmem>>, vector<16xf32>,
    %get3A_1116 = vector.shape_cast %get3A_1115 : vector<16xf32> to vector<16xf32>
    %sub3A_1117 = arith.subf %get3A_1116, %while3A_1113 : vector<16xf32>
    %exp3A_1118 = math.exp %sub3A_1117 : vector<16xf32>
    %swap3A_1119 = arith.constant 672 : index
    %swap3A_1120 = tpu.vector_load %arg9[%swap3A_1119] {strides = array<i32>} : memref<1024xf32, #tpu.memory_space<vmem>>, vector<16xf32>,
    %swap3A_1121 = vector.shape_cast %swap3A_1120 : vector<16xf32> to vector<16xf32>
    %swap3A_1122 = vector.shape_cast %exp3A_1118 : vector<16xf32> to vector<16xf32>
    tpu.vector_store %arg9[%swap3A_1119], %swap3A_1122 {strides = array<i32>} : memref<1024xf32, #tpu.memory_space<vmem>>, vector<16xf32>,
    %get3A_1123 = arith.constant 688 : index
    %get3A_1124 = tpu.vector_load %arg7[%get3A_1123] {strides = array<i32>} : memref<1024xi32, #tpu.memory_space<vmem>>, vector<16xi32>,
    %get3A_1125 = vector.shape_cast %get3A_1124 : vector<16xi32> to vector<16xi32>
    %add3A_1126 = arith.constant 1 : i32
    %add3A_1127 = arith.addi %squeeze3A_9, %add3A_1126 : i32
    %broadcast_in_dim3A_1128 = arith.constant 0.000000e+00 : f32
    %broadcast_in_dim3A_1129 = vector.broadcast %broadcast_in_dim3A_1128 : f32 to vector<16xf32>
    %while3A_1130 = arith.subi %add3A_1127, %squeeze3A : i32
    %while3A_1131 = arith.addi %squeeze3A, %while3A_1130 : i32
    %while3A_1132 = arith.constant 1 : i32
    %while3A_1133 = arith.divsi %while3A_1130, %while3A_1132 : i32
    %while3A_1134 = arith.muli %while3A_1133, %while3A_1132 : i32
    %while3A_1135 = arith.addi %squeeze3A, %while3A_1134 : i32
    %while3A_1136 = arith.constant 1 : i32
    %while3A_1137 = scf.for %while3A_1669 = %squeeze3A to %while3A_1135 step %while3A_1136 iter_args(%while3A_1670 = %broadcast_in_dim3A_1129) -> (vector<16xf32>)  : i32 {
      %eq3A = vector.broadcast %while3A_1669 : i32 to vector<16xi32>
      %eq3A_1671 = arith.cmpi eq, %get3A_1125, %eq3A : vector<16xi32>
      %get3A_1672 = arith.index_cast %while3A_1669 : i32 to index
      %get3A_1673 = tpu.vector_load %arg8[%get3A_1672] {strides = array<i32>} : memref<80xf32, #tpu.memory_space<vmem>>, vector<16xf32>,
      %get3A_1674 = vector.shape_cast %get3A_1673 : vector<16xf32> to vector<16xf32>
      %slice3A_1675 = vector.extract_strided_slice %get3A_1674 {offsets = [0], sizes = [1], strides = [1]} : vector<16xf32> to vector<1xf32>
      %squeeze3A_1676 = vector.extract %slice3A_1675[0] : f32 from vector<1xf32>
      %broadcast_in_dim3A_1677 = vector.broadcast %squeeze3A_1676 : f32 to vector<16xf32>
      %select_n3A = arith.select %eq3A_1671, %broadcast_in_dim3A_1677, %while3A_1670 : vector<16xi1>, vector<16xf32>
      scf.yield %select_n3A : vector<16xf32>
    }
    %while3A_1138 = arith.constant 1 : i32
    %while3A_1139 = scf.for %while3A_1669 = %while3A_1135 to %while3A_1131 step %while3A_1138 iter_args(%while3A_1670 = %while3A_1137) -> (vector<16xf32>)  : i32 {
      %eq3A = vector.broadcast %while3A_1669 : i32 to vector<16xi32>
      %eq3A_1671 = arith.cmpi eq, %get3A_1125, %eq3A : vector<16xi32>
      %get3A_1672 = arith.index_cast %while3A_1669 : i32 to index
      %get3A_1673 = tpu.vector_load %arg8[%get3A_1672] {strides = array<i32>} : memref<80xf32, #tpu.memory_space<vmem>>, vector<16xf32>,
      %get3A_1674 = vector.shape_cast %get3A_1673 : vector<16xf32> to vector<16xf32>
      %slice3A_1675 = vector.extract_strided_slice %get3A_1674 {offsets = [0], sizes = [1], strides = [1]} : vector<16xf32> to vector<1xf32>
      %squeeze3A_1676 = vector.extract %slice3A_1675[0] : f32 from vector<1xf32>
      %broadcast_in_dim3A_1677 = vector.broadcast %squeeze3A_1676 : f32 to vector<16xf32>
      %select_n3A = arith.select %eq3A_1671, %broadcast_in_dim3A_1677, %while3A_1670 : vector<16xi1>, vector<16xf32>
      scf.yield %select_n3A : vector<16xf32>
    }
    %get3A_1140 = arith.constant 688 : index
    %get3A_1141 = tpu.vector_load %arg6[%get3A_1140] {strides = array<i32>} : memref<1024xf32, #tpu.memory_space<vmem>>, vector<16xf32>,
    %get3A_1142 = vector.shape_cast %get3A_1141 : vector<16xf32> to vector<16xf32>
    %sub3A_1143 = arith.subf %get3A_1142, %while3A_1139 : vector<16xf32>
    %exp3A_1144 = math.exp %sub3A_1143 : vector<16xf32>
    %swap3A_1145 = arith.constant 688 : index
    %swap3A_1146 = tpu.vector_load %arg9[%swap3A_1145] {strides = array<i32>} : memref<1024xf32, #tpu.memory_space<vmem>>, vector<16xf32>,
    %swap3A_1147 = vector.shape_cast %swap3A_1146 : vector<16xf32> to vector<16xf32>
    %swap3A_1148 = vector.shape_cast %exp3A_1144 : vector<16xf32> to vector<16xf32>
    tpu.vector_store %arg9[%swap3A_1145], %swap3A_1148 {strides = array<i32>} : memref<1024xf32, #tpu.memory_space<vmem>>, vector<16xf32>,
    %get3A_1149 = arith.constant 704 : index
    %get3A_1150 = tpu.vector_load %arg7[%get3A_1149] {strides = array<i32>} : memref<1024xi32, #tpu.memory_space<vmem>>, vector<16xi32>,
    %get3A_1151 = vector.shape_cast %get3A_1150 : vector<16xi32> to vector<16xi32>
    %add3A_1152 = arith.constant 1 : i32
    %add3A_1153 = arith.addi %squeeze3A_9, %add3A_1152 : i32
    %broadcast_in_dim3A_1154 = arith.constant 0.000000e+00 : f32
    %broadcast_in_dim3A_1155 = vector.broadcast %broadcast_in_dim3A_1154 : f32 to vector<16xf32>
    %while3A_1156 = arith.subi %add3A_1153, %squeeze3A : i32
    %while3A_1157 = arith.addi %squeeze3A, %while3A_1156 : i32
    %while3A_1158 = arith.constant 1 : i32
    %while3A_1159 = arith.divsi %while3A_1156, %while3A_1158 : i32
    %while3A_1160 = arith.muli %while3A_1159, %while3A_1158 : i32
    %while3A_1161 = arith.addi %squeeze3A, %while3A_1160 : i32
    %while3A_1162 = arith.constant 1 : i32
    %while3A_1163 = scf.for %while3A_1669 = %squeeze3A to %while3A_1161 step %while3A_1162 iter_args(%while3A_1670 = %broadcast_in_dim3A_1155) -> (vector<16xf32>)  : i32 {
      %eq3A = vector.broadcast %while3A_1669 : i32 to vector<16xi32>
      %eq3A_1671 = arith.cmpi eq, %get3A_1151, %eq3A : vector<16xi32>
      %get3A_1672 = arith.index_cast %while3A_1669 : i32 to index
      %get3A_1673 = tpu.vector_load %arg8[%get3A_1672] {strides = array<i32>} : memref<80xf32, #tpu.memory_space<vmem>>, vector<16xf32>,
      %get3A_1674 = vector.shape_cast %get3A_1673 : vector<16xf32> to vector<16xf32>
      %slice3A_1675 = vector.extract_strided_slice %get3A_1674 {offsets = [0], sizes = [1], strides = [1]} : vector<16xf32> to vector<1xf32>
      %squeeze3A_1676 = vector.extract %slice3A_1675[0] : f32 from vector<1xf32>
      %broadcast_in_dim3A_1677 = vector.broadcast %squeeze3A_1676 : f32 to vector<16xf32>
      %select_n3A = arith.select %eq3A_1671, %broadcast_in_dim3A_1677, %while3A_1670 : vector<16xi1>, vector<16xf32>
      scf.yield %select_n3A : vector<16xf32>
    }
    %while3A_1164 = arith.constant 1 : i32
    %while3A_1165 = scf.for %while3A_1669 = %while3A_1161 to %while3A_1157 step %while3A_1164 iter_args(%while3A_1670 = %while3A_1163) -> (vector<16xf32>)  : i32 {
      %eq3A = vector.broadcast %while3A_1669 : i32 to vector<16xi32>
      %eq3A_1671 = arith.cmpi eq, %get3A_1151, %eq3A : vector<16xi32>
      %get3A_1672 = arith.index_cast %while3A_1669 : i32 to index
      %get3A_1673 = tpu.vector_load %arg8[%get3A_1672] {strides = array<i32>} : memref<80xf32, #tpu.memory_space<vmem>>, vector<16xf32>,
      %get3A_1674 = vector.shape_cast %get3A_1673 : vector<16xf32> to vector<16xf32>
      %slice3A_1675 = vector.extract_strided_slice %get3A_1674 {offsets = [0], sizes = [1], strides = [1]} : vector<16xf32> to vector<1xf32>
      %squeeze3A_1676 = vector.extract %slice3A_1675[0] : f32 from vector<1xf32>
      %broadcast_in_dim3A_1677 = vector.broadcast %squeeze3A_1676 : f32 to vector<16xf32>
      %select_n3A = arith.select %eq3A_1671, %broadcast_in_dim3A_1677, %while3A_1670 : vector<16xi1>, vector<16xf32>
      scf.yield %select_n3A : vector<16xf32>
    }
    %get3A_1166 = arith.constant 704 : index
    %get3A_1167 = tpu.vector_load %arg6[%get3A_1166] {strides = array<i32>} : memref<1024xf32, #tpu.memory_space<vmem>>, vector<16xf32>,
    %get3A_1168 = vector.shape_cast %get3A_1167 : vector<16xf32> to vector<16xf32>
    %sub3A_1169 = arith.subf %get3A_1168, %while3A_1165 : vector<16xf32>
    %exp3A_1170 = math.exp %sub3A_1169 : vector<16xf32>
    %swap3A_1171 = arith.constant 704 : index
    %swap3A_1172 = tpu.vector_load %arg9[%swap3A_1171] {strides = array<i32>} : memref<1024xf32, #tpu.memory_space<vmem>>, vector<16xf32>,
    %swap3A_1173 = vector.shape_cast %swap3A_1172 : vector<16xf32> to vector<16xf32>
    %swap3A_1174 = vector.shape_cast %exp3A_1170 : vector<16xf32> to vector<16xf32>
    tpu.vector_store %arg9[%swap3A_1171], %swap3A_1174 {strides = array<i32>} : memref<1024xf32, #tpu.memory_space<vmem>>, vector<16xf32>,
    %get3A_1175 = arith.constant 720 : index
    %get3A_1176 = tpu.vector_load %arg7[%get3A_1175] {strides = array<i32>} : memref<1024xi32, #tpu.memory_space<vmem>>, vector<16xi32>,
    %get3A_1177 = vector.shape_cast %get3A_1176 : vector<16xi32> to vector<16xi32>
    %add3A_1178 = arith.constant 1 : i32
    %add3A_1179 = arith.addi %squeeze3A_9, %add3A_1178 : i32
    %broadcast_in_dim3A_1180 = arith.constant 0.000000e+00 : f32
    %broadcast_in_dim3A_1181 = vector.broadcast %broadcast_in_dim3A_1180 : f32 to vector<16xf32>
    %while3A_1182 = arith.subi %add3A_1179, %squeeze3A : i32
    %while3A_1183 = arith.addi %squeeze3A, %while3A_1182 : i32
    %while3A_1184 = arith.constant 1 : i32
    %while3A_1185 = arith.divsi %while3A_1182, %while3A_1184 : i32
    %while3A_1186 = arith.muli %while3A_1185, %while3A_1184 : i32
    %while3A_1187 = arith.addi %squeeze3A, %while3A_1186 : i32
    %while3A_1188 = arith.constant 1 : i32
    %while3A_1189 = scf.for %while3A_1669 = %squeeze3A to %while3A_1187 step %while3A_1188 iter_args(%while3A_1670 = %broadcast_in_dim3A_1181) -> (vector<16xf32>)  : i32 {
      %eq3A = vector.broadcast %while3A_1669 : i32 to vector<16xi32>
      %eq3A_1671 = arith.cmpi eq, %get3A_1177, %eq3A : vector<16xi32>
      %get3A_1672 = arith.index_cast %while3A_1669 : i32 to index
      %get3A_1673 = tpu.vector_load %arg8[%get3A_1672] {strides = array<i32>} : memref<80xf32, #tpu.memory_space<vmem>>, vector<16xf32>,
      %get3A_1674 = vector.shape_cast %get3A_1673 : vector<16xf32> to vector<16xf32>
      %slice3A_1675 = vector.extract_strided_slice %get3A_1674 {offsets = [0], sizes = [1], strides = [1]} : vector<16xf32> to vector<1xf32>
      %squeeze3A_1676 = vector.extract %slice3A_1675[0] : f32 from vector<1xf32>
      %broadcast_in_dim3A_1677 = vector.broadcast %squeeze3A_1676 : f32 to vector<16xf32>
      %select_n3A = arith.select %eq3A_1671, %broadcast_in_dim3A_1677, %while3A_1670 : vector<16xi1>, vector<16xf32>
      scf.yield %select_n3A : vector<16xf32>
    }
    %while3A_1190 = arith.constant 1 : i32
    %while3A_1191 = scf.for %while3A_1669 = %while3A_1187 to %while3A_1183 step %while3A_1190 iter_args(%while3A_1670 = %while3A_1189) -> (vector<16xf32>)  : i32 {
      %eq3A = vector.broadcast %while3A_1669 : i32 to vector<16xi32>
      %eq3A_1671 = arith.cmpi eq, %get3A_1177, %eq3A : vector<16xi32>
      %get3A_1672 = arith.index_cast %while3A_1669 : i32 to index
      %get3A_1673 = tpu.vector_load %arg8[%get3A_1672] {strides = array<i32>} : memref<80xf32, #tpu.memory_space<vmem>>, vector<16xf32>,
      %get3A_1674 = vector.shape_cast %get3A_1673 : vector<16xf32> to vector<16xf32>
      %slice3A_1675 = vector.extract_strided_slice %get3A_1674 {offsets = [0], sizes = [1], strides = [1]} : vector<16xf32> to vector<1xf32>
      %squeeze3A_1676 = vector.extract %slice3A_1675[0] : f32 from vector<1xf32>
      %broadcast_in_dim3A_1677 = vector.broadcast %squeeze3A_1676 : f32 to vector<16xf32>
      %select_n3A = arith.select %eq3A_1671, %broadcast_in_dim3A_1677, %while3A_1670 : vector<16xi1>, vector<16xf32>
      scf.yield %select_n3A : vector<16xf32>
    }
    %get3A_1192 = arith.constant 720 : index
    %get3A_1193 = tpu.vector_load %arg6[%get3A_1192] {strides = array<i32>} : memref<1024xf32, #tpu.memory_space<vmem>>, vector<16xf32>,
    %get3A_1194 = vector.shape_cast %get3A_1193 : vector<16xf32> to vector<16xf32>
    %sub3A_1195 = arith.subf %get3A_1194, %while3A_1191 : vector<16xf32>
    %exp3A_1196 = math.exp %sub3A_1195 : vector<16xf32>
    %swap3A_1197 = arith.constant 720 : index
    %swap3A_1198 = tpu.vector_load %arg9[%swap3A_1197] {strides = array<i32>} : memref<1024xf32, #tpu.memory_space<vmem>>, vector<16xf32>,
    %swap3A_1199 = vector.shape_cast %swap3A_1198 : vector<16xf32> to vector<16xf32>
    %swap3A_1200 = vector.shape_cast %exp3A_1196 : vector<16xf32> to vector<16xf32>
    tpu.vector_store %arg9[%swap3A_1197], %swap3A_1200 {strides = array<i32>} : memref<1024xf32, #tpu.memory_space<vmem>>, vector<16xf32>,
    %get3A_1201 = arith.constant 736 : index
    %get3A_1202 = tpu.vector_load %arg7[%get3A_1201] {strides = array<i32>} : memref<1024xi32, #tpu.memory_space<vmem>>, vector<16xi32>,
    %get3A_1203 = vector.shape_cast %get3A_1202 : vector<16xi32> to vector<16xi32>
    %add3A_1204 = arith.constant 1 : i32
    %add3A_1205 = arith.addi %squeeze3A_9, %add3A_1204 : i32
    %broadcast_in_dim3A_1206 = arith.constant 0.000000e+00 : f32
    %broadcast_in_dim3A_1207 = vector.broadcast %broadcast_in_dim3A_1206 : f32 to vector<16xf32>
    %while3A_1208 = arith.subi %add3A_1205, %squeeze3A : i32
    %while3A_1209 = arith.addi %squeeze3A, %while3A_1208 : i32
    %while3A_1210 = arith.constant 1 : i32
    %while3A_1211 = arith.divsi %while3A_1208, %while3A_1210 : i32
    %while3A_1212 = arith.muli %while3A_1211, %while3A_1210 : i32
    %while3A_1213 = arith.addi %squeeze3A, %while3A_1212 : i32
    %while3A_1214 = arith.constant 1 : i32
    %while3A_1215 = scf.for %while3A_1669 = %squeeze3A to %while3A_1213 step %while3A_1214 iter_args(%while3A_1670 = %broadcast_in_dim3A_1207) -> (vector<16xf32>)  : i32 {
      %eq3A = vector.broadcast %while3A_1669 : i32 to vector<16xi32>
      %eq3A_1671 = arith.cmpi eq, %get3A_1203, %eq3A : vector<16xi32>
      %get3A_1672 = arith.index_cast %while3A_1669 : i32 to index
      %get3A_1673 = tpu.vector_load %arg8[%get3A_1672] {strides = array<i32>} : memref<80xf32, #tpu.memory_space<vmem>>, vector<16xf32>,
      %get3A_1674 = vector.shape_cast %get3A_1673 : vector<16xf32> to vector<16xf32>
      %slice3A_1675 = vector.extract_strided_slice %get3A_1674 {offsets = [0], sizes = [1], strides = [1]} : vector<16xf32> to vector<1xf32>
      %squeeze3A_1676 = vector.extract %slice3A_1675[0] : f32 from vector<1xf32>
      %broadcast_in_dim3A_1677 = vector.broadcast %squeeze3A_1676 : f32 to vector<16xf32>
      %select_n3A = arith.select %eq3A_1671, %broadcast_in_dim3A_1677, %while3A_1670 : vector<16xi1>, vector<16xf32>
      scf.yield %select_n3A : vector<16xf32>
    }
    %while3A_1216 = arith.constant 1 : i32
    %while3A_1217 = scf.for %while3A_1669 = %while3A_1213 to %while3A_1209 step %while3A_1216 iter_args(%while3A_1670 = %while3A_1215) -> (vector<16xf32>)  : i32 {
      %eq3A = vector.broadcast %while3A_1669 : i32 to vector<16xi32>
      %eq3A_1671 = arith.cmpi eq, %get3A_1203, %eq3A : vector<16xi32>
      %get3A_1672 = arith.index_cast %while3A_1669 : i32 to index
      %get3A_1673 = tpu.vector_load %arg8[%get3A_1672] {strides = array<i32>} : memref<80xf32, #tpu.memory_space<vmem>>, vector<16xf32>,
      %get3A_1674 = vector.shape_cast %get3A_1673 : vector<16xf32> to vector<16xf32>
      %slice3A_1675 = vector.extract_strided_slice %get3A_1674 {offsets = [0], sizes = [1], strides = [1]} : vector<16xf32> to vector<1xf32>
      %squeeze3A_1676 = vector.extract %slice3A_1675[0] : f32 from vector<1xf32>
      %broadcast_in_dim3A_1677 = vector.broadcast %squeeze3A_1676 : f32 to vector<16xf32>
      %select_n3A = arith.select %eq3A_1671, %broadcast_in_dim3A_1677, %while3A_1670 : vector<16xi1>, vector<16xf32>
      scf.yield %select_n3A : vector<16xf32>
    }
    %get3A_1218 = arith.constant 736 : index
    %get3A_1219 = tpu.vector_load %arg6[%get3A_1218] {strides = array<i32>} : memref<1024xf32, #tpu.memory_space<vmem>>, vector<16xf32>,
    %get3A_1220 = vector.shape_cast %get3A_1219 : vector<16xf32> to vector<16xf32>
    %sub3A_1221 = arith.subf %get3A_1220, %while3A_1217 : vector<16xf32>
    %exp3A_1222 = math.exp %sub3A_1221 : vector<16xf32>
    %swap3A_1223 = arith.constant 736 : index
    %swap3A_1224 = tpu.vector_load %arg9[%swap3A_1223] {strides = array<i32>} : memref<1024xf32, #tpu.memory_space<vmem>>, vector<16xf32>,
    %swap3A_1225 = vector.shape_cast %swap3A_1224 : vector<16xf32> to vector<16xf32>
    %swap3A_1226 = vector.shape_cast %exp3A_1222 : vector<16xf32> to vector<16xf32>
    tpu.vector_store %arg9[%swap3A_1223], %swap3A_1226 {strides = array<i32>} : memref<1024xf32, #tpu.memory_space<vmem>>, vector<16xf32>,
    %get3A_1227 = arith.constant 752 : index
    %get3A_1228 = tpu.vector_load %arg7[%get3A_1227] {strides = array<i32>} : memref<1024xi32, #tpu.memory_space<vmem>>, vector<16xi32>,
    %get3A_1229 = vector.shape_cast %get3A_1228 : vector<16xi32> to vector<16xi32>
    %add3A_1230 = arith.constant 1 : i32
    %add3A_1231 = arith.addi %squeeze3A_9, %add3A_1230 : i32
    %broadcast_in_dim3A_1232 = arith.constant 0.000000e+00 : f32
    %broadcast_in_dim3A_1233 = vector.broadcast %broadcast_in_dim3A_1232 : f32 to vector<16xf32>
    %while3A_1234 = arith.subi %add3A_1231, %squeeze3A : i32
    %while3A_1235 = arith.addi %squeeze3A, %while3A_1234 : i32
    %while3A_1236 = arith.constant 1 : i32
    %while3A_1237 = arith.divsi %while3A_1234, %while3A_1236 : i32
    %while3A_1238 = arith.muli %while3A_1237, %while3A_1236 : i32
    %while3A_1239 = arith.addi %squeeze3A, %while3A_1238 : i32
    %while3A_1240 = arith.constant 1 : i32
    %while3A_1241 = scf.for %while3A_1669 = %squeeze3A to %while3A_1239 step %while3A_1240 iter_args(%while3A_1670 = %broadcast_in_dim3A_1233) -> (vector<16xf32>)  : i32 {
      %eq3A = vector.broadcast %while3A_1669 : i32 to vector<16xi32>
      %eq3A_1671 = arith.cmpi eq, %get3A_1229, %eq3A : vector<16xi32>
      %get3A_1672 = arith.index_cast %while3A_1669 : i32 to index
      %get3A_1673 = tpu.vector_load %arg8[%get3A_1672] {strides = array<i32>} : memref<80xf32, #tpu.memory_space<vmem>>, vector<16xf32>,
      %get3A_1674 = vector.shape_cast %get3A_1673 : vector<16xf32> to vector<16xf32>
      %slice3A_1675 = vector.extract_strided_slice %get3A_1674 {offsets = [0], sizes = [1], strides = [1]} : vector<16xf32> to vector<1xf32>
      %squeeze3A_1676 = vector.extract %slice3A_1675[0] : f32 from vector<1xf32>
      %broadcast_in_dim3A_1677 = vector.broadcast %squeeze3A_1676 : f32 to vector<16xf32>
      %select_n3A = arith.select %eq3A_1671, %broadcast_in_dim3A_1677, %while3A_1670 : vector<16xi1>, vector<16xf32>
      scf.yield %select_n3A : vector<16xf32>
    }
    %while3A_1242 = arith.constant 1 : i32
    %while3A_1243 = scf.for %while3A_1669 = %while3A_1239 to %while3A_1235 step %while3A_1242 iter_args(%while3A_1670 = %while3A_1241) -> (vector<16xf32>)  : i32 {
      %eq3A = vector.broadcast %while3A_1669 : i32 to vector<16xi32>
      %eq3A_1671 = arith.cmpi eq, %get3A_1229, %eq3A : vector<16xi32>
      %get3A_1672 = arith.index_cast %while3A_1669 : i32 to index
      %get3A_1673 = tpu.vector_load %arg8[%get3A_1672] {strides = array<i32>} : memref<80xf32, #tpu.memory_space<vmem>>, vector<16xf32>,
      %get3A_1674 = vector.shape_cast %get3A_1673 : vector<16xf32> to vector<16xf32>
      %slice3A_1675 = vector.extract_strided_slice %get3A_1674 {offsets = [0], sizes = [1], strides = [1]} : vector<16xf32> to vector<1xf32>
      %squeeze3A_1676 = vector.extract %slice3A_1675[0] : f32 from vector<1xf32>
      %broadcast_in_dim3A_1677 = vector.broadcast %squeeze3A_1676 : f32 to vector<16xf32>
      %select_n3A = arith.select %eq3A_1671, %broadcast_in_dim3A_1677, %while3A_1670 : vector<16xi1>, vector<16xf32>
      scf.yield %select_n3A : vector<16xf32>
    }
    %get3A_1244 = arith.constant 752 : index
    %get3A_1245 = tpu.vector_load %arg6[%get3A_1244] {strides = array<i32>} : memref<1024xf32, #tpu.memory_space<vmem>>, vector<16xf32>,
    %get3A_1246 = vector.shape_cast %get3A_1245 : vector<16xf32> to vector<16xf32>
    %sub3A_1247 = arith.subf %get3A_1246, %while3A_1243 : vector<16xf32>
    %exp3A_1248 = math.exp %sub3A_1247 : vector<16xf32>
    %swap3A_1249 = arith.constant 752 : index
    %swap3A_1250 = tpu.vector_load %arg9[%swap3A_1249] {strides = array<i32>} : memref<1024xf32, #tpu.memory_space<vmem>>, vector<16xf32>,
    %swap3A_1251 = vector.shape_cast %swap3A_1250 : vector<16xf32> to vector<16xf32>
    %swap3A_1252 = vector.shape_cast %exp3A_1248 : vector<16xf32> to vector<16xf32>
    tpu.vector_store %arg9[%swap3A_1249], %swap3A_1252 {strides = array<i32>} : memref<1024xf32, #tpu.memory_space<vmem>>, vector<16xf32>,
    %get3A_1253 = arith.constant 768 : index
    %get3A_1254 = tpu.vector_load %arg7[%get3A_1253] {strides = array<i32>} : memref<1024xi32, #tpu.memory_space<vmem>>, vector<16xi32>,
    %get3A_1255 = vector.shape_cast %get3A_1254 : vector<16xi32> to vector<16xi32>
    %add3A_1256 = arith.constant 1 : i32
    %add3A_1257 = arith.addi %squeeze3A_9, %add3A_1256 : i32
    %broadcast_in_dim3A_1258 = arith.constant 0.000000e+00 : f32
    %broadcast_in_dim3A_1259 = vector.broadcast %broadcast_in_dim3A_1258 : f32 to vector<16xf32>
    %while3A_1260 = arith.subi %add3A_1257, %squeeze3A : i32
    %while3A_1261 = arith.addi %squeeze3A, %while3A_1260 : i32
    %while3A_1262 = arith.constant 1 : i32
    %while3A_1263 = arith.divsi %while3A_1260, %while3A_1262 : i32
    %while3A_1264 = arith.muli %while3A_1263, %while3A_1262 : i32
    %while3A_1265 = arith.addi %squeeze3A, %while3A_1264 : i32
    %while3A_1266 = arith.constant 1 : i32
    %while3A_1267 = scf.for %while3A_1669 = %squeeze3A to %while3A_1265 step %while3A_1266 iter_args(%while3A_1670 = %broadcast_in_dim3A_1259) -> (vector<16xf32>)  : i32 {
      %eq3A = vector.broadcast %while3A_1669 : i32 to vector<16xi32>
      %eq3A_1671 = arith.cmpi eq, %get3A_1255, %eq3A : vector<16xi32>
      %get3A_1672 = arith.index_cast %while3A_1669 : i32 to index
      %get3A_1673 = tpu.vector_load %arg8[%get3A_1672] {strides = array<i32>} : memref<80xf32, #tpu.memory_space<vmem>>, vector<16xf32>,
      %get3A_1674 = vector.shape_cast %get3A_1673 : vector<16xf32> to vector<16xf32>
      %slice3A_1675 = vector.extract_strided_slice %get3A_1674 {offsets = [0], sizes = [1], strides = [1]} : vector<16xf32> to vector<1xf32>
      %squeeze3A_1676 = vector.extract %slice3A_1675[0] : f32 from vector<1xf32>
      %broadcast_in_dim3A_1677 = vector.broadcast %squeeze3A_1676 : f32 to vector<16xf32>
      %select_n3A = arith.select %eq3A_1671, %broadcast_in_dim3A_1677, %while3A_1670 : vector<16xi1>, vector<16xf32>
      scf.yield %select_n3A : vector<16xf32>
    }
    %while3A_1268 = arith.constant 1 : i32
    %while3A_1269 = scf.for %while3A_1669 = %while3A_1265 to %while3A_1261 step %while3A_1268 iter_args(%while3A_1670 = %while3A_1267) -> (vector<16xf32>)  : i32 {
      %eq3A = vector.broadcast %while3A_1669 : i32 to vector<16xi32>
      %eq3A_1671 = arith.cmpi eq, %get3A_1255, %eq3A : vector<16xi32>
      %get3A_1672 = arith.index_cast %while3A_1669 : i32 to index
      %get3A_1673 = tpu.vector_load %arg8[%get3A_1672] {strides = array<i32>} : memref<80xf32, #tpu.memory_space<vmem>>, vector<16xf32>,
      %get3A_1674 = vector.shape_cast %get3A_1673 : vector<16xf32> to vector<16xf32>
      %slice3A_1675 = vector.extract_strided_slice %get3A_1674 {offsets = [0], sizes = [1], strides = [1]} : vector<16xf32> to vector<1xf32>
      %squeeze3A_1676 = vector.extract %slice3A_1675[0] : f32 from vector<1xf32>
      %broadcast_in_dim3A_1677 = vector.broadcast %squeeze3A_1676 : f32 to vector<16xf32>
      %select_n3A = arith.select %eq3A_1671, %broadcast_in_dim3A_1677, %while3A_1670 : vector<16xi1>, vector<16xf32>
      scf.yield %select_n3A : vector<16xf32>
    }
    %get3A_1270 = arith.constant 768 : index
    %get3A_1271 = tpu.vector_load %arg6[%get3A_1270] {strides = array<i32>} : memref<1024xf32, #tpu.memory_space<vmem>>, vector<16xf32>,
    %get3A_1272 = vector.shape_cast %get3A_1271 : vector<16xf32> to vector<16xf32>
    %sub3A_1273 = arith.subf %get3A_1272, %while3A_1269 : vector<16xf32>
    %exp3A_1274 = math.exp %sub3A_1273 : vector<16xf32>
    %swap3A_1275 = arith.constant 768 : index
    %swap3A_1276 = tpu.vector_load %arg9[%swap3A_1275] {strides = array<i32>} : memref<1024xf32, #tpu.memory_space<vmem>>, vector<16xf32>,
    %swap3A_1277 = vector.shape_cast %swap3A_1276 : vector<16xf32> to vector<16xf32>
    %swap3A_1278 = vector.shape_cast %exp3A_1274 : vector<16xf32> to vector<16xf32>
    tpu.vector_store %arg9[%swap3A_1275], %swap3A_1278 {strides = array<i32>} : memref<1024xf32, #tpu.memory_space<vmem>>, vector<16xf32>,
    %get3A_1279 = arith.constant 784 : index
    %get3A_1280 = tpu.vector_load %arg7[%get3A_1279] {strides = array<i32>} : memref<1024xi32, #tpu.memory_space<vmem>>, vector<16xi32>,
    %get3A_1281 = vector.shape_cast %get3A_1280 : vector<16xi32> to vector<16xi32>
    %add3A_1282 = arith.constant 1 : i32
    %add3A_1283 = arith.addi %squeeze3A_9, %add3A_1282 : i32
    %broadcast_in_dim3A_1284 = arith.constant 0.000000e+00 : f32
    %broadcast_in_dim3A_1285 = vector.broadcast %broadcast_in_dim3A_1284 : f32 to vector<16xf32>
    %while3A_1286 = arith.subi %add3A_1283, %squeeze3A : i32
    %while3A_1287 = arith.addi %squeeze3A, %while3A_1286 : i32
    %while3A_1288 = arith.constant 1 : i32
    %while3A_1289 = arith.divsi %while3A_1286, %while3A_1288 : i32
    %while3A_1290 = arith.muli %while3A_1289, %while3A_1288 : i32
    %while3A_1291 = arith.addi %squeeze3A, %while3A_1290 : i32
    %while3A_1292 = arith.constant 1 : i32
    %while3A_1293 = scf.for %while3A_1669 = %squeeze3A to %while3A_1291 step %while3A_1292 iter_args(%while3A_1670 = %broadcast_in_dim3A_1285) -> (vector<16xf32>)  : i32 {
      %eq3A = vector.broadcast %while3A_1669 : i32 to vector<16xi32>
      %eq3A_1671 = arith.cmpi eq, %get3A_1281, %eq3A : vector<16xi32>
      %get3A_1672 = arith.index_cast %while3A_1669 : i32 to index
      %get3A_1673 = tpu.vector_load %arg8[%get3A_1672] {strides = array<i32>} : memref<80xf32, #tpu.memory_space<vmem>>, vector<16xf32>,
      %get3A_1674 = vector.shape_cast %get3A_1673 : vector<16xf32> to vector<16xf32>
      %slice3A_1675 = vector.extract_strided_slice %get3A_1674 {offsets = [0], sizes = [1], strides = [1]} : vector<16xf32> to vector<1xf32>
      %squeeze3A_1676 = vector.extract %slice3A_1675[0] : f32 from vector<1xf32>
      %broadcast_in_dim3A_1677 = vector.broadcast %squeeze3A_1676 : f32 to vector<16xf32>
      %select_n3A = arith.select %eq3A_1671, %broadcast_in_dim3A_1677, %while3A_1670 : vector<16xi1>, vector<16xf32>
      scf.yield %select_n3A : vector<16xf32>
    }
    %while3A_1294 = arith.constant 1 : i32
    %while3A_1295 = scf.for %while3A_1669 = %while3A_1291 to %while3A_1287 step %while3A_1294 iter_args(%while3A_1670 = %while3A_1293) -> (vector<16xf32>)  : i32 {
      %eq3A = vector.broadcast %while3A_1669 : i32 to vector<16xi32>
      %eq3A_1671 = arith.cmpi eq, %get3A_1281, %eq3A : vector<16xi32>
      %get3A_1672 = arith.index_cast %while3A_1669 : i32 to index
      %get3A_1673 = tpu.vector_load %arg8[%get3A_1672] {strides = array<i32>} : memref<80xf32, #tpu.memory_space<vmem>>, vector<16xf32>,
      %get3A_1674 = vector.shape_cast %get3A_1673 : vector<16xf32> to vector<16xf32>
      %slice3A_1675 = vector.extract_strided_slice %get3A_1674 {offsets = [0], sizes = [1], strides = [1]} : vector<16xf32> to vector<1xf32>
      %squeeze3A_1676 = vector.extract %slice3A_1675[0] : f32 from vector<1xf32>
      %broadcast_in_dim3A_1677 = vector.broadcast %squeeze3A_1676 : f32 to vector<16xf32>
      %select_n3A = arith.select %eq3A_1671, %broadcast_in_dim3A_1677, %while3A_1670 : vector<16xi1>, vector<16xf32>
      scf.yield %select_n3A : vector<16xf32>
    }
    %get3A_1296 = arith.constant 784 : index
    %get3A_1297 = tpu.vector_load %arg6[%get3A_1296] {strides = array<i32>} : memref<1024xf32, #tpu.memory_space<vmem>>, vector<16xf32>,
    %get3A_1298 = vector.shape_cast %get3A_1297 : vector<16xf32> to vector<16xf32>
    %sub3A_1299 = arith.subf %get3A_1298, %while3A_1295 : vector<16xf32>
    %exp3A_1300 = math.exp %sub3A_1299 : vector<16xf32>
    %swap3A_1301 = arith.constant 784 : index
    %swap3A_1302 = tpu.vector_load %arg9[%swap3A_1301] {strides = array<i32>} : memref<1024xf32, #tpu.memory_space<vmem>>, vector<16xf32>,
    %swap3A_1303 = vector.shape_cast %swap3A_1302 : vector<16xf32> to vector<16xf32>
    %swap3A_1304 = vector.shape_cast %exp3A_1300 : vector<16xf32> to vector<16xf32>
    tpu.vector_store %arg9[%swap3A_1301], %swap3A_1304 {strides = array<i32>} : memref<1024xf32, #tpu.memory_space<vmem>>, vector<16xf32>,
    %get3A_1305 = arith.constant 800 : index
    %get3A_1306 = tpu.vector_load %arg7[%get3A_1305] {strides = array<i32>} : memref<1024xi32, #tpu.memory_space<vmem>>, vector<16xi32>,
    %get3A_1307 = vector.shape_cast %get3A_1306 : vector<16xi32> to vector<16xi32>
    %add3A_1308 = arith.constant 1 : i32
    %add3A_1309 = arith.addi %squeeze3A_9, %add3A_1308 : i32
    %broadcast_in_dim3A_1310 = arith.constant 0.000000e+00 : f32
    %broadcast_in_dim3A_1311 = vector.broadcast %broadcast_in_dim3A_1310 : f32 to vector<16xf32>
    %while3A_1312 = arith.subi %add3A_1309, %squeeze3A : i32
    %while3A_1313 = arith.addi %squeeze3A, %while3A_1312 : i32
    %while3A_1314 = arith.constant 1 : i32
    %while3A_1315 = arith.divsi %while3A_1312, %while3A_1314 : i32
    %while3A_1316 = arith.muli %while3A_1315, %while3A_1314 : i32
    %while3A_1317 = arith.addi %squeeze3A, %while3A_1316 : i32
    %while3A_1318 = arith.constant 1 : i32
    %while3A_1319 = scf.for %while3A_1669 = %squeeze3A to %while3A_1317 step %while3A_1318 iter_args(%while3A_1670 = %broadcast_in_dim3A_1311) -> (vector<16xf32>)  : i32 {
      %eq3A = vector.broadcast %while3A_1669 : i32 to vector<16xi32>
      %eq3A_1671 = arith.cmpi eq, %get3A_1307, %eq3A : vector<16xi32>
      %get3A_1672 = arith.index_cast %while3A_1669 : i32 to index
      %get3A_1673 = tpu.vector_load %arg8[%get3A_1672] {strides = array<i32>} : memref<80xf32, #tpu.memory_space<vmem>>, vector<16xf32>,
      %get3A_1674 = vector.shape_cast %get3A_1673 : vector<16xf32> to vector<16xf32>
      %slice3A_1675 = vector.extract_strided_slice %get3A_1674 {offsets = [0], sizes = [1], strides = [1]} : vector<16xf32> to vector<1xf32>
      %squeeze3A_1676 = vector.extract %slice3A_1675[0] : f32 from vector<1xf32>
      %broadcast_in_dim3A_1677 = vector.broadcast %squeeze3A_1676 : f32 to vector<16xf32>
      %select_n3A = arith.select %eq3A_1671, %broadcast_in_dim3A_1677, %while3A_1670 : vector<16xi1>, vector<16xf32>
      scf.yield %select_n3A : vector<16xf32>
    }
    %while3A_1320 = arith.constant 1 : i32
    %while3A_1321 = scf.for %while3A_1669 = %while3A_1317 to %while3A_1313 step %while3A_1320 iter_args(%while3A_1670 = %while3A_1319) -> (vector<16xf32>)  : i32 {
      %eq3A = vector.broadcast %while3A_1669 : i32 to vector<16xi32>
      %eq3A_1671 = arith.cmpi eq, %get3A_1307, %eq3A : vector<16xi32>
      %get3A_1672 = arith.index_cast %while3A_1669 : i32 to index
      %get3A_1673 = tpu.vector_load %arg8[%get3A_1672] {strides = array<i32>} : memref<80xf32, #tpu.memory_space<vmem>>, vector<16xf32>,
      %get3A_1674 = vector.shape_cast %get3A_1673 : vector<16xf32> to vector<16xf32>
      %slice3A_1675 = vector.extract_strided_slice %get3A_1674 {offsets = [0], sizes = [1], strides = [1]} : vector<16xf32> to vector<1xf32>
      %squeeze3A_1676 = vector.extract %slice3A_1675[0] : f32 from vector<1xf32>
      %broadcast_in_dim3A_1677 = vector.broadcast %squeeze3A_1676 : f32 to vector<16xf32>
      %select_n3A = arith.select %eq3A_1671, %broadcast_in_dim3A_1677, %while3A_1670 : vector<16xi1>, vector<16xf32>
      scf.yield %select_n3A : vector<16xf32>
    }
    %get3A_1322 = arith.constant 800 : index
    %get3A_1323 = tpu.vector_load %arg6[%get3A_1322] {strides = array<i32>} : memref<1024xf32, #tpu.memory_space<vmem>>, vector<16xf32>,
    %get3A_1324 = vector.shape_cast %get3A_1323 : vector<16xf32> to vector<16xf32>
    %sub3A_1325 = arith.subf %get3A_1324, %while3A_1321 : vector<16xf32>
    %exp3A_1326 = math.exp %sub3A_1325 : vector<16xf32>
    %swap3A_1327 = arith.constant 800 : index
    %swap3A_1328 = tpu.vector_load %arg9[%swap3A_1327] {strides = array<i32>} : memref<1024xf32, #tpu.memory_space<vmem>>, vector<16xf32>,
    %swap3A_1329 = vector.shape_cast %swap3A_1328 : vector<16xf32> to vector<16xf32>
    %swap3A_1330 = vector.shape_cast %exp3A_1326 : vector<16xf32> to vector<16xf32>
    tpu.vector_store %arg9[%swap3A_1327], %swap3A_1330 {strides = array<i32>} : memref<1024xf32, #tpu.memory_space<vmem>>, vector<16xf32>,
    %get3A_1331 = arith.constant 816 : index
    %get3A_1332 = tpu.vector_load %arg7[%get3A_1331] {strides = array<i32>} : memref<1024xi32, #tpu.memory_space<vmem>>, vector<16xi32>,
    %get3A_1333 = vector.shape_cast %get3A_1332 : vector<16xi32> to vector<16xi32>
    %add3A_1334 = arith.constant 1 : i32
    %add3A_1335 = arith.addi %squeeze3A_9, %add3A_1334 : i32
    %broadcast_in_dim3A_1336 = arith.constant 0.000000e+00 : f32
    %broadcast_in_dim3A_1337 = vector.broadcast %broadcast_in_dim3A_1336 : f32 to vector<16xf32>
    %while3A_1338 = arith.subi %add3A_1335, %squeeze3A : i32
    %while3A_1339 = arith.addi %squeeze3A, %while3A_1338 : i32
    %while3A_1340 = arith.constant 1 : i32
    %while3A_1341 = arith.divsi %while3A_1338, %while3A_1340 : i32
    %while3A_1342 = arith.muli %while3A_1341, %while3A_1340 : i32
    %while3A_1343 = arith.addi %squeeze3A, %while3A_1342 : i32
    %while3A_1344 = arith.constant 1 : i32
    %while3A_1345 = scf.for %while3A_1669 = %squeeze3A to %while3A_1343 step %while3A_1344 iter_args(%while3A_1670 = %broadcast_in_dim3A_1337) -> (vector<16xf32>)  : i32 {
      %eq3A = vector.broadcast %while3A_1669 : i32 to vector<16xi32>
      %eq3A_1671 = arith.cmpi eq, %get3A_1333, %eq3A : vector<16xi32>
      %get3A_1672 = arith.index_cast %while3A_1669 : i32 to index
      %get3A_1673 = tpu.vector_load %arg8[%get3A_1672] {strides = array<i32>} : memref<80xf32, #tpu.memory_space<vmem>>, vector<16xf32>,
      %get3A_1674 = vector.shape_cast %get3A_1673 : vector<16xf32> to vector<16xf32>
      %slice3A_1675 = vector.extract_strided_slice %get3A_1674 {offsets = [0], sizes = [1], strides = [1]} : vector<16xf32> to vector<1xf32>
      %squeeze3A_1676 = vector.extract %slice3A_1675[0] : f32 from vector<1xf32>
      %broadcast_in_dim3A_1677 = vector.broadcast %squeeze3A_1676 : f32 to vector<16xf32>
      %select_n3A = arith.select %eq3A_1671, %broadcast_in_dim3A_1677, %while3A_1670 : vector<16xi1>, vector<16xf32>
      scf.yield %select_n3A : vector<16xf32>
    }
    %while3A_1346 = arith.constant 1 : i32
    %while3A_1347 = scf.for %while3A_1669 = %while3A_1343 to %while3A_1339 step %while3A_1346 iter_args(%while3A_1670 = %while3A_1345) -> (vector<16xf32>)  : i32 {
      %eq3A = vector.broadcast %while3A_1669 : i32 to vector<16xi32>
      %eq3A_1671 = arith.cmpi eq, %get3A_1333, %eq3A : vector<16xi32>
      %get3A_1672 = arith.index_cast %while3A_1669 : i32 to index
      %get3A_1673 = tpu.vector_load %arg8[%get3A_1672] {strides = array<i32>} : memref<80xf32, #tpu.memory_space<vmem>>, vector<16xf32>,
      %get3A_1674 = vector.shape_cast %get3A_1673 : vector<16xf32> to vector<16xf32>
      %slice3A_1675 = vector.extract_strided_slice %get3A_1674 {offsets = [0], sizes = [1], strides = [1]} : vector<16xf32> to vector<1xf32>
      %squeeze3A_1676 = vector.extract %slice3A_1675[0] : f32 from vector<1xf32>
      %broadcast_in_dim3A_1677 = vector.broadcast %squeeze3A_1676 : f32 to vector<16xf32>
      %select_n3A = arith.select %eq3A_1671, %broadcast_in_dim3A_1677, %while3A_1670 : vector<16xi1>, vector<16xf32>
      scf.yield %select_n3A : vector<16xf32>
    }
    %get3A_1348 = arith.constant 816 : index
    %get3A_1349 = tpu.vector_load %arg6[%get3A_1348] {strides = array<i32>} : memref<1024xf32, #tpu.memory_space<vmem>>, vector<16xf32>,
    %get3A_1350 = vector.shape_cast %get3A_1349 : vector<16xf32> to vector<16xf32>
    %sub3A_1351 = arith.subf %get3A_1350, %while3A_1347 : vector<16xf32>
    %exp3A_1352 = math.exp %sub3A_1351 : vector<16xf32>
    %swap3A_1353 = arith.constant 816 : index
    %swap3A_1354 = tpu.vector_load %arg9[%swap3A_1353] {strides = array<i32>} : memref<1024xf32, #tpu.memory_space<vmem>>, vector<16xf32>,
    %swap3A_1355 = vector.shape_cast %swap3A_1354 : vector<16xf32> to vector<16xf32>
    %swap3A_1356 = vector.shape_cast %exp3A_1352 : vector<16xf32> to vector<16xf32>
    tpu.vector_store %arg9[%swap3A_1353], %swap3A_1356 {strides = array<i32>} : memref<1024xf32, #tpu.memory_space<vmem>>, vector<16xf32>,
    %get3A_1357 = arith.constant 832 : index
    %get3A_1358 = tpu.vector_load %arg7[%get3A_1357] {strides = array<i32>} : memref<1024xi32, #tpu.memory_space<vmem>>, vector<16xi32>,
    %get3A_1359 = vector.shape_cast %get3A_1358 : vector<16xi32> to vector<16xi32>
    %add3A_1360 = arith.constant 1 : i32
    %add3A_1361 = arith.addi %squeeze3A_9, %add3A_1360 : i32
    %broadcast_in_dim3A_1362 = arith.constant 0.000000e+00 : f32
    %broadcast_in_dim3A_1363 = vector.broadcast %broadcast_in_dim3A_1362 : f32 to vector<16xf32>
    %while3A_1364 = arith.subi %add3A_1361, %squeeze3A : i32
    %while3A_1365 = arith.addi %squeeze3A, %while3A_1364 : i32
    %while3A_1366 = arith.constant 1 : i32
    %while3A_1367 = arith.divsi %while3A_1364, %while3A_1366 : i32
    %while3A_1368 = arith.muli %while3A_1367, %while3A_1366 : i32
    %while3A_1369 = arith.addi %squeeze3A, %while3A_1368 : i32
    %while3A_1370 = arith.constant 1 : i32
    %while3A_1371 = scf.for %while3A_1669 = %squeeze3A to %while3A_1369 step %while3A_1370 iter_args(%while3A_1670 = %broadcast_in_dim3A_1363) -> (vector<16xf32>)  : i32 {
      %eq3A = vector.broadcast %while3A_1669 : i32 to vector<16xi32>
      %eq3A_1671 = arith.cmpi eq, %get3A_1359, %eq3A : vector<16xi32>
      %get3A_1672 = arith.index_cast %while3A_1669 : i32 to index
      %get3A_1673 = tpu.vector_load %arg8[%get3A_1672] {strides = array<i32>} : memref<80xf32, #tpu.memory_space<vmem>>, vector<16xf32>,
      %get3A_1674 = vector.shape_cast %get3A_1673 : vector<16xf32> to vector<16xf32>
      %slice3A_1675 = vector.extract_strided_slice %get3A_1674 {offsets = [0], sizes = [1], strides = [1]} : vector<16xf32> to vector<1xf32>
      %squeeze3A_1676 = vector.extract %slice3A_1675[0] : f32 from vector<1xf32>
      %broadcast_in_dim3A_1677 = vector.broadcast %squeeze3A_1676 : f32 to vector<16xf32>
      %select_n3A = arith.select %eq3A_1671, %broadcast_in_dim3A_1677, %while3A_1670 : vector<16xi1>, vector<16xf32>
      scf.yield %select_n3A : vector<16xf32>
    }
    %while3A_1372 = arith.constant 1 : i32
    %while3A_1373 = scf.for %while3A_1669 = %while3A_1369 to %while3A_1365 step %while3A_1372 iter_args(%while3A_1670 = %while3A_1371) -> (vector<16xf32>)  : i32 {
      %eq3A = vector.broadcast %while3A_1669 : i32 to vector<16xi32>
      %eq3A_1671 = arith.cmpi eq, %get3A_1359, %eq3A : vector<16xi32>
      %get3A_1672 = arith.index_cast %while3A_1669 : i32 to index
      %get3A_1673 = tpu.vector_load %arg8[%get3A_1672] {strides = array<i32>} : memref<80xf32, #tpu.memory_space<vmem>>, vector<16xf32>,
      %get3A_1674 = vector.shape_cast %get3A_1673 : vector<16xf32> to vector<16xf32>
      %slice3A_1675 = vector.extract_strided_slice %get3A_1674 {offsets = [0], sizes = [1], strides = [1]} : vector<16xf32> to vector<1xf32>
      %squeeze3A_1676 = vector.extract %slice3A_1675[0] : f32 from vector<1xf32>
      %broadcast_in_dim3A_1677 = vector.broadcast %squeeze3A_1676 : f32 to vector<16xf32>
      %select_n3A = arith.select %eq3A_1671, %broadcast_in_dim3A_1677, %while3A_1670 : vector<16xi1>, vector<16xf32>
      scf.yield %select_n3A : vector<16xf32>
    }
    %get3A_1374 = arith.constant 832 : index
    %get3A_1375 = tpu.vector_load %arg6[%get3A_1374] {strides = array<i32>} : memref<1024xf32, #tpu.memory_space<vmem>>, vector<16xf32>,
    %get3A_1376 = vector.shape_cast %get3A_1375 : vector<16xf32> to vector<16xf32>
    %sub3A_1377 = arith.subf %get3A_1376, %while3A_1373 : vector<16xf32>
    %exp3A_1378 = math.exp %sub3A_1377 : vector<16xf32>
    %swap3A_1379 = arith.constant 832 : index
    %swap3A_1380 = tpu.vector_load %arg9[%swap3A_1379] {strides = array<i32>} : memref<1024xf32, #tpu.memory_space<vmem>>, vector<16xf32>,
    %swap3A_1381 = vector.shape_cast %swap3A_1380 : vector<16xf32> to vector<16xf32>
    %swap3A_1382 = vector.shape_cast %exp3A_1378 : vector<16xf32> to vector<16xf32>
    tpu.vector_store %arg9[%swap3A_1379], %swap3A_1382 {strides = array<i32>} : memref<1024xf32, #tpu.memory_space<vmem>>, vector<16xf32>,
    %get3A_1383 = arith.constant 848 : index
    %get3A_1384 = tpu.vector_load %arg7[%get3A_1383] {strides = array<i32>} : memref<1024xi32, #tpu.memory_space<vmem>>, vector<16xi32>,
    %get3A_1385 = vector.shape_cast %get3A_1384 : vector<16xi32> to vector<16xi32>
    %add3A_1386 = arith.constant 1 : i32
    %add3A_1387 = arith.addi %squeeze3A_9, %add3A_1386 : i32
    %broadcast_in_dim3A_1388 = arith.constant 0.000000e+00 : f32
    %broadcast_in_dim3A_1389 = vector.broadcast %broadcast_in_dim3A_1388 : f32 to vector<16xf32>
    %while3A_1390 = arith.subi %add3A_1387, %squeeze3A : i32
    %while3A_1391 = arith.addi %squeeze3A, %while3A_1390 : i32
    %while3A_1392 = arith.constant 1 : i32
    %while3A_1393 = arith.divsi %while3A_1390, %while3A_1392 : i32
    %while3A_1394 = arith.muli %while3A_1393, %while3A_1392 : i32
    %while3A_1395 = arith.addi %squeeze3A, %while3A_1394 : i32
    %while3A_1396 = arith.constant 1 : i32
    %while3A_1397 = scf.for %while3A_1669 = %squeeze3A to %while3A_1395 step %while3A_1396 iter_args(%while3A_1670 = %broadcast_in_dim3A_1389) -> (vector<16xf32>)  : i32 {
      %eq3A = vector.broadcast %while3A_1669 : i32 to vector<16xi32>
      %eq3A_1671 = arith.cmpi eq, %get3A_1385, %eq3A : vector<16xi32>
      %get3A_1672 = arith.index_cast %while3A_1669 : i32 to index
      %get3A_1673 = tpu.vector_load %arg8[%get3A_1672] {strides = array<i32>} : memref<80xf32, #tpu.memory_space<vmem>>, vector<16xf32>,
      %get3A_1674 = vector.shape_cast %get3A_1673 : vector<16xf32> to vector<16xf32>
      %slice3A_1675 = vector.extract_strided_slice %get3A_1674 {offsets = [0], sizes = [1], strides = [1]} : vector<16xf32> to vector<1xf32>
      %squeeze3A_1676 = vector.extract %slice3A_1675[0] : f32 from vector<1xf32>
      %broadcast_in_dim3A_1677 = vector.broadcast %squeeze3A_1676 : f32 to vector<16xf32>
      %select_n3A = arith.select %eq3A_1671, %broadcast_in_dim3A_1677, %while3A_1670 : vector<16xi1>, vector<16xf32>
      scf.yield %select_n3A : vector<16xf32>
    }
    %while3A_1398 = arith.constant 1 : i32
    %while3A_1399 = scf.for %while3A_1669 = %while3A_1395 to %while3A_1391 step %while3A_1398 iter_args(%while3A_1670 = %while3A_1397) -> (vector<16xf32>)  : i32 {
      %eq3A = vector.broadcast %while3A_1669 : i32 to vector<16xi32>
      %eq3A_1671 = arith.cmpi eq, %get3A_1385, %eq3A : vector<16xi32>
      %get3A_1672 = arith.index_cast %while3A_1669 : i32 to index
      %get3A_1673 = tpu.vector_load %arg8[%get3A_1672] {strides = array<i32>} : memref<80xf32, #tpu.memory_space<vmem>>, vector<16xf32>,
      %get3A_1674 = vector.shape_cast %get3A_1673 : vector<16xf32> to vector<16xf32>
      %slice3A_1675 = vector.extract_strided_slice %get3A_1674 {offsets = [0], sizes = [1], strides = [1]} : vector<16xf32> to vector<1xf32>
      %squeeze3A_1676 = vector.extract %slice3A_1675[0] : f32 from vector<1xf32>
      %broadcast_in_dim3A_1677 = vector.broadcast %squeeze3A_1676 : f32 to vector<16xf32>
      %select_n3A = arith.select %eq3A_1671, %broadcast_in_dim3A_1677, %while3A_1670 : vector<16xi1>, vector<16xf32>
      scf.yield %select_n3A : vector<16xf32>
    }
    %get3A_1400 = arith.constant 848 : index
    %get3A_1401 = tpu.vector_load %arg6[%get3A_1400] {strides = array<i32>} : memref<1024xf32, #tpu.memory_space<vmem>>, vector<16xf32>,
    %get3A_1402 = vector.shape_cast %get3A_1401 : vector<16xf32> to vector<16xf32>
    %sub3A_1403 = arith.subf %get3A_1402, %while3A_1399 : vector<16xf32>
    %exp3A_1404 = math.exp %sub3A_1403 : vector<16xf32>
    %swap3A_1405 = arith.constant 848 : index
    %swap3A_1406 = tpu.vector_load %arg9[%swap3A_1405] {strides = array<i32>} : memref<1024xf32, #tpu.memory_space<vmem>>, vector<16xf32>,
    %swap3A_1407 = vector.shape_cast %swap3A_1406 : vector<16xf32> to vector<16xf32>
    %swap3A_1408 = vector.shape_cast %exp3A_1404 : vector<16xf32> to vector<16xf32>
    tpu.vector_store %arg9[%swap3A_1405], %swap3A_1408 {strides = array<i32>} : memref<1024xf32, #tpu.memory_space<vmem>>, vector<16xf32>,
    %get3A_1409 = arith.constant 864 : index
    %get3A_1410 = tpu.vector_load %arg7[%get3A_1409] {strides = array<i32>} : memref<1024xi32, #tpu.memory_space<vmem>>, vector<16xi32>,
    %get3A_1411 = vector.shape_cast %get3A_1410 : vector<16xi32> to vector<16xi32>
    %add3A_1412 = arith.constant 1 : i32
    %add3A_1413 = arith.addi %squeeze3A_9, %add3A_1412 : i32
    %broadcast_in_dim3A_1414 = arith.constant 0.000000e+00 : f32
    %broadcast_in_dim3A_1415 = vector.broadcast %broadcast_in_dim3A_1414 : f32 to vector<16xf32>
    %while3A_1416 = arith.subi %add3A_1413, %squeeze3A : i32
    %while3A_1417 = arith.addi %squeeze3A, %while3A_1416 : i32
    %while3A_1418 = arith.constant 1 : i32
    %while3A_1419 = arith.divsi %while3A_1416, %while3A_1418 : i32
    %while3A_1420 = arith.muli %while3A_1419, %while3A_1418 : i32
    %while3A_1421 = arith.addi %squeeze3A, %while3A_1420 : i32
    %while3A_1422 = arith.constant 1 : i32
    %while3A_1423 = scf.for %while3A_1669 = %squeeze3A to %while3A_1421 step %while3A_1422 iter_args(%while3A_1670 = %broadcast_in_dim3A_1415) -> (vector<16xf32>)  : i32 {
      %eq3A = vector.broadcast %while3A_1669 : i32 to vector<16xi32>
      %eq3A_1671 = arith.cmpi eq, %get3A_1411, %eq3A : vector<16xi32>
      %get3A_1672 = arith.index_cast %while3A_1669 : i32 to index
      %get3A_1673 = tpu.vector_load %arg8[%get3A_1672] {strides = array<i32>} : memref<80xf32, #tpu.memory_space<vmem>>, vector<16xf32>,
      %get3A_1674 = vector.shape_cast %get3A_1673 : vector<16xf32> to vector<16xf32>
      %slice3A_1675 = vector.extract_strided_slice %get3A_1674 {offsets = [0], sizes = [1], strides = [1]} : vector<16xf32> to vector<1xf32>
      %squeeze3A_1676 = vector.extract %slice3A_1675[0] : f32 from vector<1xf32>
      %broadcast_in_dim3A_1677 = vector.broadcast %squeeze3A_1676 : f32 to vector<16xf32>
      %select_n3A = arith.select %eq3A_1671, %broadcast_in_dim3A_1677, %while3A_1670 : vector<16xi1>, vector<16xf32>
      scf.yield %select_n3A : vector<16xf32>
    }
    %while3A_1424 = arith.constant 1 : i32
    %while3A_1425 = scf.for %while3A_1669 = %while3A_1421 to %while3A_1417 step %while3A_1424 iter_args(%while3A_1670 = %while3A_1423) -> (vector<16xf32>)  : i32 {
      %eq3A = vector.broadcast %while3A_1669 : i32 to vector<16xi32>
      %eq3A_1671 = arith.cmpi eq, %get3A_1411, %eq3A : vector<16xi32>
      %get3A_1672 = arith.index_cast %while3A_1669 : i32 to index
      %get3A_1673 = tpu.vector_load %arg8[%get3A_1672] {strides = array<i32>} : memref<80xf32, #tpu.memory_space<vmem>>, vector<16xf32>,
      %get3A_1674 = vector.shape_cast %get3A_1673 : vector<16xf32> to vector<16xf32>
      %slice3A_1675 = vector.extract_strided_slice %get3A_1674 {offsets = [0], sizes = [1], strides = [1]} : vector<16xf32> to vector<1xf32>
      %squeeze3A_1676 = vector.extract %slice3A_1675[0] : f32 from vector<1xf32>
      %broadcast_in_dim3A_1677 = vector.broadcast %squeeze3A_1676 : f32 to vector<16xf32>
      %select_n3A = arith.select %eq3A_1671, %broadcast_in_dim3A_1677, %while3A_1670 : vector<16xi1>, vector<16xf32>
      scf.yield %select_n3A : vector<16xf32>
    }
    %get3A_1426 = arith.constant 864 : index
    %get3A_1427 = tpu.vector_load %arg6[%get3A_1426] {strides = array<i32>} : memref<1024xf32, #tpu.memory_space<vmem>>, vector<16xf32>,
    %get3A_1428 = vector.shape_cast %get3A_1427 : vector<16xf32> to vector<16xf32>
    %sub3A_1429 = arith.subf %get3A_1428, %while3A_1425 : vector<16xf32>
    %exp3A_1430 = math.exp %sub3A_1429 : vector<16xf32>
    %swap3A_1431 = arith.constant 864 : index
    %swap3A_1432 = tpu.vector_load %arg9[%swap3A_1431] {strides = array<i32>} : memref<1024xf32, #tpu.memory_space<vmem>>, vector<16xf32>,
    %swap3A_1433 = vector.shape_cast %swap3A_1432 : vector<16xf32> to vector<16xf32>
    %swap3A_1434 = vector.shape_cast %exp3A_1430 : vector<16xf32> to vector<16xf32>
    tpu.vector_store %arg9[%swap3A_1431], %swap3A_1434 {strides = array<i32>} : memref<1024xf32, #tpu.memory_space<vmem>>, vector<16xf32>,
    %get3A_1435 = arith.constant 880 : index
    %get3A_1436 = tpu.vector_load %arg7[%get3A_1435] {strides = array<i32>} : memref<1024xi32, #tpu.memory_space<vmem>>, vector<16xi32>,
    %get3A_1437 = vector.shape_cast %get3A_1436 : vector<16xi32> to vector<16xi32>
    %add3A_1438 = arith.constant 1 : i32
    %add3A_1439 = arith.addi %squeeze3A_9, %add3A_1438 : i32
    %broadcast_in_dim3A_1440 = arith.constant 0.000000e+00 : f32
    %broadcast_in_dim3A_1441 = vector.broadcast %broadcast_in_dim3A_1440 : f32 to vector<16xf32>
    %while3A_1442 = arith.subi %add3A_1439, %squeeze3A : i32
    %while3A_1443 = arith.addi %squeeze3A, %while3A_1442 : i32
    %while3A_1444 = arith.constant 1 : i32
    %while3A_1445 = arith.divsi %while3A_1442, %while3A_1444 : i32
    %while3A_1446 = arith.muli %while3A_1445, %while3A_1444 : i32
    %while3A_1447 = arith.addi %squeeze3A, %while3A_1446 : i32
    %while3A_1448 = arith.constant 1 : i32
    %while3A_1449 = scf.for %while3A_1669 = %squeeze3A to %while3A_1447 step %while3A_1448 iter_args(%while3A_1670 = %broadcast_in_dim3A_1441) -> (vector<16xf32>)  : i32 {
      %eq3A = vector.broadcast %while3A_1669 : i32 to vector<16xi32>
      %eq3A_1671 = arith.cmpi eq, %get3A_1437, %eq3A : vector<16xi32>
      %get3A_1672 = arith.index_cast %while3A_1669 : i32 to index
      %get3A_1673 = tpu.vector_load %arg8[%get3A_1672] {strides = array<i32>} : memref<80xf32, #tpu.memory_space<vmem>>, vector<16xf32>,
      %get3A_1674 = vector.shape_cast %get3A_1673 : vector<16xf32> to vector<16xf32>
      %slice3A_1675 = vector.extract_strided_slice %get3A_1674 {offsets = [0], sizes = [1], strides = [1]} : vector<16xf32> to vector<1xf32>
      %squeeze3A_1676 = vector.extract %slice3A_1675[0] : f32 from vector<1xf32>
      %broadcast_in_dim3A_1677 = vector.broadcast %squeeze3A_1676 : f32 to vector<16xf32>
      %select_n3A = arith.select %eq3A_1671, %broadcast_in_dim3A_1677, %while3A_1670 : vector<16xi1>, vector<16xf32>
      scf.yield %select_n3A : vector<16xf32>
    }
    %while3A_1450 = arith.constant 1 : i32
    %while3A_1451 = scf.for %while3A_1669 = %while3A_1447 to %while3A_1443 step %while3A_1450 iter_args(%while3A_1670 = %while3A_1449) -> (vector<16xf32>)  : i32 {
      %eq3A = vector.broadcast %while3A_1669 : i32 to vector<16xi32>
      %eq3A_1671 = arith.cmpi eq, %get3A_1437, %eq3A : vector<16xi32>
      %get3A_1672 = arith.index_cast %while3A_1669 : i32 to index
      %get3A_1673 = tpu.vector_load %arg8[%get3A_1672] {strides = array<i32>} : memref<80xf32, #tpu.memory_space<vmem>>, vector<16xf32>,
      %get3A_1674 = vector.shape_cast %get3A_1673 : vector<16xf32> to vector<16xf32>
      %slice3A_1675 = vector.extract_strided_slice %get3A_1674 {offsets = [0], sizes = [1], strides = [1]} : vector<16xf32> to vector<1xf32>
      %squeeze3A_1676 = vector.extract %slice3A_1675[0] : f32 from vector<1xf32>
      %broadcast_in_dim3A_1677 = vector.broadcast %squeeze3A_1676 : f32 to vector<16xf32>
      %select_n3A = arith.select %eq3A_1671, %broadcast_in_dim3A_1677, %while3A_1670 : vector<16xi1>, vector<16xf32>
      scf.yield %select_n3A : vector<16xf32>
    }
    %get3A_1452 = arith.constant 880 : index
    %get3A_1453 = tpu.vector_load %arg6[%get3A_1452] {strides = array<i32>} : memref<1024xf32, #tpu.memory_space<vmem>>, vector<16xf32>,
    %get3A_1454 = vector.shape_cast %get3A_1453 : vector<16xf32> to vector<16xf32>
    %sub3A_1455 = arith.subf %get3A_1454, %while3A_1451 : vector<16xf32>
    %exp3A_1456 = math.exp %sub3A_1455 : vector<16xf32>
    %swap3A_1457 = arith.constant 880 : index
    %swap3A_1458 = tpu.vector_load %arg9[%swap3A_1457] {strides = array<i32>} : memref<1024xf32, #tpu.memory_space<vmem>>, vector<16xf32>,
    %swap3A_1459 = vector.shape_cast %swap3A_1458 : vector<16xf32> to vector<16xf32>
    %swap3A_1460 = vector.shape_cast %exp3A_1456 : vector<16xf32> to vector<16xf32>
    tpu.vector_store %arg9[%swap3A_1457], %swap3A_1460 {strides = array<i32>} : memref<1024xf32, #tpu.memory_space<vmem>>, vector<16xf32>,
    %get3A_1461 = arith.constant 896 : index
    %get3A_1462 = tpu.vector_load %arg7[%get3A_1461] {strides = array<i32>} : memref<1024xi32, #tpu.memory_space<vmem>>, vector<16xi32>,
    %get3A_1463 = vector.shape_cast %get3A_1462 : vector<16xi32> to vector<16xi32>
    %add3A_1464 = arith.constant 1 : i32
    %add3A_1465 = arith.addi %squeeze3A_9, %add3A_1464 : i32
    %broadcast_in_dim3A_1466 = arith.constant 0.000000e+00 : f32
    %broadcast_in_dim3A_1467 = vector.broadcast %broadcast_in_dim3A_1466 : f32 to vector<16xf32>
    %while3A_1468 = arith.subi %add3A_1465, %squeeze3A : i32
    %while3A_1469 = arith.addi %squeeze3A, %while3A_1468 : i32
    %while3A_1470 = arith.constant 1 : i32
    %while3A_1471 = arith.divsi %while3A_1468, %while3A_1470 : i32
    %while3A_1472 = arith.muli %while3A_1471, %while3A_1470 : i32
    %while3A_1473 = arith.addi %squeeze3A, %while3A_1472 : i32
    %while3A_1474 = arith.constant 1 : i32
    %while3A_1475 = scf.for %while3A_1669 = %squeeze3A to %while3A_1473 step %while3A_1474 iter_args(%while3A_1670 = %broadcast_in_dim3A_1467) -> (vector<16xf32>)  : i32 {
      %eq3A = vector.broadcast %while3A_1669 : i32 to vector<16xi32>
      %eq3A_1671 = arith.cmpi eq, %get3A_1463, %eq3A : vector<16xi32>
      %get3A_1672 = arith.index_cast %while3A_1669 : i32 to index
      %get3A_1673 = tpu.vector_load %arg8[%get3A_1672] {strides = array<i32>} : memref<80xf32, #tpu.memory_space<vmem>>, vector<16xf32>,
      %get3A_1674 = vector.shape_cast %get3A_1673 : vector<16xf32> to vector<16xf32>
      %slice3A_1675 = vector.extract_strided_slice %get3A_1674 {offsets = [0], sizes = [1], strides = [1]} : vector<16xf32> to vector<1xf32>
      %squeeze3A_1676 = vector.extract %slice3A_1675[0] : f32 from vector<1xf32>
      %broadcast_in_dim3A_1677 = vector.broadcast %squeeze3A_1676 : f32 to vector<16xf32>
      %select_n3A = arith.select %eq3A_1671, %broadcast_in_dim3A_1677, %while3A_1670 : vector<16xi1>, vector<16xf32>
      scf.yield %select_n3A : vector<16xf32>
    }
    %while3A_1476 = arith.constant 1 : i32
    %while3A_1477 = scf.for %while3A_1669 = %while3A_1473 to %while3A_1469 step %while3A_1476 iter_args(%while3A_1670 = %while3A_1475) -> (vector<16xf32>)  : i32 {
      %eq3A = vector.broadcast %while3A_1669 : i32 to vector<16xi32>
      %eq3A_1671 = arith.cmpi eq, %get3A_1463, %eq3A : vector<16xi32>
      %get3A_1672 = arith.index_cast %while3A_1669 : i32 to index
      %get3A_1673 = tpu.vector_load %arg8[%get3A_1672] {strides = array<i32>} : memref<80xf32, #tpu.memory_space<vmem>>, vector<16xf32>,
      %get3A_1674 = vector.shape_cast %get3A_1673 : vector<16xf32> to vector<16xf32>
      %slice3A_1675 = vector.extract_strided_slice %get3A_1674 {offsets = [0], sizes = [1], strides = [1]} : vector<16xf32> to vector<1xf32>
      %squeeze3A_1676 = vector.extract %slice3A_1675[0] : f32 from vector<1xf32>
      %broadcast_in_dim3A_1677 = vector.broadcast %squeeze3A_1676 : f32 to vector<16xf32>
      %select_n3A = arith.select %eq3A_1671, %broadcast_in_dim3A_1677, %while3A_1670 : vector<16xi1>, vector<16xf32>
      scf.yield %select_n3A : vector<16xf32>
    }
    %get3A_1478 = arith.constant 896 : index
    %get3A_1479 = tpu.vector_load %arg6[%get3A_1478] {strides = array<i32>} : memref<1024xf32, #tpu.memory_space<vmem>>, vector<16xf32>,
    %get3A_1480 = vector.shape_cast %get3A_1479 : vector<16xf32> to vector<16xf32>
    %sub3A_1481 = arith.subf %get3A_1480, %while3A_1477 : vector<16xf32>
    %exp3A_1482 = math.exp %sub3A_1481 : vector<16xf32>
    %swap3A_1483 = arith.constant 896 : index
    %swap3A_1484 = tpu.vector_load %arg9[%swap3A_1483] {strides = array<i32>} : memref<1024xf32, #tpu.memory_space<vmem>>, vector<16xf32>,
    %swap3A_1485 = vector.shape_cast %swap3A_1484 : vector<16xf32> to vector<16xf32>
    %swap3A_1486 = vector.shape_cast %exp3A_1482 : vector<16xf32> to vector<16xf32>
    tpu.vector_store %arg9[%swap3A_1483], %swap3A_1486 {strides = array<i32>} : memref<1024xf32, #tpu.memory_space<vmem>>, vector<16xf32>,
    %get3A_1487 = arith.constant 912 : index
    %get3A_1488 = tpu.vector_load %arg7[%get3A_1487] {strides = array<i32>} : memref<1024xi32, #tpu.memory_space<vmem>>, vector<16xi32>,
    %get3A_1489 = vector.shape_cast %get3A_1488 : vector<16xi32> to vector<16xi32>
    %add3A_1490 = arith.constant 1 : i32
    %add3A_1491 = arith.addi %squeeze3A_9, %add3A_1490 : i32
    %broadcast_in_dim3A_1492 = arith.constant 0.000000e+00 : f32
    %broadcast_in_dim3A_1493 = vector.broadcast %broadcast_in_dim3A_1492 : f32 to vector<16xf32>
    %while3A_1494 = arith.subi %add3A_1491, %squeeze3A : i32
    %while3A_1495 = arith.addi %squeeze3A, %while3A_1494 : i32
    %while3A_1496 = arith.constant 1 : i32
    %while3A_1497 = arith.divsi %while3A_1494, %while3A_1496 : i32
    %while3A_1498 = arith.muli %while3A_1497, %while3A_1496 : i32
    %while3A_1499 = arith.addi %squeeze3A, %while3A_1498 : i32
    %while3A_1500 = arith.constant 1 : i32
    %while3A_1501 = scf.for %while3A_1669 = %squeeze3A to %while3A_1499 step %while3A_1500 iter_args(%while3A_1670 = %broadcast_in_dim3A_1493) -> (vector<16xf32>)  : i32 {
      %eq3A = vector.broadcast %while3A_1669 : i32 to vector<16xi32>
      %eq3A_1671 = arith.cmpi eq, %get3A_1489, %eq3A : vector<16xi32>
      %get3A_1672 = arith.index_cast %while3A_1669 : i32 to index
      %get3A_1673 = tpu.vector_load %arg8[%get3A_1672] {strides = array<i32>} : memref<80xf32, #tpu.memory_space<vmem>>, vector<16xf32>,
      %get3A_1674 = vector.shape_cast %get3A_1673 : vector<16xf32> to vector<16xf32>
      %slice3A_1675 = vector.extract_strided_slice %get3A_1674 {offsets = [0], sizes = [1], strides = [1]} : vector<16xf32> to vector<1xf32>
      %squeeze3A_1676 = vector.extract %slice3A_1675[0] : f32 from vector<1xf32>
      %broadcast_in_dim3A_1677 = vector.broadcast %squeeze3A_1676 : f32 to vector<16xf32>
      %select_n3A = arith.select %eq3A_1671, %broadcast_in_dim3A_1677, %while3A_1670 : vector<16xi1>, vector<16xf32>
      scf.yield %select_n3A : vector<16xf32>
    }
    %while3A_1502 = arith.constant 1 : i32
    %while3A_1503 = scf.for %while3A_1669 = %while3A_1499 to %while3A_1495 step %while3A_1502 iter_args(%while3A_1670 = %while3A_1501) -> (vector<16xf32>)  : i32 {
      %eq3A = vector.broadcast %while3A_1669 : i32 to vector<16xi32>
      %eq3A_1671 = arith.cmpi eq, %get3A_1489, %eq3A : vector<16xi32>
      %get3A_1672 = arith.index_cast %while3A_1669 : i32 to index
      %get3A_1673 = tpu.vector_load %arg8[%get3A_1672] {strides = array<i32>} : memref<80xf32, #tpu.memory_space<vmem>>, vector<16xf32>,
      %get3A_1674 = vector.shape_cast %get3A_1673 : vector<16xf32> to vector<16xf32>
      %slice3A_1675 = vector.extract_strided_slice %get3A_1674 {offsets = [0], sizes = [1], strides = [1]} : vector<16xf32> to vector<1xf32>
      %squeeze3A_1676 = vector.extract %slice3A_1675[0] : f32 from vector<1xf32>
      %broadcast_in_dim3A_1677 = vector.broadcast %squeeze3A_1676 : f32 to vector<16xf32>
      %select_n3A = arith.select %eq3A_1671, %broadcast_in_dim3A_1677, %while3A_1670 : vector<16xi1>, vector<16xf32>
      scf.yield %select_n3A : vector<16xf32>
    }
    %get3A_1504 = arith.constant 912 : index
    %get3A_1505 = tpu.vector_load %arg6[%get3A_1504] {strides = array<i32>} : memref<1024xf32, #tpu.memory_space<vmem>>, vector<16xf32>,
    %get3A_1506 = vector.shape_cast %get3A_1505 : vector<16xf32> to vector<16xf32>
    %sub3A_1507 = arith.subf %get3A_1506, %while3A_1503 : vector<16xf32>
    %exp3A_1508 = math.exp %sub3A_1507 : vector<16xf32>
    %swap3A_1509 = arith.constant 912 : index
    %swap3A_1510 = tpu.vector_load %arg9[%swap3A_1509] {strides = array<i32>} : memref<1024xf32, #tpu.memory_space<vmem>>, vector<16xf32>,
    %swap3A_1511 = vector.shape_cast %swap3A_1510 : vector<16xf32> to vector<16xf32>
    %swap3A_1512 = vector.shape_cast %exp3A_1508 : vector<16xf32> to vector<16xf32>
    tpu.vector_store %arg9[%swap3A_1509], %swap3A_1512 {strides = array<i32>} : memref<1024xf32, #tpu.memory_space<vmem>>, vector<16xf32>,
    %get3A_1513 = arith.constant 928 : index
    %get3A_1514 = tpu.vector_load %arg7[%get3A_1513] {strides = array<i32>} : memref<1024xi32, #tpu.memory_space<vmem>>, vector<16xi32>,
    %get3A_1515 = vector.shape_cast %get3A_1514 : vector<16xi32> to vector<16xi32>
    %add3A_1516 = arith.constant 1 : i32
    %add3A_1517 = arith.addi %squeeze3A_9, %add3A_1516 : i32
    %broadcast_in_dim3A_1518 = arith.constant 0.000000e+00 : f32
    %broadcast_in_dim3A_1519 = vector.broadcast %broadcast_in_dim3A_1518 : f32 to vector<16xf32>
    %while3A_1520 = arith.subi %add3A_1517, %squeeze3A : i32
    %while3A_1521 = arith.addi %squeeze3A, %while3A_1520 : i32
    %while3A_1522 = arith.constant 1 : i32
    %while3A_1523 = arith.divsi %while3A_1520, %while3A_1522 : i32
    %while3A_1524 = arith.muli %while3A_1523, %while3A_1522 : i32
    %while3A_1525 = arith.addi %squeeze3A, %while3A_1524 : i32
    %while3A_1526 = arith.constant 1 : i32
    %while3A_1527 = scf.for %while3A_1669 = %squeeze3A to %while3A_1525 step %while3A_1526 iter_args(%while3A_1670 = %broadcast_in_dim3A_1519) -> (vector<16xf32>)  : i32 {
      %eq3A = vector.broadcast %while3A_1669 : i32 to vector<16xi32>
      %eq3A_1671 = arith.cmpi eq, %get3A_1515, %eq3A : vector<16xi32>
      %get3A_1672 = arith.index_cast %while3A_1669 : i32 to index
      %get3A_1673 = tpu.vector_load %arg8[%get3A_1672] {strides = array<i32>} : memref<80xf32, #tpu.memory_space<vmem>>, vector<16xf32>,
      %get3A_1674 = vector.shape_cast %get3A_1673 : vector<16xf32> to vector<16xf32>
      %slice3A_1675 = vector.extract_strided_slice %get3A_1674 {offsets = [0], sizes = [1], strides = [1]} : vector<16xf32> to vector<1xf32>
      %squeeze3A_1676 = vector.extract %slice3A_1675[0] : f32 from vector<1xf32>
      %broadcast_in_dim3A_1677 = vector.broadcast %squeeze3A_1676 : f32 to vector<16xf32>
      %select_n3A = arith.select %eq3A_1671, %broadcast_in_dim3A_1677, %while3A_1670 : vector<16xi1>, vector<16xf32>
      scf.yield %select_n3A : vector<16xf32>
    }
    %while3A_1528 = arith.constant 1 : i32
    %while3A_1529 = scf.for %while3A_1669 = %while3A_1525 to %while3A_1521 step %while3A_1528 iter_args(%while3A_1670 = %while3A_1527) -> (vector<16xf32>)  : i32 {
      %eq3A = vector.broadcast %while3A_1669 : i32 to vector<16xi32>
      %eq3A_1671 = arith.cmpi eq, %get3A_1515, %eq3A : vector<16xi32>
      %get3A_1672 = arith.index_cast %while3A_1669 : i32 to index
      %get3A_1673 = tpu.vector_load %arg8[%get3A_1672] {strides = array<i32>} : memref<80xf32, #tpu.memory_space<vmem>>, vector<16xf32>,
      %get3A_1674 = vector.shape_cast %get3A_1673 : vector<16xf32> to vector<16xf32>
      %slice3A_1675 = vector.extract_strided_slice %get3A_1674 {offsets = [0], sizes = [1], strides = [1]} : vector<16xf32> to vector<1xf32>
      %squeeze3A_1676 = vector.extract %slice3A_1675[0] : f32 from vector<1xf32>
      %broadcast_in_dim3A_1677 = vector.broadcast %squeeze3A_1676 : f32 to vector<16xf32>
      %select_n3A = arith.select %eq3A_1671, %broadcast_in_dim3A_1677, %while3A_1670 : vector<16xi1>, vector<16xf32>
      scf.yield %select_n3A : vector<16xf32>
    }
    %get3A_1530 = arith.constant 928 : index
    %get3A_1531 = tpu.vector_load %arg6[%get3A_1530] {strides = array<i32>} : memref<1024xf32, #tpu.memory_space<vmem>>, vector<16xf32>,
    %get3A_1532 = vector.shape_cast %get3A_1531 : vector<16xf32> to vector<16xf32>
    %sub3A_1533 = arith.subf %get3A_1532, %while3A_1529 : vector<16xf32>
    %exp3A_1534 = math.exp %sub3A_1533 : vector<16xf32>
    %swap3A_1535 = arith.constant 928 : index
    %swap3A_1536 = tpu.vector_load %arg9[%swap3A_1535] {strides = array<i32>} : memref<1024xf32, #tpu.memory_space<vmem>>, vector<16xf32>,
    %swap3A_1537 = vector.shape_cast %swap3A_1536 : vector<16xf32> to vector<16xf32>
    %swap3A_1538 = vector.shape_cast %exp3A_1534 : vector<16xf32> to vector<16xf32>
    tpu.vector_store %arg9[%swap3A_1535], %swap3A_1538 {strides = array<i32>} : memref<1024xf32, #tpu.memory_space<vmem>>, vector<16xf32>,
    %get3A_1539 = arith.constant 944 : index
    %get3A_1540 = tpu.vector_load %arg7[%get3A_1539] {strides = array<i32>} : memref<1024xi32, #tpu.memory_space<vmem>>, vector<16xi32>,
    %get3A_1541 = vector.shape_cast %get3A_1540 : vector<16xi32> to vector<16xi32>
    %add3A_1542 = arith.constant 1 : i32
    %add3A_1543 = arith.addi %squeeze3A_9, %add3A_1542 : i32
    %broadcast_in_dim3A_1544 = arith.constant 0.000000e+00 : f32
    %broadcast_in_dim3A_1545 = vector.broadcast %broadcast_in_dim3A_1544 : f32 to vector<16xf32>
    %while3A_1546 = arith.subi %add3A_1543, %squeeze3A : i32
    %while3A_1547 = arith.addi %squeeze3A, %while3A_1546 : i32
    %while3A_1548 = arith.constant 1 : i32
    %while3A_1549 = arith.divsi %while3A_1546, %while3A_1548 : i32
    %while3A_1550 = arith.muli %while3A_1549, %while3A_1548 : i32
    %while3A_1551 = arith.addi %squeeze3A, %while3A_1550 : i32
    %while3A_1552 = arith.constant 1 : i32
    %while3A_1553 = scf.for %while3A_1669 = %squeeze3A to %while3A_1551 step %while3A_1552 iter_args(%while3A_1670 = %broadcast_in_dim3A_1545) -> (vector<16xf32>)  : i32 {
      %eq3A = vector.broadcast %while3A_1669 : i32 to vector<16xi32>
      %eq3A_1671 = arith.cmpi eq, %get3A_1541, %eq3A : vector<16xi32>
      %get3A_1672 = arith.index_cast %while3A_1669 : i32 to index
      %get3A_1673 = tpu.vector_load %arg8[%get3A_1672] {strides = array<i32>} : memref<80xf32, #tpu.memory_space<vmem>>, vector<16xf32>,
      %get3A_1674 = vector.shape_cast %get3A_1673 : vector<16xf32> to vector<16xf32>
      %slice3A_1675 = vector.extract_strided_slice %get3A_1674 {offsets = [0], sizes = [1], strides = [1]} : vector<16xf32> to vector<1xf32>
      %squeeze3A_1676 = vector.extract %slice3A_1675[0] : f32 from vector<1xf32>
      %broadcast_in_dim3A_1677 = vector.broadcast %squeeze3A_1676 : f32 to vector<16xf32>
      %select_n3A = arith.select %eq3A_1671, %broadcast_in_dim3A_1677, %while3A_1670 : vector<16xi1>, vector<16xf32>
      scf.yield %select_n3A : vector<16xf32>
    }
    %while3A_1554 = arith.constant 1 : i32
    %while3A_1555 = scf.for %while3A_1669 = %while3A_1551 to %while3A_1547 step %while3A_1554 iter_args(%while3A_1670 = %while3A_1553) -> (vector<16xf32>)  : i32 {
      %eq3A = vector.broadcast %while3A_1669 : i32 to vector<16xi32>
      %eq3A_1671 = arith.cmpi eq, %get3A_1541, %eq3A : vector<16xi32>
      %get3A_1672 = arith.index_cast %while3A_1669 : i32 to index
      %get3A_1673 = tpu.vector_load %arg8[%get3A_1672] {strides = array<i32>} : memref<80xf32, #tpu.memory_space<vmem>>, vector<16xf32>,
      %get3A_1674 = vector.shape_cast %get3A_1673 : vector<16xf32> to vector<16xf32>
      %slice3A_1675 = vector.extract_strided_slice %get3A_1674 {offsets = [0], sizes = [1], strides = [1]} : vector<16xf32> to vector<1xf32>
      %squeeze3A_1676 = vector.extract %slice3A_1675[0] : f32 from vector<1xf32>
      %broadcast_in_dim3A_1677 = vector.broadcast %squeeze3A_1676 : f32 to vector<16xf32>
      %select_n3A = arith.select %eq3A_1671, %broadcast_in_dim3A_1677, %while3A_1670 : vector<16xi1>, vector<16xf32>
      scf.yield %select_n3A : vector<16xf32>
    }
    %get3A_1556 = arith.constant 944 : index
    %get3A_1557 = tpu.vector_load %arg6[%get3A_1556] {strides = array<i32>} : memref<1024xf32, #tpu.memory_space<vmem>>, vector<16xf32>,
    %get3A_1558 = vector.shape_cast %get3A_1557 : vector<16xf32> to vector<16xf32>
    %sub3A_1559 = arith.subf %get3A_1558, %while3A_1555 : vector<16xf32>
    %exp3A_1560 = math.exp %sub3A_1559 : vector<16xf32>
    %swap3A_1561 = arith.constant 944 : index
    %swap3A_1562 = tpu.vector_load %arg9[%swap3A_1561] {strides = array<i32>} : memref<1024xf32, #tpu.memory_space<vmem>>, vector<16xf32>,
    %swap3A_1563 = vector.shape_cast %swap3A_1562 : vector<16xf32> to vector<16xf32>
    %swap3A_1564 = vector.shape_cast %exp3A_1560 : vector<16xf32> to vector<16xf32>
    tpu.vector_store %arg9[%swap3A_1561], %swap3A_1564 {strides = array<i32>} : memref<1024xf32, #tpu.memory_space<vmem>>, vector<16xf32>,
    %get3A_1565 = arith.constant 960 : index
    %get3A_1566 = tpu.vector_load %arg7[%get3A_1565] {strides = array<i32>} : memref<1024xi32, #tpu.memory_space<vmem>>, vector<16xi32>,
    %get3A_1567 = vector.shape_cast %get3A_1566 : vector<16xi32> to vector<16xi32>
    %add3A_1568 = arith.constant 1 : i32
    %add3A_1569 = arith.addi %squeeze3A_9, %add3A_1568 : i32
    %broadcast_in_dim3A_1570 = arith.constant 0.000000e+00 : f32
    %broadcast_in_dim3A_1571 = vector.broadcast %broadcast_in_dim3A_1570 : f32 to vector<16xf32>
    %while3A_1572 = arith.subi %add3A_1569, %squeeze3A : i32
    %while3A_1573 = arith.addi %squeeze3A, %while3A_1572 : i32
    %while3A_1574 = arith.constant 1 : i32
    %while3A_1575 = arith.divsi %while3A_1572, %while3A_1574 : i32
    %while3A_1576 = arith.muli %while3A_1575, %while3A_1574 : i32
    %while3A_1577 = arith.addi %squeeze3A, %while3A_1576 : i32
    %while3A_1578 = arith.constant 1 : i32
    %while3A_1579 = scf.for %while3A_1669 = %squeeze3A to %while3A_1577 step %while3A_1578 iter_args(%while3A_1670 = %broadcast_in_dim3A_1571) -> (vector<16xf32>)  : i32 {
      %eq3A = vector.broadcast %while3A_1669 : i32 to vector<16xi32>
      %eq3A_1671 = arith.cmpi eq, %get3A_1567, %eq3A : vector<16xi32>
      %get3A_1672 = arith.index_cast %while3A_1669 : i32 to index
      %get3A_1673 = tpu.vector_load %arg8[%get3A_1672] {strides = array<i32>} : memref<80xf32, #tpu.memory_space<vmem>>, vector<16xf32>,
      %get3A_1674 = vector.shape_cast %get3A_1673 : vector<16xf32> to vector<16xf32>
      %slice3A_1675 = vector.extract_strided_slice %get3A_1674 {offsets = [0], sizes = [1], strides = [1]} : vector<16xf32> to vector<1xf32>
      %squeeze3A_1676 = vector.extract %slice3A_1675[0] : f32 from vector<1xf32>
      %broadcast_in_dim3A_1677 = vector.broadcast %squeeze3A_1676 : f32 to vector<16xf32>
      %select_n3A = arith.select %eq3A_1671, %broadcast_in_dim3A_1677, %while3A_1670 : vector<16xi1>, vector<16xf32>
      scf.yield %select_n3A : vector<16xf32>
    }
    %while3A_1580 = arith.constant 1 : i32
    %while3A_1581 = scf.for %while3A_1669 = %while3A_1577 to %while3A_1573 step %while3A_1580 iter_args(%while3A_1670 = %while3A_1579) -> (vector<16xf32>)  : i32 {
      %eq3A = vector.broadcast %while3A_1669 : i32 to vector<16xi32>
      %eq3A_1671 = arith.cmpi eq, %get3A_1567, %eq3A : vector<16xi32>
      %get3A_1672 = arith.index_cast %while3A_1669 : i32 to index
      %get3A_1673 = tpu.vector_load %arg8[%get3A_1672] {strides = array<i32>} : memref<80xf32, #tpu.memory_space<vmem>>, vector<16xf32>,
      %get3A_1674 = vector.shape_cast %get3A_1673 : vector<16xf32> to vector<16xf32>
      %slice3A_1675 = vector.extract_strided_slice %get3A_1674 {offsets = [0], sizes = [1], strides = [1]} : vector<16xf32> to vector<1xf32>
      %squeeze3A_1676 = vector.extract %slice3A_1675[0] : f32 from vector<1xf32>
      %broadcast_in_dim3A_1677 = vector.broadcast %squeeze3A_1676 : f32 to vector<16xf32>
      %select_n3A = arith.select %eq3A_1671, %broadcast_in_dim3A_1677, %while3A_1670 : vector<16xi1>, vector<16xf32>
      scf.yield %select_n3A : vector<16xf32>
    }
    %get3A_1582 = arith.constant 960 : index
    %get3A_1583 = tpu.vector_load %arg6[%get3A_1582] {strides = array<i32>} : memref<1024xf32, #tpu.memory_space<vmem>>, vector<16xf32>,
    %get3A_1584 = vector.shape_cast %get3A_1583 : vector<16xf32> to vector<16xf32>
    %sub3A_1585 = arith.subf %get3A_1584, %while3A_1581 : vector<16xf32>
    %exp3A_1586 = math.exp %sub3A_1585 : vector<16xf32>
    %swap3A_1587 = arith.constant 960 : index
    %swap3A_1588 = tpu.vector_load %arg9[%swap3A_1587] {strides = array<i32>} : memref<1024xf32, #tpu.memory_space<vmem>>, vector<16xf32>,
    %swap3A_1589 = vector.shape_cast %swap3A_1588 : vector<16xf32> to vector<16xf32>
    %swap3A_1590 = vector.shape_cast %exp3A_1586 : vector<16xf32> to vector<16xf32>
    tpu.vector_store %arg9[%swap3A_1587], %swap3A_1590 {strides = array<i32>} : memref<1024xf32, #tpu.memory_space<vmem>>, vector<16xf32>,
    %get3A_1591 = arith.constant 976 : index
    %get3A_1592 = tpu.vector_load %arg7[%get3A_1591] {strides = array<i32>} : memref<1024xi32, #tpu.memory_space<vmem>>, vector<16xi32>,
    %get3A_1593 = vector.shape_cast %get3A_1592 : vector<16xi32> to vector<16xi32>
    %add3A_1594 = arith.constant 1 : i32
    %add3A_1595 = arith.addi %squeeze3A_9, %add3A_1594 : i32
    %broadcast_in_dim3A_1596 = arith.constant 0.000000e+00 : f32
    %broadcast_in_dim3A_1597 = vector.broadcast %broadcast_in_dim3A_1596 : f32 to vector<16xf32>
    %while3A_1598 = arith.subi %add3A_1595, %squeeze3A : i32
    %while3A_1599 = arith.addi %squeeze3A, %while3A_1598 : i32
    %while3A_1600 = arith.constant 1 : i32
    %while3A_1601 = arith.divsi %while3A_1598, %while3A_1600 : i32
    %while3A_1602 = arith.muli %while3A_1601, %while3A_1600 : i32
    %while3A_1603 = arith.addi %squeeze3A, %while3A_1602 : i32
    %while3A_1604 = arith.constant 1 : i32
    %while3A_1605 = scf.for %while3A_1669 = %squeeze3A to %while3A_1603 step %while3A_1604 iter_args(%while3A_1670 = %broadcast_in_dim3A_1597) -> (vector<16xf32>)  : i32 {
      %eq3A = vector.broadcast %while3A_1669 : i32 to vector<16xi32>
      %eq3A_1671 = arith.cmpi eq, %get3A_1593, %eq3A : vector<16xi32>
      %get3A_1672 = arith.index_cast %while3A_1669 : i32 to index
      %get3A_1673 = tpu.vector_load %arg8[%get3A_1672] {strides = array<i32>} : memref<80xf32, #tpu.memory_space<vmem>>, vector<16xf32>,
      %get3A_1674 = vector.shape_cast %get3A_1673 : vector<16xf32> to vector<16xf32>
      %slice3A_1675 = vector.extract_strided_slice %get3A_1674 {offsets = [0], sizes = [1], strides = [1]} : vector<16xf32> to vector<1xf32>
      %squeeze3A_1676 = vector.extract %slice3A_1675[0] : f32 from vector<1xf32>
      %broadcast_in_dim3A_1677 = vector.broadcast %squeeze3A_1676 : f32 to vector<16xf32>
      %select_n3A = arith.select %eq3A_1671, %broadcast_in_dim3A_1677, %while3A_1670 : vector<16xi1>, vector<16xf32>
      scf.yield %select_n3A : vector<16xf32>
    }
    %while3A_1606 = arith.constant 1 : i32
    %while3A_1607 = scf.for %while3A_1669 = %while3A_1603 to %while3A_1599 step %while3A_1606 iter_args(%while3A_1670 = %while3A_1605) -> (vector<16xf32>)  : i32 {
      %eq3A = vector.broadcast %while3A_1669 : i32 to vector<16xi32>
      %eq3A_1671 = arith.cmpi eq, %get3A_1593, %eq3A : vector<16xi32>
      %get3A_1672 = arith.index_cast %while3A_1669 : i32 to index
      %get3A_1673 = tpu.vector_load %arg8[%get3A_1672] {strides = array<i32>} : memref<80xf32, #tpu.memory_space<vmem>>, vector<16xf32>,
      %get3A_1674 = vector.shape_cast %get3A_1673 : vector<16xf32> to vector<16xf32>
      %slice3A_1675 = vector.extract_strided_slice %get3A_1674 {offsets = [0], sizes = [1], strides = [1]} : vector<16xf32> to vector<1xf32>
      %squeeze3A_1676 = vector.extract %slice3A_1675[0] : f32 from vector<1xf32>
      %broadcast_in_dim3A_1677 = vector.broadcast %squeeze3A_1676 : f32 to vector<16xf32>
      %select_n3A = arith.select %eq3A_1671, %broadcast_in_dim3A_1677, %while3A_1670 : vector<16xi1>, vector<16xf32>
      scf.yield %select_n3A : vector<16xf32>
    }
    %get3A_1608 = arith.constant 976 : index
    %get3A_1609 = tpu.vector_load %arg6[%get3A_1608] {strides = array<i32>} : memref<1024xf32, #tpu.memory_space<vmem>>, vector<16xf32>,
    %get3A_1610 = vector.shape_cast %get3A_1609 : vector<16xf32> to vector<16xf32>
    %sub3A_1611 = arith.subf %get3A_1610, %while3A_1607 : vector<16xf32>
    %exp3A_1612 = math.exp %sub3A_1611 : vector<16xf32>
    %swap3A_1613 = arith.constant 976 : index
    %swap3A_1614 = tpu.vector_load %arg9[%swap3A_1613] {strides = array<i32>} : memref<1024xf32, #tpu.memory_space<vmem>>, vector<16xf32>,
    %swap3A_1615 = vector.shape_cast %swap3A_1614 : vector<16xf32> to vector<16xf32>
    %swap3A_1616 = vector.shape_cast %exp3A_1612 : vector<16xf32> to vector<16xf32>
    tpu.vector_store %arg9[%swap3A_1613], %swap3A_1616 {strides = array<i32>} : memref<1024xf32, #tpu.memory_space<vmem>>, vector<16xf32>,
    %get3A_1617 = arith.constant 992 : index
    %get3A_1618 = tpu.vector_load %arg7[%get3A_1617] {strides = array<i32>} : memref<1024xi32, #tpu.memory_space<vmem>>, vector<16xi32>,
    %get3A_1619 = vector.shape_cast %get3A_1618 : vector<16xi32> to vector<16xi32>
    %add3A_1620 = arith.constant 1 : i32
    %add3A_1621 = arith.addi %squeeze3A_9, %add3A_1620 : i32
    %broadcast_in_dim3A_1622 = arith.constant 0.000000e+00 : f32
    %broadcast_in_dim3A_1623 = vector.broadcast %broadcast_in_dim3A_1622 : f32 to vector<16xf32>
    %while3A_1624 = arith.subi %add3A_1621, %squeeze3A : i32
    %while3A_1625 = arith.addi %squeeze3A, %while3A_1624 : i32
    %while3A_1626 = arith.constant 1 : i32
    %while3A_1627 = arith.divsi %while3A_1624, %while3A_1626 : i32
    %while3A_1628 = arith.muli %while3A_1627, %while3A_1626 : i32
    %while3A_1629 = arith.addi %squeeze3A, %while3A_1628 : i32
    %while3A_1630 = arith.constant 1 : i32
    %while3A_1631 = scf.for %while3A_1669 = %squeeze3A to %while3A_1629 step %while3A_1630 iter_args(%while3A_1670 = %broadcast_in_dim3A_1623) -> (vector<16xf32>)  : i32 {
      %eq3A = vector.broadcast %while3A_1669 : i32 to vector<16xi32>
      %eq3A_1671 = arith.cmpi eq, %get3A_1619, %eq3A : vector<16xi32>
      %get3A_1672 = arith.index_cast %while3A_1669 : i32 to index
      %get3A_1673 = tpu.vector_load %arg8[%get3A_1672] {strides = array<i32>} : memref<80xf32, #tpu.memory_space<vmem>>, vector<16xf32>,
      %get3A_1674 = vector.shape_cast %get3A_1673 : vector<16xf32> to vector<16xf32>
      %slice3A_1675 = vector.extract_strided_slice %get3A_1674 {offsets = [0], sizes = [1], strides = [1]} : vector<16xf32> to vector<1xf32>
      %squeeze3A_1676 = vector.extract %slice3A_1675[0] : f32 from vector<1xf32>
      %broadcast_in_dim3A_1677 = vector.broadcast %squeeze3A_1676 : f32 to vector<16xf32>
      %select_n3A = arith.select %eq3A_1671, %broadcast_in_dim3A_1677, %while3A_1670 : vector<16xi1>, vector<16xf32>
      scf.yield %select_n3A : vector<16xf32>
    }
    %while3A_1632 = arith.constant 1 : i32
    %while3A_1633 = scf.for %while3A_1669 = %while3A_1629 to %while3A_1625 step %while3A_1632 iter_args(%while3A_1670 = %while3A_1631) -> (vector<16xf32>)  : i32 {
      %eq3A = vector.broadcast %while3A_1669 : i32 to vector<16xi32>
      %eq3A_1671 = arith.cmpi eq, %get3A_1619, %eq3A : vector<16xi32>
      %get3A_1672 = arith.index_cast %while3A_1669 : i32 to index
      %get3A_1673 = tpu.vector_load %arg8[%get3A_1672] {strides = array<i32>} : memref<80xf32, #tpu.memory_space<vmem>>, vector<16xf32>,
      %get3A_1674 = vector.shape_cast %get3A_1673 : vector<16xf32> to vector<16xf32>
      %slice3A_1675 = vector.extract_strided_slice %get3A_1674 {offsets = [0], sizes = [1], strides = [1]} : vector<16xf32> to vector<1xf32>
      %squeeze3A_1676 = vector.extract %slice3A_1675[0] : f32 from vector<1xf32>
      %broadcast_in_dim3A_1677 = vector.broadcast %squeeze3A_1676 : f32 to vector<16xf32>
      %select_n3A = arith.select %eq3A_1671, %broadcast_in_dim3A_1677, %while3A_1670 : vector<16xi1>, vector<16xf32>
      scf.yield %select_n3A : vector<16xf32>
    }
    %get3A_1634 = arith.constant 992 : index
    %get3A_1635 = tpu.vector_load %arg6[%get3A_1634] {strides = array<i32>} : memref<1024xf32, #tpu.memory_space<vmem>>, vector<16xf32>,
    %get3A_1636 = vector.shape_cast %get3A_1635 : vector<16xf32> to vector<16xf32>
    %sub3A_1637 = arith.subf %get3A_1636, %while3A_1633 : vector<16xf32>
    %exp3A_1638 = math.exp %sub3A_1637 : vector<16xf32>
    %swap3A_1639 = arith.constant 992 : index
    %swap3A_1640 = tpu.vector_load %arg9[%swap3A_1639] {strides = array<i32>} : memref<1024xf32, #tpu.memory_space<vmem>>, vector<16xf32>,
    %swap3A_1641 = vector.shape_cast %swap3A_1640 : vector<16xf32> to vector<16xf32>
    %swap3A_1642 = vector.shape_cast %exp3A_1638 : vector<16xf32> to vector<16xf32>
    tpu.vector_store %arg9[%swap3A_1639], %swap3A_1642 {strides = array<i32>} : memref<1024xf32, #tpu.memory_space<vmem>>, vector<16xf32>,
    %get3A_1643 = arith.constant 1008 : index
    %get3A_1644 = tpu.vector_load %arg7[%get3A_1643] {strides = array<i32>} : memref<1024xi32, #tpu.memory_space<vmem>>, vector<16xi32>,
    %get3A_1645 = vector.shape_cast %get3A_1644 : vector<16xi32> to vector<16xi32>
    %add3A_1646 = arith.constant 1 : i32
    %add3A_1647 = arith.addi %squeeze3A_9, %add3A_1646 : i32
    %broadcast_in_dim3A_1648 = arith.constant 0.000000e+00 : f32
    %broadcast_in_dim3A_1649 = vector.broadcast %broadcast_in_dim3A_1648 : f32 to vector<16xf32>
    %while3A_1650 = arith.subi %add3A_1647, %squeeze3A : i32
    %while3A_1651 = arith.addi %squeeze3A, %while3A_1650 : i32
    %while3A_1652 = arith.constant 1 : i32
    %while3A_1653 = arith.divsi %while3A_1650, %while3A_1652 : i32
    %while3A_1654 = arith.muli %while3A_1653, %while3A_1652 : i32
    %while3A_1655 = arith.addi %squeeze3A, %while3A_1654 : i32
    %while3A_1656 = arith.constant 1 : i32
    %while3A_1657 = scf.for %while3A_1669 = %squeeze3A to %while3A_1655 step %while3A_1656 iter_args(%while3A_1670 = %broadcast_in_dim3A_1649) -> (vector<16xf32>)  : i32 {
      %eq3A = vector.broadcast %while3A_1669 : i32 to vector<16xi32>
      %eq3A_1671 = arith.cmpi eq, %get3A_1645, %eq3A : vector<16xi32>
      %get3A_1672 = arith.index_cast %while3A_1669 : i32 to index
      %get3A_1673 = tpu.vector_load %arg8[%get3A_1672] {strides = array<i32>} : memref<80xf32, #tpu.memory_space<vmem>>, vector<16xf32>,
      %get3A_1674 = vector.shape_cast %get3A_1673 : vector<16xf32> to vector<16xf32>
      %slice3A_1675 = vector.extract_strided_slice %get3A_1674 {offsets = [0], sizes = [1], strides = [1]} : vector<16xf32> to vector<1xf32>
      %squeeze3A_1676 = vector.extract %slice3A_1675[0] : f32 from vector<1xf32>
      %broadcast_in_dim3A_1677 = vector.broadcast %squeeze3A_1676 : f32 to vector<16xf32>
      %select_n3A = arith.select %eq3A_1671, %broadcast_in_dim3A_1677, %while3A_1670 : vector<16xi1>, vector<16xf32>
      scf.yield %select_n3A : vector<16xf32>
    }
    %while3A_1658 = arith.constant 1 : i32
    %while3A_1659 = scf.for %while3A_1669 = %while3A_1655 to %while3A_1651 step %while3A_1658 iter_args(%while3A_1670 = %while3A_1657) -> (vector<16xf32>)  : i32 {
      %eq3A = vector.broadcast %while3A_1669 : i32 to vector<16xi32>
      %eq3A_1671 = arith.cmpi eq, %get3A_1645, %eq3A : vector<16xi32>
      %get3A_1672 = arith.index_cast %while3A_1669 : i32 to index
      %get3A_1673 = tpu.vector_load %arg8[%get3A_1672] {strides = array<i32>} : memref<80xf32, #tpu.memory_space<vmem>>, vector<16xf32>,
      %get3A_1674 = vector.shape_cast %get3A_1673 : vector<16xf32> to vector<16xf32>
      %slice3A_1675 = vector.extract_strided_slice %get3A_1674 {offsets = [0], sizes = [1], strides = [1]} : vector<16xf32> to vector<1xf32>
      %squeeze3A_1676 = vector.extract %slice3A_1675[0] : f32 from vector<1xf32>
      %broadcast_in_dim3A_1677 = vector.broadcast %squeeze3A_1676 : f32 to vector<16xf32>
      %select_n3A = arith.select %eq3A_1671, %broadcast_in_dim3A_1677, %while3A_1670 : vector<16xi1>, vector<16xf32>
      scf.yield %select_n3A : vector<16xf32>
    }
    %get3A_1660 = arith.constant 1008 : index
    %get3A_1661 = tpu.vector_load %arg6[%get3A_1660] {strides = array<i32>} : memref<1024xf32, #tpu.memory_space<vmem>>, vector<16xf32>,
    %get3A_1662 = vector.shape_cast %get3A_1661 : vector<16xf32> to vector<16xf32>
    %sub3A_1663 = arith.subf %get3A_1662, %while3A_1659 : vector<16xf32>
    %exp3A_1664 = math.exp %sub3A_1663 : vector<16xf32>
    %swap3A_1665 = arith.constant 1008 : index
    %swap3A_1666 = tpu.vector_load %arg9[%swap3A_1665] {strides = array<i32>} : memref<1024xf32, #tpu.memory_space<vmem>>, vector<16xf32>,
    %swap3A_1667 = vector.shape_cast %swap3A_1666 : vector<16xf32> to vector<16xf32>
    %swap3A_1668 = vector.shape_cast %exp3A_1664 : vector<16xf32> to vector<16xf32>
    tpu.vector_store %arg9[%swap3A_1665], %swap3A_1668 {strides = array<i32>} : memref<1024xf32, #tpu.memory_space<vmem>>, vector<16xf32>,
    "tpu.region"() ({
      %run_scoped3A = tpu.sem_alloc : memref<!tpu.dma_semaphore, #tpu.memory_space<semaphore_mem>>
      %dma_start3A = tpu.memref_slice %arg5[%mul3A_2] : memref<32768xf32, #tpu.memory_space<hbm>> -> memref<1024xf32, #tpu.memory_space<hbm>>
      %dma_start3A_1669 = tpu.memref_slice %arg5[%mul3A_2] : memref<32768xf32, #tpu.memory_space<hbm>> -> memref<1024xf32, #tpu.memory_space<hbm>>
      tpu.enqueue_dma source(%arg9 : memref<1024xf32, #tpu.memory_space<vmem>>) target(%dma_start3A_1669 : memref<1024xf32, #tpu.memory_space<hbm>>) target_semaphore(%run_scoped3A : memref<!tpu.dma_semaphore, #tpu.memory_space<semaphore_mem>>)
      %dma_wait3A = tpu.memref_slice %arg5[%mul3A_2] : memref<32768xf32, #tpu.memory_space<hbm>> -> memref<1024xf32, #tpu.memory_space<hbm>>
      %dma_wait3A_1670 = tpu.memref_slice %arg5[%mul3A_2] : memref<32768xf32, #tpu.memory_space<hbm>> -> memref<1024xf32, #tpu.memory_space<hbm>>
      tpu.wait_dma2 semaphore(%run_scoped3A : memref<!tpu.dma_semaphore, #tpu.memory_space<semaphore_mem>>) src(%arg9 : memref<1024xf32, #tpu.memory_space<vmem>>) dst(%dma_wait3A_1670 : memref<1024xf32, #tpu.memory_space<hbm>>)
      tpu.yield
    }) : () -> ()
    return
  }
}

module attributes {stable_mosaic.version = 14 : i64} {
  func.func @_qhead_kernel(%arg0: memref<64x1024xf32, #tpu.memory_space<vmem>>, %arg1: memref<1024x1024xf32, #tpu.memory_space<vmem>>, %arg2: memref<1x1024xf32, #tpu.memory_space<vmem>>, %arg3: memref<1024x1024xf32, #tpu.memory_space<vmem>>, %arg4: memref<1x1024xf32, #tpu.memory_space<vmem>>, %arg5: memref<1024x1024xf32, #tpu.memory_space<vmem>>, %arg6: memref<1x1024xf32, #tpu.memory_space<vmem>>, %arg7: memref<512x1024xf32, #tpu.memory_space<vmem>>, %arg8: memref<1x512xf32, #tpu.memory_space<vmem>>, %arg9: memref<512x1024xf32, #tpu.memory_space<vmem>>, %arg10: memref<64x512xf32, #tpu.memory_space<vmem>>) attributes {dimension_semantics = [], scalar_prefetch = 0 : i64, scratch_operands = 0 : i64, tpu.core_type = #tpu.core_type<tc>} {
    %get3A = arith.constant 0 : index
    %get3A_0 = arith.constant 0 : index
    %get3A_1 = vector.load %arg0[%get3A, %get3A_0] : memref<64x1024xf32, #tpu.memory_space<vmem>>, vector<64x1024xf32>
    %get3A_2 = arith.constant 0 : index
    %get3A_3 = arith.constant 0 : index
    %get3A_4 = vector.load %arg1[%get3A_2, %get3A_3] : memref<1024x1024xf32, #tpu.memory_space<vmem>>, vector<1024x1024xf32>
    %dot_general3A = arith.constant dense<0.000000e+00> : vector<64x1024xf32>
    %dot_general3A_5 = tpu.matmul %get3A_1, %get3A_4, %dot_general3A {dimension_numbers = #tpu.dot_dimension_numbers<[1], [1], [0], [0], [0, 0, 1, 0], [], []>, transpose_lhs_hint = false} : vector<64x1024xf32>, vector<1024x1024xf32>, vector<64x1024xf32> -> vector<64x1024xf32>
    %get3A_6 = arith.constant 0 : index
    %get3A_7 = arith.constant 0 : index
    %get3A_8 = vector.load %arg2[%get3A_6, %get3A_7] : memref<1x1024xf32, #tpu.memory_space<vmem>>, vector<1x1024xf32>
    %add3A = vector.broadcast %get3A_8 : vector<1x1024xf32> to vector<64x1024xf32>
    %add3A_9 = arith.addf %dot_general3A_5, %add3A : vector<64x1024xf32>
    %max3A = arith.constant 0.000000e+00 : f32
    %max3A_10 = vector.broadcast %max3A : f32 to vector<64x1024xf32>
    %max3A_11 = arith.maximumf %add3A_9, %max3A_10 : vector<64x1024xf32>
    %get3A_12 = arith.constant 0 : index
    %get3A_13 = arith.constant 0 : index
    %get3A_14 = vector.load %arg3[%get3A_12, %get3A_13] : memref<1024x1024xf32, #tpu.memory_space<vmem>>, vector<1024x1024xf32>
    %dot_general3A_15 = arith.constant dense<0.000000e+00> : vector<64x1024xf32>
    %dot_general3A_16 = tpu.matmul %max3A_11, %get3A_14, %dot_general3A_15 {dimension_numbers = #tpu.dot_dimension_numbers<[1], [1], [0], [0], [0, 0, 1, 0], [], []>, transpose_lhs_hint = false} : vector<64x1024xf32>, vector<1024x1024xf32>, vector<64x1024xf32> -> vector<64x1024xf32>
    %get3A_17 = arith.constant 0 : index
    %get3A_18 = arith.constant 0 : index
    %get3A_19 = vector.load %arg4[%get3A_17, %get3A_18] : memref<1x1024xf32, #tpu.memory_space<vmem>>, vector<1x1024xf32>
    %add3A_20 = vector.broadcast %get3A_19 : vector<1x1024xf32> to vector<64x1024xf32>
    %add3A_21 = arith.addf %dot_general3A_16, %add3A_20 : vector<64x1024xf32>
    %max3A_22 = arith.constant 0.000000e+00 : f32
    %max3A_23 = vector.broadcast %max3A_22 : f32 to vector<64x1024xf32>
    %max3A_24 = arith.maximumf %add3A_21, %max3A_23 : vector<64x1024xf32>
    %get3A_25 = arith.constant 0 : index
    %get3A_26 = arith.constant 0 : index
    %get3A_27 = vector.load %arg5[%get3A_25, %get3A_26] : memref<1024x1024xf32, #tpu.memory_space<vmem>>, vector<1024x1024xf32>
    %dot_general3A_28 = arith.constant dense<0.000000e+00> : vector<64x1024xf32>
    %dot_general3A_29 = tpu.matmul %max3A_24, %get3A_27, %dot_general3A_28 {dimension_numbers = #tpu.dot_dimension_numbers<[1], [1], [0], [0], [0, 0, 1, 0], [], []>, transpose_lhs_hint = false} : vector<64x1024xf32>, vector<1024x1024xf32>, vector<64x1024xf32> -> vector<64x1024xf32>
    %get3A_30 = arith.constant 0 : index
    %get3A_31 = arith.constant 0 : index
    %get3A_32 = vector.load %arg6[%get3A_30, %get3A_31] : memref<1x1024xf32, #tpu.memory_space<vmem>>, vector<1x1024xf32>
    %add3A_33 = vector.broadcast %get3A_32 : vector<1x1024xf32> to vector<64x1024xf32>
    %add3A_34 = arith.addf %dot_general3A_29, %add3A_33 : vector<64x1024xf32>
    %max3A_35 = arith.constant 0.000000e+00 : f32
    %max3A_36 = vector.broadcast %max3A_35 : f32 to vector<64x1024xf32>
    %max3A_37 = arith.maximumf %add3A_34, %max3A_36 : vector<64x1024xf32>
    %get3A_38 = arith.constant 0 : index
    %get3A_39 = arith.constant 0 : index
    %get3A_40 = vector.load %arg7[%get3A_38, %get3A_39] : memref<512x1024xf32, #tpu.memory_space<vmem>>, vector<512x1024xf32>
    %dot_general3A_41 = arith.constant dense<0.000000e+00> : vector<64x512xf32>
    %dot_general3A_42 = tpu.matmul %max3A_37, %get3A_40, %dot_general3A_41 {dimension_numbers = #tpu.dot_dimension_numbers<[1], [1], [0], [0], [0, 0, 1, 0], [], []>, transpose_lhs_hint = false} : vector<64x1024xf32>, vector<512x1024xf32>, vector<64x512xf32> -> vector<64x512xf32>
    %get3A_43 = arith.constant 0 : index
    %get3A_44 = arith.constant 0 : index
    %get3A_45 = vector.load %arg8[%get3A_43, %get3A_44] : memref<1x512xf32, #tpu.memory_space<vmem>>, vector<1x512xf32>
    %add3A_46 = vector.broadcast %get3A_45 : vector<1x512xf32> to vector<64x512xf32>
    %add3A_47 = arith.addf %dot_general3A_42, %add3A_46 : vector<64x512xf32>
    %max3A_48 = arith.constant 0.000000e+00 : f32
    %max3A_49 = vector.broadcast %max3A_48 : f32 to vector<64x512xf32>
    %max3A_50 = arith.maximumf %add3A_47, %max3A_49 : vector<64x512xf32>
    %get3A_51 = arith.constant 0 : index
    %get3A_52 = arith.constant 0 : index
    %get3A_53 = vector.load %arg9[%get3A_51, %get3A_52] : memref<512x1024xf32, #tpu.memory_space<vmem>>, vector<512x512xf32>
    %dot_general3A_54 = arith.constant dense<0.000000e+00> : vector<64x512xf32>
    %dot_general3A_55 = tpu.matmul %max3A_50, %get3A_53, %dot_general3A_54 {dimension_numbers = #tpu.dot_dimension_numbers<[1], [1], [0], [0], [0, 0, 1, 0], [], []>, transpose_lhs_hint = false} : vector<64x512xf32>, vector<512x512xf32>, vector<64x512xf32> -> vector<64x512xf32>
    %swap3A = arith.constant 0 : index
    %swap3A_56 = arith.constant 0 : index
    %swap3A_57 = vector.load %arg10[%swap3A, %swap3A_56] : memref<64x512xf32, #tpu.memory_space<vmem>>, vector<64x512xf32>
    tpu.vector_store %arg10[%swap3A, %swap3A_56], %dot_general3A_55 {strides = array<i32>} : memref<64x512xf32, #tpu.memory_space<vmem>>, vector<64x512xf32>,
    return
  }
}

module attributes {stable_mosaic.version = 14 : i64} {
  func.func @_kmain_kernel(%arg0: i32, %arg1: memref<512x1024xf32, #tpu.memory_space<vmem>>, %arg2: memref<1x1x512xi32, #tpu.memory_space<vmem>>, %arg3: memref<1x1x512xi32, #tpu.memory_space<vmem>>, %arg4: memref<1024x1024xf32, #tpu.memory_space<vmem>>, %arg5: memref<1x1024xf32, #tpu.memory_space<vmem>>, %arg6: memref<1024x1024xf32, #tpu.memory_space<vmem>>, %arg7: memref<1x1024xf32, #tpu.memory_space<vmem>>, %arg8: memref<1024x1024xf32, #tpu.memory_space<vmem>>, %arg9: memref<1x1024xf32, #tpu.memory_space<vmem>>, %arg10: memref<512x1024xf32, #tpu.memory_space<vmem>>, %arg11: memref<1x512xf32, #tpu.memory_space<vmem>>, %arg12: memref<512x512xf32, #tpu.memory_space<vmem>>, %arg13: memref<1x512xf32, #tpu.memory_space<vmem>>, %arg14: memref<1x512xf32, #tpu.memory_space<vmem>>, %arg15: memref<1x1xf32, #tpu.memory_space<vmem>>, %arg16: memref<64x512xf32, #tpu.memory_space<vmem>>, %arg17: memref<1x1x512xf32, #tpu.memory_space<vmem>>, %arg18: memref<1x64xf32, #tpu.memory_space<vmem>>, %arg19: memref<1x64xf32, #tpu.memory_space<vmem>>, %arg20: memref<1x512xf32, #tpu.memory_space<vmem>>, %arg21: memref<1x64xf32, #tpu.memory_space<vmem>>, %arg22: memref<1x64xf32, #tpu.memory_space<vmem>>) attributes {dimension_semantics = [#tpu.dimension_semantics<arbitrary>], iteration_bounds = array<i64: 65>, scalar_prefetch = 0 : i64, scratch_operands = 3 : i64, tpu.core_type = #tpu.core_type<tc>, window_params = [{transform_indices = @transform_0, window_bounds = array<i64: 512, 1024>}, {transform_indices = @transform_1, window_bounds = array<i64: 1, 1, 512>}, {transform_indices = @transform_2, window_bounds = array<i64: 1, 1, 512>}, {pipeline_mode = #tpu.pipeline_mode<synchronous>, transform_indices = @transform_3, window_bounds = array<i64: 1024, 1024>}, {pipeline_mode = #tpu.pipeline_mode<synchronous>, transform_indices = @transform_4, window_bounds = array<i64: 1, 1024>}, {pipeline_mode = #tpu.pipeline_mode<synchronous>, transform_indices = @transform_5, window_bounds = array<i64: 1024, 1024>}, {pipeline_mode = #tpu.pipeline_mode<synchronous>, transform_indices = @transform_6, window_bounds = array<i64: 1, 1024>}, {pipeline_mode = #tpu.pipeline_mode<synchronous>, transform_indices = @transform_7, window_bounds = array<i64: 1024, 1024>}, {pipeline_mode = #tpu.pipeline_mode<synchronous>, transform_indices = @transform_8, window_bounds = array<i64: 1, 1024>}, {pipeline_mode = #tpu.pipeline_mode<synchronous>, transform_indices = @transform_9, window_bounds = array<i64: 512, 1024>}, {pipeline_mode = #tpu.pipeline_mode<synchronous>, transform_indices = @transform_10, window_bounds = array<i64: 1, 512>}, {transform_indices = @transform_11, window_bounds = array<i64: 512, 512>}, {pipeline_mode = #tpu.pipeline_mode<synchronous>, transform_indices = @transform_12, window_bounds = array<i64: 1, 512>}, {pipeline_mode = #tpu.pipeline_mode<synchronous>, transform_indices = @transform_13, window_bounds = array<i64: 1, 512>}, {pipeline_mode = #tpu.pipeline_mode<synchronous>, transform_indices = @transform_14, window_bounds = array<i64: 1, 1>}, {pipeline_mode = #tpu.pipeline_mode<synchronous>, transform_indices = @transform_15, window_bounds = array<i64: 64, 512>}, {transform_indices = @transform_16, window_bounds = array<i64: 1, 1, 512>}, {pipeline_mode = #tpu.pipeline_mode<synchronous>, transform_indices = @transform_17, window_bounds = array<i64: 1, 64>}, {pipeline_mode = #tpu.pipeline_mode<synchronous>, transform_indices = @transform_18, window_bounds = array<i64: 1, 64>}]} {
    %iota3A = tpu.iota {dimensions = array<i32: 1>} : vector<512x64xi32>
    %gt3A = arith.constant 0 : i32
    %gt3A_0 = arith.cmpi sgt, %arg0, %gt3A : i32
    %get3A = arith.constant 0 : index
    %get3A_1 = arith.constant 0 : index
    %get3A_2 = vector.load %arg20[%get3A, %get3A_1] : memref<1x512xf32, #tpu.memory_space<vmem>>, vector<1x512xf32>
    %get3A_3 = vector.shape_cast %get3A_2 : vector<1x512xf32> to vector<512xf32>
    %get3A_4 = arith.constant 0 : index
    %get3A_5 = arith.constant 0 : index
    %get3A_6 = arith.constant 0 : index
    %get3A_7 = vector.load %arg3[%get3A_4, %get3A_5, %get3A_6] : memref<1x1x512xi32, #tpu.memory_space<vmem>>, vector<1x1x512xi32>
    %get3A_8 = vector.shape_cast %get3A_7 : vector<1x1x512xi32> to vector<512xi32>
    %broadcast_in_dim3A = vector.shape_cast %get3A_8 : vector<512xi32> to vector<512x1xi32>
    %eq3A = vector.broadcast %broadcast_in_dim3A : vector<512x1xi32> to vector<512x64xi32>
    %eq3A_9 = arith.cmpi eq, %eq3A, %iota3A : vector<512x64xi32>
    %broadcast_in_dim3A_10 = vector.shape_cast %get3A_3 : vector<512xf32> to vector<512x1xf32>
    %jit3A = arith.constant 0xFF800000 : f32
    %broadcast_in_dim3A_11 = vector.shape_cast %broadcast_in_dim3A_10 : vector<512x1xf32> to vector<512x1xf32>
    %broadcast_in_dim3A_12 = vector.broadcast %broadcast_in_dim3A_11 : vector<512x1xf32> to vector<512x64xf32>
    %broadcast_in_dim3A_13 = vector.broadcast %jit3A : f32 to vector<512x64xf32>
    %select_n3A = arith.select %eq3A_9, %broadcast_in_dim3A_12, %broadcast_in_dim3A_13 : vector<512x64xi1>, vector<512x64xf32>
    %reduce_max3A = arith.constant dense<0xFF800000> : vector<64xf32>
    %reduce_max3A_14 = vector.multi_reduction <maximumf>, %select_n3A, %reduce_max3A [0] : vector<512x64xf32> to vector<64xf32>
    %jit3A_15 = arith.constant 0xFF800000 : f32
    %broadcast_in_dim3A_16 = vector.broadcast %jit3A_15 : f32 to vector<64xf32>
    %select_n3A_17 = arith.select %gt3A_0, %reduce_max3A_14, %broadcast_in_dim3A_16 : vector<64xf32>
    %convert_element_type3A = arith.extui %eq3A_9 : vector<512x64xi1> to vector<512x64xi32>
    %convert_element_type3A_18 = arith.sitofp %convert_element_type3A : vector<512x64xi32> to vector<512x64xf32>
    %reduce_sum3A = arith.constant dense<0.000000e+00> : vector<64xf32>
    %reduce_sum3A_19 = vector.multi_reduction <add>, %convert_element_type3A_18, %reduce_sum3A [0] : vector<512x64xf32> to vector<64xf32>
    %jit3A_20 = arith.constant 0.000000e+00 : f32
    %broadcast_in_dim3A_21 = vector.broadcast %jit3A_20 : f32 to vector<64xf32>
    %select_n3A_22 = arith.select %gt3A_0, %reduce_sum3A_19, %broadcast_in_dim3A_21 : vector<64xf32>
    %le3A = arith.constant 1 : i32
    %le3A_23 = arith.cmpi sle, %arg0, %le3A : i32
    %get3A_24 = arith.constant 0 : index
    %get3A_25 = arith.constant 0 : index
    %get3A_26 = vector.load %arg21[%get3A_24, %get3A_25] : memref<1x64xf32, #tpu.memory_space<vmem>>, vector<1x64xf32>
    %get3A_27 = vector.shape_cast %get3A_26 : vector<1x64xf32> to vector<64xf32>
    %jit3A_28 = arith.constant 0xFF800000 : f32
    %broadcast_in_dim3A_29 = vector.broadcast %jit3A_28 : f32 to vector<64xf32>
    %select_n3A_30 = arith.select %le3A_23, %broadcast_in_dim3A_29, %get3A_27 : vector<64xf32>
    %le3A_31 = arith.constant 1 : i32
    %le3A_32 = arith.cmpi sle, %arg0, %le3A_31 : i32
    %get3A_33 = arith.constant 0 : index
    %get3A_34 = arith.constant 0 : index
    %get3A_35 = vector.load %arg22[%get3A_33, %get3A_34] : memref<1x64xf32, #tpu.memory_space<vmem>>, vector<1x64xf32>
    %get3A_36 = vector.shape_cast %get3A_35 : vector<1x64xf32> to vector<64xf32>
    %jit3A_37 = arith.constant 0.000000e+00 : f32
    %broadcast_in_dim3A_38 = vector.broadcast %jit3A_37 : f32 to vector<64xf32>
    %select_n3A_39 = arith.select %le3A_32, %broadcast_in_dim3A_38, %get3A_36 : vector<64xf32>
    %le3A_40 = arith.constant 1 : i32
    %le3A_41 = arith.cmpi sle, %arg0, %le3A_40 : i32
    %get3A_42 = arith.constant 0 : index
    %get3A_43 = arith.constant 0 : index
    %get3A_44 = vector.load %arg19[%get3A_42, %get3A_43] : memref<1x64xf32, #tpu.memory_space<vmem>>, vector<1x64xf32>
    %get3A_45 = vector.shape_cast %get3A_44 : vector<1x64xf32> to vector<64xf32>
    %jit3A_46 = arith.constant 0.000000e+00 : f32
    %broadcast_in_dim3A_47 = vector.broadcast %jit3A_46 : f32 to vector<64xf32>
    %select_n3A_48 = arith.select %le3A_41, %broadcast_in_dim3A_47, %get3A_45 : vector<64xf32>
    %max3A = arith.maximumf %select_n3A_30, %select_n3A_17 : vector<64xf32>
    %eq3A_49 = arith.constant 0xFF800000 : f32
    %eq3A_50 = vector.broadcast %eq3A_49 : f32 to vector<64xf32>
    %eq3A_51 = arith.cmpf oeq, %select_n3A_30, %eq3A_50 : vector<64xf32>
    %sub3A = arith.subf %select_n3A_30, %max3A : vector<64xf32>
    %exp3A = math.exp %sub3A : vector<64xf32>
    %jit3A_52 = arith.constant 0.000000e+00 : f32
    %broadcast_in_dim3A_53 = vector.broadcast %jit3A_52 : f32 to vector<64xf32>
    %select_n3A_54 = arith.select %eq3A_51, %broadcast_in_dim3A_53, %exp3A : vector<64xi1>, vector<64xf32>
    %and3A = vector.broadcast %gt3A_0 : i1 to vector<512x64xi1>
    %and3A_55 = arith.andi %and3A, %eq3A_9 : vector<512x64xi1>
    %broadcast_in_dim3A_56 = vector.shape_cast %get3A_3 : vector<512xf32> to vector<512x1xf32>
    %broadcast_in_dim3A_57 = vector.shape_cast %max3A : vector<64xf32> to vector<1x64xf32>
    %sub3A_58 = vector.broadcast %broadcast_in_dim3A_56 : vector<512x1xf32> to vector<512x64xf32>
    %sub3A_59 = vector.broadcast %broadcast_in_dim3A_57 : vector<1x64xf32> to vector<512x64xf32>
    %sub3A_60 = arith.subf %sub3A_58, %sub3A_59 : vector<512x64xf32>
    %exp3A_61 = math.exp %sub3A_60 : vector<512x64xf32>
    %jit3A_62 = arith.constant 0.000000e+00 : f32
    %broadcast_in_dim3A_63 = vector.broadcast %jit3A_62 : f32 to vector<512x64xf32>
    %select_n3A_64 = arith.select %and3A_55, %exp3A_61, %broadcast_in_dim3A_63 : vector<512x64xi1>, vector<512x64xf32>
    %reduce_sum3A_65 = arith.constant dense<0.000000e+00> : vector<64xf32>
    %reduce_sum3A_66 = vector.multi_reduction <add>, %select_n3A_64, %reduce_sum3A_65 [0] : vector<512x64xf32> to vector<64xf32>
    %mul3A = arith.mulf %select_n3A_39, %select_n3A_54 : vector<64xf32>
    %add3A = arith.addf %mul3A, %reduce_sum3A_66 : vector<64xf32>
    %swap3A = arith.constant 0 : index
    %swap3A_67 = arith.constant 0 : index
    %swap3A_68 = vector.load %arg21[%swap3A, %swap3A_67] : memref<1x64xf32, #tpu.memory_space<vmem>>, vector<1x64xf32>
    %swap3A_69 = vector.shape_cast %swap3A_68 : vector<1x64xf32> to vector<64xf32>
    %swap3A_70 = vector.shape_cast %max3A : vector<64xf32> to vector<1x64xf32>
    tpu.vector_store %arg21[%swap3A, %swap3A_67], %swap3A_70 {strides = array<i32>} : memref<1x64xf32, #tpu.memory_space<vmem>>, vector<1x64xf32>,
    %swap3A_71 = arith.constant 0 : index
    %swap3A_72 = arith.constant 0 : index
    %swap3A_73 = vector.load %arg22[%swap3A_71, %swap3A_72] : memref<1x64xf32, #tpu.memory_space<vmem>>, vector<1x64xf32>
    %swap3A_74 = vector.shape_cast %swap3A_73 : vector<1x64xf32> to vector<64xf32>
    %swap3A_75 = vector.shape_cast %add3A : vector<64xf32> to vector<1x64xf32>
    tpu.vector_store %arg22[%swap3A_71, %swap3A_72], %swap3A_75 {strides = array<i32>} : memref<1x64xf32, #tpu.memory_space<vmem>>, vector<1x64xf32>,
    %add3A_76 = arith.addf %select_n3A_48, %select_n3A_22 : vector<64xf32>
    %swap3A_77 = arith.constant 0 : index
    %swap3A_78 = arith.constant 0 : index
    %swap3A_79 = vector.load %arg19[%swap3A_77, %swap3A_78] : memref<1x64xf32, #tpu.memory_space<vmem>>, vector<1x64xf32>
    %swap3A_80 = vector.shape_cast %swap3A_79 : vector<1x64xf32> to vector<64xf32>
    %swap3A_81 = vector.shape_cast %add3A_76 : vector<64xf32> to vector<1x64xf32>
    tpu.vector_store %arg19[%swap3A_77, %swap3A_78], %swap3A_81 {strides = array<i32>} : memref<1x64xf32, #tpu.memory_space<vmem>>, vector<1x64xf32>,
    %log3A = math.log %add3A : vector<64xf32>
    %add3A_82 = arith.addf %max3A, %log3A : vector<64xf32>
    %swap3A_83 = arith.constant 0 : index
    %swap3A_84 = arith.constant 0 : index
    %swap3A_85 = vector.load %arg18[%swap3A_83, %swap3A_84] : memref<1x64xf32, #tpu.memory_space<vmem>>, vector<1x64xf32>
    %swap3A_86 = vector.shape_cast %swap3A_85 : vector<1x64xf32> to vector<64xf32>
    %swap3A_87 = vector.shape_cast %add3A_82 : vector<64xf32> to vector<1x64xf32>
    tpu.vector_store %arg18[%swap3A_83, %swap3A_84], %swap3A_87 {strides = array<i32>} : memref<1x64xf32, #tpu.memory_space<vmem>>, vector<1x64xf32>,
    %get3A_88 = arith.constant 0 : index
    %get3A_89 = arith.constant 0 : index
    %get3A_90 = vector.load %arg1[%get3A_88, %get3A_89] : memref<512x1024xf32, #tpu.memory_space<vmem>>, vector<512x1024xf32>
    %get3A_91 = arith.constant 0 : index
    %get3A_92 = arith.constant 0 : index
    %get3A_93 = vector.load %arg4[%get3A_91, %get3A_92] : memref<1024x1024xf32, #tpu.memory_space<vmem>>, vector<1024x1024xf32>
    %dot_general3A = arith.constant dense<0.000000e+00> : vector<512x1024xf32>
    %dot_general3A_94 = tpu.matmul %get3A_90, %get3A_93, %dot_general3A {dimension_numbers = #tpu.dot_dimension_numbers<[1], [1], [0], [0], [0, 0, 1, 0], [], []>, transpose_lhs_hint = false} : vector<512x1024xf32>, vector<1024x1024xf32>, vector<512x1024xf32> -> vector<512x1024xf32>
    %get3A_95 = arith.constant 0 : index
    %get3A_96 = arith.constant 0 : index
    %get3A_97 = vector.load %arg5[%get3A_95, %get3A_96] : memref<1x1024xf32, #tpu.memory_space<vmem>>, vector<1x1024xf32>
    %add3A_98 = vector.broadcast %get3A_97 : vector<1x1024xf32> to vector<512x1024xf32>
    %add3A_99 = arith.addf %dot_general3A_94, %add3A_98 : vector<512x1024xf32>
    %max3A_100 = arith.constant 0.000000e+00 : f32
    %max3A_101 = vector.broadcast %max3A_100 : f32 to vector<512x1024xf32>
    %max3A_102 = arith.maximumf %add3A_99, %max3A_101 : vector<512x1024xf32>
    %get3A_103 = arith.constant 0 : index
    %get3A_104 = arith.constant 0 : index
    %get3A_105 = vector.load %arg6[%get3A_103, %get3A_104] : memref<1024x1024xf32, #tpu.memory_space<vmem>>, vector<1024x1024xf32>
    %dot_general3A_106 = arith.constant dense<0.000000e+00> : vector<512x1024xf32>
    %dot_general3A_107 = tpu.matmul %max3A_102, %get3A_105, %dot_general3A_106 {dimension_numbers = #tpu.dot_dimension_numbers<[1], [1], [0], [0], [0, 0, 1, 0], [], []>, transpose_lhs_hint = false} : vector<512x1024xf32>, vector<1024x1024xf32>, vector<512x1024xf32> -> vector<512x1024xf32>
    %get3A_108 = arith.constant 0 : index
    %get3A_109 = arith.constant 0 : index
    %get3A_110 = vector.load %arg7[%get3A_108, %get3A_109] : memref<1x1024xf32, #tpu.memory_space<vmem>>, vector<1x1024xf32>
    %add3A_111 = vector.broadcast %get3A_110 : vector<1x1024xf32> to vector<512x1024xf32>
    %add3A_112 = arith.addf %dot_general3A_107, %add3A_111 : vector<512x1024xf32>
    %max3A_113 = arith.constant 0.000000e+00 : f32
    %max3A_114 = vector.broadcast %max3A_113 : f32 to vector<512x1024xf32>
    %max3A_115 = arith.maximumf %add3A_112, %max3A_114 : vector<512x1024xf32>
    %get3A_116 = arith.constant 0 : index
    %get3A_117 = arith.constant 0 : index
    %get3A_118 = vector.load %arg8[%get3A_116, %get3A_117] : memref<1024x1024xf32, #tpu.memory_space<vmem>>, vector<1024x1024xf32>
    %dot_general3A_119 = arith.constant dense<0.000000e+00> : vector<512x1024xf32>
    %dot_general3A_120 = tpu.matmul %max3A_115, %get3A_118, %dot_general3A_119 {dimension_numbers = #tpu.dot_dimension_numbers<[1], [1], [0], [0], [0, 0, 1, 0], [], []>, transpose_lhs_hint = false} : vector<512x1024xf32>, vector<1024x1024xf32>, vector<512x1024xf32> -> vector<512x1024xf32>
    %get3A_121 = arith.constant 0 : index
    %get3A_122 = arith.constant 0 : index
    %get3A_123 = vector.load %arg9[%get3A_121, %get3A_122] : memref<1x1024xf32, #tpu.memory_space<vmem>>, vector<1x1024xf32>
    %add3A_124 = vector.broadcast %get3A_123 : vector<1x1024xf32> to vector<512x1024xf32>
    %add3A_125 = arith.addf %dot_general3A_120, %add3A_124 : vector<512x1024xf32>
    %max3A_126 = arith.constant 0.000000e+00 : f32
    %max3A_127 = vector.broadcast %max3A_126 : f32 to vector<512x1024xf32>
    %max3A_128 = arith.maximumf %add3A_125, %max3A_127 : vector<512x1024xf32>
    %get3A_129 = arith.constant 0 : index
    %get3A_130 = arith.constant 0 : index
    %get3A_131 = vector.load %arg10[%get3A_129, %get3A_130] : memref<512x1024xf32, #tpu.memory_space<vmem>>, vector<512x1024xf32>
    %dot_general3A_132 = arith.constant dense<0.000000e+00> : vector<512x512xf32>
    %dot_general3A_133 = tpu.matmul %max3A_128, %get3A_131, %dot_general3A_132 {dimension_numbers = #tpu.dot_dimension_numbers<[1], [1], [0], [0], [0, 0, 1, 0], [], []>, transpose_lhs_hint = false} : vector<512x1024xf32>, vector<512x1024xf32>, vector<512x512xf32> -> vector<512x512xf32>
    %get3A_134 = arith.constant 0 : index
    %get3A_135 = arith.constant 0 : index
    %get3A_136 = vector.load %arg11[%get3A_134, %get3A_135] : memref<1x512xf32, #tpu.memory_space<vmem>>, vector<1x512xf32>
    %add3A_137 = vector.broadcast %get3A_136 : vector<1x512xf32> to vector<512x512xf32>
    %add3A_138 = arith.addf %dot_general3A_133, %add3A_137 : vector<512x512xf32>
    %max3A_139 = arith.constant 0.000000e+00 : f32
    %max3A_140 = vector.broadcast %max3A_139 : f32 to vector<512x512xf32>
    %max3A_141 = arith.maximumf %add3A_138, %max3A_140 : vector<512x512xf32>
    %get3A_142 = arith.constant 0 : index
    %get3A_143 = arith.constant 0 : index
    %get3A_144 = vector.load %arg12[%get3A_142, %get3A_143] : memref<512x512xf32, #tpu.memory_space<vmem>>, vector<512x512xf32>
    %dot_general3A_145 = arith.constant dense<0.000000e+00> : vector<512x512xf32>
    %dot_general3A_146 = tpu.matmul %max3A_141, %get3A_144, %dot_general3A_145 {dimension_numbers = #tpu.dot_dimension_numbers<[1], [1], [0], [0], [0, 0, 1, 0], [], []>, transpose_lhs_hint = false} : vector<512x512xf32>, vector<512x512xf32>, vector<512x512xf32> -> vector<512x512xf32>
    %get3A_147 = arith.constant 0 : index
    %get3A_148 = arith.constant 0 : index
    %get3A_149 = arith.constant 0 : index
    %get3A_150 = vector.load %arg2[%get3A_147, %get3A_148, %get3A_149] : memref<1x1x512xi32, #tpu.memory_space<vmem>>, vector<1x1x512xi32>
    %get3A_151 = vector.shape_cast %get3A_150 : vector<1x1x512xi32> to vector<512xi32>
    %broadcast_in_dim3A_152 = vector.shape_cast %get3A_151 : vector<512xi32> to vector<512x1xi32>
    %eq3A_153 = vector.broadcast %broadcast_in_dim3A_152 : vector<512x1xi32> to vector<512x64xi32>
    %eq3A_154 = arith.cmpi eq, %eq3A_153, %iota3A : vector<512x64xi32>
    %convert_element_type3A_155 = arith.extui %eq3A_154 : vector<512x64xi1> to vector<512x64xi32>
    %convert_element_type3A_156 = arith.sitofp %convert_element_type3A_155 : vector<512x64xi32> to vector<512x64xf32>
    %get3A_157 = arith.constant 0 : index
    %get3A_158 = arith.constant 0 : index
    %get3A_159 = vector.load %arg16[%get3A_157, %get3A_158] : memref<64x512xf32, #tpu.memory_space<vmem>>, vector<64x512xf32>
    %dot_general3A_160 = arith.constant dense<0.000000e+00> : vector<512x512xf32>
    %dot_general3A_161 = tpu.matmul %convert_element_type3A_156, %get3A_159, %dot_general3A_160 {dimension_numbers = #tpu.dot_dimension_numbers<[1], [0], [0], [1], [0, 0, 1, 1], [], []>, transpose_lhs_hint = false} : vector<512x64xf32>, vector<64x512xf32>, vector<512x512xf32> -> vector<512x512xf32>
    %add3A_162 = arith.addf %dot_general3A_146, %dot_general3A_161 : vector<512x512xf32>
    %get3A_163 = arith.constant 0 : index
    %get3A_164 = arith.constant 0 : index
    %get3A_165 = vector.load %arg13[%get3A_163, %get3A_164] : memref<1x512xf32, #tpu.memory_space<vmem>>, vector<1x512xf32>
    %add3A_166 = vector.broadcast %get3A_165 : vector<1x512xf32> to vector<512x512xf32>
    %add3A_167 = arith.addf %add3A_162, %add3A_166 : vector<512x512xf32>
    %max3A_168 = arith.constant 0.000000e+00 : f32
    %max3A_169 = vector.broadcast %max3A_168 : f32 to vector<512x512xf32>
    %max3A_170 = arith.maximumf %add3A_167, %max3A_169 : vector<512x512xf32>
    %get3A_171 = arith.constant 0 : index
    %get3A_172 = arith.constant 0 : index
    %get3A_173 = vector.load %arg14[%get3A_171, %get3A_172] : memref<1x512xf32, #tpu.memory_space<vmem>>, vector<1x512xf32>
    %mul3A_174 = vector.broadcast %get3A_173 : vector<1x512xf32> to vector<512x512xf32>
    %mul3A_175 = arith.mulf %max3A_170, %mul3A_174 : vector<512x512xf32>
    %reduce_sum3A_176 = arith.constant dense<0.000000e+00> : vector<512xf32>
    %reduce_sum3A_177 = vector.multi_reduction <add>, %mul3A_175, %reduce_sum3A_176 [1] : vector<512x512xf32> to vector<512xf32>
    %get3A_178 = arith.constant 0 : index
    %get3A_179 = arith.constant 0 : index
    %get3A_180 = vector.load %arg15[%get3A_178, %get3A_179] : memref<1x1xf32, #tpu.memory_space<vmem>>, vector<1x1xf32>
    %get3A_181 = vector.extract %get3A_180[0, 0] : f32 from vector<1x1xf32>
    %add3A_182 = vector.broadcast %get3A_181 : f32 to vector<512xf32>
    %add3A_183 = arith.addf %reduce_sum3A_177, %add3A_182 : vector<512xf32>
    %swap3A_184 = arith.constant 0 : index
    %swap3A_185 = arith.constant 0 : index
    %swap3A_186 = arith.constant 0 : index
    %swap3A_187 = vector.load %arg17[%swap3A_184, %swap3A_185, %swap3A_186] : memref<1x1x512xf32, #tpu.memory_space<vmem>>, vector<1x1x512xf32>
    %swap3A_188 = vector.shape_cast %swap3A_187 : vector<1x1x512xf32> to vector<512xf32>
    %swap3A_189 = vector.shape_cast %add3A_183 : vector<512xf32> to vector<1x1x512xf32>
    tpu.vector_store %arg17[%swap3A_184, %swap3A_185, %swap3A_186], %swap3A_189 {strides = array<i32>} : memref<1x1x512xf32, #tpu.memory_space<vmem>>, vector<1x1x512xf32>,
    %swap3A_190 = arith.constant 0 : index
    %swap3A_191 = arith.constant 0 : index
    %swap3A_192 = vector.load %arg20[%swap3A_190, %swap3A_191] : memref<1x512xf32, #tpu.memory_space<vmem>>, vector<1x512xf32>
    %swap3A_193 = vector.shape_cast %swap3A_192 : vector<1x512xf32> to vector<512xf32>
    %swap3A_194 = vector.shape_cast %add3A_183 : vector<512xf32> to vector<1x512xf32>
    tpu.vector_store %arg20[%swap3A_190, %swap3A_191], %swap3A_194 {strides = array<i32>} : memref<1x512xf32, #tpu.memory_space<vmem>>, vector<1x512xf32>,
    return
  }
  func.func @transform_0(%arg0: i32) -> (i32, i32) {
    %min3A = arith.constant 63 : i32
    %min3A_0 = arith.minsi %arg0, %min3A : i32
    %c0_i32 = arith.constant 0 : i32
    %c0_i32_1 = arith.constant 0 : i32
    return %min3A_0, %c0_i32 : i32, i32
  }
  func.func @transform_1(%arg0: i32) -> (i32, i32, i32) {
    %min3A = arith.constant 63 : i32
    %min3A_0 = arith.minsi %arg0, %min3A : i32
    %c0_i32 = arith.constant 0 : i32
    %c0_i32_1 = arith.constant 0 : i32
    %c0_i32_2 = arith.constant 0 : i32
    return %min3A_0, %c0_i32, %c0_i32_1 : i32, i32, i32
  }
  func.func @transform_2(%arg0: i32) -> (i32, i32, i32) {
    %sub3A = arith.constant 1 : i32
    %sub3A_0 = arith.subi %arg0, %sub3A : i32
    %max3A = arith.constant 0 : i32
    %max3A_1 = arith.maxsi %sub3A_0, %max3A : i32
    %c0_i32 = arith.constant 0 : i32
    %c0_i32_2 = arith.constant 0 : i32
    %c0_i32_3 = arith.constant 0 : i32
    return %max3A_1, %c0_i32, %c0_i32_2 : i32, i32, i32
  }
  func.func @transform_3(%arg0: i32) -> (i32, i32) {
    %c0_i32 = arith.constant 0 : i32
    %c0_i32_0 = arith.constant 0 : i32
    %c0_i32_1 = arith.constant 0 : i32
    return %c0_i32, %c0_i32_0 : i32, i32
  }
  func.func @transform_4(%arg0: i32) -> (i32, i32) {
    %c0_i32 = arith.constant 0 : i32
    %c0_i32_0 = arith.constant 0 : i32
    %c0_i32_1 = arith.constant 0 : i32
    return %c0_i32, %c0_i32_0 : i32, i32
  }
  func.func @transform_5(%arg0: i32) -> (i32, i32) {
    %c0_i32 = arith.constant 0 : i32
    %c0_i32_0 = arith.constant 0 : i32
    %c0_i32_1 = arith.constant 0 : i32
    return %c0_i32, %c0_i32_0 : i32, i32
  }
  func.func @transform_6(%arg0: i32) -> (i32, i32) {
    %c0_i32 = arith.constant 0 : i32
    %c0_i32_0 = arith.constant 0 : i32
    %c0_i32_1 = arith.constant 0 : i32
    return %c0_i32, %c0_i32_0 : i32, i32
  }
  func.func @transform_7(%arg0: i32) -> (i32, i32) {
    %c0_i32 = arith.constant 0 : i32
    %c0_i32_0 = arith.constant 0 : i32
    %c0_i32_1 = arith.constant 0 : i32
    return %c0_i32, %c0_i32_0 : i32, i32
  }
  func.func @transform_8(%arg0: i32) -> (i32, i32) {
    %c0_i32 = arith.constant 0 : i32
    %c0_i32_0 = arith.constant 0 : i32
    %c0_i32_1 = arith.constant 0 : i32
    return %c0_i32, %c0_i32_0 : i32, i32
  }
  func.func @transform_9(%arg0: i32) -> (i32, i32) {
    %c0_i32 = arith.constant 0 : i32
    %c0_i32_0 = arith.constant 0 : i32
    %c0_i32_1 = arith.constant 0 : i32
    return %c0_i32, %c0_i32_0 : i32, i32
  }
  func.func @transform_10(%arg0: i32) -> (i32, i32) {
    %c0_i32 = arith.constant 0 : i32
    %c0_i32_0 = arith.constant 0 : i32
    %c0_i32_1 = arith.constant 0 : i32
    return %c0_i32, %c0_i32_0 : i32, i32
  }
  func.func @transform_11(%arg0: i32) -> (i32, i32) {
    %c0_i32 = arith.constant 0 : i32
    %c1_i32 = arith.constant 1 : i32
    %c0_i32_0 = arith.constant 0 : i32
    return %c0_i32, %c1_i32 : i32, i32
  }
  func.func @transform_12(%arg0: i32) -> (i32, i32) {
    %c0_i32 = arith.constant 0 : i32
    %c0_i32_0 = arith.constant 0 : i32
    %c0_i32_1 = arith.constant 0 : i32
    return %c0_i32, %c0_i32_0 : i32, i32
  }
  func.func @transform_13(%arg0: i32) -> (i32, i32) {
    %c0_i32 = arith.constant 0 : i32
    %c0_i32_0 = arith.constant 0 : i32
    %c0_i32_1 = arith.constant 0 : i32
    return %c0_i32, %c0_i32_0 : i32, i32
  }
  func.func @transform_14(%arg0: i32) -> (i32, i32) {
    %c0_i32 = arith.constant 0 : i32
    %c0_i32_0 = arith.constant 0 : i32
    %c0_i32_1 = arith.constant 0 : i32
    return %c0_i32, %c0_i32_0 : i32, i32
  }
  func.func @transform_15(%arg0: i32) -> (i32, i32) {
    %c0_i32 = arith.constant 0 : i32
    %c0_i32_0 = arith.constant 0 : i32
    %c0_i32_1 = arith.constant 0 : i32
    return %c0_i32, %c0_i32_0 : i32, i32
  }
  func.func @transform_16(%arg0: i32) -> (i32, i32, i32) {
    %min3A = arith.constant 63 : i32
    %min3A_0 = arith.minsi %arg0, %min3A : i32
    %c0_i32 = arith.constant 0 : i32
    %c0_i32_1 = arith.constant 0 : i32
    %c0_i32_2 = arith.constant 0 : i32
    return %min3A_0, %c0_i32, %c0_i32_1 : i32, i32, i32
  }
  func.func @transform_17(%arg0: i32) -> (i32, i32) {
    %c0_i32 = arith.constant 0 : i32
    %c0_i32_0 = arith.constant 0 : i32
    %c0_i32_1 = arith.constant 0 : i32
    return %c0_i32, %c0_i32_0 : i32, i32
  }
  func.func @transform_18(%arg0: i32) -> (i32, i32) {
    %c0_i32 = arith.constant 0 : i32
    %c0_i32_0 = arith.constant 0 : i32
    %c0_i32_1 = arith.constant 0 : i32
    return %c0_i32, %c0_i32_0 : i32, i32
  }
}

module attributes {stable_mosaic.version = 14 : i64} {
  func.func @_sample_kernel(%arg0: i32, %arg1: memref<1x1x2048xf32, #tpu.memory_space<vmem>>, %arg2: memref<1x1x2048xi32, #tpu.memory_space<vmem>>, %arg3: memref<1x2xi32, #tpu.memory_space<vmem>>, %arg4: memref<1x64xf32, #tpu.memory_space<vmem>>, %arg5: memref<1x64xf32, #tpu.memory_space<vmem>>, %arg6: memref<1x64xi32, #tpu.memory_space<vmem>>, %arg7: memref<1x64xf32, #tpu.memory_space<vmem>>, %arg8: memref<1x64xf32, #tpu.memory_space<vmem>>, %arg9: memref<1x64xi32, #tpu.memory_space<vmem>>, %arg10: memref<1x64xf32, #tpu.memory_space<vmem>>) attributes {dimension_semantics = [#tpu.dimension_semantics<arbitrary>], iteration_bounds = array<i64: 16>, scalar_prefetch = 0 : i64, scratch_operands = 3 : i64, tpu.core_type = #tpu.core_type<tc>, window_params = [{transform_indices = @transform_0, window_bounds = array<i64: 1, 1, 2048>}, {transform_indices = @transform_1, window_bounds = array<i64: 1, 1, 2048>}, {pipeline_mode = #tpu.pipeline_mode<synchronous>, transform_indices = @transform_2, window_bounds = array<i64: 1, 2>}, {pipeline_mode = #tpu.pipeline_mode<synchronous>, transform_indices = @transform_3, window_bounds = array<i64: 1, 64>}, {pipeline_mode = #tpu.pipeline_mode<synchronous>, transform_indices = @transform_4, window_bounds = array<i64: 1, 64>}, {pipeline_mode = #tpu.pipeline_mode<synchronous>, transform_indices = @transform_5, window_bounds = array<i64: 1, 64>}, {pipeline_mode = #tpu.pipeline_mode<synchronous>, transform_indices = @transform_6, window_bounds = array<i64: 1, 64>}]} {
    %get3A = arith.constant 0 : index
    %get3A_0 = arith.constant 0 : index
    %get3A_1 = arith.constant 0 : index
    %get3A_2 = vector.load %arg1[%get3A, %get3A_0, %get3A_1] : memref<1x1x2048xf32, #tpu.memory_space<vmem>>, vector<1x1x2048xf32>
    %get3A_3 = vector.shape_cast %get3A_2 : vector<1x1x2048xf32> to vector<2048xf32>
    %get3A_4 = arith.constant 0 : index
    %get3A_5 = arith.constant 0 : index
    %get3A_6 = arith.constant 0 : index
    %get3A_7 = vector.load %arg2[%get3A_4, %get3A_5, %get3A_6] : memref<1x1x2048xi32, #tpu.memory_space<vmem>>, vector<1x1x2048xi32>
    %get3A_8 = vector.shape_cast %get3A_7 : vector<1x1x2048xi32> to vector<2048xi32>
    %iota3A = tpu.iota {dimensions = array<i32: 1>} : vector<2048x64xi32>
    %broadcast_in_dim3A = vector.shape_cast %get3A_8 : vector<2048xi32> to vector<2048x1xi32>
    %eq3A = vector.broadcast %broadcast_in_dim3A : vector<2048x1xi32> to vector<2048x64xi32>
    %eq3A_9 = arith.cmpi eq, %eq3A, %iota3A : vector<2048x64xi32>
    %get3A_10 = arith.constant 0 : index
    %get3A_11 = arith.constant 0 : index
    %get3A_12 = vector.load %arg4[%get3A_10, %get3A_11] : memref<1x64xf32, #tpu.memory_space<vmem>>, vector<1x64xf32>
    %get3A_13 = vector.shape_cast %get3A_12 : vector<1x64xf32> to vector<64xf32>
    %broadcast_in_dim3A_14 = vector.shape_cast %get3A_13 : vector<64xf32> to vector<1x64xf32>
    %jit3A = arith.constant 0.000000e+00 : f32
    %broadcast_in_dim3A_15 = vector.shape_cast %broadcast_in_dim3A_14 : vector<1x64xf32> to vector<1x64xf32>
    %broadcast_in_dim3A_16 = vector.broadcast %broadcast_in_dim3A_15 : vector<1x64xf32> to vector<2048x64xf32>
    %broadcast_in_dim3A_17 = vector.broadcast %jit3A : f32 to vector<2048x64xf32>
    %select_n3A = arith.select %eq3A_9, %broadcast_in_dim3A_16, %broadcast_in_dim3A_17 : vector<2048x64xi1>, vector<2048x64xf32>
    %reduce_sum3A = arith.constant dense<0.000000e+00> : vector<2048xf32>
    %reduce_sum3A_18 = vector.multi_reduction <add>, %select_n3A, %reduce_sum3A [1] : vector<2048x64xf32> to vector<2048xf32>
    %sub3A = arith.subf %get3A_3, %reduce_sum3A_18 : vector<2048xf32>
    %mul3A = arith.constant 2048 : i32
    %mul3A_19 = arith.muli %arg0, %mul3A : i32
    %iota3A_20 = tpu.iota {dimensions = array<i32: 1>} : vector<1x2048xi32>
    %iota3A_21 = vector.shape_cast %iota3A_20 : vector<1x2048xi32> to vector<2048xi32>
    %add3A = vector.broadcast %mul3A_19 : i32 to vector<2048xi32>
    %add3A_22 = arith.addi %add3A, %iota3A_21 : vector<2048xi32>
    %mul3A_23 = arith.constant 32768 : i32
    %mul3A_24 = vector.broadcast %mul3A_23 : i32 to vector<2048xi32>
    %mul3A_25 = arith.muli %get3A_8, %mul3A_24 : vector<2048xi32>
    %add3A_26 = arith.addi %mul3A_25, %add3A_22 : vector<2048xi32>
    %get3A_27 = arith.constant 0 : index
    %get3A_28 = arith.constant 0 : index
    %get3A_29 = vector.load %arg3[%get3A_27, %get3A_28] : memref<1x2xi32, #tpu.memory_space<vmem>>, vector<1x1xi32>
    %get3A_30 = vector.extract %get3A_29[0, 0] : i32 from vector<1x1xi32>
    %get3A_31 = arith.constant 0 : index
    %get3A_32 = arith.constant 1 : index
    %get3A_33 = vector.load %arg3[%get3A_31, %get3A_32] : memref<1x2xi32, #tpu.memory_space<vmem>>, vector<1x1xi32>
    %get3A_34 = vector.extract %get3A_33[0, 0] : i32 from vector<1x1xi32>
    %xor3A = arith.xori %get3A_30, %get3A_34 : i32
    %xor3A_35 = arith.constant 466688986 : i32
    %xor3A_36 = arith.xori %xor3A, %xor3A_35 : i32
    %broadcast_in_dim3A_37 = arith.constant 0 : i32
    %broadcast_in_dim3A_38 = vector.broadcast %broadcast_in_dim3A_37 : i32 to vector<2048xi32>
    %add3A_39 = vector.broadcast %get3A_30 : i32 to vector<2048xi32>
    %add3A_40 = arith.addi %broadcast_in_dim3A_38, %add3A_39 : vector<2048xi32>
    %add3A_41 = vector.broadcast %get3A_34 : i32 to vector<2048xi32>
    %add3A_42 = arith.addi %add3A_26, %add3A_41 : vector<2048xi32>
    %add3A_43 = arith.addi %add3A_40, %add3A_42 : vector<2048xi32>
    %shift_left3A = arith.constant 13 : i32
    %shift_left3A_44 = vector.broadcast %shift_left3A : i32 to vector<2048xi32>
    %shift_left3A_45 = arith.shli %add3A_42, %shift_left3A_44 : vector<2048xi32>
    %shift_right_logical3A = arith.constant 19 : i32
    %shift_right_logical3A_46 = vector.broadcast %shift_right_logical3A : i32 to vector<2048xi32>
    %shift_right_logical3A_47 = arith.shrui %add3A_42, %shift_right_logical3A_46 : vector<2048xi32>
    %or3A = arith.ori %shift_left3A_45, %shift_right_logical3A_47 : vector<2048xi32>
    %xor3A_48 = arith.xori %add3A_43, %or3A : vector<2048xi32>
    %add3A_49 = arith.addi %add3A_43, %xor3A_48 : vector<2048xi32>
    %shift_left3A_50 = arith.constant 15 : i32
    %shift_left3A_51 = vector.broadcast %shift_left3A_50 : i32 to vector<2048xi32>
    %shift_left3A_52 = arith.shli %xor3A_48, %shift_left3A_51 : vector<2048xi32>
    %shift_right_logical3A_53 = arith.constant 17 : i32
    %shift_right_logical3A_54 = vector.broadcast %shift_right_logical3A_53 : i32 to vector<2048xi32>
    %shift_right_logical3A_55 = arith.shrui %xor3A_48, %shift_right_logical3A_54 : vector<2048xi32>
    %or3A_56 = arith.ori %shift_left3A_52, %shift_right_logical3A_55 : vector<2048xi32>
    %xor3A_57 = arith.xori %add3A_49, %or3A_56 : vector<2048xi32>
    %add3A_58 = arith.addi %add3A_49, %xor3A_57 : vector<2048xi32>
    %shift_left3A_59 = arith.constant 26 : i32
    %shift_left3A_60 = vector.broadcast %shift_left3A_59 : i32 to vector<2048xi32>
    %shift_left3A_61 = arith.shli %xor3A_57, %shift_left3A_60 : vector<2048xi32>
    %shift_right_logical3A_62 = arith.constant 6 : i32
    %shift_right_logical3A_63 = vector.broadcast %shift_right_logical3A_62 : i32 to vector<2048xi32>
    %shift_right_logical3A_64 = arith.shrui %xor3A_57, %shift_right_logical3A_63 : vector<2048xi32>
    %or3A_65 = arith.ori %shift_left3A_61, %shift_right_logical3A_64 : vector<2048xi32>
    %xor3A_66 = arith.xori %add3A_58, %or3A_65 : vector<2048xi32>
    %add3A_67 = arith.addi %add3A_58, %xor3A_66 : vector<2048xi32>
    %shift_left3A_68 = arith.constant 6 : i32
    %shift_left3A_69 = vector.broadcast %shift_left3A_68 : i32 to vector<2048xi32>
    %shift_left3A_70 = arith.shli %xor3A_66, %shift_left3A_69 : vector<2048xi32>
    %shift_right_logical3A_71 = arith.constant 26 : i32
    %shift_right_logical3A_72 = vector.broadcast %shift_right_logical3A_71 : i32 to vector<2048xi32>
    %shift_right_logical3A_73 = arith.shrui %xor3A_66, %shift_right_logical3A_72 : vector<2048xi32>
    %or3A_74 = arith.ori %shift_left3A_70, %shift_right_logical3A_73 : vector<2048xi32>
    %xor3A_75 = arith.xori %add3A_67, %or3A_74 : vector<2048xi32>
    %add3A_76 = vector.broadcast %get3A_34 : i32 to vector<2048xi32>
    %add3A_77 = arith.addi %add3A_67, %add3A_76 : vector<2048xi32>
    %add3A_78 = vector.broadcast %xor3A_36 : i32 to vector<2048xi32>
    %add3A_79 = arith.addi %xor3A_75, %add3A_78 : vector<2048xi32>
    %add3A_80 = arith.constant 1 : i32
    %add3A_81 = vector.broadcast %add3A_80 : i32 to vector<2048xi32>
    %add3A_82 = arith.addi %add3A_79, %add3A_81 : vector<2048xi32>
    %add3A_83 = arith.addi %add3A_77, %add3A_82 : vector<2048xi32>
    %shift_left3A_84 = arith.constant 17 : i32
    %shift_left3A_85 = vector.broadcast %shift_left3A_84 : i32 to vector<2048xi32>
    %shift_left3A_86 = arith.shli %add3A_82, %shift_left3A_85 : vector<2048xi32>
    %shift_right_logical3A_87 = arith.constant 15 : i32
    %shift_right_logical3A_88 = vector.broadcast %shift_right_logical3A_87 : i32 to vector<2048xi32>
    %shift_right_logical3A_89 = arith.shrui %add3A_82, %shift_right_logical3A_88 : vector<2048xi32>
    %or3A_90 = arith.ori %shift_left3A_86, %shift_right_logical3A_89 : vector<2048xi32>
    %xor3A_91 = arith.xori %add3A_83, %or3A_90 : vector<2048xi32>
    %add3A_92 = arith.addi %add3A_83, %xor3A_91 : vector<2048xi32>
    %shift_left3A_93 = arith.constant 29 : i32
    %shift_left3A_94 = vector.broadcast %shift_left3A_93 : i32 to vector<2048xi32>
    %shift_left3A_95 = arith.shli %xor3A_91, %shift_left3A_94 : vector<2048xi32>
    %shift_right_logical3A_96 = arith.constant 3 : i32
    %shift_right_logical3A_97 = vector.broadcast %shift_right_logical3A_96 : i32 to vector<2048xi32>
    %shift_right_logical3A_98 = arith.shrui %xor3A_91, %shift_right_logical3A_97 : vector<2048xi32>
    %or3A_99 = arith.ori %shift_left3A_95, %shift_right_logical3A_98 : vector<2048xi32>
    %xor3A_100 = arith.xori %add3A_92, %or3A_99 : vector<2048xi32>
    %add3A_101 = arith.addi %add3A_92, %xor3A_100 : vector<2048xi32>
    %shift_left3A_102 = arith.constant 16 : i32
    %shift_left3A_103 = vector.broadcast %shift_left3A_102 : i32 to vector<2048xi32>
    %shift_left3A_104 = arith.shli %xor3A_100, %shift_left3A_103 : vector<2048xi32>
    %shift_right_logical3A_105 = arith.constant 16 : i32
    %shift_right_logical3A_106 = vector.broadcast %shift_right_logical3A_105 : i32 to vector<2048xi32>
    %shift_right_logical3A_107 = arith.shrui %xor3A_100, %shift_right_logical3A_106 : vector<2048xi32>
    %or3A_108 = arith.ori %shift_left3A_104, %shift_right_logical3A_107 : vector<2048xi32>
    %xor3A_109 = arith.xori %add3A_101, %or3A_108 : vector<2048xi32>
    %add3A_110 = arith.addi %add3A_101, %xor3A_109 : vector<2048xi32>
    %shift_left3A_111 = arith.constant 24 : i32
    %shift_left3A_112 = vector.broadcast %shift_left3A_111 : i32 to vector<2048xi32>
    %shift_left3A_113 = arith.shli %xor3A_109, %shift_left3A_112 : vector<2048xi32>
    %shift_right_logical3A_114 = arith.constant 8 : i32
    %shift_right_logical3A_115 = vector.broadcast %shift_right_logical3A_114 : i32 to vector<2048xi32>
    %shift_right_logical3A_116 = arith.shrui %xor3A_109, %shift_right_logical3A_115 : vector<2048xi32>
    %or3A_117 = arith.ori %shift_left3A_113, %shift_right_logical3A_116 : vector<2048xi32>
    %xor3A_118 = arith.xori %add3A_110, %or3A_117 : vector<2048xi32>
    %add3A_119 = vector.broadcast %xor3A_36 : i32 to vector<2048xi32>
    %add3A_120 = arith.addi %add3A_110, %add3A_119 : vector<2048xi32>
    %add3A_121 = vector.broadcast %get3A_30 : i32 to vector<2048xi32>
    %add3A_122 = arith.addi %xor3A_118, %add3A_121 : vector<2048xi32>
    %add3A_123 = arith.constant 2 : i32
    %add3A_124 = vector.broadcast %add3A_123 : i32 to vector<2048xi32>
    %add3A_125 = arith.addi %add3A_122, %add3A_124 : vector<2048xi32>
    %add3A_126 = arith.addi %add3A_120, %add3A_125 : vector<2048xi32>
    %shift_left3A_127 = arith.constant 13 : i32
    %shift_left3A_128 = vector.broadcast %shift_left3A_127 : i32 to vector<2048xi32>
    %shift_left3A_129 = arith.shli %add3A_125, %shift_left3A_128 : vector<2048xi32>
    %shift_right_logical3A_130 = arith.constant 19 : i32
    %shift_right_logical3A_131 = vector.broadcast %shift_right_logical3A_130 : i32 to vector<2048xi32>
    %shift_right_logical3A_132 = arith.shrui %add3A_125, %shift_right_logical3A_131 : vector<2048xi32>
    %or3A_133 = arith.ori %shift_left3A_129, %shift_right_logical3A_132 : vector<2048xi32>
    %xor3A_134 = arith.xori %add3A_126, %or3A_133 : vector<2048xi32>
    %add3A_135 = arith.addi %add3A_126, %xor3A_134 : vector<2048xi32>
    %shift_left3A_136 = arith.constant 15 : i32
    %shift_left3A_137 = vector.broadcast %shift_left3A_136 : i32 to vector<2048xi32>
    %shift_left3A_138 = arith.shli %xor3A_134, %shift_left3A_137 : vector<2048xi32>
    %shift_right_logical3A_139 = arith.constant 17 : i32
    %shift_right_logical3A_140 = vector.broadcast %shift_right_logical3A_139 : i32 to vector<2048xi32>
    %shift_right_logical3A_141 = arith.shrui %xor3A_134, %shift_right_logical3A_140 : vector<2048xi32>
    %or3A_142 = arith.ori %shift_left3A_138, %shift_right_logical3A_141 : vector<2048xi32>
    %xor3A_143 = arith.xori %add3A_135, %or3A_142 : vector<2048xi32>
    %add3A_144 = arith.addi %add3A_135, %xor3A_143 : vector<2048xi32>
    %shift_left3A_145 = arith.constant 26 : i32
    %shift_left3A_146 = vector.broadcast %shift_left3A_145 : i32 to vector<2048xi32>
    %shift_left3A_147 = arith.shli %xor3A_143, %shift_left3A_146 : vector<2048xi32>
    %shift_right_logical3A_148 = arith.constant 6 : i32
    %shift_right_logical3A_149 = vector.broadcast %shift_right_logical3A_148 : i32 to vector<2048xi32>
    %shift_right_logical3A_150 = arith.shrui %xor3A_143, %shift_right_logical3A_149 : vector<2048xi32>
    %or3A_151 = arith.ori %shift_left3A_147, %shift_right_logical3A_150 : vector<2048xi32>
    %xor3A_152 = arith.xori %add3A_144, %or3A_151 : vector<2048xi32>
    %add3A_153 = arith.addi %add3A_144, %xor3A_152 : vector<2048xi32>
    %shift_left3A_154 = arith.constant 6 : i32
    %shift_left3A_155 = vector.broadcast %shift_left3A_154 : i32 to vector<2048xi32>
    %shift_left3A_156 = arith.shli %xor3A_152, %shift_left3A_155 : vector<2048xi32>
    %shift_right_logical3A_157 = arith.constant 26 : i32
    %shift_right_logical3A_158 = vector.broadcast %shift_right_logical3A_157 : i32 to vector<2048xi32>
    %shift_right_logical3A_159 = arith.shrui %xor3A_152, %shift_right_logical3A_158 : vector<2048xi32>
    %or3A_160 = arith.ori %shift_left3A_156, %shift_right_logical3A_159 : vector<2048xi32>
    %xor3A_161 = arith.xori %add3A_153, %or3A_160 : vector<2048xi32>
    %add3A_162 = vector.broadcast %get3A_30 : i32 to vector<2048xi32>
    %add3A_163 = arith.addi %add3A_153, %add3A_162 : vector<2048xi32>
    %add3A_164 = vector.broadcast %get3A_34 : i32 to vector<2048xi32>
    %add3A_165 = arith.addi %xor3A_161, %add3A_164 : vector<2048xi32>
    %add3A_166 = arith.constant 3 : i32
    %add3A_167 = vector.broadcast %add3A_166 : i32 to vector<2048xi32>
    %add3A_168 = arith.addi %add3A_165, %add3A_167 : vector<2048xi32>
    %add3A_169 = arith.addi %add3A_163, %add3A_168 : vector<2048xi32>
    %shift_left3A_170 = arith.constant 17 : i32
    %shift_left3A_171 = vector.broadcast %shift_left3A_170 : i32 to vector<2048xi32>
    %shift_left3A_172 = arith.shli %add3A_168, %shift_left3A_171 : vector<2048xi32>
    %shift_right_logical3A_173 = arith.constant 15 : i32
    %shift_right_logical3A_174 = vector.broadcast %shift_right_logical3A_173 : i32 to vector<2048xi32>
    %shift_right_logical3A_175 = arith.shrui %add3A_168, %shift_right_logical3A_174 : vector<2048xi32>
    %or3A_176 = arith.ori %shift_left3A_172, %shift_right_logical3A_175 : vector<2048xi32>
    %xor3A_177 = arith.xori %add3A_169, %or3A_176 : vector<2048xi32>
    %add3A_178 = arith.addi %add3A_169, %xor3A_177 : vector<2048xi32>
    %shift_left3A_179 = arith.constant 29 : i32
    %shift_left3A_180 = vector.broadcast %shift_left3A_179 : i32 to vector<2048xi32>
    %shift_left3A_181 = arith.shli %xor3A_177, %shift_left3A_180 : vector<2048xi32>
    %shift_right_logical3A_182 = arith.constant 3 : i32
    %shift_right_logical3A_183 = vector.broadcast %shift_right_logical3A_182 : i32 to vector<2048xi32>
    %shift_right_logical3A_184 = arith.shrui %xor3A_177, %shift_right_logical3A_183 : vector<2048xi32>
    %or3A_185 = arith.ori %shift_left3A_181, %shift_right_logical3A_184 : vector<2048xi32>
    %xor3A_186 = arith.xori %add3A_178, %or3A_185 : vector<2048xi32>
    %add3A_187 = arith.addi %add3A_178, %xor3A_186 : vector<2048xi32>
    %shift_left3A_188 = arith.constant 16 : i32
    %shift_left3A_189 = vector.broadcast %shift_left3A_188 : i32 to vector<2048xi32>
    %shift_left3A_190 = arith.shli %xor3A_186, %shift_left3A_189 : vector<2048xi32>
    %shift_right_logical3A_191 = arith.constant 16 : i32
    %shift_right_logical3A_192 = vector.broadcast %shift_right_logical3A_191 : i32 to vector<2048xi32>
    %shift_right_logical3A_193 = arith.shrui %xor3A_186, %shift_right_logical3A_192 : vector<2048xi32>
    %or3A_194 = arith.ori %shift_left3A_190, %shift_right_logical3A_193 : vector<2048xi32>
    %xor3A_195 = arith.xori %add3A_187, %or3A_194 : vector<2048xi32>
    %add3A_196 = arith.addi %add3A_187, %xor3A_195 : vector<2048xi32>
    %shift_left3A_197 = arith.constant 24 : i32
    %shift_left3A_198 = vector.broadcast %shift_left3A_197 : i32 to vector<2048xi32>
    %shift_left3A_199 = arith.shli %xor3A_195, %shift_left3A_198 : vector<2048xi32>
    %shift_right_logical3A_200 = arith.constant 8 : i32
    %shift_right_logical3A_201 = vector.broadcast %shift_right_logical3A_200 : i32 to vector<2048xi32>
    %shift_right_logical3A_202 = arith.shrui %xor3A_195, %shift_right_logical3A_201 : vector<2048xi32>
    %or3A_203 = arith.ori %shift_left3A_199, %shift_right_logical3A_202 : vector<2048xi32>
    %xor3A_204 = arith.xori %add3A_196, %or3A_203 : vector<2048xi32>
    %add3A_205 = vector.broadcast %get3A_34 : i32 to vector<2048xi32>
    %add3A_206 = arith.addi %add3A_196, %add3A_205 : vector<2048xi32>
    %add3A_207 = vector.broadcast %xor3A_36 : i32 to vector<2048xi32>
    %add3A_208 = arith.addi %xor3A_204, %add3A_207 : vector<2048xi32>
    %add3A_209 = arith.constant 4 : i32
    %add3A_210 = vector.broadcast %add3A_209 : i32 to vector<2048xi32>
    %add3A_211 = arith.addi %add3A_208, %add3A_210 : vector<2048xi32>
    %add3A_212 = arith.addi %add3A_206, %add3A_211 : vector<2048xi32>
    %shift_left3A_213 = arith.constant 13 : i32
    %shift_left3A_214 = vector.broadcast %shift_left3A_213 : i32 to vector<2048xi32>
    %shift_left3A_215 = arith.shli %add3A_211, %shift_left3A_214 : vector<2048xi32>
    %shift_right_logical3A_216 = arith.constant 19 : i32
    %shift_right_logical3A_217 = vector.broadcast %shift_right_logical3A_216 : i32 to vector<2048xi32>
    %shift_right_logical3A_218 = arith.shrui %add3A_211, %shift_right_logical3A_217 : vector<2048xi32>
    %or3A_219 = arith.ori %shift_left3A_215, %shift_right_logical3A_218 : vector<2048xi32>
    %xor3A_220 = arith.xori %add3A_212, %or3A_219 : vector<2048xi32>
    %add3A_221 = arith.addi %add3A_212, %xor3A_220 : vector<2048xi32>
    %shift_left3A_222 = arith.constant 15 : i32
    %shift_left3A_223 = vector.broadcast %shift_left3A_222 : i32 to vector<2048xi32>
    %shift_left3A_224 = arith.shli %xor3A_220, %shift_left3A_223 : vector<2048xi32>
    %shift_right_logical3A_225 = arith.constant 17 : i32
    %shift_right_logical3A_226 = vector.broadcast %shift_right_logical3A_225 : i32 to vector<2048xi32>
    %shift_right_logical3A_227 = arith.shrui %xor3A_220, %shift_right_logical3A_226 : vector<2048xi32>
    %or3A_228 = arith.ori %shift_left3A_224, %shift_right_logical3A_227 : vector<2048xi32>
    %xor3A_229 = arith.xori %add3A_221, %or3A_228 : vector<2048xi32>
    %add3A_230 = arith.addi %add3A_221, %xor3A_229 : vector<2048xi32>
    %shift_left3A_231 = arith.constant 26 : i32
    %shift_left3A_232 = vector.broadcast %shift_left3A_231 : i32 to vector<2048xi32>
    %shift_left3A_233 = arith.shli %xor3A_229, %shift_left3A_232 : vector<2048xi32>
    %shift_right_logical3A_234 = arith.constant 6 : i32
    %shift_right_logical3A_235 = vector.broadcast %shift_right_logical3A_234 : i32 to vector<2048xi32>
    %shift_right_logical3A_236 = arith.shrui %xor3A_229, %shift_right_logical3A_235 : vector<2048xi32>
    %or3A_237 = arith.ori %shift_left3A_233, %shift_right_logical3A_236 : vector<2048xi32>
    %xor3A_238 = arith.xori %add3A_230, %or3A_237 : vector<2048xi32>
    %add3A_239 = arith.addi %add3A_230, %xor3A_238 : vector<2048xi32>
    %shift_left3A_240 = arith.constant 6 : i32
    %shift_left3A_241 = vector.broadcast %shift_left3A_240 : i32 to vector<2048xi32>
    %shift_left3A_242 = arith.shli %xor3A_238, %shift_left3A_241 : vector<2048xi32>
    %shift_right_logical3A_243 = arith.constant 26 : i32
    %shift_right_logical3A_244 = vector.broadcast %shift_right_logical3A_243 : i32 to vector<2048xi32>
    %shift_right_logical3A_245 = arith.shrui %xor3A_238, %shift_right_logical3A_244 : vector<2048xi32>
    %or3A_246 = arith.ori %shift_left3A_242, %shift_right_logical3A_245 : vector<2048xi32>
    %xor3A_247 = arith.xori %add3A_239, %or3A_246 : vector<2048xi32>
    %add3A_248 = vector.broadcast %xor3A_36 : i32 to vector<2048xi32>
    %add3A_249 = arith.addi %add3A_239, %add3A_248 : vector<2048xi32>
    %add3A_250 = vector.broadcast %get3A_30 : i32 to vector<2048xi32>
    %add3A_251 = arith.addi %xor3A_247, %add3A_250 : vector<2048xi32>
    %add3A_252 = arith.constant 5 : i32
    %add3A_253 = vector.broadcast %add3A_252 : i32 to vector<2048xi32>
    %add3A_254 = arith.addi %add3A_251, %add3A_253 : vector<2048xi32>
    %xor3A_255 = arith.xori %add3A_249, %add3A_254 : vector<2048xi32>
    %shift_right_logical3A_256 = arith.constant 9 : i32
    %shift_right_logical3A_257 = vector.broadcast %shift_right_logical3A_256 : i32 to vector<2048xi32>
    %shift_right_logical3A_258 = arith.shrui %xor3A_255, %shift_right_logical3A_257 : vector<2048xi32>
    %or3A_259 = arith.constant 1065353216 : i32
    %or3A_260 = vector.broadcast %or3A_259 : i32 to vector<2048xi32>
    %or3A_261 = arith.ori %shift_right_logical3A_258, %or3A_260 : vector<2048xi32>
    %bitcast_convert_type3A = tpu.bitcast %or3A_261 : vector<2048xi32> -> vector<2048xf32>
    %sub3A_262 = arith.constant 1.000000e+00 : f32
    %sub3A_263 = vector.broadcast %sub3A_262 : f32 to vector<2048xf32>
    %sub3A_264 = arith.subf %bitcast_convert_type3A, %sub3A_263 : vector<2048xf32>
    %mul3A_265 = arith.constant 1.000000e+00 : f32
    %mul3A_266 = vector.broadcast %mul3A_265 : f32 to vector<2048xf32>
    %mul3A_267 = arith.mulf %sub3A_264, %mul3A_266 : vector<2048xf32>
    %add3A_268 = arith.constant 1.17549435E-38 : f32
    %add3A_269 = vector.broadcast %add3A_268 : f32 to vector<2048xf32>
    %add3A_270 = arith.addf %mul3A_267, %add3A_269 : vector<2048xf32>
    %max3A = arith.constant 1.17549435E-38 : f32
    %max3A_271 = vector.broadcast %max3A : f32 to vector<2048xf32>
    %max3A_272 = arith.maximumf %max3A_271, %add3A_270 : vector<2048xf32>
    %log3A = math.log %max3A_272 : vector<2048xf32>
    %neg3A = arith.constant 0.000000e+00 : f32
    %neg3A_273 = vector.broadcast %neg3A : f32 to vector<2048xf32>
    %neg3A_274 = arith.subf %neg3A_273, %log3A : vector<2048xf32>
    %log3A_275 = math.log %neg3A_274 : vector<2048xf32>
    %neg3A_276 = arith.constant 0.000000e+00 : f32
    %neg3A_277 = vector.broadcast %neg3A_276 : f32 to vector<2048xf32>
    %neg3A_278 = arith.subf %neg3A_277, %log3A_275 : vector<2048xf32>
    %gt3A = arith.constant -9.21034049 : f32
    %gt3A_279 = vector.broadcast %gt3A : f32 to vector<2048xf32>
    %gt3A_280 = arith.cmpf ogt, %sub3A, %gt3A_279 : vector<2048xf32>
    %add3A_281 = arith.addf %neg3A_278, %sub3A : vector<2048xf32>
    %jit3A_282 = arith.constant 0xFF800000 : f32
    %broadcast_in_dim3A_283 = vector.broadcast %jit3A_282 : f32 to vector<2048xf32>
    %select_n3A_284 = arith.select %gt3A_280, %add3A_281, %broadcast_in_dim3A_283 : vector<2048xi1>, vector<2048xf32>
    %broadcast_in_dim3A_285 = vector.shape_cast %select_n3A_284 : vector<2048xf32> to vector<2048x1xf32>
    %jit3A_286 = arith.constant 0xFF800000 : f32
    %broadcast_in_dim3A_287 = vector.shape_cast %broadcast_in_dim3A_285 : vector<2048x1xf32> to vector<2048x1xf32>
    %broadcast_in_dim3A_288 = vector.broadcast %broadcast_in_dim3A_287 : vector<2048x1xf32> to vector<2048x64xf32>
    %broadcast_in_dim3A_289 = vector.broadcast %jit3A_286 : f32 to vector<2048x64xf32>
    %select_n3A_290 = arith.select %eq3A_9, %broadcast_in_dim3A_288, %broadcast_in_dim3A_289 : vector<2048x64xi1>, vector<2048x64xf32>
    %reduce_max3A = arith.constant dense<0xFF800000> : vector<64xf32>
    %reduce_max3A_291 = vector.multi_reduction <maximumf>, %select_n3A_290, %reduce_max3A [0] : vector<2048x64xf32> to vector<64xf32>
    %iota3A_292 = tpu.iota {dimensions = array<i32: 0>} : vector<2048x64xi32>
    %broadcast_in_dim3A_293 = vector.shape_cast %select_n3A_284 : vector<2048xf32> to vector<2048x1xf32>
    %broadcast_in_dim3A_294 = vector.shape_cast %reduce_max3A_291 : vector<64xf32> to vector<1x64xf32>
    %eq3A_295 = vector.broadcast %broadcast_in_dim3A_293 : vector<2048x1xf32> to vector<2048x64xf32>
    %eq3A_296 = vector.broadcast %broadcast_in_dim3A_294 : vector<1x64xf32> to vector<2048x64xf32>
    %eq3A_297 = arith.cmpf oeq, %eq3A_295, %eq3A_296 : vector<2048x64xf32>
    %and3A = arith.andi %eq3A_9, %eq3A_297 : vector<2048x64xi1>
    %jit3A_298 = arith.constant 2048 : i32
    %broadcast_in_dim3A_299 = vector.broadcast %jit3A_298 : i32 to vector<2048x64xi32>
    %select_n3A_300 = arith.select %and3A, %iota3A_292, %broadcast_in_dim3A_299 : vector<2048x64xi1>, vector<2048x64xi32>
    %reduce_min3A = arith.constant dense<2147483647> : vector<64xi32>
    %reduce_min3A_301 = vector.multi_reduction <minsi>, %select_n3A_300, %reduce_min3A [0] : vector<2048x64xi32> to vector<64xi32>
    %broadcast_in_dim3A_302 = vector.shape_cast %reduce_min3A_301 : vector<64xi32> to vector<1x64xi32>
    %eq3A_303 = vector.broadcast %broadcast_in_dim3A_302 : vector<1x64xi32> to vector<2048x64xi32>
    %eq3A_304 = arith.cmpi eq, %iota3A_292, %eq3A_303 : vector<2048x64xi32>
    %and3A_305 = arith.andi %eq3A_9, %eq3A_304 : vector<2048x64xi1>
    %broadcast_in_dim3A_306 = vector.shape_cast %sub3A : vector<2048xf32> to vector<2048x1xf32>
    %jit3A_307 = arith.constant 0.000000e+00 : f32
    %broadcast_in_dim3A_308 = vector.shape_cast %broadcast_in_dim3A_306 : vector<2048x1xf32> to vector<2048x1xf32>
    %broadcast_in_dim3A_309 = vector.broadcast %broadcast_in_dim3A_308 : vector<2048x1xf32> to vector<2048x64xf32>
    %broadcast_in_dim3A_310 = vector.broadcast %jit3A_307 : f32 to vector<2048x64xf32>
    %select_n3A_311 = arith.select %and3A_305, %broadcast_in_dim3A_309, %broadcast_in_dim3A_310 : vector<2048x64xi1>, vector<2048x64xf32>
    %reduce_sum3A_312 = arith.constant dense<0.000000e+00> : vector<64xf32>
    %reduce_sum3A_313 = vector.multi_reduction <add>, %select_n3A_311, %reduce_sum3A_312 [0] : vector<2048x64xf32> to vector<64xf32>
    %eq3A_314 = arith.constant 0 : i32
    %eq3A_315 = arith.cmpi eq, %arg0, %eq3A_314 : i32
    %convert_element_type3A = arith.extui %eq3A_315 : i1 to i32
    %cond3A = arith.constant 0 : i32
    %cond3A_316 = arith.cmpi ne, %convert_element_type3A, %cond3A : i32
    scf.if %cond3A_316 {
      %broadcast_in_dim3A_360 = arith.constant 0xFF800000 : f32
      %broadcast_in_dim3A_361 = vector.broadcast %broadcast_in_dim3A_360 : f32 to vector<1x64xf32>
      %swap3A_362 = arith.constant 0 : index
      %swap3A_363 = arith.constant 0 : index
      %swap3A_364 = vector.load %arg8[%swap3A_362, %swap3A_363] : memref<1x64xf32, #tpu.memory_space<vmem>>, vector<1x64xf32>
      tpu.vector_store %arg8[%swap3A_362, %swap3A_363], %broadcast_in_dim3A_361 {strides = array<i32>} : memref<1x64xf32, #tpu.memory_space<vmem>>, vector<1x64xf32>,
      %broadcast_in_dim3A_365 = arith.constant 0 : i32
      %broadcast_in_dim3A_366 = vector.broadcast %broadcast_in_dim3A_365 : i32 to vector<1x64xi32>
      %swap3A_367 = arith.constant 0 : index
      %swap3A_368 = arith.constant 0 : index
      %swap3A_369 = vector.load %arg9[%swap3A_367, %swap3A_368] : memref<1x64xi32, #tpu.memory_space<vmem>>, vector<1x64xi32>
      tpu.vector_store %arg9[%swap3A_367, %swap3A_368], %broadcast_in_dim3A_366 {strides = array<i32>} : memref<1x64xi32, #tpu.memory_space<vmem>>, vector<1x64xi32>,
      %slice3A = vector.extract_strided_slice %sub3A {offsets = [0], sizes = [1], strides = [1]} : vector<2048xf32> to vector<1xf32>
      %squeeze3A = vector.extract %slice3A[0] : f32 from vector<1xf32>
      %broadcast_in_dim3A_370 = vector.broadcast %squeeze3A : f32 to vector<1x64xf32>
      %swap3A_371 = arith.constant 0 : index
      %swap3A_372 = arith.constant 0 : index
      %swap3A_373 = vector.load %arg10[%swap3A_371, %swap3A_372] : memref<1x64xf32, #tpu.memory_space<vmem>>, vector<1x64xf32>
      tpu.vector_store %arg10[%swap3A_371, %swap3A_372], %broadcast_in_dim3A_370 {strides = array<i32>} : memref<1x64xf32, #tpu.memory_space<vmem>>, vector<1x64xf32>,
    } else {
    }
    %get3A_317 = arith.constant 0 : index
    %get3A_318 = arith.constant 0 : index
    %get3A_319 = vector.load %arg8[%get3A_317, %get3A_318] : memref<1x64xf32, #tpu.memory_space<vmem>>, vector<1x64xf32>
    %get3A_320 = vector.shape_cast %get3A_319 : vector<1x64xf32> to vector<64xf32>
    %gt3A_321 = arith.cmpf ogt, %reduce_max3A_291, %get3A_320 : vector<64xf32>
    %get3A_322 = arith.constant 0 : index
    %get3A_323 = arith.constant 0 : index
    %get3A_324 = vector.load %arg8[%get3A_322, %get3A_323] : memref<1x64xf32, #tpu.memory_space<vmem>>, vector<1x64xf32>
    %get3A_325 = vector.shape_cast %get3A_324 : vector<1x64xf32> to vector<64xf32>
    %select_n3A_326 = arith.select %gt3A_321, %reduce_max3A_291, %get3A_325 : vector<64xi1>, vector<64xf32>
    %swap3A = arith.constant 0 : index
    %swap3A_327 = arith.constant 0 : index
    %swap3A_328 = vector.load %arg8[%swap3A, %swap3A_327] : memref<1x64xf32, #tpu.memory_space<vmem>>, vector<1x64xf32>
    %swap3A_329 = vector.shape_cast %swap3A_328 : vector<1x64xf32> to vector<64xf32>
    %swap3A_330 = vector.shape_cast %select_n3A_326 : vector<64xf32> to vector<1x64xf32>
    tpu.vector_store %arg8[%swap3A, %swap3A_327], %swap3A_330 {strides = array<i32>} : memref<1x64xf32, #tpu.memory_space<vmem>>, vector<1x64xf32>,
    %mul3A_331 = arith.constant 2048 : i32
    %mul3A_332 = arith.muli %arg0, %mul3A_331 : i32
    %add3A_333 = vector.broadcast %mul3A_332 : i32 to vector<64xi32>
    %add3A_334 = arith.addi %add3A_333, %reduce_min3A_301 : vector<64xi32>
    %get3A_335 = arith.constant 0 : index
    %get3A_336 = arith.constant 0 : index
    %get3A_337 = vector.load %arg9[%get3A_335, %get3A_336] : memref<1x64xi32, #tpu.memory_space<vmem>>, vector<1x64xi32>
    %get3A_338 = vector.shape_cast %get3A_337 : vector<1x64xi32> to vector<64xi32>
    %select_n3A_339 = arith.select %gt3A_321, %add3A_334, %get3A_338 : vector<64xi1>, vector<64xi32>
    %swap3A_340 = arith.constant 0 : index
    %swap3A_341 = arith.constant 0 : index
    %swap3A_342 = vector.load %arg9[%swap3A_340, %swap3A_341] : memref<1x64xi32, #tpu.memory_space<vmem>>, vector<1x64xi32>
    %swap3A_343 = vector.shape_cast %swap3A_342 : vector<1x64xi32> to vector<64xi32>
    %swap3A_344 = vector.shape_cast %select_n3A_339 : vector<64xi32> to vector<1x64xi32>
    tpu.vector_store %arg9[%swap3A_340, %swap3A_341], %swap3A_344 {strides = array<i32>} : memref<1x64xi32, #tpu.memory_space<vmem>>, vector<1x64xi32>,
    %get3A_345 = arith.constant 0 : index
    %get3A_346 = arith.constant 0 : index
    %get3A_347 = vector.load %arg10[%get3A_345, %get3A_346] : memref<1x64xf32, #tpu.memory_space<vmem>>, vector<1x64xf32>
    %get3A_348 = vector.shape_cast %get3A_347 : vector<1x64xf32> to vector<64xf32>
    %select_n3A_349 = arith.select %gt3A_321, %reduce_sum3A_313, %get3A_348 : vector<64xi1>, vector<64xf32>
    %swap3A_350 = arith.constant 0 : index
    %swap3A_351 = arith.constant 0 : index
    %swap3A_352 = vector.load %arg10[%swap3A_350, %swap3A_351] : memref<1x64xf32, #tpu.memory_space<vmem>>, vector<1x64xf32>
    %swap3A_353 = vector.shape_cast %swap3A_352 : vector<1x64xf32> to vector<64xf32>
    %swap3A_354 = vector.shape_cast %select_n3A_349 : vector<64xf32> to vector<1x64xf32>
    tpu.vector_store %arg10[%swap3A_350, %swap3A_351], %swap3A_354 {strides = array<i32>} : memref<1x64xf32, #tpu.memory_space<vmem>>, vector<1x64xf32>,
    %eq3A_355 = arith.constant 15 : i32
    %eq3A_356 = arith.cmpi eq, %arg0, %eq3A_355 : i32
    %convert_element_type3A_357 = arith.extui %eq3A_356 : i1 to i32
    %cond3A_358 = arith.constant 0 : i32
    %cond3A_359 = arith.cmpi ne, %convert_element_type3A_357, %cond3A_358 : i32
    scf.if %cond3A_359 {
      %get3A_360 = arith.constant 0 : index
      %get3A_361 = arith.constant 0 : index
      %get3A_362 = vector.load %arg5[%get3A_360, %get3A_361] : memref<1x64xf32, #tpu.memory_space<vmem>>, vector<1x64xf32>
      %get3A_363 = vector.shape_cast %get3A_362 : vector<1x64xf32> to vector<64xf32>
      %iota3A_364 = tpu.iota {dimensions = array<i32: 0>} : vector<64x64xi32>
      %iota3A_365 = tpu.iota {dimensions = array<i32: 1>} : vector<64x64xi32>
      %lt3A = arith.cmpi slt, %iota3A_364, %iota3A_365 : vector<64x64xi32>
      %broadcast_in_dim3A_366 = vector.shape_cast %get3A_363 : vector<64xf32> to vector<64x1xf32>
      %jit3A_367 = arith.constant 0.000000e+00 : f32
      %broadcast_in_dim3A_368 = vector.shape_cast %broadcast_in_dim3A_366 : vector<64x1xf32> to vector<64x1xf32>
      %broadcast_in_dim3A_369 = vector.broadcast %broadcast_in_dim3A_368 : vector<64x1xf32> to vector<64x64xf32>
      %broadcast_in_dim3A_370 = vector.broadcast %jit3A_367 : f32 to vector<64x64xf32>
      %select_n3A_371 = arith.select %lt3A, %broadcast_in_dim3A_369, %broadcast_in_dim3A_370 : vector<64x64xi1>, vector<64x64xf32>
      %reduce_sum3A_372 = arith.constant dense<0.000000e+00> : vector<64xf32>
      %reduce_sum3A_373 = vector.multi_reduction <add>, %select_n3A_371, %reduce_sum3A_372 [0] : vector<64x64xf32> to vector<64xf32>
      %get3A_374 = arith.constant 0 : index
      %get3A_375 = arith.constant 0 : index
      %get3A_376 = vector.load %arg9[%get3A_374, %get3A_375] : memref<1x64xi32, #tpu.memory_space<vmem>>, vector<1x64xi32>
      %get3A_377 = vector.shape_cast %get3A_376 : vector<1x64xi32> to vector<64xi32>
      %convert_element_type3A_378 = arith.fptosi %reduce_sum3A_373 : vector<64xf32> to vector<64xi32>
      %sub3A_379 = arith.subi %get3A_377, %convert_element_type3A_378 : vector<64xi32>
      %swap3A_380 = arith.constant 0 : index
      %swap3A_381 = arith.constant 0 : index
      %swap3A_382 = vector.load %arg6[%swap3A_380, %swap3A_381] : memref<1x64xi32, #tpu.memory_space<vmem>>, vector<1x64xi32>
      %swap3A_383 = vector.shape_cast %swap3A_382 : vector<1x64xi32> to vector<64xi32>
      %swap3A_384 = vector.shape_cast %sub3A_379 : vector<64xi32> to vector<1x64xi32>
      tpu.vector_store %arg6[%swap3A_380, %swap3A_381], %swap3A_384 {strides = array<i32>} : memref<1x64xi32, #tpu.memory_space<vmem>>, vector<1x64xi32>,
      %get3A_385 = arith.constant 0 : index
      %get3A_386 = arith.constant 0 : index
      %get3A_387 = vector.load %arg10[%get3A_385, %get3A_386] : memref<1x64xf32, #tpu.memory_space<vmem>>, vector<1x64xf32>
      %get3A_388 = vector.shape_cast %get3A_387 : vector<1x64xf32> to vector<64xf32>
      %swap3A_389 = arith.constant 0 : index
      %swap3A_390 = arith.constant 0 : index
      %swap3A_391 = vector.load %arg7[%swap3A_389, %swap3A_390] : memref<1x64xf32, #tpu.memory_space<vmem>>, vector<1x64xf32>
      %swap3A_392 = vector.shape_cast %swap3A_391 : vector<1x64xf32> to vector<64xf32>
      %swap3A_393 = vector.shape_cast %get3A_388 : vector<64xf32> to vector<1x64xf32>
      tpu.vector_store %arg7[%swap3A_389, %swap3A_390], %swap3A_393 {strides = array<i32>} : memref<1x64xf32, #tpu.memory_space<vmem>>, vector<1x64xf32>,
    } else {
    }
    return
  }
  func.func @transform_0(%arg0: i32) -> (i32, i32, i32) {
    %c0_i32 = arith.constant 0 : i32
    %c0_i32_0 = arith.constant 0 : i32
    %c0_i32_1 = arith.constant 0 : i32
    return %arg0, %c0_i32, %c0_i32_0 : i32, i32, i32
  }
  func.func @transform_1(%arg0: i32) -> (i32, i32, i32) {
    %c0_i32 = arith.constant 0 : i32
    %c0_i32_0 = arith.constant 0 : i32
    %c0_i32_1 = arith.constant 0 : i32
    return %arg0, %c0_i32, %c0_i32_0 : i32, i32, i32
  }
  func.func @transform_2(%arg0: i32) -> (i32, i32) {
    %c0_i32 = arith.constant 0 : i32
    %c0_i32_0 = arith.constant 0 : i32
    %c0_i32_1 = arith.constant 0 : i32
    return %c0_i32, %c0_i32_0 : i32, i32
  }
  func.func @transform_3(%arg0: i32) -> (i32, i32) {
    %c0_i32 = arith.constant 0 : i32
    %c0_i32_0 = arith.constant 0 : i32
    %c0_i32_1 = arith.constant 0 : i32
    return %c0_i32, %c0_i32_0 : i32, i32
  }
  func.func @transform_4(%arg0: i32) -> (i32, i32) {
    %c0_i32 = arith.constant 0 : i32
    %c0_i32_0 = arith.constant 0 : i32
    %c0_i32_1 = arith.constant 0 : i32
    return %c0_i32, %c0_i32_0 : i32, i32
  }
  func.func @transform_5(%arg0: i32) -> (i32, i32) {
    %c0_i32 = arith.constant 0 : i32
    %c0_i32_0 = arith.constant 0 : i32
    %c0_i32_1 = arith.constant 0 : i32
    return %c0_i32, %c0_i32_0 : i32, i32
  }
  func.func @transform_6(%arg0: i32) -> (i32, i32) {
    %c0_i32 = arith.constant 0 : i32
    %c0_i32_0 = arith.constant 0 : i32
    %c0_i32_1 = arith.constant 0 : i32
    return %c0_i32, %c0_i32_0 : i32, i32
  }
}

</mosaic_0001>

<sc_bundles>
// kernel: kernel.6.cloned.1.call-start
scs
__scs_entry_jumppad:
0x0: {  	(pc) =	sbr.rel $0x88, $3  }
0x1: {  	(tag) =	ssettag $0x0;
	lr =	simm.s32 $0x1  }
0x2: {  	[smem:$0x3F8A] =	sst lr;
	_ =	strace $0xD0000000  }
0x3: {  	_ = 	snop  }
0x4: {  	_ = 	snop  }
0x5: {  	_ = 	snop  }
0x6: {  	_ = 	snop  }
0x7: {  	_ = 	snop  }
__scs_overlays_trampoline_lowered:
0x8: {  	[smem:$0x3F99] =	sst s0  }
0x9: {  	[smem:$0x3F9A] =	sst s1  }
0xa: {  	[smem:$0x3F9B] =	sst s2  }
0xb: {  	[smem:$0x3F9C] =	sst s3  }
0xc: {  	[smem:$0x3F9D] =	sst s4  }
0xd: {  	[smem:$0x3F9E] =	sst s5  }
0xe: {  	[smem:$0x3F9F] =	sst s6  }
0xf: {  	[smem:$0x3FA0] =	sst s7  }
0x10: {  	[smem:$0x3FA1] =	sst s8  }
0x11: {  	[smem:$0x3FA2] =	sst s9;
	s0 =	simm.s32 @!p0 $0x0  }
0x12: {  	s1 =	sld [smem:$0x3F88];
	s0 =	simm.s32 @p0 $0x1  }
0x13: {  	[smem:$0x3FA3] =	sst s0;
	s0 =	simm.s32 @!p1 $0x0  }
0x14: {  	s2 =	sld [smem:$0x3F87];
	s0 =	simm.s32 @p1 $0x1  }
0x15: {  	[smem:$0x3FA4] =	sst s0;
	s0 =	simm.s32 @!p2 $0x0  }
0x16: {  	s3 =	sld [smem:$0x3FDB];
	s0 =	simm.s32 @p2 $0x1  }
0x17: {  	s4 =	simm.s32 $0x1BF5;
	[smem:$0x3FA6] =	sst s0  }
0x18: {  	s0 =	sld [smem:$0x3F89];
	_ =	swait.ge [sflag:s4], $0x0  }
0x19: {  	s7 =	sld [smem:$0x3F8A]  }
0x1a: {  	s8 =	sadd.s32 $0xFFFFE003, lr  }
0x1b: {  	s9 =	sadd.s32 $0xFFFFFEF7, lr;
	s5 =	simm.s32 $0xFFFFFFFF;
	p2 =	slt.u32 s8, $0xFFFFF086  }
0x1c: {  	p1 =	slt.u32 s9, $0xF7A;
	s5 =	simm.s32 @!p2 $0x0  }
0x1d: {  	s5 =	simm.s32 @p1 $0x1;
	p0 =	seq.s32 s7, s2  }
0x1e: {  	s7 =	smul.u32 @!p0 $0xF7A, s2;
	p2 =	seq.s32 @!p0 s5, $0x0  }
0x1f: {  	s9 =	smul.u32 $0xF7A, s1;
	s8 =	simm.s32 @!p0 $0x1BF5;
	p2 =	por !p2, p0  }
0x20: {  	[sflag:s8] =	ssyncset.s32 @!p0 $0xFFFFF086;
	s6 =	sadd.s32 @!p0 s3, s7;
	s7 =	simm.s32 @!p0 $0x108  }
0x21: {  	s3 =	sadd.s32 s3, s9;
	s6 =	sadd.s32 @!p0 $0x88, s6;
	s7 =	simm.s32 @p2 $0x1082  }
0x22: {  	[simem:s7], [sflag:s8] =	dma.local @!p0 [hbm:s6], $0xF7A  }
0x23: {  	s9 =	sor.u32 $0xD0000000, s2;
	s6 =	simm.s32 $0x108;
	_ =	swait.ge @!p0 [sflag:s8], $0x0  }
0x24: {  	s3 =	sadd.s32 $0x88, s3;
	s6 =	simm.s32 @!p1 $0x1082;
	[sflag:s4] =	ssyncset.s32 $0xFFFFF086  }
0x25: {  	[simem:s6], [sflag:s4] =	dma.local [hbm:s3], $0xF7A  }
0x26: {  	[smem:$0x3F8A] =	sst s1;
	(tag) =	ssettag s2;
	_ =	strace s9  }
0x27: {  	s1 =	sld [smem:$0x3F9A]  }
0x28: {  	s2 =	sld [smem:$0x3F9B]  }
0x29: {  	s4 =	sld [smem:$0x3F9D]  }
0x2a: {  	p0 =	seq.s32 s5, $0x0;
	s5 =	sld [smem:$0x3F9E]  }
0x2b: {  	s6 =	sld [smem:$0x3F9F]  }
0x2c: {  	s7 =	sld [smem:$0x3FA0]  }
0x2d: {  	s3 =	simm.s32 $0x108;
	s8 =	sld [smem:$0x3FA1]  }
0x2e: {  	s3 =	simm.s32 @!p0 $0x1082;
	s9 =	sld [smem:$0x3FA2]  }
0x2f: {  	lr =	sadd.s32 s0, s3;
	s0 =	sld [smem:$0x3F99]  }
0x30: {  	s3 =	sld [smem:$0x3F9C]  }
0x31: {  	[smem:$0x3FA5] =	sst s10  }
0x32: {  	s10 =	sld [smem:$0x3FA3];
	_ =	sdelay $0x3  }
0x33: {  	p0 =	seq.s32 s10, $0x1;
	s10 =	sld [smem:$0x3FA5];
	_ =	sdelay $0x3  }
0x34: {  	[smem:$0x3FA5] =	sst s10  }
0x35: {  	s10 =	sld [smem:$0x3FA4];
	_ =	sdelay $0x3  }
0x36: {  	p1 =	seq.s32 s10, $0x1;
	s10 =	sld [smem:$0x3FA5];
	_ =	sdelay $0x3  }
0x37: {  	[smem:$0x3FA5] =	sst s10  }
0x38: {  	s10 =	sld [smem:$0x3FA6]  }
0x39: {  	_ = 	snop;
	(pc) =	sbr.ind lr, $3  }
0x3a: {  	_ = 	snop  }
0x3b: {  	_ = 	snop  }
0x3c: {  	p2 =	seq.s32 s10, $0x1;
	s10 =	sld [smem:$0x3FA5]  }
0x3d: {  	_ =	shalt  }
0x3e: {  	_ =	shalt  }
0x3f: {  	_ =	shalt  }
0x40: {  	_ =	shalt  }
0x41: {  	_ =	shalt  }
0x42: {  	_ =	shalt  }
0x43: {  	_ =	shalt  }
0x44: {  	_ =	shalt  }
0x45: {  	_ =	shalt  }
0x46: {  	_ =	shalt  }
0x47: {  	_ =	shalt  }
0x48: {  	_ =	shalt  }
0x49: {  	_ =	shalt  }
0x4a: {  	_ =	shalt  }
0x4b: {  	_ =	shalt  }
0x4c: {  	_ =	shalt  }
0x4d: {  	_ =	shalt  }
0x4e: {  	_ =	shalt  }
0x4f: {  	_ =	shalt  }
0x50: {  	_ =	shalt  }
0x51: {  	_ =	shalt  }
0x52: {  	_ =	shalt  }
0x53: {  	_ =	shalt  }
0x54: {  	_ =	shalt  }
0x55: {  	_ =	shalt  }
0x56: {  	_ =	shalt  }
0x57: {  	_ =	shalt  }
0x58: {  	_ =	shalt  }
0x59: {  	_ =	shalt  }
0x5a: {  	_ =	shalt  }
0x5b: {  	_ =	shalt  }
0x5c: {  	_ =	shalt  }
0x5d: {  	_ =	shalt  }
0x5e: {  	_ =	shalt  }
0x5f: {  	_ =	shalt  }
0x60: {  	_ =	shalt  }
0x61: {  	_ =	shalt  }
0x62: {  	_ =	shalt  }
0x63: {  	_ =	shalt  }
0x64: {  	_ =	shalt  }
0x65: {  	_ =	shalt  }
0x66: {  	_ =	shalt  }
0x67: {  	_ =	shalt  }
0x68: {  	_ =	shalt  }
0x69: {  	_ =	shalt  }
0x6a: {  	_ =	shalt  }
0x6b: {  	_ =	shalt  }
0x6c: {  	_ =	shalt  }
0x6d: {  	_ =	shalt  }
0x6e: {  	_ =	shalt  }
0x6f: {  	_ =	shalt  }
0x70: {  	_ =	shalt  }
0x71: {  	_ =	shalt  }
0x72: {  	_ =	shalt  }
0x73: {  	_ =	shalt  }
0x74: {  	_ =	shalt  }
0x75: {  	_ =	shalt  }
0x76: {  	_ =	shalt  }
0x77: {  	_ =	shalt  }
0x78: {  	_ =	shalt  }
0x79: {  	_ =	shalt  }
0x7a: {  	_ =	shalt  }
0x7b: {  	_ =	shalt  }
0x7c: {  	_ =	shalt  }
0x7d: {  	_ =	shalt  }
0x7e: {  	_ =	shalt  }
0x7f: {  	_ =	shalt  }
0x80: {  	_ =	shalt  }
0x81: {  	_ =	shalt  }
0x82: {  	_ =	shalt  }
0x83: {  	_ =	shalt  }
0x84: {  	_ =	shalt  }
0x85: {  	_ =	shalt  }
0x86: {  	_ =	shalt  }
0x87: {  	_ =	shalt  }
.Lfunc_end0:
.L_simem_size_0:
called_computation_lowered:
.L_overlay_start_0:
0x88: {  	s2 =	sld [smem:$0x3FD9]  }
0x89: {  	s3 =	sld [smem:$0x3FFE];
	_ =	sdelay $0x1  }
0x8a: {  	s1 =	srdreg.scid  }
0x8b: {  	s0 =	sand.u32 $0x1, s1  }
0x8c: {  	s14 =	sshll.u32 s0, $0xA;
	s2 =	sadd.s32 s3, s2  }
0x8d: {  	s2 =	sadd.s32 s2, s14  }
0x8e: {  	[smem:$0x3FB1] =	sst s2  }
0x8f: {  	_ = 	snop  }
0x90: {  	s2 =	sld [smem:$0x3FD0];
	_ =	sdelay $0x2  }
0x91: {  	s15 =	simm.s32 $0xA;
	s4 =	simm.s32 $0x10  }
0x92: {  	[smem:s4], [sflag:s15] =	dma.local [hbm:s2], $0x1  }
0x93: {  	_ =	swait.eq [sflag:s15], $0x1  }
0x94: {  	[sflag:s15] =	ssyncset.done $0x0  }
0x95: {  	[sflag:s15] =	ssyncadd.s32 $0xFFFFFFFF  }
0x96: {  	s16 =	sld [smem:$0x10];
	(tm) =	ssettm $0x1  }
0x97: {  	s17 =	sld [smem:$0x3FFB];
	_ =	sdelay $0x3  }
0x98: {  	_ =	strace s17  }
0x99: {  	s3 =	sld [smem:$0x3FFC];
	_ =	sdelay $0x3  }
0x9a: {  	_ =	strace s3  }
0x9b: {  	s3 =	sld [smem:$0x3FFD];
	_ =	sdelay $0x3  }
0x9c: {  	_ =	strace s3  }
0x9d: {  	_ =	strace $0x8FFFFFFF  }
0x9e: {  	s18 =	sld [smem:$0x3FDB];
	_ =	sdelay $0x1  }
0x9f: {  	s19 =	simm.s32 $_scs_section_size  }
0xa0: {  	s5 =	simm.s32 $_size__tile_overlayer_lowered;
	s6 =	simm.s32 $_tile_overlayer_lowered  }
0xa1: {  	s22 =	simm.s32 $0x1BFF;
	s21 =	sshll.u32 s6, $0x1;
	s3 =	sadd.s32 s19, s18  }
0xa2: {  	s7 =	simm.s32 $0x0;
	s20 =	sshll.u32 s5, $0x1;
	s5 =	sadd.s32 s21, s3  }
0xa3: {  	[timem:s7], [sflag:s22] =	dma.local [hbm:s5], s20  }
0xa4: {  	_ =	swait.ge [sflag:s22], s20  }
0xa5: {  	s4 =	ssub.s32 $0x0, s20;
	[sflag:s22] =	ssyncset.done $0x0  }
0xa6: {  	[sflag:s22] =	ssyncadd.s32 s4;
	_ =	sdelay $0x1  }
0xa7: {  	s23 =	simm.s32 $0x1B8B  }
0xa8: {  	_ =	swait.ge [sflag:s23], $0x1  }
0xa9: {  	[sflag:s23] =	ssyncset.done $0x0  }
0xaa: {  	s25 =	simm.s32 $0x1B8E;
	s24 =	sld [smem:$0x3FFE];
	[sflag:s23] =	ssyncadd.s32 $0xFFFFFFFF  }
0xab: {  	s26 =	simm.s32 $execute0_lowered;
	[smem:$0x3FD2] =	sst s25  }
0xac: {  	s5 =	sshll.u32 s26, $0x1;
	_ =	strace $0x80000046;
	[dreg:$0x1] =	wrdreg $0xFFFFFFFF  }
0xad: {  	s28 =	simm.s32 $_size_execute0_lowered;
	s3 =	sadd.s32 s3, s5;
	[dreg:$0x0] =	wrdreg $0x0  }
0xae: {  	s5 =	sshll.u32 s28, $0x1;
	[dreg:$0x2] =	wrdreg s3  }
0xaf: {  	[dreg:$0x3] =	wrdreg s5  }
0xb0: {  	[dreg:$0x4] =	wrdreg $0xC0  }
0xb1: {  	_ =	task [dreg:s7], $0x5FFFF  }
0xb2: {  	[dreg:$0x1] =	wrdreg $0xFFFFFFFF  }
0xb3: {  	[dreg:$0x0] =	wrdreg $0x60  }
0xb4: {  	[dreg:$0x2] =	wrdreg s24  }
0xb5: {  	[dreg:$0x3] =	wrdreg s16  }
0xb6: {  	[dreg:$0x4] =	wrdreg $0x9  }
0xb7: {  	_ =	task.clear_ibuf [dreg:s7], $0x5FFFF;
	_ =	strace $0x90000046  }
0xb8: {  	s29 =	simm.s32 $0x9;
	_ =	strace $0x80000048  }
0xb9: {  	_ =	swait.ge [sflag:s29], $0x1  }
0xba: {  	[sflag:s29] =	ssyncadd.s32 $0xFFFFFFFF  }
0xbb: {  	_ =	strace $0x90000048  }
0xbc: {  	_ =	sfence  }
0xbd: {  	s30 =	sld [smem:$0x0];
	_ =	sdelay $0x2  }
0xbe: {  	s31 =	sshll.u32 s1, $0xD;
	s1 =	sshrl.u32 s1, $0x2  }
0xbf: {  	s3 =	sand.u32 $0x4000, s31;
	s1 =	sadd.s32 s1, s30  }
0xc0: {  	s0 =	sor.u32 s3, s0;
	s1 =	sshll.u32 s1, $0x11  }
0xc1: {  	s0 =	sor.u32 s1, s0  }
0xc2: {  	s0 =	sadd.s32 $0x8F2B, s0  }
0xc3: {  	[sflag:s0] =	ssyncadd.remote.s32 $0x1  }
0xc4: {  	_ =	sfence.sel $0xFFFF  }
0xc5: {  	[dreg:$0x0] =	wrdreg $0xFFFFFFFF;
	(pc) =	sbr.abs _section_cstart, $3  }
0xc6: {  	[dreg:$0x1] =	wrdreg $0xFFFFFFFF  }
0xc7: {  	_ =	task.clear_ibuf [dreg:s7], $0x2FFFF;
	_ =	strace $0x9FFFFFFF  }
0xc8: {  	(tm) =	ssettm $0x7FFFFFFF  }
0xc9: {  	_ =	shalt  }
tec
execute0_lowered:
.L_overlay_start_1:
0x0: {  	(tag) =	ssettag $0x1  }
0x1: {  	s3 =	rddreg [dreg:$0x0]  }
0x2: {  	s6 =	rddreg [dreg:$0x1]  }
0x3: {  	s0 =	rddreg [dreg:$0x2]  }
0x4: {  	s2 =	simm.s32 $0x0;
	s4 =	srdreg.scid;
	s1 =	stileid.u32  }
0x5: {  	s10 =	simm.s32 $0x800;
	s11 =	simm.s32 $0x880;
	s12 =	simm.s32 $0x0  }
0x6: {  	[smem:$0x7FF] =	sst s2;
	s4 =	sand.u32 $0x1, s4;
	s5 =	sshll.u32 s1, $0x8  }
.Ltmp0:
0x7: {  	s7 =	sshll.u32 s4, $0x7;
	s4 =	ssub.s32 $0x2, s4;
	(pc) =	sbr.rel .LBB2_1-.Ltmp0, $4  }
0x8: {  	_ =	strace $0x80000047;
	s7 =	sor.u32 s7, s5;
	s31 =	sshrl.u32 s4, $0x1  }
0x9: {  	s8 =	sadd.s32 s7, s3;
	s3 =	sadd.s32 $0x3600, s3;
	s9 =	ssub.s32 s4, s31  }
0xa: {  	s6 =	sadd.s32 s6, s7;
	s4 =	sadd.s32 $0x4800, s8;
	s5 =	sadd.s32 $0x2600, s8  }
0xb: {  	s7 =	smax.u32 s9, $0x1;
	s8 =	simm.s32 $0x1;
	s9 =	simm.s32 $0x400  }
.LBB2_263:
0xc: {  	v0 =	vld [tilespmem:$0x0]  }
0xd: {  	v1 =	vld [tilespmem:$0x10]  }
0xe: {  	v2 =	vld [tilespmem:$0x20]  }
0xf: {  	v3 =	vld [tilespmem:$0x30]  }
0x10: {  	v4 =	vld [tilespmem:$0x40]  }
0x11: {  	v5 =	vld [tilespmem:$0x50];
	v0 =	vmul.f32 $1.442695020e+00, v0  }
0x12: {  	v6 =	vld [tilespmem:$0x60];
	v1 =	vmul.f32 $1.442695020e+00, v1  }
0x13: {  	(erf) = vpow2.f32 v0;
	v0 =	vmul.f32 $1.442695020e+00, v2;
	v2 =	vld [tilespmem:$0x70]  }
0x14: {  	(erf) = vpow2.f32 v1;
	v1 =	vmul.f32 $1.442695020e+00, v3;
	v3 =	vld [tilespmem:$0x80]  }
0x15: {  	v39 =	vld [tilespmem:$0x90];
	(erf) = vpow2.f32 v0;
	v0 =	vmul.f32 $1.442695020e+00, v4  }
0x16: {  	v40 =	vld [tilespmem:$0xA0];
	(erf) = vpow2.f32 v1;
	v1 =	vmul.f32 $1.442695020e+00, v5  }
0x17: {  	v41 =	vld [tilespmem:$0xB0];
	(erf) = vpow2.f32 v0;
	v0 =	vmul.f32 $1.442695020e+00, v6  }
0x18: {  	(erf) = vpow2.f32 v1;
	v1 =	vmul.f32 $1.442695020e+00, v2;
	v2 =	vld [tilespmem:$0xC0]  }
0x19: {  	(erf) = vpow2.f32 v0;
	v0 =	vmul.f32 $1.442695020e+00, v3;
	v3 =	vld [tilespmem:$0xD0]  }
0x1a: {  	v42 =	vld [tilespmem:$0xE0];
	(erf) = vpow2.f32 v1;
	v1 =	vmul.f32 $1.442695020e+00, v39  }
0x1b: {  	v43 =	vld [tilespmem:$0xF0];
	(erf) = vpow2.f32 v0;
	v0 =	vmul.f32 $1.442695020e+00, v40  }
0x1c: {  	v44 =	vld [tilespmem:$0x100];
	v7 =	vpop (erf);
	(erf) = vpow2.f32 v1;
	v1 =	vmul.f32 $1.442695020e+00, v41  }
0x1d: {  	v45 =	vpop (erf);
	(erf) = vpow2.f32 v0;
	v0 =	vmul.f32 $1.442695020e+00, v2;
	v2 =	vld [tilespmem:$0x110]  }
0x1e: {  	[tilespmem:$0x880] =	vst v7;
	v46 =	vpop (erf);
	(erf) = vpow2.f32 v1;
	v1 =	vmul.f32 $1.442695020e+00, v3;
	v3 =	vld [tilespmem:$0x120]  }
0x1f: {  	v48 =	vld [tilespmem:$0x130];
	[tilespmem:$0x890] =	vst v45;
	v47 =	vpop (erf);
	(erf) = vpow2.f32 v0;
	v0 =	vmul.f32 $1.442695020e+00, v42  }
0x20: {  	v50 =	vld [tilespmem:$0x140];
	[tilespmem:$0x8A0] =	vst v46;
	v49 =	vpop (erf);
	(erf) = vpow2.f32 v1;
	v1 =	vmul.f32 $1.442695020e+00, v43  }
0x21: {  	v52 =	vld [tilespmem:$0x150];
	[tilespmem:$0x8B0] =	vst v47;
	v51 =	vpop (erf);
	(erf) = vpow2.f32 v0;
	v0 =	vmul.f32 $1.442695020e+00, v44  }
0x22: {  	[tilespmem:$0x8C0] =	vst v49;
	v53 =	vpop (erf);
	(erf) = vpow2.f32 v1;
	v1 =	vmul.f32 $1.442695020e+00, v2;
	v2 =	vld [tilespmem:$0x160]  }
0x23: {  	[tilespmem:$0x8D0] =	vst v51;
	v54 =	vpop (erf);
	(erf) = vpow2.f32 v0;
	v0 =	vmul.f32 $1.442695020e+00, v3;
	v3 =	vld [tilespmem:$0x170]  }
0x24: {  	v56 =	vld [tilespmem:$0x180];
	[tilespmem:$0x8E0] =	vst v53;
	v55 =	vpop (erf);
	(erf) = vpow2.f32 v1;
	v1 =	vmul.f32 $1.442695020e+00, v48  }
0x25: {  	v58 =	vld [tilespmem:$0x190];
	[tilespmem:$0x8F0] =	vst v54;
	v57 =	vpop (erf);
	(erf) = vpow2.f32 v0;
	v0 =	vmul.f32 $1.442695020e+00, v50  }
0x26: {  	v60 =	vld [tilespmem:$0x1A0];
	[tilespmem:$0x900] =	vst v55;
	v59 =	vpop (erf);
	(erf) = vpow2.f32 v1;
	v1 =	vmul.f32 $1.442695020e+00, v52  }
0x27: {  	[tilespmem:$0x910] =	vst v57;
	v61 =	vpop (erf);
	(erf) = vpow2.f32 v0;
	v0 =	vmul.f32 $1.442695020e+00, v2;
	v2 =	vld [tilespmem:$0x1B0]  }
0x28: {  	[tilespmem:$0x920] =	vst v59;
	v62 =	vpop (erf);
	(erf) = vpow2.f32 v1;
	v1 =	vmul.f32 $1.442695020e+00, v3;
	v3 =	vld [tilespmem:$0x1C0]  }
0x29: {  	v9 =	vld [tilespmem:$0x1D0];
	[tilespmem:$0x930] =	vst v61;
	v63 =	vpop (erf);
	(erf) = vpow2.f32 v0;
	v0 =	vmul.f32 $1.442695020e+00, v56  }
0x2a: {  	v11 =	vld [tilespmem:$0x1E0];
	[tilespmem:$0x940] =	vst v62;
	v10 =	vpop (erf);
	(erf) = vpow2.f32 v1;
	v1 =	vmul.f32 $1.442695020e+00, v58  }
0x2b: {  	v13 =	vld [tilespmem:$0x1F0];
	[tilespmem:$0x950] =	vst v63;
	v12 =	vpop (erf);
	(erf) = vpow2.f32 v0;
	v0 =	vmul.f32 $1.442695020e+00, v60  }
0x2c: {  	[tilespmem:$0x960] =	vst v10;
	v14 =	vpop (erf);
	(erf) = vpow2.f32 v1;
	v1 =	vmul.f32 $1.442695020e+00, v2;
	v2 =	vld [tilespmem:$0x200]  }
0x2d: {  	[tilespmem:$0x970] =	vst v12;
	v15 =	vpop (erf);
	(erf) = vpow2.f32 v0;
	v0 =	vmul.f32 $1.442695020e+00, v3;
	v3 =	vld [tilespmem:$0x210]  }
0x2e: {  	v17 =	vld [tilespmem:$0x220];
	[tilespmem:$0x980] =	vst v14;
	v16 =	vpop (erf);
	(erf) = vpow2.f32 v1;
	v1 =	vmul.f32 $1.442695020e+00, v9  }
0x2f: {  	v19 =	vld [tilespmem:$0x230];
	[tilespmem:$0x990] =	vst v15;
	v18 =	vpop (erf);
	(erf) = vpow2.f32 v0;
	v0 =	vmul.f32 $1.442695020e+00, v11  }
0x30: {  	v21 =	vld [tilespmem:$0x240];
	[tilespmem:$0x9A0] =	vst v16;
	v20 =	vpop (erf);
	(erf) = vpow2.f32 v1;
	v1 =	vmul.f32 $1.442695020e+00, v13  }
0x31: {  	[tilespmem:$0x9B0] =	vst v18;
	v22 =	vpop (erf);
	(erf) = vpow2.f32 v0;
	v0 =	vmul.f32 $1.442695020e+00, v2;
	v2 =	vld [tilespmem:$0x250]  }
0x32: {  	[tilespmem:$0x9C0] =	vst v20;
	v23 =	vpop (erf);
	(erf) = vpow2.f32 v1;
	v1 =	vmul.f32 $1.442695020e+00, v3;
	v3 =	vld [tilespmem:$0x260]  }
0x33: {  	v25 =	vld [tilespmem:$0x270];
	[tilespmem:$0x9D0] =	vst v22;
	v24 =	vpop (erf);
	(erf) = vpow2.f32 v0;
	v0 =	vmul.f32 $1.442695020e+00, v17  }
0x34: {  	v27 =	vld [tilespmem:$0x280];
	[tilespmem:$0x9E0] =	vst v23;
	v26 =	vpop (erf);
	(erf) = vpow2.f32 v1;
	v1 =	vmul.f32 $1.442695020e+00, v19  }
0x35: {  	v29 =	vld [tilespmem:$0x290];
	[tilespmem:$0x9F0] =	vst v24;
	v28 =	vpop (erf);
	(erf) = vpow2.f32 v0;
	v0 =	vmul.f32 $1.442695020e+00, v21  }
0x36: {  	[tilespmem:$0xA00] =	vst v26;
	v30 =	vpop (erf);
	(erf) = vpow2.f32 v1;
	v1 =	vmul.f32 $1.442695020e+00, v2;
	v2 =	vld [tilespmem:$0x2A0]  }
0x37: {  	[tilespmem:$0xA10] =	vst v28;
	v31 =	vpop (erf);
	(erf) = vpow2.f32 v0;
	v0 =	vmul.f32 $1.442695020e+00, v3;
	v3 =	vld [tilespmem:$0x2B0]  }
0x38: {  	v33 =	vld [tilespmem:$0x2C0];
	[tilespmem:$0xA20] =	vst v30;
	v32 =	vpop (erf);
	(erf) = vpow2.f32 v1;
	v1 =	vmul.f32 $1.442695020e+00, v25  }
0x39: {  	v35 =	vld [tilespmem:$0x2D0];
	[tilespmem:$0xA30] =	vst v31;
	v34 =	vpop (erf);
	(erf) = vpow2.f32 v0;
	v0 =	vmul.f32 $1.442695020e+00, v27  }
0x3a: {  	v37 =	vld [tilespmem:$0x2E0];
	[tilespmem:$0xA40] =	vst v32;
	v36 =	vpop (erf);
	(erf) = vpow2.f32 v1;
	v1 =	vmul.f32 $1.442695020e+00, v29  }
0x3b: {  	[tilespmem:$0xA50] =	vst v34;
	v38 =	vpop (erf);
	(erf) = vpow2.f32 v0;
	v0 =	vmul.f32 $1.442695020e+00, v2;
	v2 =	vld [tilespmem:$0x2F0]  }
0x3c: {  	[tilespmem:$0xA60] =	vst v36;
	v39 =	vpop (erf);
	(erf) = vpow2.f32 v1;
	v1 =	vmul.f32 $1.442695020e+00, v3;
	v3 =	vld [tilespmem:$0x300]  }
0x3d: {  	v41 =	vld [tilespmem:$0x310];
	[tilespmem:$0xA70] =	vst v38;
	v40 =	vpop (erf);
	(erf) = vpow2.f32 v0;
	v0 =	vmul.f32 $1.442695020e+00, v33  }
0x3e: {  	v43 =	vld [tilespmem:$0x320];
	[tilespmem:$0xA80] =	vst v39;
	v42 =	vpop (erf);
	(erf) = vpow2.f32 v1;
	v1 =	vmul.f32 $1.442695020e+00, v35  }
0x3f: {  	v45 =	vld [tilespmem:$0x330];
	[tilespmem:$0xA90] =	vst v40;
	v44 =	vpop (erf);
	(erf) = vpow2.f32 v0;
	v0 =	vmul.f32 $1.442695020e+00, v37  }
0x40: {  	[tilespmem:$0xAA0] =	vst v42;
	v46 =	vpop (erf);
	(erf) = vpow2.f32 v1;
	v1 =	vmul.f32 $1.442695020e+00, v2;
	v2 =	vld [tilespmem:$0x340]  }
0x41: {  	[tilespmem:$0xAB0] =	vst v44;
	v47 =	vpop (erf);
	(erf) = vpow2.f32 v0;
	v0 =	vmul.f32 $1.442695020e+00, v3;
	v3 =	vld [tilespmem:$0x350]  }
0x42: {  	v49 =	vld [tilespmem:$0x360];
	[tilespmem:$0xAC0] =	vst v46;
	v48 =	vpop (erf);
	(erf) = vpow2.f32 v1;
	v1 =	vmul.f32 $1.442695020e+00, v41  }
0x43: {  	v51 =	vld [tilespmem:$0x370];
	[tilespmem:$0xAD0] =	vst v47;
	v50 =	vpop (erf);
	(erf) = vpow2.f32 v0;
	v0 =	vmul.f32 $1.442695020e+00, v43  }
0x44: {  	v53 =	vld [tilespmem:$0x380];
	[tilespmem:$0xAE0] =	vst v48;
	v52 =	vpop (erf);
	(erf) = vpow2.f32 v1;
	v1 =	vmul.f32 $1.442695020e+00, v45  }
0x45: {  	[tilespmem:$0xAF0] =	vst v50;
	v54 =	vpop (erf);
	(erf) = vpow2.f32 v0;
	v0 =	vmul.f32 $1.442695020e+00, v2;
	v2 =	vld [tilespmem:$0x390]  }
0x46: {  	[tilespmem:$0xB00] =	vst v52;
	v55 =	vpop (erf);
	(erf) = vpow2.f32 v1;
	v1 =	vmul.f32 $1.442695020e+00, v3;
	v3 =	vld [tilespmem:$0x3A0]  }
0x47: {  	v57 =	vld [tilespmem:$0x3B0];
	[tilespmem:$0xB10] =	vst v54;
	v56 =	vpop (erf);
	(erf) = vpow2.f32 v0;
	v0 =	vmul.f32 $1.442695020e+00, v49  }
0x48: {  	v59 =	vld [tilespmem:$0x3C0];
	[tilespmem:$0xB20] =	vst v55;
	v58 =	vpop (erf);
	(erf) = vpow2.f32 v1;
	v1 =	vmul.f32 $1.442695020e+00, v51  }
0x49: {  	v61 =	vld [tilespmem:$0x3D0];
	[tilespmem:$0xB30] =	vst v56;
	v60 =	vpop (erf);
	(erf) = vpow2.f32 v0;
	v0 =	vmul.f32 $1.442695020e+00, v53  }
0x4a: {  	[tilespmem:$0xB40] =	vst v58;
	v62 =	vpop (erf);
	(erf) = vpow2.f32 v1;
	v1 =	vmul.f32 $1.442695020e+00, v2;
	v2 =	vld [tilespmem:$0x3E0]  }
0x4b: {  	[tilespmem:$0xB50] =	vst v60;
	v63 =	vpop (erf);
	(erf) = vpow2.f32 v0;
	v0 =	vmul.f32 $1.442695020e+00, v3  }
0x4c: {  	[tilespmem:$0xB60] =	vst v62;
	v3 =	vpop (erf);
	(erf) = vpow2.f32 v1;
	v1 =	vmul.f32 $1.442695020e+00, v57  }
0x4d: {  	[tilespmem:$0xB80] =	vst v3;
	v3 =	vpop (erf);
	(erf) = vpow2.f32 v0;
	v0 =	vmul.f32 $1.442695020e+00, v59  }
0x4e: {  	[tilespmem:$0xB90] =	vst v3;
	v3 =	vpop (erf);
	(erf) = vpow2.f32 v1;
	v1 =	vmul.f32 $1.442695020e+00, v61  }
0x4f: {  	[tilespmem:$0xBA0] =	vst v3;
	v3 =	vpop (erf);
	(erf) = vpow2.f32 v0;
	v0 =	vmul.f32 $1.442695020e+00, v2  }
0x50: {  	[tilespmem:$0xB70] =	vst v63  }
0x51: {  	[tilespmem:$0xBB0] =	vst v3;
	v2 =	vpop (erf);
	(erf) = vpow2.f32 v1  }
0x52: {  	[tilespmem:$0xBC0] =	vst v2;
	v1 =	vpop (erf);
	(erf) = vpow2.f32 v0  }
0x53: {  	v0 =	vpop (erf);
	[tilespmem:$0xBD0] =	vst v1  }
0x54: {  	v1 =	vpop (erf);
	[tilespmem:$0xBE0] =	vst v0  }
0x55: {  	v0 =	vpop (erf);
	[tilespmem:$0xBF0] =	vst v1  }
0x56: {  	v1 =	vpop (erf);
	[tilespmem:$0xC00] =	vst v0  }
0x57: {  	v0 =	vpop (erf);
	[tilespmem:$0xC10] =	vst v1  }
0x58: {  	v1 =	vpop (erf);
	[tilespmem:$0xC20] =	vst v0  }
0x59: {  	v0 =	vpop (erf);
	[tilespmem:$0xC30] =	vst v1  }
0x5a: {  	v1 =	vpop (erf);
	[tilespmem:$0xC40] =	vst v0  }
0x5b: {  	[tilespmem:$0xC50] =	vst v1;
	v0 =	vpop (erf)  }
0x5c: {  	[tilespmem:$0xC60] =	vst v0;
	v0 =	vimm.f32 $0.0e+00  }
.LBB2_261:
0x5d: {  	v1 =	vld [tilespmem:$0x3F0];
	_ =	sdelay $0x4  }
0x5e: {  	v0 =	vsub.f32 v1, v0;
	_ =	sdelay $0x1  }
0x5f: {  	v0 =	vmul.f32 $1.442695020e+00, v0;
	_ =	sdelay $0x1  }
0x60: {  	(erf) = vpow2.f32 v0;
	_ =	sdelay $0x7  }
0x61: {  	s12 =	sadd.s32 $0x1, s12  }
0x62: {  	p0 =	sne.s32 s12, s7;
	v0 =	vpop (erf)  }
.Ltmp1:
0x63: {  	[tilespmem:$0xC70] =	vst v0;
	(pc) =	sbr.rel @!p0 .LBB2_262-.Ltmp1, $4  }
0x64: {  	[hbm4b:s6+s2] =	stream.linear.scatter [tilespmem:s11], [sflag:$0x1], $0x400, $0x38;
	[tilespmem:$0xC80] =	vst v63  }
0x65: {  	_ =	swait.ge [sflag:s8], $0x400  }
0x66: {  	[sflag:s8] =	ssyncset.done $0x0  }
0x67: {  	[sflag:s8] =	ssyncadd.s32 $0xFFFFFC00  }
.LBB2_1:
0x68: {  	[tilespmem:s2], [sflag:$0x1] =	stream.linear.gather [hbm4b:s4+s2], $0x400, $0x38;
	[tilespmem:$0xC80] =	vst v63  }
0x69: {  	_ =	swait.ge [sflag:s8], $0x400  }
0x6a: {  	[sflag:s8] =	ssyncset.done $0x0  }
0x6b: {  	[sflag:s8] =	ssyncadd.s32 $0xFFFFFC00  }
0x6c: {  	[tilespmem:s9], [sflag:$0x1] =	stream.linear.gather [hbm4b:s5+s2], $0x400, $0x38;
	[tilespmem:$0xC80] =	vst v63  }
0x6d: {  	_ =	swait.ge [sflag:s8], $0x400  }
0x6e: {  	[sflag:s8] =	ssyncset.done $0x0  }
0x6f: {  	[sflag:s8] =	ssyncadd.s32 $0xFFFFFC00  }
0x70: {  	[tilespmem:s10], [sflag:$0x1] =	stream.linear.gather [hbm4b:s3+s2], $0x80, $0x38;
	[tilespmem:$0xC80] =	vst v63  }
0x71: {  	_ =	swait.ge [sflag:s8], $0x80  }
0x72: {  	[sflag:s8] =	ssyncset.done $0x0  }
0x73: {  	[sflag:s8] =	ssyncadd.s32 $0xFFFFFF80  }
0x74: {  	v1 =	vld [tilespmem:$0x400]  }
0x75: {  	v0 =	vld [tilespmem:$0x7F0];
	_ =	sdelay $0x3  }
0x76: {  	(v2sf) =	vpush v1, $0x0  }
0x77: {  	(v2sf) =	vpush v0, $0xF;
	_ =	sdelay $0xd  }
0x78: {  	s16 =	spop (v2sf)  }
0x79: {  	s13 =	spop (v2sf)  }
0x7a: {  	s14 =	sadd.s32 $0x1, s13  }
0x7b: {  	p0 =	sge.s32 s16, s14  }
.Ltmp2:
0x7c: {  	_ = 	snop;
	(pc) =	sbr.rel @p0 .LBB2_263-.Ltmp2, $1  }
0x7d: {  	_ =	sdelay $0x3  }
0x7e: {  	s15 =	sadd.s32 $0x1, s16  }
0x7f: {  	p0 =	sne.s32 s14, s15  }
.Ltmp3:
0x80: {  	_ = 	snop;
	(pc) =	sbr.rel @!p0 .LBB2_6-.Ltmp3, $4  }
0x81: {  	s13 =	sshll.u32 s16, $0x2  }
0x82: {  	s13 =	sshra.s32 s13, $0x2  }
0x83: {  	p1 =	por $0x0, $0x0;
	s13 =	sadd.s32 $0x800, s13  }
0x84: {  	v0 =	vimm.f32 $0.0e+00;
	v3 =	vimm.f32 $0.0e+00;
	s18 =	smov.u32 s16;
	p2 =	por $0x0, $0x0;
	s17 =	smov.u32 s13  }
0x85: {  	s19 =	sadd.s32 $0x1, s15  }
0x86: {  	p3 =	sne.s32 s14, s19  }
.Ltmp4:
0x87: {  	_ = 	snop;
	(pc) =	sbr.rel @!p3 .LBB2_4-.Ltmp4, $2  }
0x88: {  	v2 =	vld.msk [tilespmem:s13+$0x0 ss:$0x0], $0xffff;
	_ =	sdelay $0x2  }
0x89: {  	vm0 =	veq.s32 v1, s16;
	s17 =	sadd.s32 $0x1, s13;
	p2 =	por $0x1, $0x1;
	v3 =	vimm.f32 $0.0e+00;
	s18 =	smov.u32 s15  }
.LBB2_5:
0x8a: {  	s20 =	smov.u32 s19;
	s19 =	sadd.s32 $0x1, s19  }
0x8b: {  	v3 =	vsel vm0, v2, v3;
	v2 =	vld.msk [tilespmem:s17+$0x0 ss:$0x0], $0xffff;
	p3 =	sne.s32 s14, s19  }
.Ltmp5:
0x8c: {  	(pc) =	sbr.rel @p3 .LBB2_5-.Ltmp5, $2  }
0x8d: {  	_ =	sdelay $0x2  }
0x8e: {  	vm0 =	veq.s32 v1, s18;
	s17 =	sadd.s32 $0x1, s17;
	s18 =	smov.u32 s20  }
.LBB2_6:
0x8f: {  	v4 =	vld.msk [tilespmem:s17+$0x0 ss:$0x0], $0xffff  }
0x90: {  	v5 =	vld [tilespmem:$0x0];
	_ =	sdelay $0x1  }
0x91: {  	v2 =	vsel @p2 vm0, v2, v3  }
0x92: {  	vm0 =	veq.s32 v1, s18;
	v1 =	vpsel p2, v2, v0  }
0x93: {  	v1 =	vsel vm0, v4, v1  }
0x94: {  	v1 =	vsub.f32 v5, v1;
	_ =	sdelay $0x1  }
0x95: {  	v1 =	vmul.f32 $1.442695020e+00, v1;
	_ =	sdelay $0x1  }
0x96: {  	(erf) = vpow2.f32 v1;
	_ =	sdelay $0x5  }
.Ltmp6:
0x97: {  	_ = 	snop;
	(pc) =	sbr.rel @!p0 .LBB2_10-.Ltmp6, $3  }
0x98: {  	_ =	sdelay $0x1  }
0x99: {  	v1 =	vpop (erf)  }
0x9a: {  	s17 =	smov.u32 s13;
	v3 =	vimm.f32 $0.0e+00;
	s18 =	smov.u32 s16;
	[tilespmem:$0x880] =	vst v1;
	v1 =	vld [tilespmem:$0x410]  }
0x9b: {  	s19 =	sadd.s32 $0x1, s15  }
0x9c: {  	p2 =	sne.s32 s14, s19  }
.Ltmp7:
0x9d: {  	_ = 	snop;
	(pc) =	sbr.rel @!p2 .LBB2_8-.Ltmp7, $2  }
0x9e: {  	v2 =	vld.msk [tilespmem:s13+$0x0 ss:$0x0], $0xffff;
	_ =	sdelay $0x2  }
0x9f: {  	s17 =	sadd.s32 $0x1, s13;
	p1 =	por $0x1, $0x1;
	v3 =	vimm.f32 $0.0e+00;
	s18 =	smov.u32 s15;
	vm0 =	veq.s32 v1, s16  }
.LBB2_9:
0xa0: {  	s20 =	smov.u32 s19;
	s19 =	sadd.s32 $0x1, s19  }
0xa1: {  	v3 =	vsel vm0, v2, v3;
	v2 =	vld.msk [tilespmem:s17+$0x0 ss:$0x0], $0xffff;
	p2 =	sne.s32 s14, s19  }
.Ltmp8:
0xa2: {  	(pc) =	sbr.rel @p2 .LBB2_9-.Ltmp8, $2  }
0xa3: {  	_ =	sdelay $0x2  }
0xa4: {  	vm0 =	veq.s32 v1, s18;
	s17 =	sadd.s32 $0x1, s17;
	s18 =	smov.u32 s20  }
.LBB2_10:
0xa5: {  	v4 =	vld.msk [tilespmem:s17+$0x0 ss:$0x0], $0xffff  }
0xa6: {  	v5 =	vld [tilespmem:$0x10];
	_ =	sdelay $0x1  }
0xa7: {  	v2 =	vsel @p1 vm0, v2, v3  }
0xa8: {  	v0 =	vpsel p1, v2, v0;
	vm0 =	veq.s32 v1, s18  }
0xa9: {  	v0 =	vsel vm0, v4, v0  }
0xaa: {  	v0 =	vsub.f32 v5, v0;
	_ =	sdelay $0x1  }
0xab: {  	v0 =	vmul.f32 $1.442695020e+00, v0;
	_ =	sdelay $0x1  }
0xac: {  	(erf) = vpow2.f32 v0;
	_ =	sdelay $0x5  }
.Ltmp9:
0xad: {  	_ = 	snop;
	(pc) =	sbr.rel @!p0 .LBB2_14-.Ltmp9, $3  }
0xae: {  	_ =	sdelay $0x1  }
0xaf: {  	s17 =	smov.u32 s13;
	v0 =	vpop (erf)  }
0xb0: {  	v3 =	vimm.f32 $0.0e+00;
	p2 =	por $0x0, $0x0;
	p1 =	por $0x0, $0x0;
	v1 =	vld [tilespmem:$0x420];
	s18 =	smov.u32 s16;
	[tilespmem:$0x890] =	vst v0;
	v0 =	vimm.f32 $0.0e+00  }
0xb1: {  	s19 =	sadd.s32 $0x1, s15  }
0xb2: {  	p3 =	sne.s32 s14, s19  }
.Ltmp10:
0xb3: {  	_ = 	snop;
	(pc) =	sbr.rel @!p3 .LBB2_12-.Ltmp10, $2  }
0xb4: {  	v2 =	vld.msk [tilespmem:s13+$0x0 ss:$0x0], $0xffff;
	_ =	sdelay $0x2  }
0xb5: {  	s17 =	sadd.s32 $0x1, s13;
	p2 =	por $0x1, $0x1;
	v3 =	vimm.f32 $0.0e+00;
	s18 =	smov.u32 s15;
	vm0 =	veq.s32 v1, s16  }
.LBB2_13:
0xb6: {  	s20 =	smov.u32 s19;
	s19 =	sadd.s32 $0x1, s19  }
0xb7: {  	v3 =	vsel vm0, v2, v3;
	v2 =	vld.msk [tilespmem:s17+$0x0 ss:$0x0], $0xffff;
	p3 =	sne.s32 s14, s19  }
.Ltmp11:
0xb8: {  	(pc) =	sbr.rel @p3 .LBB2_13-.Ltmp11, $2  }
0xb9: {  	_ =	sdelay $0x2  }
0xba: {  	vm0 =	veq.s32 v1, s18;
	s17 =	sadd.s32 $0x1, s17;
	s18 =	smov.u32 s20  }
.LBB2_14:
0xbb: {  	v4 =	vld.msk [tilespmem:s17+$0x0 ss:$0x0], $0xffff  }
0xbc: {  	v5 =	vld [tilespmem:$0x20];
	_ =	sdelay $0x1  }
0xbd: {  	v2 =	vsel @p2 vm0, v2, v3  }
0xbe: {  	vm0 =	veq.s32 v1, s18;
	v1 =	vpsel p2, v2, v0  }
0xbf: {  	v1 =	vsel vm0, v4, v1  }
0xc0: {  	v1 =	vsub.f32 v5, v1;
	_ =	sdelay $0x1  }
0xc1: {  	v1 =	vmul.f32 $1.442695020e+00, v1;
	_ =	sdelay $0x1  }
0xc2: {  	(erf) = vpow2.f32 v1;
	_ =	sdelay $0x5  }
.Ltmp12:
0xc3: {  	_ = 	snop;
	(pc) =	sbr.rel @!p0 .LBB2_18-.Ltmp12, $3  }
0xc4: {  	_ =	sdelay $0x1  }
0xc5: {  	v1 =	vpop (erf)  }
0xc6: {  	s17 =	smov.u32 s13;
	v3 =	vimm.f32 $0.0e+00;
	s18 =	smov.u32 s16;
	[tilespmem:$0x8A0] =	vst v1;
	v1 =	vld [tilespmem:$0x430]  }
0xc7: {  	s19 =	sadd.s32 $0x1, s15  }
0xc8: {  	p2 =	sne.s32 s14, s19  }
.Ltmp13:
0xc9: {  	_ = 	snop;
	(pc) =	sbr.rel @!p2 .LBB2_16-.Ltmp13, $2  }
0xca: {  	v2 =	vld.msk [tilespmem:s13+$0x0 ss:$0x0], $0xffff;
	_ =	sdelay $0x2  }
0xcb: {  	s17 =	sadd.s32 $0x1, s13;
	p1 =	por $0x1, $0x1;
	v3 =	vimm.f32 $0.0e+00;
	s18 =	smov.u32 s15;
	vm0 =	veq.s32 v1, s16  }
.LBB2_17:
0xcc: {  	s20 =	smov.u32 s19;
	s19 =	sadd.s32 $0x1, s19  }
0xcd: {  	v3 =	vsel vm0, v2, v3;
	v2 =	vld.msk [tilespmem:s17+$0x0 ss:$0x0], $0xffff;
	p2 =	sne.s32 s14, s19  }
.Ltmp14:
0xce: {  	(pc) =	sbr.rel @p2 .LBB2_17-.Ltmp14, $2  }
0xcf: {  	_ =	sdelay $0x2  }
0xd0: {  	vm0 =	veq.s32 v1, s18;
	s17 =	sadd.s32 $0x1, s17;
	s18 =	smov.u32 s20  }
.LBB2_18:
0xd1: {  	v4 =	vld.msk [tilespmem:s17+$0x0 ss:$0x0], $0xffff  }
0xd2: {  	v5 =	vld [tilespmem:$0x30];
	_ =	sdelay $0x1  }
0xd3: {  	v2 =	vsel @p1 vm0, v2, v3  }
0xd4: {  	v0 =	vpsel p1, v2, v0;
	vm0 =	veq.s32 v1, s18  }
0xd5: {  	v0 =	vsel vm0, v4, v0  }
0xd6: {  	v0 =	vsub.f32 v5, v0;
	_ =	sdelay $0x1  }
0xd7: {  	v0 =	vmul.f32 $1.442695020e+00, v0;
	_ =	sdelay $0x1  }
0xd8: {  	(erf) = vpow2.f32 v0;
	_ =	sdelay $0x5  }
.Ltmp15:
0xd9: {  	_ = 	snop;
	(pc) =	sbr.rel @!p0 .LBB2_22-.Ltmp15, $3  }
0xda: {  	_ =	sdelay $0x1  }
0xdb: {  	s17 =	smov.u32 s13;
	v0 =	vpop (erf)  }
0xdc: {  	v3 =	vimm.f32 $0.0e+00;
	p2 =	por $0x0, $0x0;
	p1 =	por $0x0, $0x0;
	v1 =	vld [tilespmem:$0x440];
	s18 =	smov.u32 s16;
	[tilespmem:$0x8B0] =	vst v0;
	v0 =	vimm.f32 $0.0e+00  }
0xdd: {  	s19 =	sadd.s32 $0x1, s15  }
0xde: {  	p3 =	sne.s32 s14, s19  }
.Ltmp16:
0xdf: {  	_ = 	snop;
	(pc) =	sbr.rel @!p3 .LBB2_20-.Ltmp16, $2  }
0xe0: {  	v2 =	vld.msk [tilespmem:s13+$0x0 ss:$0x0], $0xffff;
	_ =	sdelay $0x2  }
0xe1: {  	s17 =	sadd.s32 $0x1, s13;
	p2 =	por $0x1, $0x1;
	v3 =	vimm.f32 $0.0e+00;
	s18 =	smov.u32 s15;
	vm0 =	veq.s32 v1, s16  }
.LBB2_21:
0xe2: {  	s20 =	smov.u32 s19;
	s19 =	sadd.s32 $0x1, s19  }
0xe3: {  	v3 =	vsel vm0, v2, v3;
	v2 =	vld.msk [tilespmem:s17+$0x0 ss:$0x0], $0xffff;
	p3 =	sne.s32 s14, s19  }
.Ltmp17:
0xe4: {  	(pc) =	sbr.rel @p3 .LBB2_21-.Ltmp17, $2  }
0xe5: {  	_ =	sdelay $0x2  }
0xe6: {  	vm0 =	veq.s32 v1, s18;
	s17 =	sadd.s32 $0x1, s17;
	s18 =	smov.u32 s20  }
.LBB2_22:
0xe7: {  	v4 =	vld.msk [tilespmem:s17+$0x0 ss:$0x0], $0xffff  }
0xe8: {  	v5 =	vld [tilespmem:$0x40];
	_ =	sdelay $0x1  }
0xe9: {  	v2 =	vsel @p2 vm0, v2, v3  }
0xea: {  	vm0 =	veq.s32 v1, s18;
	v1 =	vpsel p2, v2, v0  }
0xeb: {  	v1 =	vsel vm0, v4, v1  }
0xec: {  	v1 =	vsub.f32 v5, v1;
	_ =	sdelay $0x1  }
0xed: {  	v1 =	vmul.f32 $1.442695020e+00, v1;
	_ =	sdelay $0x1  }
0xee: {  	(erf) = vpow2.f32 v1;
	_ =	sdelay $0x5  }
.Ltmp18:
0xef: {  	_ = 	snop;
	(pc) =	sbr.rel @!p0 .LBB2_26-.Ltmp18, $3  }
0xf0: {  	_ =	sdelay $0x1  }
0xf1: {  	v1 =	vpop (erf)  }
0xf2: {  	s17 =	smov.u32 s13;
	v3 =	vimm.f32 $0.0e+00;
	s18 =	smov.u32 s16;
	[tilespmem:$0x8C0] =	vst v1;
	v1 =	vld [tilespmem:$0x450]  }
0xf3: {  	s19 =	sadd.s32 $0x1, s15  }
0xf4: {  	p2 =	sne.s32 s14, s19  }
.Ltmp19:
0xf5: {  	_ = 	snop;
	(pc) =	sbr.rel @!p2 .LBB2_24-.Ltmp19, $2  }
0xf6: {  	v2 =	vld.msk [tilespmem:s13+$0x0 ss:$0x0], $0xffff;
	_ =	sdelay $0x2  }
0xf7: {  	s17 =	sadd.s32 $0x1, s13;
	p1 =	por $0x1, $0x1;
	v3 =	vimm.f32 $0.0e+00;
	s18 =	smov.u32 s15;
	vm0 =	veq.s32 v1, s16  }
.LBB2_25:
0xf8: {  	s20 =	smov.u32 s19;
	s19 =	sadd.s32 $0x1, s19  }
0xf9: {  	v3 =	vsel vm0, v2, v3;
	v2 =	vld.msk [tilespmem:s17+$0x0 ss:$0x0], $0xffff;
	p2 =	sne.s32 s14, s19  }
.Ltmp20:
0xfa: {  	(pc) =	sbr.rel @p2 .LBB2_25-.Ltmp20, $2  }
0xfb: {  	_ =	sdelay $0x2  }
0xfc: {  	vm0 =	veq.s32 v1, s18;
	s17 =	sadd.s32 $0x1, s17;
	s18 =	smov.u32 s20  }
.LBB2_26:
0xfd: {  	v4 =	vld.msk [tilespmem:s17+$0x0 ss:$0x0], $0xffff  }
0xfe: {  	v5 =	vld [tilespmem:$0x50];
	_ =	sdelay $0x1  }
0xff: {  	v2 =	vsel @p1 vm0, v2, v3  }
0x100: {  	v0 =	vpsel p1, v2, v0;
	vm0 =	veq.s32 v1, s18  }
0x101: {  	v0 =	vsel vm0, v4, v0  }
0x102: {  	v0 =	vsub.f32 v5, v0;
	_ =	sdelay $0x1  }
0x103: {  	v0 =	vmul.f32 $1.442695020e+00, v0;
	_ =	sdelay $0x1  }
0x104: {  	(erf) = vpow2.f32 v0;
	_ =	sdelay $0x5  }
.Ltmp21:
0x105: {  	_ = 	snop;
	(pc) =	sbr.rel @!p0 .LBB2_30-.Ltmp21, $3  }
0x106: {  	_ =	sdelay $0x1  }
0x107: {  	s17 =	smov.u32 s13;
	v0 =	vpop (erf)  }
0x108: {  	v3 =	vimm.f32 $0.0e+00;
	p2 =	por $0x0, $0x0;
	p1 =	por $0x0, $0x0;
	v1 =	vld [tilespmem:$0x460];
	s18 =	smov.u32 s16;
	[tilespmem:$0x8D0] =	vst v0;
	v0 =	vimm.f32 $0.0e+00  }
0x109: {  	s19 =	sadd.s32 $0x1, s15  }
0x10a: {  	p3 =	sne.s32 s14, s19  }
.Ltmp22:
0x10b: {  	_ = 	snop;
	(pc) =	sbr.rel @!p3 .LBB2_28-.Ltmp22, $2  }
0x10c: {  	v2 =	vld.msk [tilespmem:s13+$0x0 ss:$0x0], $0xffff;
	_ =	sdelay $0x2  }
0x10d: {  	s17 =	sadd.s32 $0x1, s13;
	p2 =	por $0x1, $0x1;
	v3 =	vimm.f32 $0.0e+00;
	s18 =	smov.u32 s15;
	vm0 =	veq.s32 v1, s16  }
.LBB2_29:
0x10e: {  	s20 =	smov.u32 s19;
	s19 =	sadd.s32 $0x1, s19  }
0x10f: {  	v3 =	vsel vm0, v2, v3;
	v2 =	vld.msk [tilespmem:s17+$0x0 ss:$0x0], $0xffff;
	p3 =	sne.s32 s14, s19  }
.Ltmp23:
0x110: {  	(pc) =	sbr.rel @p3 .LBB2_29-.Ltmp23, $2  }
0x111: {  	_ =	sdelay $0x2  }
0x112: {  	vm0 =	veq.s32 v1, s18;
	s17 =	sadd.s32 $0x1, s17;
	s18 =	smov.u32 s20  }
.LBB2_30:
0x113: {  	v4 =	vld.msk [tilespmem:s17+$0x0 ss:$0x0], $0xffff  }
0x114: {  	v5 =	vld [tilespmem:$0x60];
	_ =	sdelay $0x1  }
0x115: {  	v2 =	vsel @p2 vm0, v2, v3  }
0x116: {  	vm0 =	veq.s32 v1, s18;
	v1 =	vpsel p2, v2, v0  }
0x117: {  	v1 =	vsel vm0, v4, v1  }
0x118: {  	v1 =	vsub.f32 v5, v1;
	_ =	sdelay $0x1  }
0x119: {  	v1 =	vmul.f32 $1.442695020e+00, v1;
	_ =	sdelay $0x1  }
0x11a: {  	(erf) = vpow2.f32 v1;
	_ =	sdelay $0x5  }
.Ltmp24:
0x11b: {  	_ = 	snop;
	(pc) =	sbr.rel @!p0 .LBB2_34-.Ltmp24, $3  }
0x11c: {  	_ =	sdelay $0x1  }
0x11d: {  	v1 =	vpop (erf)  }
0x11e: {  	s17 =	smov.u32 s13;
	v3 =	vimm.f32 $0.0e+00;
	s18 =	smov.u32 s16;
	[tilespmem:$0x8E0] =	vst v1;
	v1 =	vld [tilespmem:$0x470]  }
0x11f: {  	s19 =	sadd.s32 $0x1, s15  }
0x120: {  	p2 =	sne.s32 s14, s19  }
.Ltmp25:
0x121: {  	_ = 	snop;
	(pc) =	sbr.rel @!p2 .LBB2_32-.Ltmp25, $2  }
0x122: {  	v2 =	vld.msk [tilespmem:s13+$0x0 ss:$0x0], $0xffff;
	_ =	sdelay $0x2  }
0x123: {  	s17 =	sadd.s32 $0x1, s13;
	p1 =	por $0x1, $0x1;
	v3 =	vimm.f32 $0.0e+00;
	s18 =	smov.u32 s15;
	vm0 =	veq.s32 v1, s16  }
.LBB2_33:
0x124: {  	s20 =	smov.u32 s19;
	s19 =	sadd.s32 $0x1, s19  }
0x125: {  	v3 =	vsel vm0, v2, v3;
	v2 =	vld.msk [tilespmem:s17+$0x0 ss:$0x0], $0xffff;
	p2 =	sne.s32 s14, s19  }
.Ltmp26:
0x126: {  	(pc) =	sbr.rel @p2 .LBB2_33-.Ltmp26, $2  }
0x127: {  	_ =	sdelay $0x2  }
0x128: {  	vm0 =	veq.s32 v1, s18;
	s17 =	sadd.s32 $0x1, s17;
	s18 =	smov.u32 s20  }
.LBB2_34:
0x129: {  	v4 =	vld.msk [tilespmem:s17+$0x0 ss:$0x0], $0xffff  }
0x12a: {  	v5 =	vld [tilespmem:$0x70];
	_ =	sdelay $0x1  }
0x12b: {  	v2 =	vsel @p1 vm0, v2, v3  }
0x12c: {  	v0 =	vpsel p1, v2, v0;
	vm0 =	veq.s32 v1, s18  }
0x12d: {  	v0 =	vsel vm0, v4, v0  }
0x12e: {  	v0 =	vsub.f32 v5, v0;
	_ =	sdelay $0x1  }
0x12f: {  	v0 =	vmul.f32 $1.442695020e+00, v0;
	_ =	sdelay $0x1  }
0x130: {  	(erf) = vpow2.f32 v0;
	_ =	sdelay $0x5  }
.Ltmp27:
0x131: {  	_ = 	snop;
	(pc) =	sbr.rel @!p0 .LBB2_38-.Ltmp27, $3  }
0x132: {  	_ =	sdelay $0x1  }
0x133: {  	s17 =	smov.u32 s13;
	v0 =	vpop (erf)  }
0x134: {  	v3 =	vimm.f32 $0.0e+00;
	p2 =	por $0x0, $0x0;
	p1 =	por $0x0, $0x0;
	v1 =	vld [tilespmem:$0x480];
	s18 =	smov.u32 s16;
	[tilespmem:$0x8F0] =	vst v0;
	v0 =	vimm.f32 $0.0e+00  }
0x135: {  	s19 =	sadd.s32 $0x1, s15  }
0x136: {  	p3 =	sne.s32 s14, s19  }
.Ltmp28:
0x137: {  	_ = 	snop;
	(pc) =	sbr.rel @!p3 .LBB2_36-.Ltmp28, $2  }
0x138: {  	v2 =	vld.msk [tilespmem:s13+$0x0 ss:$0x0], $0xffff;
	_ =	sdelay $0x2  }
0x139: {  	s17 =	sadd.s32 $0x1, s13;
	p2 =	por $0x1, $0x1;
	v3 =	vimm.f32 $0.0e+00;
	s18 =	smov.u32 s15;
	vm0 =	veq.s32 v1, s16  }
.LBB2_37:
0x13a: {  	s20 =	smov.u32 s19;
	s19 =	sadd.s32 $0x1, s19  }
0x13b: {  	v3 =	vsel vm0, v2, v3;
	v2 =	vld.msk [tilespmem:s17+$0x0 ss:$0x0], $0xffff;
	p3 =	sne.s32 s14, s19  }
.Ltmp29:
0x13c: {  	(pc) =	sbr.rel @p3 .LBB2_37-.Ltmp29, $2  }
0x13d: {  	_ =	sdelay $0x2  }
0x13e: {  	vm0 =	veq.s32 v1, s18;
	s17 =	sadd.s32 $0x1, s17;
	s18 =	smov.u32 s20  }
.LBB2_38:
0x13f: {  	v4 =	vld.msk [tilespmem:s17+$0x0 ss:$0x0], $0xffff  }
0x140: {  	v5 =	vld [tilespmem:$0x80];
	_ =	sdelay $0x1  }
0x141: {  	v2 =	vsel @p2 vm0, v2, v3  }
0x142: {  	vm0 =	veq.s32 v1, s18;
	v1 =	vpsel p2, v2, v0  }
0x143: {  	v1 =	vsel vm0, v4, v1  }
0x144: {  	v1 =	vsub.f32 v5, v1;
	_ =	sdelay $0x1  }
0x145: {  	v1 =	vmul.f32 $1.442695020e+00, v1;
	_ =	sdelay $0x1  }
0x146: {  	(erf) = vpow2.f32 v1;
	_ =	sdelay $0x5  }
.Ltmp30:
0x147: {  	_ = 	snop;
	(pc) =	sbr.rel @!p0 .LBB2_42-.Ltmp30, $3  }
0x148: {  	_ =	sdelay $0x1  }
0x149: {  	v1 =	vpop (erf)  }
0x14a: {  	s17 =	smov.u32 s13;
	v3 =	vimm.f32 $0.0e+00;
	s18 =	smov.u32 s16;
	[tilespmem:$0x900] =	vst v1;
	v1 =	vld [tilespmem:$0x490]  }
0x14b: {  	s19 =	sadd.s32 $0x1, s15  }
0x14c: {  	p2 =	sne.s32 s14, s19  }
.Ltmp31:
0x14d: {  	_ = 	snop;
	(pc) =	sbr.rel @!p2 .LBB2_40-.Ltmp31, $2  }
0x14e: {  	v2 =	vld.msk [tilespmem:s13+$0x0 ss:$0x0], $0xffff;
	_ =	sdelay $0x2  }
0x14f: {  	s17 =	sadd.s32 $0x1, s13;
	p1 =	por $0x1, $0x1;
	v3 =	vimm.f32 $0.0e+00;
	s18 =	smov.u32 s15;
	vm0 =	veq.s32 v1, s16  }
.LBB2_41:
0x150: {  	s20 =	smov.u32 s19;
	s19 =	sadd.s32 $0x1, s19  }
0x151: {  	v3 =	vsel vm0, v2, v3;
	v2 =	vld.msk [tilespmem:s17+$0x0 ss:$0x0], $0xffff;
	p2 =	sne.s32 s14, s19  }
.Ltmp32:
0x152: {  	(pc) =	sbr.rel @p2 .LBB2_41-.Ltmp32, $2  }
0x153: {  	_ =	sdelay $0x2  }
0x154: {  	vm0 =	veq.s32 v1, s18;
	s17 =	sadd.s32 $0x1, s17;
	s18 =	smov.u32 s20  }
.LBB2_42:
0x155: {  	v4 =	vld.msk [tilespmem:s17+$0x0 ss:$0x0], $0xffff  }
0x156: {  	v5 =	vld [tilespmem:$0x90];
	_ =	sdelay $0x1  }
0x157: {  	v2 =	vsel @p1 vm0, v2, v3  }
0x158: {  	v0 =	vpsel p1, v2, v0;
	vm0 =	veq.s32 v1, s18  }
0x159: {  	v0 =	vsel vm0, v4, v0  }
0x15a: {  	v0 =	vsub.f32 v5, v0;
	_ =	sdelay $0x1  }
0x15b: {  	v0 =	vmul.f32 $1.442695020e+00, v0;
	_ =	sdelay $0x1  }
0x15c: {  	(erf) = vpow2.f32 v0;
	_ =	sdelay $0x5  }
.Ltmp33:
0x15d: {  	_ = 	snop;
	(pc) =	sbr.rel @!p0 .LBB2_46-.Ltmp33, $3  }
0x15e: {  	_ =	sdelay $0x1  }
0x15f: {  	s17 =	smov.u32 s13;
	v0 =	vpop (erf)  }
0x160: {  	v3 =	vimm.f32 $0.0e+00;
	p2 =	por $0x0, $0x0;
	p1 =	por $0x0, $0x0;
	v1 =	vld [tilespmem:$0x4A0];
	s18 =	smov.u32 s16;
	[tilespmem:$0x910] =	vst v0;
	v0 =	vimm.f32 $0.0e+00  }
0x161: {  	s19 =	sadd.s32 $0x1, s15  }
0x162: {  	p3 =	sne.s32 s14, s19  }
.Ltmp34:
0x163: {  	_ = 	snop;
	(pc) =	sbr.rel @!p3 .LBB2_44-.Ltmp34, $2  }
0x164: {  	v2 =	vld.msk [tilespmem:s13+$0x0 ss:$0x0], $0xffff;
	_ =	sdelay $0x2  }
0x165: {  	s17 =	sadd.s32 $0x1, s13;
	p2 =	por $0x1, $0x1;
	v3 =	vimm.f32 $0.0e+00;
	s18 =	smov.u32 s15;
	vm0 =	veq.s32 v1, s16  }
.LBB2_45:
0x166: {  	s20 =	smov.u32 s19;
	s19 =	sadd.s32 $0x1, s19  }
0x167: {  	v3 =	vsel vm0, v2, v3;
	v2 =	vld.msk [tilespmem:s17+$0x0 ss:$0x0], $0xffff;
	p3 =	sne.s32 s14, s19  }
.Ltmp35:
0x168: {  	(pc) =	sbr.rel @p3 .LBB2_45-.Ltmp35, $2  }
0x169: {  	_ =	sdelay $0x2  }
0x16a: {  	vm0 =	veq.s32 v1, s18;
	s17 =	sadd.s32 $0x1, s17;
	s18 =	smov.u32 s20  }
.LBB2_46:
0x16b: {  	v4 =	vld.msk [tilespmem:s17+$0x0 ss:$0x0], $0xffff  }
0x16c: {  	v5 =	vld [tilespmem:$0xA0];
	_ =	sdelay $0x1  }
0x16d: {  	v2 =	vsel @p2 vm0, v2, v3  }
0x16e: {  	vm0 =	veq.s32 v1, s18;
	v1 =	vpsel p2, v2, v0  }
0x16f: {  	v1 =	vsel vm0, v4, v1  }
0x170: {  	v1 =	vsub.f32 v5, v1;
	_ =	sdelay $0x1  }
0x171: {  	v1 =	vmul.f32 $1.442695020e+00, v1;
	_ =	sdelay $0x1  }
0x172: {  	(erf) = vpow2.f32 v1;
	_ =	sdelay $0x5  }
.Ltmp36:
0x173: {  	_ = 	snop;
	(pc) =	sbr.rel @!p0 .LBB2_50-.Ltmp36, $3  }
0x174: {  	_ =	sdelay $0x1  }
0x175: {  	v1 =	vpop (erf)  }
0x176: {  	s17 =	smov.u32 s13;
	v3 =	vimm.f32 $0.0e+00;
	s18 =	smov.u32 s16;
	[tilespmem:$0x920] =	vst v1;
	v1 =	vld [tilespmem:$0x4B0]  }
0x177: {  	s19 =	sadd.s32 $0x1, s15  }
0x178: {  	p2 =	sne.s32 s14, s19  }
.Ltmp37:
0x179: {  	_ = 	snop;
	(pc) =	sbr.rel @!p2 .LBB2_48-.Ltmp37, $2  }
0x17a: {  	v2 =	vld.msk [tilespmem:s13+$0x0 ss:$0x0], $0xffff;
	_ =	sdelay $0x2  }
0x17b: {  	s17 =	sadd.s32 $0x1, s13;
	p1 =	por $0x1, $0x1;
	v3 =	vimm.f32 $0.0e+00;
	s18 =	smov.u32 s15;
	vm0 =	veq.s32 v1, s16  }
.LBB2_49:
0x17c: {  	s20 =	smov.u32 s19;
	s19 =	sadd.s32 $0x1, s19  }
0x17d: {  	v3 =	vsel vm0, v2, v3;
	v2 =	vld.msk [tilespmem:s17+$0x0 ss:$0x0], $0xffff;
	p2 =	sne.s32 s14, s19  }
.Ltmp38:
0x17e: {  	(pc) =	sbr.rel @p2 .LBB2_49-.Ltmp38, $2  }
0x17f: {  	_ =	sdelay $0x2  }
0x180: {  	vm0 =	veq.s32 v1, s18;
	s17 =	sadd.s32 $0x1, s17;
	s18 =	smov.u32 s20  }
.LBB2_50:
0x181: {  	v4 =	vld.msk [tilespmem:s17+$0x0 ss:$0x0], $0xffff  }
0x182: {  	v5 =	vld [tilespmem:$0xB0];
	_ =	sdelay $0x1  }
0x183: {  	v2 =	vsel @p1 vm0, v2, v3  }
0x184: {  	v0 =	vpsel p1, v2, v0;
	vm0 =	veq.s32 v1, s18  }
0x185: {  	v0 =	vsel vm0, v4, v0  }
0x186: {  	v0 =	vsub.f32 v5, v0;
	_ =	sdelay $0x1  }
0x187: {  	v0 =	vmul.f32 $1.442695020e+00, v0;
	_ =	sdelay $0x1  }
0x188: {  	(erf) = vpow2.f32 v0;
	_ =	sdelay $0x5  }
.Ltmp39:
0x189: {  	_ = 	snop;
	(pc) =	sbr.rel @!p0 .LBB2_54-.Ltmp39, $3  }
0x18a: {  	_ =	sdelay $0x1  }
0x18b: {  	s17 =	smov.u32 s13;
	v0 =	vpop (erf)  }
0x18c: {  	v3 =	vimm.f32 $0.0e+00;
	p2 =	por $0x0, $0x0;
	p1 =	por $0x0, $0x0;
	v1 =	vld [tilespmem:$0x4C0];
	s18 =	smov.u32 s16;
	[tilespmem:$0x930] =	vst v0;
	v0 =	vimm.f32 $0.0e+00  }
0x18d: {  	s19 =	sadd.s32 $0x1, s15  }
0x18e: {  	p3 =	sne.s32 s14, s19  }
.Ltmp40:
0x18f: {  	_ = 	snop;
	(pc) =	sbr.rel @!p3 .LBB2_52-.Ltmp40, $2  }
0x190: {  	v2 =	vld.msk [tilespmem:s13+$0x0 ss:$0x0], $0xffff;
	_ =	sdelay $0x2  }
0x191: {  	s17 =	sadd.s32 $0x1, s13;
	p2 =	por $0x1, $0x1;
	v3 =	vimm.f32 $0.0e+00;
	s18 =	smov.u32 s15;
	vm0 =	veq.s32 v1, s16  }
.LBB2_53:
0x192: {  	s20 =	smov.u32 s19;
	s19 =	sadd.s32 $0x1, s19  }
0x193: {  	v3 =	vsel vm0, v2, v3;
	v2 =	vld.msk [tilespmem:s17+$0x0 ss:$0x0], $0xffff;
	p3 =	sne.s32 s14, s19  }
.Ltmp41:
0x194: {  	(pc) =	sbr.rel @p3 .LBB2_53-.Ltmp41, $2  }
0x195: {  	_ =	sdelay $0x2  }
0x196: {  	vm0 =	veq.s32 v1, s18;
	s17 =	sadd.s32 $0x1, s17;
	s18 =	smov.u32 s20  }
.LBB2_54:
0x197: {  	v4 =	vld.msk [tilespmem:s17+$0x0 ss:$0x0], $0xffff  }
0x198: {  	v5 =	vld [tilespmem:$0xC0];
	_ =	sdelay $0x1  }
0x199: {  	v2 =	vsel @p2 vm0, v2, v3  }
0x19a: {  	vm0 =	veq.s32 v1, s18;
	v1 =	vpsel p2, v2, v0  }
0x19b: {  	v1 =	vsel vm0, v4, v1  }
0x19c: {  	v1 =	vsub.f32 v5, v1;
	_ =	sdelay $0x1  }
0x19d: {  	v1 =	vmul.f32 $1.442695020e+00, v1;
	_ =	sdelay $0x1  }
0x19e: {  	(erf) = vpow2.f32 v1;
	_ =	sdelay $0x5  }
.Ltmp42:
0x19f: {  	_ = 	snop;
	(pc) =	sbr.rel @!p0 .LBB2_58-.Ltmp42, $3  }
0x1a0: {  	_ =	sdelay $0x1  }
0x1a1: {  	v1 =	vpop (erf)  }
0x1a2: {  	s17 =	smov.u32 s13;
	v3 =	vimm.f32 $0.0e+00;
	s18 =	smov.u32 s16;
	[tilespmem:$0x940] =	vst v1;
	v1 =	vld [tilespmem:$0x4D0]  }
0x1a3: {  	s19 =	sadd.s32 $0x1, s15  }
0x1a4: {  	p2 =	sne.s32 s14, s19  }
.Ltmp43:
0x1a5: {  	_ = 	snop;
	(pc) =	sbr.rel @!p2 .LBB2_56-.Ltmp43, $2  }
0x1a6: {  	v2 =	vld.msk [tilespmem:s13+$0x0 ss:$0x0], $0xffff;
	_ =	sdelay $0x2  }
0x1a7: {  	s17 =	sadd.s32 $0x1, s13;
	p1 =	por $0x1, $0x1;
	v3 =	vimm.f32 $0.0e+00;
	s18 =	smov.u32 s15;
	vm0 =	veq.s32 v1, s16  }
.LBB2_57:
0x1a8: {  	s20 =	smov.u32 s19;
	s19 =	sadd.s32 $0x1, s19  }
0x1a9: {  	v3 =	vsel vm0, v2, v3;
	v2 =	vld.msk [tilespmem:s17+$0x0 ss:$0x0], $0xffff;
	p2 =	sne.s32 s14, s19  }
.Ltmp44:
0x1aa: {  	(pc) =	sbr.rel @p2 .LBB2_57-.Ltmp44, $2  }
0x1ab: {  	_ =	sdelay $0x2  }
0x1ac: {  	vm0 =	veq.s32 v1, s18;
	s17 =	sadd.s32 $0x1, s17;
	s18 =	smov.u32 s20  }
.LBB2_58:
0x1ad: {  	v4 =	vld.msk [tilespmem:s17+$0x0 ss:$0x0], $0xffff  }
0x1ae: {  	v5 =	vld [tilespmem:$0xD0];
	_ =	sdelay $0x1  }
0x1af: {  	v2 =	vsel @p1 vm0, v2, v3  }
0x1b0: {  	v0 =	vpsel p1, v2, v0;
	vm0 =	veq.s32 v1, s18  }
0x1b1: {  	v0 =	vsel vm0, v4, v0  }
0x1b2: {  	v0 =	vsub.f32 v5, v0;
	_ =	sdelay $0x1  }
0x1b3: {  	v0 =	vmul.f32 $1.442695020e+00, v0;
	_ =	sdelay $0x1  }
0x1b4: {  	(erf) = vpow2.f32 v0;
	_ =	sdelay $0x5  }
.Ltmp45:
0x1b5: {  	_ = 	snop;
	(pc) =	sbr.rel @!p0 .LBB2_62-.Ltmp45, $3  }
0x1b6: {  	_ =	sdelay $0x1  }
0x1b7: {  	s17 =	smov.u32 s13;
	v0 =	vpop (erf)  }
0x1b8: {  	v3 =	vimm.f32 $0.0e+00;
	p2 =	por $0x0, $0x0;
	p1 =	por $0x0, $0x0;
	v1 =	vld [tilespmem:$0x4E0];
	s18 =	smov.u32 s16;
	[tilespmem:$0x950] =	vst v0;
	v0 =	vimm.f32 $0.0e+00  }
0x1b9: {  	s19 =	sadd.s32 $0x1, s15  }
0x1ba: {  	p3 =	sne.s32 s14, s19  }
.Ltmp46:
0x1bb: {  	_ = 	snop;
	(pc) =	sbr.rel @!p3 .LBB2_60-.Ltmp46, $2  }
0x1bc: {  	v2 =	vld.msk [tilespmem:s13+$0x0 ss:$0x0], $0xffff;
	_ =	sdelay $0x2  }
0x1bd: {  	s17 =	sadd.s32 $0x1, s13;
	p2 =	por $0x1, $0x1;
	v3 =	vimm.f32 $0.0e+00;
	s18 =	smov.u32 s15;
	vm0 =	veq.s32 v1, s16  }
.LBB2_61:
0x1be: {  	s20 =	smov.u32 s19;
	s19 =	sadd.s32 $0x1, s19  }
0x1bf: {  	v3 =	vsel vm0, v2, v3;
	v2 =	vld.msk [tilespmem:s17+$0x0 ss:$0x0], $0xffff;
	p3 =	sne.s32 s14, s19  }
.Ltmp47:
0x1c0: {  	(pc) =	sbr.rel @p3 .LBB2_61-.Ltmp47, $2  }
0x1c1: {  	_ =	sdelay $0x2  }
0x1c2: {  	vm0 =	veq.s32 v1, s18;
	s17 =	sadd.s32 $0x1, s17;
	s18 =	smov.u32 s20  }
.LBB2_62:
0x1c3: {  	v4 =	vld.msk [tilespmem:s17+$0x0 ss:$0x0], $0xffff  }
0x1c4: {  	v5 =	vld [tilespmem:$0xE0];
	_ =	sdelay $0x1  }
0x1c5: {  	v2 =	vsel @p2 vm0, v2, v3  }
0x1c6: {  	vm0 =	veq.s32 v1, s18;
	v1 =	vpsel p2, v2, v0  }
0x1c7: {  	v1 =	vsel vm0, v4, v1  }
0x1c8: {  	v1 =	vsub.f32 v5, v1;
	_ =	sdelay $0x1  }
0x1c9: {  	v1 =	vmul.f32 $1.442695020e+00, v1;
	_ =	sdelay $0x1  }
0x1ca: {  	(erf) = vpow2.f32 v1;
	_ =	sdelay $0x5  }
.Ltmp48:
0x1cb: {  	_ = 	snop;
	(pc) =	sbr.rel @!p0 .LBB2_66-.Ltmp48, $3  }
0x1cc: {  	_ =	sdelay $0x1  }
0x1cd: {  	v1 =	vpop (erf)  }
0x1ce: {  	s17 =	smov.u32 s13;
	v3 =	vimm.f32 $0.0e+00;
	s18 =	smov.u32 s16;
	[tilespmem:$0x960] =	vst v1;
	v1 =	vld [tilespmem:$0x4F0]  }
0x1cf: {  	s19 =	sadd.s32 $0x1, s15  }
0x1d0: {  	p2 =	sne.s32 s14, s19  }
.Ltmp49:
0x1d1: {  	_ = 	snop;
	(pc) =	sbr.rel @!p2 .LBB2_64-.Ltmp49, $2  }
0x1d2: {  	v2 =	vld.msk [tilespmem:s13+$0x0 ss:$0x0], $0xffff;
	_ =	sdelay $0x2  }
0x1d3: {  	s17 =	sadd.s32 $0x1, s13;
	p1 =	por $0x1, $0x1;
	v3 =	vimm.f32 $0.0e+00;
	s18 =	smov.u32 s15;
	vm0 =	veq.s32 v1, s16  }
.LBB2_65:
0x1d4: {  	s20 =	smov.u32 s19;
	s19 =	sadd.s32 $0x1, s19  }
0x1d5: {  	v3 =	vsel vm0, v2, v3;
	v2 =	vld.msk [tilespmem:s17+$0x0 ss:$0x0], $0xffff;
	p2 =	sne.s32 s14, s19  }
.Ltmp50:
0x1d6: {  	(pc) =	sbr.rel @p2 .LBB2_65-.Ltmp50, $2  }
0x1d7: {  	_ =	sdelay $0x2  }
0x1d8: {  	vm0 =	veq.s32 v1, s18;
	s17 =	sadd.s32 $0x1, s17;
	s18 =	smov.u32 s20  }
.LBB2_66:
0x1d9: {  	v4 =	vld.msk [tilespmem:s17+$0x0 ss:$0x0], $0xffff  }
0x1da: {  	v5 =	vld [tilespmem:$0xF0];
	_ =	sdelay $0x1  }
0x1db: {  	v2 =	vsel @p1 vm0, v2, v3  }
0x1dc: {  	v0 =	vpsel p1, v2, v0;
	vm0 =	veq.s32 v1, s18  }
0x1dd: {  	v0 =	vsel vm0, v4, v0  }
0x1de: {  	v0 =	vsub.f32 v5, v0;
	_ =	sdelay $0x1  }
0x1df: {  	v0 =	vmul.f32 $1.442695020e+00, v0;
	_ =	sdelay $0x1  }
0x1e0: {  	(erf) = vpow2.f32 v0;
	_ =	sdelay $0x5  }
.Ltmp51:
0x1e1: {  	_ = 	snop;
	(pc) =	sbr.rel @!p0 .LBB2_70-.Ltmp51, $3  }
0x1e2: {  	_ =	sdelay $0x1  }
0x1e3: {  	s17 =	smov.u32 s13;
	v0 =	vpop (erf)  }
0x1e4: {  	v3 =	vimm.f32 $0.0e+00;
	p2 =	por $0x0, $0x0;
	p1 =	por $0x0, $0x0;
	v1 =	vld [tilespmem:$0x500];
	s18 =	smov.u32 s16;
	[tilespmem:$0x970] =	vst v0;
	v0 =	vimm.f32 $0.0e+00  }
0x1e5: {  	s19 =	sadd.s32 $0x1, s15  }
0x1e6: {  	p3 =	sne.s32 s14, s19  }
.Ltmp52:
0x1e7: {  	_ = 	snop;
	(pc) =	sbr.rel @!p3 .LBB2_68-.Ltmp52, $2  }
0x1e8: {  	v2 =	vld.msk [tilespmem:s13+$0x0 ss:$0x0], $0xffff;
	_ =	sdelay $0x2  }
0x1e9: {  	s17 =	sadd.s32 $0x1, s13;
	p2 =	por $0x1, $0x1;
	v3 =	vimm.f32 $0.0e+00;
	s18 =	smov.u32 s15;
	vm0 =	veq.s32 v1, s16  }
.LBB2_69:
0x1ea: {  	s20 =	smov.u32 s19;
	s19 =	sadd.s32 $0x1, s19  }
0x1eb: {  	v3 =	vsel vm0, v2, v3;
	v2 =	vld.msk [tilespmem:s17+$0x0 ss:$0x0], $0xffff;
	p3 =	sne.s32 s14, s19  }
.Ltmp53:
0x1ec: {  	(pc) =	sbr.rel @p3 .LBB2_69-.Ltmp53, $2  }
0x1ed: {  	_ =	sdelay $0x2  }
0x1ee: {  	vm0 =	veq.s32 v1, s18;
	s17 =	sadd.s32 $0x1, s17;
	s18 =	smov.u32 s20  }
.LBB2_70:
0x1ef: {  	v4 =	vld.msk [tilespmem:s17+$0x0 ss:$0x0], $0xffff  }
0x1f0: {  	v5 =	vld [tilespmem:$0x100];
	_ =	sdelay $0x1  }
0x1f1: {  	v2 =	vsel @p2 vm0, v2, v3  }
0x1f2: {  	vm0 =	veq.s32 v1, s18;
	v1 =	vpsel p2, v2, v0  }
0x1f3: {  	v1 =	vsel vm0, v4, v1  }
0x1f4: {  	v1 =	vsub.f32 v5, v1;
	_ =	sdelay $0x1  }
0x1f5: {  	v1 =	vmul.f32 $1.442695020e+00, v1;
	_ =	sdelay $0x1  }
0x1f6: {  	(erf) = vpow2.f32 v1;
	_ =	sdelay $0x5  }
.Ltmp54:
0x1f7: {  	_ = 	snop;
	(pc) =	sbr.rel @!p0 .LBB2_74-.Ltmp54, $3  }
0x1f8: {  	_ =	sdelay $0x1  }
0x1f9: {  	v1 =	vpop (erf)  }
0x1fa: {  	s17 =	smov.u32 s13;
	v3 =	vimm.f32 $0.0e+00;
	s18 =	smov.u32 s16;
	[tilespmem:$0x980] =	vst v1;
	v1 =	vld [tilespmem:$0x510]  }
0x1fb: {  	s19 =	sadd.s32 $0x1, s15  }
0x1fc: {  	p2 =	sne.s32 s14, s19  }
.Ltmp55:
0x1fd: {  	_ = 	snop;
	(pc) =	sbr.rel @!p2 .LBB2_72-.Ltmp55, $2  }
0x1fe: {  	v2 =	vld.msk [tilespmem:s13+$0x0 ss:$0x0], $0xffff;
	_ =	sdelay $0x2  }
0x1ff: {  	s17 =	sadd.s32 $0x1, s13;
	p1 =	por $0x1, $0x1;
	v3 =	vimm.f32 $0.0e+00;
	s18 =	smov.u32 s15;
	vm0 =	veq.s32 v1, s16  }
.LBB2_73:
0x200: {  	s20 =	smov.u32 s19;
	s19 =	sadd.s32 $0x1, s19  }
0x201: {  	v3 =	vsel vm0, v2, v3;
	v2 =	vld.msk [tilespmem:s17+$0x0 ss:$0x0], $0xffff;
	p2 =	sne.s32 s14, s19  }
.Ltmp56:
0x202: {  	(pc) =	sbr.rel @p2 .LBB2_73-.Ltmp56, $2  }
0x203: {  	_ =	sdelay $0x2  }
0x204: {  	vm0 =	veq.s32 v1, s18;
	s17 =	sadd.s32 $0x1, s17;
	s18 =	smov.u32 s20  }
.LBB2_74:
0x205: {  	v4 =	vld.msk [tilespmem:s17+$0x0 ss:$0x0], $0xffff  }
0x206: {  	v5 =	vld [tilespmem:$0x110];
	_ =	sdelay $0x1  }
0x207: {  	v2 =	vsel @p1 vm0, v2, v3  }
0x208: {  	v0 =	vpsel p1, v2, v0;
	vm0 =	veq.s32 v1, s18  }
0x209: {  	v0 =	vsel vm0, v4, v0  }
0x20a: {  	v0 =	vsub.f32 v5, v0;
	_ =	sdelay $0x1  }
0x20b: {  	v0 =	vmul.f32 $1.442695020e+00, v0;
	_ =	sdelay $0x1  }
0x20c: {  	(erf) = vpow2.f32 v0;
	_ =	sdelay $0x5  }
.Ltmp57:
0x20d: {  	_ = 	snop;
	(pc) =	sbr.rel @!p0 .LBB2_78-.Ltmp57, $3  }
0x20e: {  	_ =	sdelay $0x1  }
0x20f: {  	s17 =	smov.u32 s13;
	v0 =	vpop (erf)  }
0x210: {  	v3 =	vimm.f32 $0.0e+00;
	p2 =	por $0x0, $0x0;
	p1 =	por $0x0, $0x0;
	v1 =	vld [tilespmem:$0x520];
	s18 =	smov.u32 s16;
	[tilespmem:$0x990] =	vst v0;
	v0 =	vimm.f32 $0.0e+00  }
0x211: {  	s19 =	sadd.s32 $0x1, s15  }
0x212: {  	p3 =	sne.s32 s14, s19  }
.Ltmp58:
0x213: {  	_ = 	snop;
	(pc) =	sbr.rel @!p3 .LBB2_76-.Ltmp58, $2  }
0x214: {  	v2 =	vld.msk [tilespmem:s13+$0x0 ss:$0x0], $0xffff;
	_ =	sdelay $0x2  }
0x215: {  	s17 =	sadd.s32 $0x1, s13;
	p2 =	por $0x1, $0x1;
	v3 =	vimm.f32 $0.0e+00;
	s18 =	smov.u32 s15;
	vm0 =	veq.s32 v1, s16  }
.LBB2_77:
0x216: {  	s20 =	smov.u32 s19;
	s19 =	sadd.s32 $0x1, s19  }
0x217: {  	v3 =	vsel vm0, v2, v3;
	v2 =	vld.msk [tilespmem:s17+$0x0 ss:$0x0], $0xffff;
	p3 =	sne.s32 s14, s19  }
.Ltmp59:
0x218: {  	(pc) =	sbr.rel @p3 .LBB2_77-.Ltmp59, $2  }
0x219: {  	_ =	sdelay $0x2  }
0x21a: {  	vm0 =	veq.s32 v1, s18;
	s17 =	sadd.s32 $0x1, s17;
	s18 =	smov.u32 s20  }
.LBB2_78:
0x21b: {  	v4 =	vld.msk [tilespmem:s17+$0x0 ss:$0x0], $0xffff  }
0x21c: {  	v5 =	vld [tilespmem:$0x120];
	_ =	sdelay $0x1  }
0x21d: {  	v2 =	vsel @p2 vm0, v2, v3  }
0x21e: {  	vm0 =	veq.s32 v1, s18;
	v1 =	vpsel p2, v2, v0  }
0x21f: {  	v1 =	vsel vm0, v4, v1  }
0x220: {  	v1 =	vsub.f32 v5, v1;
	_ =	sdelay $0x1  }
0x221: {  	v1 =	vmul.f32 $1.442695020e+00, v1;
	_ =	sdelay $0x1  }
0x222: {  	(erf) = vpow2.f32 v1;
	_ =	sdelay $0x5  }
.Ltmp60:
0x223: {  	_ = 	snop;
	(pc) =	sbr.rel @!p0 .LBB2_82-.Ltmp60, $3  }
0x224: {  	_ =	sdelay $0x1  }
0x225: {  	v1 =	vpop (erf)  }
0x226: {  	s17 =	smov.u32 s13;
	v3 =	vimm.f32 $0.0e+00;
	s18 =	smov.u32 s16;
	[tilespmem:$0x9A0] =	vst v1;
	v1 =	vld [tilespmem:$0x530]  }
0x227: {  	s19 =	sadd.s32 $0x1, s15  }
0x228: {  	p2 =	sne.s32 s14, s19  }
.Ltmp61:
0x229: {  	_ = 	snop;
	(pc) =	sbr.rel @!p2 .LBB2_80-.Ltmp61, $2  }
0x22a: {  	v2 =	vld.msk [tilespmem:s13+$0x0 ss:$0x0], $0xffff;
	_ =	sdelay $0x2  }
0x22b: {  	s17 =	sadd.s32 $0x1, s13;
	p1 =	por $0x1, $0x1;
	v3 =	vimm.f32 $0.0e+00;
	s18 =	smov.u32 s15;
	vm0 =	veq.s32 v1, s16  }
.LBB2_81:
0x22c: {  	s20 =	smov.u32 s19;
	s19 =	sadd.s32 $0x1, s19  }
0x22d: {  	v3 =	vsel vm0, v2, v3;
	v2 =	vld.msk [tilespmem:s17+$0x0 ss:$0x0], $0xffff;
	p2 =	sne.s32 s14, s19  }
.Ltmp62:
0x22e: {  	(pc) =	sbr.rel @p2 .LBB2_81-.Ltmp62, $2  }
0x22f: {  	_ =	sdelay $0x2  }
0x230: {  	vm0 =	veq.s32 v1, s18;
	s17 =	sadd.s32 $0x1, s17;
	s18 =	smov.u32 s20  }
.LBB2_82:
0x231: {  	v4 =	vld.msk [tilespmem:s17+$0x0 ss:$0x0], $0xffff  }
0x232: {  	v5 =	vld [tilespmem:$0x130];
	_ =	sdelay $0x1  }
0x233: {  	v2 =	vsel @p1 vm0, v2, v3  }
0x234: {  	v0 =	vpsel p1, v2, v0;
	vm0 =	veq.s32 v1, s18  }
0x235: {  	v0 =	vsel vm0, v4, v0  }
0x236: {  	v0 =	vsub.f32 v5, v0;
	_ =	sdelay $0x1  }
0x237: {  	v0 =	vmul.f32 $1.442695020e+00, v0;
	_ =	sdelay $0x1  }
0x238: {  	(erf) = vpow2.f32 v0;
	_ =	sdelay $0x5  }
.Ltmp63:
0x239: {  	_ = 	snop;
	(pc) =	sbr.rel @!p0 .LBB2_86-.Ltmp63, $3  }
0x23a: {  	_ =	sdelay $0x1  }
0x23b: {  	s17 =	smov.u32 s13;
	v0 =	vpop (erf)  }
0x23c: {  	v3 =	vimm.f32 $0.0e+00;
	p2 =	por $0x0, $0x0;
	p1 =	por $0x0, $0x0;
	v1 =	vld [tilespmem:$0x540];
	s18 =	smov.u32 s16;
	[tilespmem:$0x9B0] =	vst v0;
	v0 =	vimm.f32 $0.0e+00  }
0x23d: {  	s19 =	sadd.s32 $0x1, s15  }
0x23e: {  	p3 =	sne.s32 s14, s19  }
.Ltmp64:
0x23f: {  	_ = 	snop;
	(pc) =	sbr.rel @!p3 .LBB2_84-.Ltmp64, $2  }
0x240: {  	v2 =	vld.msk [tilespmem:s13+$0x0 ss:$0x0], $0xffff;
	_ =	sdelay $0x2  }
0x241: {  	s17 =	sadd.s32 $0x1, s13;
	p2 =	por $0x1, $0x1;
	v3 =	vimm.f32 $0.0e+00;
	s18 =	smov.u32 s15;
	vm0 =	veq.s32 v1, s16  }
.LBB2_85:
0x242: {  	s20 =	smov.u32 s19;
	s19 =	sadd.s32 $0x1, s19  }
0x243: {  	v3 =	vsel vm0, v2, v3;
	v2 =	vld.msk [tilespmem:s17+$0x0 ss:$0x0], $0xffff;
	p3 =	sne.s32 s14, s19  }
.Ltmp65:
0x244: {  	(pc) =	sbr.rel @p3 .LBB2_85-.Ltmp65, $2  }
0x245: {  	_ =	sdelay $0x2  }
0x246: {  	vm0 =	veq.s32 v1, s18;
	s17 =	sadd.s32 $0x1, s17;
	s18 =	smov.u32 s20  }
.LBB2_86:
0x247: {  	v4 =	vld.msk [tilespmem:s17+$0x0 ss:$0x0], $0xffff  }
0x248: {  	v5 =	vld [tilespmem:$0x140];
	_ =	sdelay $0x1  }
0x249: {  	v2 =	vsel @p2 vm0, v2, v3  }
0x24a: {  	vm0 =	veq.s32 v1, s18;
	v1 =	vpsel p2, v2, v0  }
0x24b: {  	v1 =	vsel vm0, v4, v1  }
0x24c: {  	v1 =	vsub.f32 v5, v1;
	_ =	sdelay $0x1  }
0x24d: {  	v1 =	vmul.f32 $1.442695020e+00, v1;
	_ =	sdelay $0x1  }
0x24e: {  	(erf) = vpow2.f32 v1;
	_ =	sdelay $0x5  }
.Ltmp66:
0x24f: {  	_ = 	snop;
	(pc) =	sbr.rel @!p0 .LBB2_90-.Ltmp66, $3  }
0x250: {  	_ =	sdelay $0x1  }
0x251: {  	v1 =	vpop (erf)  }
0x252: {  	s17 =	smov.u32 s13;
	v3 =	vimm.f32 $0.0e+00;
	s18 =	smov.u32 s16;
	[tilespmem:$0x9C0] =	vst v1;
	v1 =	vld [tilespmem:$0x550]  }
0x253: {  	s19 =	sadd.s32 $0x1, s15  }
0x254: {  	p2 =	sne.s32 s14, s19  }
.Ltmp67:
0x255: {  	_ = 	snop;
	(pc) =	sbr.rel @!p2 .LBB2_88-.Ltmp67, $2  }
0x256: {  	v2 =	vld.msk [tilespmem:s13+$0x0 ss:$0x0], $0xffff;
	_ =	sdelay $0x2  }
0x257: {  	s17 =	sadd.s32 $0x1, s13;
	p1 =	por $0x1, $0x1;
	v3 =	vimm.f32 $0.0e+00;
	s18 =	smov.u32 s15;
	vm0 =	veq.s32 v1, s16  }
.LBB2_89:
0x258: {  	s20 =	smov.u32 s19;
	s19 =	sadd.s32 $0x1, s19  }
0x259: {  	v3 =	vsel vm0, v2, v3;
	v2 =	vld.msk [tilespmem:s17+$0x0 ss:$0x0], $0xffff;
	p2 =	sne.s32 s14, s19  }
.Ltmp68:
0x25a: {  	(pc) =	sbr.rel @p2 .LBB2_89-.Ltmp68, $2  }
0x25b: {  	_ =	sdelay $0x2  }
0x25c: {  	vm0 =	veq.s32 v1, s18;
	s17 =	sadd.s32 $0x1, s17;
	s18 =	smov.u32 s20  }
.LBB2_90:
0x25d: {  	v4 =	vld.msk [tilespmem:s17+$0x0 ss:$0x0], $0xffff  }
0x25e: {  	v5 =	vld [tilespmem:$0x150];
	_ =	sdelay $0x1  }
0x25f: {  	v2 =	vsel @p1 vm0, v2, v3  }
0x260: {  	v0 =	vpsel p1, v2, v0;
	vm0 =	veq.s32 v1, s18  }
0x261: {  	v0 =	vsel vm0, v4, v0  }
0x262: {  	v0 =	vsub.f32 v5, v0;
	_ =	sdelay $0x1  }
0x263: {  	v0 =	vmul.f32 $1.442695020e+00, v0;
	_ =	sdelay $0x1  }
0x264: {  	(erf) = vpow2.f32 v0;
	_ =	sdelay $0x5  }
.Ltmp69:
0x265: {  	_ = 	snop;
	(pc) =	sbr.rel @!p0 .LBB2_94-.Ltmp69, $3  }
0x266: {  	_ =	sdelay $0x1  }
0x267: {  	s17 =	smov.u32 s13;
	v0 =	vpop (erf)  }
0x268: {  	v3 =	vimm.f32 $0.0e+00;
	p2 =	por $0x0, $0x0;
	p1 =	por $0x0, $0x0;
	v1 =	vld [tilespmem:$0x560];
	s18 =	smov.u32 s16;
	[tilespmem:$0x9D0] =	vst v0;
	v0 =	vimm.f32 $0.0e+00  }
0x269: {  	s19 =	sadd.s32 $0x1, s15  }
0x26a: {  	p3 =	sne.s32 s14, s19  }
.Ltmp70:
0x26b: {  	_ = 	snop;
	(pc) =	sbr.rel @!p3 .LBB2_92-.Ltmp70, $2  }
0x26c: {  	v2 =	vld.msk [tilespmem:s13+$0x0 ss:$0x0], $0xffff;
	_ =	sdelay $0x2  }
0x26d: {  	s17 =	sadd.s32 $0x1, s13;
	p2 =	por $0x1, $0x1;
	v3 =	vimm.f32 $0.0e+00;
	s18 =	smov.u32 s15;
	vm0 =	veq.s32 v1, s16  }
.LBB2_93:
0x26e: {  	s20 =	smov.u32 s19;
	s19 =	sadd.s32 $0x1, s19  }
0x26f: {  	v3 =	vsel vm0, v2, v3;
	v2 =	vld.msk [tilespmem:s17+$0x0 ss:$0x0], $0xffff;
	p3 =	sne.s32 s14, s19  }
.Ltmp71:
0x270: {  	(pc) =	sbr.rel @p3 .LBB2_93-.Ltmp71, $2  }
0x271: {  	_ =	sdelay $0x2  }
0x272: {  	vm0 =	veq.s32 v1, s18;
	s17 =	sadd.s32 $0x1, s17;
	s18 =	smov.u32 s20  }
.LBB2_94:
0x273: {  	v4 =	vld.msk [tilespmem:s17+$0x0 ss:$0x0], $0xffff  }
0x274: {  	v5 =	vld [tilespmem:$0x160];
	_ =	sdelay $0x1  }
0x275: {  	v2 =	vsel @p2 vm0, v2, v3  }
0x276: {  	vm0 =	veq.s32 v1, s18;
	v1 =	vpsel p2, v2, v0  }
0x277: {  	v1 =	vsel vm0, v4, v1  }
0x278: {  	v1 =	vsub.f32 v5, v1;
	_ =	sdelay $0x1  }
0x279: {  	v1 =	vmul.f32 $1.442695020e+00, v1;
	_ =	sdelay $0x1  }
0x27a: {  	(erf) = vpow2.f32 v1;
	_ =	sdelay $0x5  }
.Ltmp72:
0x27b: {  	_ = 	snop;
	(pc) =	sbr.rel @!p0 .LBB2_98-.Ltmp72, $3  }
0x27c: {  	_ =	sdelay $0x1  }
0x27d: {  	v1 =	vpop (erf)  }
0x27e: {  	s17 =	smov.u32 s13;
	v3 =	vimm.f32 $0.0e+00;
	s18 =	smov.u32 s16;
	[tilespmem:$0x9E0] =	vst v1;
	v1 =	vld [tilespmem:$0x570]  }
0x27f: {  	s19 =	sadd.s32 $0x1, s15  }
0x280: {  	p2 =	sne.s32 s14, s19  }
.Ltmp73:
0x281: {  	_ = 	snop;
	(pc) =	sbr.rel @!p2 .LBB2_96-.Ltmp73, $2  }
0x282: {  	v2 =	vld.msk [tilespmem:s13+$0x0 ss:$0x0], $0xffff;
	_ =	sdelay $0x2  }
0x283: {  	s17 =	sadd.s32 $0x1, s13;
	p1 =	por $0x1, $0x1;
	v3 =	vimm.f32 $0.0e+00;
	s18 =	smov.u32 s15;
	vm0 =	veq.s32 v1, s16  }
.LBB2_97:
0x284: {  	s20 =	smov.u32 s19;
	s19 =	sadd.s32 $0x1, s19  }
0x285: {  	v3 =	vsel vm0, v2, v3;
	v2 =	vld.msk [tilespmem:s17+$0x0 ss:$0x0], $0xffff;
	p2 =	sne.s32 s14, s19  }
.Ltmp74:
0x286: {  	(pc) =	sbr.rel @p2 .LBB2_97-.Ltmp74, $2  }
0x287: {  	_ =	sdelay $0x2  }
0x288: {  	vm0 =	veq.s32 v1, s18;
	s17 =	sadd.s32 $0x1, s17;
	s18 =	smov.u32 s20  }
.LBB2_98:
0x289: {  	v4 =	vld.msk [tilespmem:s17+$0x0 ss:$0x0], $0xffff  }
0x28a: {  	v5 =	vld [tilespmem:$0x170];
	_ =	sdelay $0x1  }
0x28b: {  	v2 =	vsel @p1 vm0, v2, v3  }
0x28c: {  	v0 =	vpsel p1, v2, v0;
	vm0 =	veq.s32 v1, s18  }
0x28d: {  	v0 =	vsel vm0, v4, v0  }
0x28e: {  	v0 =	vsub.f32 v5, v0;
	_ =	sdelay $0x1  }
0x28f: {  	v0 =	vmul.f32 $1.442695020e+00, v0;
	_ =	sdelay $0x1  }
0x290: {  	(erf) = vpow2.f32 v0;
	_ =	sdelay $0x5  }
.Ltmp75:
0x291: {  	_ = 	snop;
	(pc) =	sbr.rel @!p0 .LBB2_102-.Ltmp75, $3  }
0x292: {  	_ =	sdelay $0x1  }
0x293: {  	s17 =	smov.u32 s13;
	v0 =	vpop (erf)  }
0x294: {  	v3 =	vimm.f32 $0.0e+00;
	p2 =	por $0x0, $0x0;
	p1 =	por $0x0, $0x0;
	v1 =	vld [tilespmem:$0x580];
	s18 =	smov.u32 s16;
	[tilespmem:$0x9F0] =	vst v0;
	v0 =	vimm.f32 $0.0e+00  }
0x295: {  	s19 =	sadd.s32 $0x1, s15  }
0x296: {  	p3 =	sne.s32 s14, s19  }
.Ltmp76:
0x297: {  	_ = 	snop;
	(pc) =	sbr.rel @!p3 .LBB2_100-.Ltmp76, $2  }
0x298: {  	v2 =	vld.msk [tilespmem:s13+$0x0 ss:$0x0], $0xffff;
	_ =	sdelay $0x2  }
0x299: {  	s17 =	sadd.s32 $0x1, s13;
	p2 =	por $0x1, $0x1;
	v3 =	vimm.f32 $0.0e+00;
	s18 =	smov.u32 s15;
	vm0 =	veq.s32 v1, s16  }
.LBB2_101:
0x29a: {  	s20 =	smov.u32 s19;
	s19 =	sadd.s32 $0x1, s19  }
0x29b: {  	v3 =	vsel vm0, v2, v3;
	v2 =	vld.msk [tilespmem:s17+$0x0 ss:$0x0], $0xffff;
	p3 =	sne.s32 s14, s19  }
.Ltmp77:
0x29c: {  	(pc) =	sbr.rel @p3 .LBB2_101-.Ltmp77, $2  }
0x29d: {  	_ =	sdelay $0x2  }
0x29e: {  	vm0 =	veq.s32 v1, s18;
	s17 =	sadd.s32 $0x1, s17;
	s18 =	smov.u32 s20  }
.LBB2_102:
0x29f: {  	v4 =	vld.msk [tilespmem:s17+$0x0 ss:$0x0], $0xffff  }
0x2a0: {  	v5 =	vld [tilespmem:$0x180];
	_ =	sdelay $0x1  }
0x2a1: {  	v2 =	vsel @p2 vm0, v2, v3  }
0x2a2: {  	vm0 =	veq.s32 v1, s18;
	v1 =	vpsel p2, v2, v0  }
0x2a3: {  	v1 =	vsel vm0, v4, v1  }
0x2a4: {  	v1 =	vsub.f32 v5, v1;
	_ =	sdelay $0x1  }
0x2a5: {  	v1 =	vmul.f32 $1.442695020e+00, v1;
	_ =	sdelay $0x1  }
0x2a6: {  	(erf) = vpow2.f32 v1;
	_ =	sdelay $0x5  }
.Ltmp78:
0x2a7: {  	_ = 	snop;
	(pc) =	sbr.rel @!p0 .LBB2_106-.Ltmp78, $3  }
0x2a8: {  	_ =	sdelay $0x1  }
0x2a9: {  	v1 =	vpop (erf)  }
0x2aa: {  	s17 =	smov.u32 s13;
	v3 =	vimm.f32 $0.0e+00;
	s18 =	smov.u32 s16;
	[tilespmem:$0xA00] =	vst v1;
	v1 =	vld [tilespmem:$0x590]  }
0x2ab: {  	s19 =	sadd.s32 $0x1, s15  }
0x2ac: {  	p2 =	sne.s32 s14, s19  }
.Ltmp79:
0x2ad: {  	_ = 	snop;
	(pc) =	sbr.rel @!p2 .LBB2_104-.Ltmp79, $2  }
0x2ae: {  	v2 =	vld.msk [tilespmem:s13+$0x0 ss:$0x0], $0xffff;
	_ =	sdelay $0x2  }
0x2af: {  	s17 =	sadd.s32 $0x1, s13;
	p1 =	por $0x1, $0x1;
	v3 =	vimm.f32 $0.0e+00;
	s18 =	smov.u32 s15;
	vm0 =	veq.s32 v1, s16  }
.LBB2_105:
0x2b0: {  	s20 =	smov.u32 s19;
	s19 =	sadd.s32 $0x1, s19  }
0x2b1: {  	v3 =	vsel vm0, v2, v3;
	v2 =	vld.msk [tilespmem:s17+$0x0 ss:$0x0], $0xffff;
	p2 =	sne.s32 s14, s19  }
.Ltmp80:
0x2b2: {  	(pc) =	sbr.rel @p2 .LBB2_105-.Ltmp80, $2  }
0x2b3: {  	_ =	sdelay $0x2  }
0x2b4: {  	vm0 =	veq.s32 v1, s18;
	s17 =	sadd.s32 $0x1, s17;
	s18 =	smov.u32 s20  }
.LBB2_106:
0x2b5: {  	v4 =	vld.msk [tilespmem:s17+$0x0 ss:$0x0], $0xffff  }
0x2b6: {  	v5 =	vld [tilespmem:$0x190];
	_ =	sdelay $0x1  }
0x2b7: {  	v2 =	vsel @p1 vm0, v2, v3  }
0x2b8: {  	v0 =	vpsel p1, v2, v0;
	vm0 =	veq.s32 v1, s18  }
0x2b9: {  	v0 =	vsel vm0, v4, v0  }
0x2ba: {  	v0 =	vsub.f32 v5, v0;
	_ =	sdelay $0x1  }
0x2bb: {  	v0 =	vmul.f32 $1.442695020e+00, v0;
	_ =	sdelay $0x1  }
0x2bc: {  	(erf) = vpow2.f32 v0;
	_ =	sdelay $0x5  }
.Ltmp81:
0x2bd: {  	_ = 	snop;
	(pc) =	sbr.rel @!p0 .LBB2_110-.Ltmp81, $3  }
0x2be: {  	_ =	sdelay $0x1  }
0x2bf: {  	s17 =	smov.u32 s13;
	v0 =	vpop (erf)  }
0x2c0: {  	v3 =	vimm.f32 $0.0e+00;
	p2 =	por $0x0, $0x0;
	p1 =	por $0x0, $0x0;
	v1 =	vld [tilespmem:$0x5A0];
	s18 =	smov.u32 s16;
	[tilespmem:$0xA10] =	vst v0;
	v0 =	vimm.f32 $0.0e+00  }
0x2c1: {  	s19 =	sadd.s32 $0x1, s15  }
0x2c2: {  	p3 =	sne.s32 s14, s19  }
.Ltmp82:
0x2c3: {  	_ = 	snop;
	(pc) =	sbr.rel @!p3 .LBB2_108-.Ltmp82, $2  }
0x2c4: {  	v2 =	vld.msk [tilespmem:s13+$0x0 ss:$0x0], $0xffff;
	_ =	sdelay $0x2  }
0x2c5: {  	s17 =	sadd.s32 $0x1, s13;
	p2 =	por $0x1, $0x1;
	v3 =	vimm.f32 $0.0e+00;
	s18 =	smov.u32 s15;
	vm0 =	veq.s32 v1, s16  }
.LBB2_109:
0x2c6: {  	s20 =	smov.u32 s19;
	s19 =	sadd.s32 $0x1, s19  }
0x2c7: {  	v3 =	vsel vm0, v2, v3;
	v2 =	vld.msk [tilespmem:s17+$0x0 ss:$0x0], $0xffff;
	p3 =	sne.s32 s14, s19  }
.Ltmp83:
0x2c8: {  	(pc) =	sbr.rel @p3 .LBB2_109-.Ltmp83, $2  }
0x2c9: {  	_ =	sdelay $0x2  }
0x2ca: {  	vm0 =	veq.s32 v1, s18;
	s17 =	sadd.s32 $0x1, s17;
	s18 =	smov.u32 s20  }
.LBB2_110:
0x2cb: {  	v4 =	vld.msk [tilespmem:s17+$0x0 ss:$0x0], $0xffff  }
0x2cc: {  	v5 =	vld [tilespmem:$0x1A0];
	_ =	sdelay $0x1  }
0x2cd: {  	v2 =	vsel @p2 vm0, v2, v3  }
0x2ce: {  	vm0 =	veq.s32 v1, s18;
	v1 =	vpsel p2, v2, v0  }
0x2cf: {  	v1 =	vsel vm0, v4, v1  }
0x2d0: {  	v1 =	vsub.f32 v5, v1;
	_ =	sdelay $0x1  }
0x2d1: {  	v1 =	vmul.f32 $1.442695020e+00, v1;
	_ =	sdelay $0x1  }
0x2d2: {  	(erf) = vpow2.f32 v1;
	_ =	sdelay $0x5  }
.Ltmp84:
0x2d3: {  	_ = 	snop;
	(pc) =	sbr.rel @!p0 .LBB2_114-.Ltmp84, $3  }
0x2d4: {  	_ =	sdelay $0x1  }
0x2d5: {  	v1 =	vpop (erf)  }
0x2d6: {  	s17 =	smov.u32 s13;
	v3 =	vimm.f32 $0.0e+00;
	s18 =	smov.u32 s16;
	[tilespmem:$0xA20] =	vst v1;
	v1 =	vld [tilespmem:$0x5B0]  }
0x2d7: {  	s19 =	sadd.s32 $0x1, s15  }
0x2d8: {  	p2 =	sne.s32 s14, s19  }
.Ltmp85:
0x2d9: {  	_ = 	snop;
	(pc) =	sbr.rel @!p2 .LBB2_112-.Ltmp85, $2  }
0x2da: {  	v2 =	vld.msk [tilespmem:s13+$0x0 ss:$0x0], $0xffff;
	_ =	sdelay $0x2  }
0x2db: {  	s17 =	sadd.s32 $0x1, s13;
	p1 =	por $0x1, $0x1;
	v3 =	vimm.f32 $0.0e+00;
	s18 =	smov.u32 s15;
	vm0 =	veq.s32 v1, s16  }
.LBB2_113:
0x2dc: {  	s20 =	smov.u32 s19;
	s19 =	sadd.s32 $0x1, s19  }
0x2dd: {  	v3 =	vsel vm0, v2, v3;
	v2 =	vld.msk [tilespmem:s17+$0x0 ss:$0x0], $0xffff;
	p2 =	sne.s32 s14, s19  }
.Ltmp86:
0x2de: {  	(pc) =	sbr.rel @p2 .LBB2_113-.Ltmp86, $2  }
0x2df: {  	_ =	sdelay $0x2  }
0x2e0: {  	vm0 =	veq.s32 v1, s18;
	s17 =	sadd.s32 $0x1, s17;
	s18 =	smov.u32 s20  }
.LBB2_114:
0x2e1: {  	v4 =	vld.msk [tilespmem:s17+$0x0 ss:$0x0], $0xffff  }
0x2e2: {  	v5 =	vld [tilespmem:$0x1B0];
	_ =	sdelay $0x1  }
0x2e3: {  	v2 =	vsel @p1 vm0, v2, v3  }
0x2e4: {  	v0 =	vpsel p1, v2, v0;
	vm0 =	veq.s32 v1, s18  }
0x2e5: {  	v0 =	vsel vm0, v4, v0  }
0x2e6: {  	v0 =	vsub.f32 v5, v0;
	_ =	sdelay $0x1  }
0x2e7: {  	v0 =	vmul.f32 $1.442695020e+00, v0;
	_ =	sdelay $0x1  }
0x2e8: {  	(erf) = vpow2.f32 v0;
	_ =	sdelay $0x5  }
.Ltmp87:
0x2e9: {  	_ = 	snop;
	(pc) =	sbr.rel @!p0 .LBB2_118-.Ltmp87, $3  }
0x2ea: {  	_ =	sdelay $0x1  }
0x2eb: {  	s17 =	smov.u32 s13;
	v0 =	vpop (erf)  }
0x2ec: {  	v3 =	vimm.f32 $0.0e+00;
	p2 =	por $0x0, $0x0;
	p1 =	por $0x0, $0x0;
	v1 =	vld [tilespmem:$0x5C0];
	s18 =	smov.u32 s16;
	[tilespmem:$0xA30] =	vst v0;
	v0 =	vimm.f32 $0.0e+00  }
0x2ed: {  	s19 =	sadd.s32 $0x1, s15  }
0x2ee: {  	p3 =	sne.s32 s14, s19  }
.Ltmp88:
0x2ef: {  	_ = 	snop;
	(pc) =	sbr.rel @!p3 .LBB2_116-.Ltmp88, $2  }
0x2f0: {  	v2 =	vld.msk [tilespmem:s13+$0x0 ss:$0x0], $0xffff;
	_ =	sdelay $0x2  }
0x2f1: {  	s17 =	sadd.s32 $0x1, s13;
	p2 =	por $0x1, $0x1;
	v3 =	vimm.f32 $0.0e+00;
	s18 =	smov.u32 s15;
	vm0 =	veq.s32 v1, s16  }
.LBB2_117:
0x2f2: {  	s20 =	smov.u32 s19;
	s19 =	sadd.s32 $0x1, s19  }
0x2f3: {  	v3 =	vsel vm0, v2, v3;
	v2 =	vld.msk [tilespmem:s17+$0x0 ss:$0x0], $0xffff;
	p3 =	sne.s32 s14, s19  }
.Ltmp89:
0x2f4: {  	(pc) =	sbr.rel @p3 .LBB2_117-.Ltmp89, $2  }
0x2f5: {  	_ =	sdelay $0x2  }
0x2f6: {  	vm0 =	veq.s32 v1, s18;
	s17 =	sadd.s32 $0x1, s17;
	s18 =	smov.u32 s20  }
.LBB2_118:
0x2f7: {  	v4 =	vld.msk [tilespmem:s17+$0x0 ss:$0x0], $0xffff  }
0x2f8: {  	v5 =	vld [tilespmem:$0x1C0];
	_ =	sdelay $0x1  }
0x2f9: {  	v2 =	vsel @p2 vm0, v2, v3  }
0x2fa: {  	vm0 =	veq.s32 v1, s18;
	v1 =	vpsel p2, v2, v0  }
0x2fb: {  	v1 =	vsel vm0, v4, v1  }
0x2fc: {  	v1 =	vsub.f32 v5, v1;
	_ =	sdelay $0x1  }
0x2fd: {  	v1 =	vmul.f32 $1.442695020e+00, v1;
	_ =	sdelay $0x1  }
0x2fe: {  	(erf) = vpow2.f32 v1;
	_ =	sdelay $0x5  }
.Ltmp90:
0x2ff: {  	_ = 	snop;
	(pc) =	sbr.rel @!p0 .LBB2_122-.Ltmp90, $3  }
0x300: {  	_ =	sdelay $0x1  }
0x301: {  	v1 =	vpop (erf)  }
0x302: {  	s17 =	smov.u32 s13;
	v3 =	vimm.f32 $0.0e+00;
	s18 =	smov.u32 s16;
	[tilespmem:$0xA40] =	vst v1;
	v1 =	vld [tilespmem:$0x5D0]  }
0x303: {  	s19 =	sadd.s32 $0x1, s15  }
0x304: {  	p2 =	sne.s32 s14, s19  }
.Ltmp91:
0x305: {  	_ = 	snop;
	(pc) =	sbr.rel @!p2 .LBB2_120-.Ltmp91, $2  }
0x306: {  	v2 =	vld.msk [tilespmem:s13+$0x0 ss:$0x0], $0xffff;
	_ =	sdelay $0x2  }
0x307: {  	s17 =	sadd.s32 $0x1, s13;
	p1 =	por $0x1, $0x1;
	v3 =	vimm.f32 $0.0e+00;
	s18 =	smov.u32 s15;
	vm0 =	veq.s32 v1, s16  }
.LBB2_121:
0x308: {  	s20 =	smov.u32 s19;
	s19 =	sadd.s32 $0x1, s19  }
0x309: {  	v3 =	vsel vm0, v2, v3;
	v2 =	vld.msk [tilespmem:s17+$0x0 ss:$0x0], $0xffff;
	p2 =	sne.s32 s14, s19  }
.Ltmp92:
0x30a: {  	(pc) =	sbr.rel @p2 .LBB2_121-.Ltmp92, $2  }
0x30b: {  	_ =	sdelay $0x2  }
0x30c: {  	vm0 =	veq.s32 v1, s18;
	s17 =	sadd.s32 $0x1, s17;
	s18 =	smov.u32 s20  }
.LBB2_122:
0x30d: {  	v4 =	vld.msk [tilespmem:s17+$0x0 ss:$0x0], $0xffff  }
0x30e: {  	v5 =	vld [tilespmem:$0x1D0];
	_ =	sdelay $0x1  }
0x30f: {  	v2 =	vsel @p1 vm0, v2, v3  }
0x310: {  	v0 =	vpsel p1, v2, v0;
	vm0 =	veq.s32 v1, s18  }
0x311: {  	v0 =	vsel vm0, v4, v0  }
0x312: {  	v0 =	vsub.f32 v5, v0;
	_ =	sdelay $0x1  }
0x313: {  	v0 =	vmul.f32 $1.442695020e+00, v0;
	_ =	sdelay $0x1  }
0x314: {  	(erf) = vpow2.f32 v0;
	_ =	sdelay $0x5  }
.Ltmp93:
0x315: {  	_ = 	snop;
	(pc) =	sbr.rel @!p0 .LBB2_126-.Ltmp93, $3  }
0x316: {  	_ =	sdelay $0x1  }
0x317: {  	s17 =	smov.u32 s13;
	v0 =	vpop (erf)  }
0x318: {  	v3 =	vimm.f32 $0.0e+00;
	p2 =	por $0x0, $0x0;
	p1 =	por $0x0, $0x0;
	v1 =	vld [tilespmem:$0x5E0];
	s18 =	smov.u32 s16;
	[tilespmem:$0xA50] =	vst v0;
	v0 =	vimm.f32 $0.0e+00  }
0x319: {  	s19 =	sadd.s32 $0x1, s15  }
0x31a: {  	p3 =	sne.s32 s14, s19  }
.Ltmp94:
0x31b: {  	_ = 	snop;
	(pc) =	sbr.rel @!p3 .LBB2_124-.Ltmp94, $2  }
0x31c: {  	v2 =	vld.msk [tilespmem:s13+$0x0 ss:$0x0], $0xffff;
	_ =	sdelay $0x2  }
0x31d: {  	s17 =	sadd.s32 $0x1, s13;
	p2 =	por $0x1, $0x1;
	v3 =	vimm.f32 $0.0e+00;
	s18 =	smov.u32 s15;
	vm0 =	veq.s32 v1, s16  }
.LBB2_125:
0x31e: {  	s20 =	smov.u32 s19;
	s19 =	sadd.s32 $0x1, s19  }
0x31f: {  	v3 =	vsel vm0, v2, v3;
	v2 =	vld.msk [tilespmem:s17+$0x0 ss:$0x0], $0xffff;
	p3 =	sne.s32 s14, s19  }
.Ltmp95:
0x320: {  	(pc) =	sbr.rel @p3 .LBB2_125-.Ltmp95, $2  }
0x321: {  	_ =	sdelay $0x2  }
0x322: {  	vm0 =	veq.s32 v1, s18;
	s17 =	sadd.s32 $0x1, s17;
	s18 =	smov.u32 s20  }
.LBB2_126:
0x323: {  	v4 =	vld.msk [tilespmem:s17+$0x0 ss:$0x0], $0xffff  }
0x324: {  	v5 =	vld [tilespmem:$0x1E0];
	_ =	sdelay $0x1  }
0x325: {  	v2 =	vsel @p2 vm0, v2, v3  }
0x326: {  	vm0 =	veq.s32 v1, s18;
	v1 =	vpsel p2, v2, v0  }
0x327: {  	v1 =	vsel vm0, v4, v1  }
0x328: {  	v1 =	vsub.f32 v5, v1;
	_ =	sdelay $0x1  }
0x329: {  	v1 =	vmul.f32 $1.442695020e+00, v1;
	_ =	sdelay $0x1  }
0x32a: {  	(erf) = vpow2.f32 v1;
	_ =	sdelay $0x5  }
.Ltmp96:
0x32b: {  	_ = 	snop;
	(pc) =	sbr.rel @!p0 .LBB2_130-.Ltmp96, $3  }
0x32c: {  	_ =	sdelay $0x1  }
0x32d: {  	v1 =	vpop (erf)  }
0x32e: {  	s17 =	smov.u32 s13;
	v3 =	vimm.f32 $0.0e+00;
	s18 =	smov.u32 s16;
	[tilespmem:$0xA60] =	vst v1;
	v1 =	vld [tilespmem:$0x5F0]  }
0x32f: {  	s19 =	sadd.s32 $0x1, s15  }
0x330: {  	p2 =	sne.s32 s14, s19  }
.Ltmp97:
0x331: {  	_ = 	snop;
	(pc) =	sbr.rel @!p2 .LBB2_128-.Ltmp97, $2  }
0x332: {  	v2 =	vld.msk [tilespmem:s13+$0x0 ss:$0x0], $0xffff;
	_ =	sdelay $0x2  }
0x333: {  	s17 =	sadd.s32 $0x1, s13;
	p1 =	por $0x1, $0x1;
	v3 =	vimm.f32 $0.0e+00;
	s18 =	smov.u32 s15;
	vm0 =	veq.s32 v1, s16  }
.LBB2_129:
0x334: {  	s20 =	smov.u32 s19;
	s19 =	sadd.s32 $0x1, s19  }
0x335: {  	v3 =	vsel vm0, v2, v3;
	v2 =	vld.msk [tilespmem:s17+$0x0 ss:$0x0], $0xffff;
	p2 =	sne.s32 s14, s19  }
.Ltmp98:
0x336: {  	(pc) =	sbr.rel @p2 .LBB2_129-.Ltmp98, $2  }
0x337: {  	_ =	sdelay $0x2  }
0x338: {  	vm0 =	veq.s32 v1, s18;
	s17 =	sadd.s32 $0x1, s17;
	s18 =	smov.u32 s20  }
.LBB2_130:
0x339: {  	v4 =	vld.msk [tilespmem:s17+$0x0 ss:$0x0], $0xffff  }
0x33a: {  	v5 =	vld [tilespmem:$0x1F0];
	_ =	sdelay $0x1  }
0x33b: {  	v2 =	vsel @p1 vm0, v2, v3  }
0x33c: {  	v0 =	vpsel p1, v2, v0;
	vm0 =	veq.s32 v1, s18  }
0x33d: {  	v0 =	vsel vm0, v4, v0  }
0x33e: {  	v0 =	vsub.f32 v5, v0;
	_ =	sdelay $0x1  }
0x33f: {  	v0 =	vmul.f32 $1.442695020e+00, v0;
	_ =	sdelay $0x1  }
0x340: {  	(erf) = vpow2.f32 v0;
	_ =	sdelay $0x5  }
.Ltmp99:
0x341: {  	_ = 	snop;
	(pc) =	sbr.rel @!p0 .LBB2_134-.Ltmp99, $3  }
0x342: {  	_ =	sdelay $0x1  }
0x343: {  	s17 =	smov.u32 s13;
	v0 =	vpop (erf)  }
0x344: {  	v3 =	vimm.f32 $0.0e+00;
	p2 =	por $0x0, $0x0;
	p1 =	por $0x0, $0x0;
	v1 =	vld [tilespmem:$0x600];
	s18 =	smov.u32 s16;
	[tilespmem:$0xA70] =	vst v0;
	v0 =	vimm.f32 $0.0e+00  }
0x345: {  	s19 =	sadd.s32 $0x1, s15  }
0x346: {  	p3 =	sne.s32 s14, s19  }
.Ltmp100:
0x347: {  	_ = 	snop;
	(pc) =	sbr.rel @!p3 .LBB2_132-.Ltmp100, $2  }
0x348: {  	v2 =	vld.msk [tilespmem:s13+$0x0 ss:$0x0], $0xffff;
	_ =	sdelay $0x2  }
0x349: {  	s17 =	sadd.s32 $0x1, s13;
	p2 =	por $0x1, $0x1;
	v3 =	vimm.f32 $0.0e+00;
	s18 =	smov.u32 s15;
	vm0 =	veq.s32 v1, s16  }
.LBB2_133:
0x34a: {  	s20 =	smov.u32 s19;
	s19 =	sadd.s32 $0x1, s19  }
0x34b: {  	v3 =	vsel vm0, v2, v3;
	v2 =	vld.msk [tilespmem:s17+$0x0 ss:$0x0], $0xffff;
	p3 =	sne.s32 s14, s19  }
.Ltmp101:
0x34c: {  	(pc) =	sbr.rel @p3 .LBB2_133-.Ltmp101, $2  }
0x34d: {  	_ =	sdelay $0x2  }
0x34e: {  	vm0 =	veq.s32 v1, s18;
	s17 =	sadd.s32 $0x1, s17;
	s18 =	smov.u32 s20  }
.LBB2_134:
0x34f: {  	v4 =	vld.msk [tilespmem:s17+$0x0 ss:$0x0], $0xffff  }
0x350: {  	v5 =	vld [tilespmem:$0x200];
	_ =	sdelay $0x1  }
0x351: {  	v2 =	vsel @p2 vm0, v2, v3  }
0x352: {  	vm0 =	veq.s32 v1, s18;
	v1 =	vpsel p2, v2, v0  }
0x353: {  	v1 =	vsel vm0, v4, v1  }
0x354: {  	v1 =	vsub.f32 v5, v1;
	_ =	sdelay $0x1  }
0x355: {  	v1 =	vmul.f32 $1.442695020e+00, v1;
	_ =	sdelay $0x1  }
0x356: {  	(erf) = vpow2.f32 v1;
	_ =	sdelay $0x5  }
.Ltmp102:
0x357: {  	_ = 	snop;
	(pc) =	sbr.rel @!p0 .LBB2_138-.Ltmp102, $3  }
0x358: {  	_ =	sdelay $0x1  }
0x359: {  	v1 =	vpop (erf)  }
0x35a: {  	s17 =	smov.u32 s13;
	v3 =	vimm.f32 $0.0e+00;
	s18 =	smov.u32 s16;
	[tilespmem:$0xA80] =	vst v1;
	v1 =	vld [tilespmem:$0x610]  }
0x35b: {  	s19 =	sadd.s32 $0x1, s15  }
0x35c: {  	p2 =	sne.s32 s14, s19  }
.Ltmp103:
0x35d: {  	_ = 	snop;
	(pc) =	sbr.rel @!p2 .LBB2_136-.Ltmp103, $2  }
0x35e: {  	v2 =	vld.msk [tilespmem:s13+$0x0 ss:$0x0], $0xffff;
	_ =	sdelay $0x2  }
0x35f: {  	s17 =	sadd.s32 $0x1, s13;
	p1 =	por $0x1, $0x1;
	v3 =	vimm.f32 $0.0e+00;
	s18 =	smov.u32 s15;
	vm0 =	veq.s32 v1, s16  }
.LBB2_137:
0x360: {  	s20 =	smov.u32 s19;
	s19 =	sadd.s32 $0x1, s19  }
0x361: {  	v3 =	vsel vm0, v2, v3;
	v2 =	vld.msk [tilespmem:s17+$0x0 ss:$0x0], $0xffff;
	p2 =	sne.s32 s14, s19  }
.Ltmp104:
0x362: {  	(pc) =	sbr.rel @p2 .LBB2_137-.Ltmp104, $2  }
0x363: {  	_ =	sdelay $0x2  }
0x364: {  	vm0 =	veq.s32 v1, s18;
	s17 =	sadd.s32 $0x1, s17;
	s18 =	smov.u32 s20  }
.LBB2_138:
0x365: {  	v4 =	vld.msk [tilespmem:s17+$0x0 ss:$0x0], $0xffff  }
0x366: {  	v5 =	vld [tilespmem:$0x210];
	_ =	sdelay $0x1  }
0x367: {  	v2 =	vsel @p1 vm0, v2, v3  }
0x368: {  	v0 =	vpsel p1, v2, v0;
	vm0 =	veq.s32 v1, s18  }
0x369: {  	v0 =	vsel vm0, v4, v0  }
0x36a: {  	v0 =	vsub.f32 v5, v0;
	_ =	sdelay $0x1  }
0x36b: {  	v0 =	vmul.f32 $1.442695020e+00, v0;
	_ =	sdelay $0x1  }
0x36c: {  	(erf) = vpow2.f32 v0;
	_ =	sdelay $0x5  }
.Ltmp105:
0x36d: {  	_ = 	snop;
	(pc) =	sbr.rel @!p0 .LBB2_142-.Ltmp105, $3  }
0x36e: {  	_ =	sdelay $0x1  }
0x36f: {  	s17 =	smov.u32 s13;
	v0 =	vpop (erf)  }
0x370: {  	v3 =	vimm.f32 $0.0e+00;
	p2 =	por $0x0, $0x0;
	p1 =	por $0x0, $0x0;
	v1 =	vld [tilespmem:$0x620];
	s18 =	smov.u32 s16;
	[tilespmem:$0xA90] =	vst v0;
	v0 =	vimm.f32 $0.0e+00  }
0x371: {  	s19 =	sadd.s32 $0x1, s15  }
0x372: {  	p3 =	sne.s32 s14, s19  }
.Ltmp106:
0x373: {  	_ = 	snop;
	(pc) =	sbr.rel @!p3 .LBB2_140-.Ltmp106, $2  }
0x374: {  	v2 =	vld.msk [tilespmem:s13+$0x0 ss:$0x0], $0xffff;
	_ =	sdelay $0x2  }
0x375: {  	s17 =	sadd.s32 $0x1, s13;
	p2 =	por $0x1, $0x1;
	v3 =	vimm.f32 $0.0e+00;
	s18 =	smov.u32 s15;
	vm0 =	veq.s32 v1, s16  }
.LBB2_141:
0x376: {  	s20 =	smov.u32 s19;
	s19 =	sadd.s32 $0x1, s19  }
0x377: {  	v3 =	vsel vm0, v2, v3;
	v2 =	vld.msk [tilespmem:s17+$0x0 ss:$0x0], $0xffff;
	p3 =	sne.s32 s14, s19  }
.Ltmp107:
0x378: {  	(pc) =	sbr.rel @p3 .LBB2_141-.Ltmp107, $2  }
0x379: {  	_ =	sdelay $0x2  }
0x37a: {  	vm0 =	veq.s32 v1, s18;
	s17 =	sadd.s32 $0x1, s17;
	s18 =	smov.u32 s20  }
.LBB2_142:
0x37b: {  	v4 =	vld.msk [tilespmem:s17+$0x0 ss:$0x0], $0xffff  }
0x37c: {  	v5 =	vld [tilespmem:$0x220];
	_ =	sdelay $0x1  }
0x37d: {  	v2 =	vsel @p2 vm0, v2, v3  }
0x37e: {  	vm0 =	veq.s32 v1, s18;
	v1 =	vpsel p2, v2, v0  }
0x37f: {  	v1 =	vsel vm0, v4, v1  }
0x380: {  	v1 =	vsub.f32 v5, v1;
	_ =	sdelay $0x1  }
0x381: {  	v1 =	vmul.f32 $1.442695020e+00, v1;
	_ =	sdelay $0x1  }
0x382: {  	(erf) = vpow2.f32 v1;
	_ =	sdelay $0x5  }
.Ltmp108:
0x383: {  	_ = 	snop;
	(pc) =	sbr.rel @!p0 .LBB2_146-.Ltmp108, $3  }
0x384: {  	_ =	sdelay $0x1  }
0x385: {  	v1 =	vpop (erf)  }
0x386: {  	s17 =	smov.u32 s13;
	v3 =	vimm.f32 $0.0e+00;
	s18 =	smov.u32 s16;
	[tilespmem:$0xAA0] =	vst v1;
	v1 =	vld [tilespmem:$0x630]  }
0x387: {  	s19 =	sadd.s32 $0x1, s15  }
0x388: {  	p2 =	sne.s32 s14, s19  }
.Ltmp109:
0x389: {  	_ = 	snop;
	(pc) =	sbr.rel @!p2 .LBB2_144-.Ltmp109, $2  }
0x38a: {  	v2 =	vld.msk [tilespmem:s13+$0x0 ss:$0x0], $0xffff;
	_ =	sdelay $0x2  }
0x38b: {  	s17 =	sadd.s32 $0x1, s13;
	p1 =	por $0x1, $0x1;
	v3 =	vimm.f32 $0.0e+00;
	s18 =	smov.u32 s15;
	vm0 =	veq.s32 v1, s16  }
.LBB2_145:
0x38c: {  	s20 =	smov.u32 s19;
	s19 =	sadd.s32 $0x1, s19  }
0x38d: {  	v3 =	vsel vm0, v2, v3;
	v2 =	vld.msk [tilespmem:s17+$0x0 ss:$0x0], $0xffff;
	p2 =	sne.s32 s14, s19  }
.Ltmp110:
0x38e: {  	(pc) =	sbr.rel @p2 .LBB2_145-.Ltmp110, $2  }
0x38f: {  	_ =	sdelay $0x2  }
0x390: {  	vm0 =	veq.s32 v1, s18;
	s17 =	sadd.s32 $0x1, s17;
	s18 =	smov.u32 s20  }
.LBB2_146:
0x391: {  	v4 =	vld.msk [tilespmem:s17+$0x0 ss:$0x0], $0xffff  }
0x392: {  	v5 =	vld [tilespmem:$0x230];
	_ =	sdelay $0x1  }
0x393: {  	v2 =	vsel @p1 vm0, v2, v3  }
0x394: {  	v0 =	vpsel p1, v2, v0;
	vm0 =	veq.s32 v1, s18  }
0x395: {  	v0 =	vsel vm0, v4, v0  }
0x396: {  	v0 =	vsub.f32 v5, v0;
	_ =	sdelay $0x1  }
0x397: {  	v0 =	vmul.f32 $1.442695020e+00, v0;
	_ =	sdelay $0x1  }
0x398: {  	(erf) = vpow2.f32 v0;
	_ =	sdelay $0x5  }
.Ltmp111:
0x399: {  	_ = 	snop;
	(pc) =	sbr.rel @!p0 .LBB2_150-.Ltmp111, $3  }
0x39a: {  	_ =	sdelay $0x1  }
0x39b: {  	s17 =	smov.u32 s13;
	v0 =	vpop (erf)  }
0x39c: {  	v3 =	vimm.f32 $0.0e+00;
	p2 =	por $0x0, $0x0;
	p1 =	por $0x0, $0x0;
	v1 =	vld [tilespmem:$0x640];
	s18 =	smov.u32 s16;
	[tilespmem:$0xAB0] =	vst v0;
	v0 =	vimm.f32 $0.0e+00  }
0x39d: {  	s19 =	sadd.s32 $0x1, s15  }
0x39e: {  	p3 =	sne.s32 s14, s19  }
.Ltmp112:
0x39f: {  	_ = 	snop;
	(pc) =	sbr.rel @!p3 .LBB2_148-.Ltmp112, $2  }
0x3a0: {  	v2 =	vld.msk [tilespmem:s13+$0x0 ss:$0x0], $0xffff;
	_ =	sdelay $0x2  }
0x3a1: {  	s17 =	sadd.s32 $0x1, s13;
	p2 =	por $0x1, $0x1;
	v3 =	vimm.f32 $0.0e+00;
	s18 =	smov.u32 s15;
	vm0 =	veq.s32 v1, s16  }
.LBB2_149:
0x3a2: {  	s20 =	smov.u32 s19;
	s19 =	sadd.s32 $0x1, s19  }
0x3a3: {  	v3 =	vsel vm0, v2, v3;
	v2 =	vld.msk [tilespmem:s17+$0x0 ss:$0x0], $0xffff;
	p3 =	sne.s32 s14, s19  }
.Ltmp113:
0x3a4: {  	(pc) =	sbr.rel @p3 .LBB2_149-.Ltmp113, $2  }
0x3a5: {  	_ =	sdelay $0x2  }
0x3a6: {  	vm0 =	veq.s32 v1, s18;
	s17 =	sadd.s32 $0x1, s17;
	s18 =	smov.u32 s20  }
.LBB2_150:
0x3a7: {  	v4 =	vld.msk [tilespmem:s17+$0x0 ss:$0x0], $0xffff  }
0x3a8: {  	v5 =	vld [tilespmem:$0x240];
	_ =	sdelay $0x1  }
0x3a9: {  	v2 =	vsel @p2 vm0, v2, v3  }
0x3aa: {  	vm0 =	veq.s32 v1, s18;
	v1 =	vpsel p2, v2, v0  }
0x3ab: {  	v1 =	vsel vm0, v4, v1  }
0x3ac: {  	v1 =	vsub.f32 v5, v1;
	_ =	sdelay $0x1  }
0x3ad: {  	v1 =	vmul.f32 $1.442695020e+00, v1;
	_ =	sdelay $0x1  }
0x3ae: {  	(erf) = vpow2.f32 v1;
	_ =	sdelay $0x5  }
.Ltmp114:
0x3af: {  	_ = 	snop;
	(pc) =	sbr.rel @!p0 .LBB2_154-.Ltmp114, $3  }
0x3b0: {  	_ =	sdelay $0x1  }
0x3b1: {  	v1 =	vpop (erf)  }
0x3b2: {  	s17 =	smov.u32 s13;
	v3 =	vimm.f32 $0.0e+00;
	s18 =	smov.u32 s16;
	[tilespmem:$0xAC0] =	vst v1;
	v1 =	vld [tilespmem:$0x650]  }
0x3b3: {  	s19 =	sadd.s32 $0x1, s15  }
0x3b4: {  	p2 =	sne.s32 s14, s19  }
.Ltmp115:
0x3b5: {  	_ = 	snop;
	(pc) =	sbr.rel @!p2 .LBB2_152-.Ltmp115, $2  }
0x3b6: {  	v2 =	vld.msk [tilespmem:s13+$0x0 ss:$0x0], $0xffff;
	_ =	sdelay $0x2  }
0x3b7: {  	s17 =	sadd.s32 $0x1, s13;
	p1 =	por $0x1, $0x1;
	v3 =	vimm.f32 $0.0e+00;
	s18 =	smov.u32 s15;
	vm0 =	veq.s32 v1, s16  }
.LBB2_153:
0x3b8: {  	s20 =	smov.u32 s19;
	s19 =	sadd.s32 $0x1, s19  }
0x3b9: {  	v3 =	vsel vm0, v2, v3;
	v2 =	vld.msk [tilespmem:s17+$0x0 ss:$0x0], $0xffff;
	p2 =	sne.s32 s14, s19  }
.Ltmp116:
0x3ba: {  	(pc) =	sbr.rel @p2 .LBB2_153-.Ltmp116, $2  }
0x3bb: {  	_ =	sdelay $0x2  }
0x3bc: {  	vm0 =	veq.s32 v1, s18;
	s17 =	sadd.s32 $0x1, s17;
	s18 =	smov.u32 s20  }
.LBB2_154:
0x3bd: {  	v4 =	vld.msk [tilespmem:s17+$0x0 ss:$0x0], $0xffff  }
0x3be: {  	v5 =	vld [tilespmem:$0x250];
	_ =	sdelay $0x1  }
0x3bf: {  	v2 =	vsel @p1 vm0, v2, v3  }
0x3c0: {  	v0 =	vpsel p1, v2, v0;
	vm0 =	veq.s32 v1, s18  }
0x3c1: {  	v0 =	vsel vm0, v4, v0  }
0x3c2: {  	v0 =	vsub.f32 v5, v0;
	_ =	sdelay $0x1  }
0x3c3: {  	v0 =	vmul.f32 $1.442695020e+00, v0;
	_ =	sdelay $0x1  }
0x3c4: {  	(erf) = vpow2.f32 v0;
	_ =	sdelay $0x5  }
.Ltmp117:
0x3c5: {  	_ = 	snop;
	(pc) =	sbr.rel @!p0 .LBB2_158-.Ltmp117, $3  }
0x3c6: {  	_ =	sdelay $0x1  }
0x3c7: {  	s17 =	smov.u32 s13;
	v0 =	vpop (erf)  }
0x3c8: {  	v3 =	vimm.f32 $0.0e+00;
	p2 =	por $0x0, $0x0;
	p1 =	por $0x0, $0x0;
	v1 =	vld [tilespmem:$0x660];
	s18 =	smov.u32 s16;
	[tilespmem:$0xAD0] =	vst v0;
	v0 =	vimm.f32 $0.0e+00  }
0x3c9: {  	s19 =	sadd.s32 $0x1, s15  }
0x3ca: {  	p3 =	sne.s32 s14, s19  }
.Ltmp118:
0x3cb: {  	_ = 	snop;
	(pc) =	sbr.rel @!p3 .LBB2_156-.Ltmp118, $2  }
0x3cc: {  	v2 =	vld.msk [tilespmem:s13+$0x0 ss:$0x0], $0xffff;
	_ =	sdelay $0x2  }
0x3cd: {  	s17 =	sadd.s32 $0x1, s13;
	p2 =	por $0x1, $0x1;
	v3 =	vimm.f32 $0.0e+00;
	s18 =	smov.u32 s15;
	vm0 =	veq.s32 v1, s16  }
.LBB2_157:
0x3ce: {  	s20 =	smov.u32 s19;
	s19 =	sadd.s32 $0x1, s19  }
0x3cf: {  	v3 =	vsel vm0, v2, v3;
	v2 =	vld.msk [tilespmem:s17+$0x0 ss:$0x0], $0xffff;
	p3 =	sne.s32 s14, s19  }
.Ltmp119:
0x3d0: {  	(pc) =	sbr.rel @p3 .LBB2_157-.Ltmp119, $2  }
0x3d1: {  	_ =	sdelay $0x2  }
0x3d2: {  	vm0 =	veq.s32 v1, s18;
	s17 =	sadd.s32 $0x1, s17;
	s18 =	smov.u32 s20  }
.LBB2_158:
0x3d3: {  	v4 =	vld.msk [tilespmem:s17+$0x0 ss:$0x0], $0xffff  }
0x3d4: {  	v5 =	vld [tilespmem:$0x260];
	_ =	sdelay $0x1  }
0x3d5: {  	v2 =	vsel @p2 vm0, v2, v3  }
0x3d6: {  	vm0 =	veq.s32 v1, s18;
	v1 =	vpsel p2, v2, v0  }
0x3d7: {  	v1 =	vsel vm0, v4, v1  }
0x3d8: {  	v1 =	vsub.f32 v5, v1;
	_ =	sdelay $0x1  }
0x3d9: {  	v1 =	vmul.f32 $1.442695020e+00, v1;
	_ =	sdelay $0x1  }
0x3da: {  	(erf) = vpow2.f32 v1;
	_ =	sdelay $0x5  }
.Ltmp120:
0x3db: {  	_ = 	snop;
	(pc) =	sbr.rel @!p0 .LBB2_162-.Ltmp120, $3  }
0x3dc: {  	_ =	sdelay $0x1  }
0x3dd: {  	v1 =	vpop (erf)  }
0x3de: {  	s17 =	smov.u32 s13;
	v3 =	vimm.f32 $0.0e+00;
	s18 =	smov.u32 s16;
	[tilespmem:$0xAE0] =	vst v1;
	v1 =	vld [tilespmem:$0x670]  }
0x3df: {  	s19 =	sadd.s32 $0x1, s15  }
0x3e0: {  	p2 =	sne.s32 s14, s19  }
.Ltmp121:
0x3e1: {  	_ = 	snop;
	(pc) =	sbr.rel @!p2 .LBB2_160-.Ltmp121, $2  }
0x3e2: {  	v2 =	vld.msk [tilespmem:s13+$0x0 ss:$0x0], $0xffff;
	_ =	sdelay $0x2  }
0x3e3: {  	s17 =	sadd.s32 $0x1, s13;
	p1 =	por $0x1, $0x1;
	v3 =	vimm.f32 $0.0e+00;
	s18 =	smov.u32 s15;
	vm0 =	veq.s32 v1, s16  }
.LBB2_161:
0x3e4: {  	s20 =	smov.u32 s19;
	s19 =	sadd.s32 $0x1, s19  }
0x3e5: {  	v3 =	vsel vm0, v2, v3;
	v2 =	vld.msk [tilespmem:s17+$0x0 ss:$0x0], $0xffff;
	p2 =	sne.s32 s14, s19  }
.Ltmp122:
0x3e6: {  	(pc) =	sbr.rel @p2 .LBB2_161-.Ltmp122, $2  }
0x3e7: {  	_ =	sdelay $0x2  }
0x3e8: {  	vm0 =	veq.s32 v1, s18;
	s17 =	sadd.s32 $0x1, s17;
	s18 =	smov.u32 s20  }
.LBB2_162:
0x3e9: {  	v4 =	vld.msk [tilespmem:s17+$0x0 ss:$0x0], $0xffff  }
0x3ea: {  	v5 =	vld [tilespmem:$0x270];
	_ =	sdelay $0x1  }
0x3eb: {  	v2 =	vsel @p1 vm0, v2, v3  }
0x3ec: {  	v0 =	vpsel p1, v2, v0;
	vm0 =	veq.s32 v1, s18  }
0x3ed: {  	v0 =	vsel vm0, v4, v0  }
0x3ee: {  	v0 =	vsub.f32 v5, v0;
	_ =	sdelay $0x1  }
0x3ef: {  	v0 =	vmul.f32 $1.442695020e+00, v0;
	_ =	sdelay $0x1  }
0x3f0: {  	(erf) = vpow2.f32 v0;
	_ =	sdelay $0x5  }
.Ltmp123:
0x3f1: {  	_ = 	snop;
	(pc) =	sbr.rel @!p0 .LBB2_166-.Ltmp123, $3  }
0x3f2: {  	_ =	sdelay $0x1  }
0x3f3: {  	s17 =	smov.u32 s13;
	v0 =	vpop (erf)  }
0x3f4: {  	v3 =	vimm.f32 $0.0e+00;
	p2 =	por $0x0, $0x0;
	p1 =	por $0x0, $0x0;
	v1 =	vld [tilespmem:$0x680];
	s18 =	smov.u32 s16;
	[tilespmem:$0xAF0] =	vst v0;
	v0 =	vimm.f32 $0.0e+00  }
0x3f5: {  	s19 =	sadd.s32 $0x1, s15  }
0x3f6: {  	p3 =	sne.s32 s14, s19  }
.Ltmp124:
0x3f7: {  	_ = 	snop;
	(pc) =	sbr.rel @!p3 .LBB2_164-.Ltmp124, $2  }
0x3f8: {  	v2 =	vld.msk [tilespmem:s13+$0x0 ss:$0x0], $0xffff;
	_ =	sdelay $0x2  }
0x3f9: {  	s17 =	sadd.s32 $0x1, s13;
	p2 =	por $0x1, $0x1;
	v3 =	vimm.f32 $0.0e+00;
	s18 =	smov.u32 s15;
	vm0 =	veq.s32 v1, s16  }
.LBB2_165:
0x3fa: {  	s20 =	smov.u32 s19;
	s19 =	sadd.s32 $0x1, s19  }
0x3fb: {  	v3 =	vsel vm0, v2, v3;
	v2 =	vld.msk [tilespmem:s17+$0x0 ss:$0x0], $0xffff;
	p3 =	sne.s32 s14, s19  }
.Ltmp125:
0x3fc: {  	(pc) =	sbr.rel @p3 .LBB2_165-.Ltmp125, $2  }
0x3fd: {  	_ =	sdelay $0x2  }
0x3fe: {  	vm0 =	veq.s32 v1, s18;
	s17 =	sadd.s32 $0x1, s17;
	s18 =	smov.u32 s20  }
.LBB2_166:
0x3ff: {  	v4 =	vld.msk [tilespmem:s17+$0x0 ss:$0x0], $0xffff  }
0x400: {  	v5 =	vld [tilespmem:$0x280];
	_ =	sdelay $0x1  }
0x401: {  	v2 =	vsel @p2 vm0, v2, v3  }
0x402: {  	vm0 =	veq.s32 v1, s18;
	v1 =	vpsel p2, v2, v0  }
0x403: {  	v1 =	vsel vm0, v4, v1  }
0x404: {  	v1 =	vsub.f32 v5, v1;
	_ =	sdelay $0x1  }
0x405: {  	v1 =	vmul.f32 $1.442695020e+00, v1;
	_ =	sdelay $0x1  }
0x406: {  	(erf) = vpow2.f32 v1;
	_ =	sdelay $0x5  }
.Ltmp126:
0x407: {  	_ = 	snop;
	(pc) =	sbr.rel @!p0 .LBB2_170-.Ltmp126, $3  }
0x408: {  	_ =	sdelay $0x1  }
0x409: {  	v1 =	vpop (erf)  }
0x40a: {  	s17 =	smov.u32 s13;
	v3 =	vimm.f32 $0.0e+00;
	s18 =	smov.u32 s16;
	[tilespmem:$0xB00] =	vst v1;
	v1 =	vld [tilespmem:$0x690]  }
0x40b: {  	s19 =	sadd.s32 $0x1, s15  }
0x40c: {  	p2 =	sne.s32 s14, s19  }
.Ltmp127:
0x40d: {  	_ = 	snop;
	(pc) =	sbr.rel @!p2 .LBB2_168-.Ltmp127, $2  }
0x40e: {  	v2 =	vld.msk [tilespmem:s13+$0x0 ss:$0x0], $0xffff;
	_ =	sdelay $0x2  }
0x40f: {  	s17 =	sadd.s32 $0x1, s13;
	p1 =	por $0x1, $0x1;
	v3 =	vimm.f32 $0.0e+00;
	s18 =	smov.u32 s15;
	vm0 =	veq.s32 v1, s16  }
.LBB2_169:
0x410: {  	s20 =	smov.u32 s19;
	s19 =	sadd.s32 $0x1, s19  }
0x411: {  	v3 =	vsel vm0, v2, v3;
	v2 =	vld.msk [tilespmem:s17+$0x0 ss:$0x0], $0xffff;
	p2 =	sne.s32 s14, s19  }
.Ltmp128:
0x412: {  	(pc) =	sbr.rel @p2 .LBB2_169-.Ltmp128, $2  }
0x413: {  	_ =	sdelay $0x2  }
0x414: {  	vm0 =	veq.s32 v1, s18;
	s17 =	sadd.s32 $0x1, s17;
	s18 =	smov.u32 s20  }
.LBB2_170:
0x415: {  	v4 =	vld.msk [tilespmem:s17+$0x0 ss:$0x0], $0xffff  }
0x416: {  	v5 =	vld [tilespmem:$0x290];
	_ =	sdelay $0x1  }
0x417: {  	v2 =	vsel @p1 vm0, v2, v3  }
0x418: {  	v0 =	vpsel p1, v2, v0;
	vm0 =	veq.s32 v1, s18  }
0x419: {  	v0 =	vsel vm0, v4, v0  }
0x41a: {  	v0 =	vsub.f32 v5, v0;
	_ =	sdelay $0x1  }
0x41b: {  	v0 =	vmul.f32 $1.442695020e+00, v0;
	_ =	sdelay $0x1  }
0x41c: {  	(erf) = vpow2.f32 v0;
	_ =	sdelay $0x5  }
.Ltmp129:
0x41d: {  	_ = 	snop;
	(pc) =	sbr.rel @!p0 .LBB2_174-.Ltmp129, $3  }
0x41e: {  	_ =	sdelay $0x1  }
0x41f: {  	s17 =	smov.u32 s13;
	v0 =	vpop (erf)  }
0x420: {  	v3 =	vimm.f32 $0.0e+00;
	p2 =	por $0x0, $0x0;
	p1 =	por $0x0, $0x0;
	v1 =	vld [tilespmem:$0x6A0];
	s18 =	smov.u32 s16;
	[tilespmem:$0xB10] =	vst v0;
	v0 =	vimm.f32 $0.0e+00  }
0x421: {  	s19 =	sadd.s32 $0x1, s15  }
0x422: {  	p3 =	sne.s32 s14, s19  }
.Ltmp130:
0x423: {  	_ = 	snop;
	(pc) =	sbr.rel @!p3 .LBB2_172-.Ltmp130, $2  }
0x424: {  	v2 =	vld.msk [tilespmem:s13+$0x0 ss:$0x0], $0xffff;
	_ =	sdelay $0x2  }
0x425: {  	s17 =	sadd.s32 $0x1, s13;
	p2 =	por $0x1, $0x1;
	v3 =	vimm.f32 $0.0e+00;
	s18 =	smov.u32 s15;
	vm0 =	veq.s32 v1, s16  }
.LBB2_173:
0x426: {  	s20 =	smov.u32 s19;
	s19 =	sadd.s32 $0x1, s19  }
0x427: {  	v3 =	vsel vm0, v2, v3;
	v2 =	vld.msk [tilespmem:s17+$0x0 ss:$0x0], $0xffff;
	p3 =	sne.s32 s14, s19  }
.Ltmp131:
0x428: {  	(pc) =	sbr.rel @p3 .LBB2_173-.Ltmp131, $2  }
0x429: {  	_ =	sdelay $0x2  }
0x42a: {  	vm0 =	veq.s32 v1, s18;
	s17 =	sadd.s32 $0x1, s17;
	s18 =	smov.u32 s20  }
.LBB2_174:
0x42b: {  	v4 =	vld.msk [tilespmem:s17+$0x0 ss:$0x0], $0xffff  }
0x42c: {  	v5 =	vld [tilespmem:$0x2A0];
	_ =	sdelay $0x1  }
0x42d: {  	v2 =	vsel @p2 vm0, v2, v3  }
0x42e: {  	vm0 =	veq.s32 v1, s18;
	v1 =	vpsel p2, v2, v0  }
0x42f: {  	v1 =	vsel vm0, v4, v1  }
0x430: {  	v1 =	vsub.f32 v5, v1;
	_ =	sdelay $0x1  }
0x431: {  	v1 =	vmul.f32 $1.442695020e+00, v1;
	_ =	sdelay $0x1  }
0x432: {  	(erf) = vpow2.f32 v1;
	_ =	sdelay $0x5  }
.Ltmp132:
0x433: {  	_ = 	snop;
	(pc) =	sbr.rel @!p0 .LBB2_178-.Ltmp132, $3  }
0x434: {  	_ =	sdelay $0x1  }
0x435: {  	v1 =	vpop (erf)  }
0x436: {  	s17 =	smov.u32 s13;
	v3 =	vimm.f32 $0.0e+00;
	s18 =	smov.u32 s16;
	[tilespmem:$0xB20] =	vst v1;
	v1 =	vld [tilespmem:$0x6B0]  }
0x437: {  	s19 =	sadd.s32 $0x1, s15  }
0x438: {  	p2 =	sne.s32 s14, s19  }
.Ltmp133:
0x439: {  	_ = 	snop;
	(pc) =	sbr.rel @!p2 .LBB2_176-.Ltmp133, $2  }
0x43a: {  	v2 =	vld.msk [tilespmem:s13+$0x0 ss:$0x0], $0xffff;
	_ =	sdelay $0x2  }
0x43b: {  	s17 =	sadd.s32 $0x1, s13;
	p1 =	por $0x1, $0x1;
	v3 =	vimm.f32 $0.0e+00;
	s18 =	smov.u32 s15;
	vm0 =	veq.s32 v1, s16  }
.LBB2_177:
0x43c: {  	s20 =	smov.u32 s19;
	s19 =	sadd.s32 $0x1, s19  }
0x43d: {  	v3 =	vsel vm0, v2, v3;
	v2 =	vld.msk [tilespmem:s17+$0x0 ss:$0x0], $0xffff;
	p2 =	sne.s32 s14, s19  }
.Ltmp134:
0x43e: {  	(pc) =	sbr.rel @p2 .LBB2_177-.Ltmp134, $2  }
0x43f: {  	_ =	sdelay $0x2  }
0x440: {  	vm0 =	veq.s32 v1, s18;
	s17 =	sadd.s32 $0x1, s17;
	s18 =	smov.u32 s20  }
.LBB2_178:
0x441: {  	v4 =	vld.msk [tilespmem:s17+$0x0 ss:$0x0], $0xffff  }
0x442: {  	v5 =	vld [tilespmem:$0x2B0];
	_ =	sdelay $0x1  }
0x443: {  	v2 =	vsel @p1 vm0, v2, v3  }
0x444: {  	v0 =	vpsel p1, v2, v0;
	vm0 =	veq.s32 v1, s18  }
0x445: {  	v0 =	vsel vm0, v4, v0  }
0x446: {  	v0 =	vsub.f32 v5, v0;
	_ =	sdelay $0x1  }
0x447: {  	v0 =	vmul.f32 $1.442695020e+00, v0;
	_ =	sdelay $0x1  }
0x448: {  	(erf) = vpow2.f32 v0;
	_ =	sdelay $0x5  }
.Ltmp135:
0x449: {  	_ = 	snop;
	(pc) =	sbr.rel @!p0 .LBB2_182-.Ltmp135, $3  }
0x44a: {  	_ =	sdelay $0x1  }
0x44b: {  	s17 =	smov.u32 s13;
	v0 =	vpop (erf)  }
0x44c: {  	v3 =	vimm.f32 $0.0e+00;
	p2 =	por $0x0, $0x0;
	p1 =	por $0x0, $0x0;
	v1 =	vld [tilespmem:$0x6C0];
	s18 =	smov.u32 s16;
	[tilespmem:$0xB30] =	vst v0;
	v0 =	vimm.f32 $0.0e+00  }
0x44d: {  	s19 =	sadd.s32 $0x1, s15  }
0x44e: {  	p3 =	sne.s32 s14, s19  }
.Ltmp136:
0x44f: {  	_ = 	snop;
	(pc) =	sbr.rel @!p3 .LBB2_180-.Ltmp136, $2  }
0x450: {  	v2 =	vld.msk [tilespmem:s13+$0x0 ss:$0x0], $0xffff;
	_ =	sdelay $0x2  }
0x451: {  	s17 =	sadd.s32 $0x1, s13;
	p2 =	por $0x1, $0x1;
	v3 =	vimm.f32 $0.0e+00;
	s18 =	smov.u32 s15;
	vm0 =	veq.s32 v1, s16  }
.LBB2_181:
0x452: {  	s20 =	smov.u32 s19;
	s19 =	sadd.s32 $0x1, s19  }
0x453: {  	v3 =	vsel vm0, v2, v3;
	v2 =	vld.msk [tilespmem:s17+$0x0 ss:$0x0], $0xffff;
	p3 =	sne.s32 s14, s19  }
.Ltmp137:
0x454: {  	(pc) =	sbr.rel @p3 .LBB2_181-.Ltmp137, $2  }
0x455: {  	_ =	sdelay $0x2  }
0x456: {  	vm0 =	veq.s32 v1, s18;
	s17 =	sadd.s32 $0x1, s17;
	s18 =	smov.u32 s20  }
.LBB2_182:
0x457: {  	v4 =	vld.msk [tilespmem:s17+$0x0 ss:$0x0], $0xffff  }
0x458: {  	v5 =	vld [tilespmem:$0x2C0];
	_ =	sdelay $0x1  }
0x459: {  	v2 =	vsel @p2 vm0, v2, v3  }
0x45a: {  	vm0 =	veq.s32 v1, s18;
	v1 =	vpsel p2, v2, v0  }
0x45b: {  	v1 =	vsel vm0, v4, v1  }
0x45c: {  	v1 =	vsub.f32 v5, v1;
	_ =	sdelay $0x1  }
0x45d: {  	v1 =	vmul.f32 $1.442695020e+00, v1;
	_ =	sdelay $0x1  }
0x45e: {  	(erf) = vpow2.f32 v1;
	_ =	sdelay $0x5  }
.Ltmp138:
0x45f: {  	_ = 	snop;
	(pc) =	sbr.rel @!p0 .LBB2_186-.Ltmp138, $3  }
0x460: {  	_ =	sdelay $0x1  }
0x461: {  	v1 =	vpop (erf)  }
0x462: {  	s17 =	smov.u32 s13;
	v3 =	vimm.f32 $0.0e+00;
	s18 =	smov.u32 s16;
	[tilespmem:$0xB40] =	vst v1;
	v1 =	vld [tilespmem:$0x6D0]  }
0x463: {  	s19 =	sadd.s32 $0x1, s15  }
0x464: {  	p2 =	sne.s32 s14, s19  }
.Ltmp139:
0x465: {  	_ = 	snop;
	(pc) =	sbr.rel @!p2 .LBB2_184-.Ltmp139, $2  }
0x466: {  	v2 =	vld.msk [tilespmem:s13+$0x0 ss:$0x0], $0xffff;
	_ =	sdelay $0x2  }
0x467: {  	s17 =	sadd.s32 $0x1, s13;
	p1 =	por $0x1, $0x1;
	v3 =	vimm.f32 $0.0e+00;
	s18 =	smov.u32 s15;
	vm0 =	veq.s32 v1, s16  }
.LBB2_185:
0x468: {  	s20 =	smov.u32 s19;
	s19 =	sadd.s32 $0x1, s19  }
0x469: {  	v3 =	vsel vm0, v2, v3;
	v2 =	vld.msk [tilespmem:s17+$0x0 ss:$0x0], $0xffff;
	p2 =	sne.s32 s14, s19  }
.Ltmp140:
0x46a: {  	(pc) =	sbr.rel @p2 .LBB2_185-.Ltmp140, $2  }
0x46b: {  	_ =	sdelay $0x2  }
0x46c: {  	vm0 =	veq.s32 v1, s18;
	s17 =	sadd.s32 $0x1, s17;
	s18 =	smov.u32 s20  }
.LBB2_186:
0x46d: {  	v4 =	vld.msk [tilespmem:s17+$0x0 ss:$0x0], $0xffff  }
0x46e: {  	v5 =	vld [tilespmem:$0x2D0];
	_ =	sdelay $0x1  }
0x46f: {  	v2 =	vsel @p1 vm0, v2, v3  }
0x470: {  	v0 =	vpsel p1, v2, v0;
	vm0 =	veq.s32 v1, s18  }
0x471: {  	v0 =	vsel vm0, v4, v0  }
0x472: {  	v0 =	vsub.f32 v5, v0;
	_ =	sdelay $0x1  }
0x473: {  	v0 =	vmul.f32 $1.442695020e+00, v0;
	_ =	sdelay $0x1  }
0x474: {  	(erf) = vpow2.f32 v0;
	_ =	sdelay $0x5  }
.Ltmp141:
0x475: {  	_ = 	snop;
	(pc) =	sbr.rel @!p0 .LBB2_190-.Ltmp141, $3  }
0x476: {  	_ =	sdelay $0x1  }
0x477: {  	s17 =	smov.u32 s13;
	v0 =	vpop (erf)  }
0x478: {  	v3 =	vimm.f32 $0.0e+00;
	p2 =	por $0x0, $0x0;
	p1 =	por $0x0, $0x0;
	v1 =	vld [tilespmem:$0x6E0];
	s18 =	smov.u32 s16;
	[tilespmem:$0xB50] =	vst v0;
	v0 =	vimm.f32 $0.0e+00  }
0x479: {  	s19 =	sadd.s32 $0x1, s15  }
0x47a: {  	p3 =	sne.s32 s14, s19  }
.Ltmp142:
0x47b: {  	_ = 	snop;
	(pc) =	sbr.rel @!p3 .LBB2_188-.Ltmp142, $2  }
0x47c: {  	v2 =	vld.msk [tilespmem:s13+$0x0 ss:$0x0], $0xffff;
	_ =	sdelay $0x2  }
0x47d: {  	s17 =	sadd.s32 $0x1, s13;
	p2 =	por $0x1, $0x1;
	v3 =	vimm.f32 $0.0e+00;
	s18 =	smov.u32 s15;
	vm0 =	veq.s32 v1, s16  }
.LBB2_189:
0x47e: {  	s20 =	smov.u32 s19;
	s19 =	sadd.s32 $0x1, s19  }
0x47f: {  	v3 =	vsel vm0, v2, v3;
	v2 =	vld.msk [tilespmem:s17+$0x0 ss:$0x0], $0xffff;
	p3 =	sne.s32 s14, s19  }
.Ltmp143:
0x480: {  	(pc) =	sbr.rel @p3 .LBB2_189-.Ltmp143, $2  }
0x481: {  	_ =	sdelay $0x2  }
0x482: {  	vm0 =	veq.s32 v1, s18;
	s17 =	sadd.s32 $0x1, s17;
	s18 =	smov.u32 s20  }
.LBB2_190:
0x483: {  	v4 =	vld.msk [tilespmem:s17+$0x0 ss:$0x0], $0xffff  }
0x484: {  	v5 =	vld [tilespmem:$0x2E0];
	_ =	sdelay $0x1  }
0x485: {  	v2 =	vsel @p2 vm0, v2, v3  }
0x486: {  	vm0 =	veq.s32 v1, s18;
	v1 =	vpsel p2, v2, v0  }
0x487: {  	v1 =	vsel vm0, v4, v1  }
0x488: {  	v1 =	vsub.f32 v5, v1;
	_ =	sdelay $0x1  }
0x489: {  	v1 =	vmul.f32 $1.442695020e+00, v1;
	_ =	sdelay $0x1  }
0x48a: {  	(erf) = vpow2.f32 v1;
	_ =	sdelay $0x5  }
.Ltmp144:
0x48b: {  	_ = 	snop;
	(pc) =	sbr.rel @!p0 .LBB2_194-.Ltmp144, $3  }
0x48c: {  	_ =	sdelay $0x1  }
0x48d: {  	v1 =	vpop (erf)  }
0x48e: {  	s17 =	smov.u32 s13;
	v3 =	vimm.f32 $0.0e+00;
	s18 =	smov.u32 s16;
	[tilespmem:$0xB60] =	vst v1;
	v1 =	vld [tilespmem:$0x6F0]  }
0x48f: {  	s19 =	sadd.s32 $0x1, s15  }
0x490: {  	p2 =	sne.s32 s14, s19  }
.Ltmp145:
0x491: {  	_ = 	snop;
	(pc) =	sbr.rel @!p2 .LBB2_192-.Ltmp145, $2  }
0x492: {  	v2 =	vld.msk [tilespmem:s13+$0x0 ss:$0x0], $0xffff;
	_ =	sdelay $0x2  }
0x493: {  	s17 =	sadd.s32 $0x1, s13;
	p1 =	por $0x1, $0x1;
	v3 =	vimm.f32 $0.0e+00;
	s18 =	smov.u32 s15;
	vm0 =	veq.s32 v1, s16  }
.LBB2_193:
0x494: {  	s20 =	smov.u32 s19;
	s19 =	sadd.s32 $0x1, s19  }
0x495: {  	v3 =	vsel vm0, v2, v3;
	v2 =	vld.msk [tilespmem:s17+$0x0 ss:$0x0], $0xffff;
	p2 =	sne.s32 s14, s19  }
.Ltmp146:
0x496: {  	(pc) =	sbr.rel @p2 .LBB2_193-.Ltmp146, $2  }
0x497: {  	_ =	sdelay $0x2  }
0x498: {  	vm0 =	veq.s32 v1, s18;
	s17 =	sadd.s32 $0x1, s17;
	s18 =	smov.u32 s20  }
.LBB2_194:
0x499: {  	v4 =	vld.msk [tilespmem:s17+$0x0 ss:$0x0], $0xffff  }
0x49a: {  	v5 =	vld [tilespmem:$0x2F0];
	_ =	sdelay $0x1  }
0x49b: {  	v2 =	vsel @p1 vm0, v2, v3  }
0x49c: {  	v0 =	vpsel p1, v2, v0;
	vm0 =	veq.s32 v1, s18  }
0x49d: {  	v0 =	vsel vm0, v4, v0  }
0x49e: {  	v0 =	vsub.f32 v5, v0;
	_ =	sdelay $0x1  }
0x49f: {  	v0 =	vmul.f32 $1.442695020e+00, v0;
	_ =	sdelay $0x1  }
0x4a0: {  	(erf) = vpow2.f32 v0;
	_ =	sdelay $0x5  }
.Ltmp147:
0x4a1: {  	_ = 	snop;
	(pc) =	sbr.rel @!p0 .LBB2_198-.Ltmp147, $3  }
0x4a2: {  	_ =	sdelay $0x1  }
0x4a3: {  	s17 =	smov.u32 s13;
	v0 =	vpop (erf)  }
0x4a4: {  	v3 =	vimm.f32 $0.0e+00;
	p2 =	por $0x0, $0x0;
	p1 =	por $0x0, $0x0;
	v1 =	vld [tilespmem:$0x700];
	s18 =	smov.u32 s16;
	[tilespmem:$0xB70] =	vst v0;
	v0 =	vimm.f32 $0.0e+00  }
0x4a5: {  	s19 =	sadd.s32 $0x1, s15  }
0x4a6: {  	p3 =	sne.s32 s14, s19  }
.Ltmp148:
0x4a7: {  	_ = 	snop;
	(pc) =	sbr.rel @!p3 .LBB2_196-.Ltmp148, $2  }
0x4a8: {  	v2 =	vld.msk [tilespmem:s13+$0x0 ss:$0x0], $0xffff;
	_ =	sdelay $0x2  }
0x4a9: {  	s17 =	sadd.s32 $0x1, s13;
	p2 =	por $0x1, $0x1;
	v3 =	vimm.f32 $0.0e+00;
	s18 =	smov.u32 s15;
	vm0 =	veq.s32 v1, s16  }
.LBB2_197:
0x4aa: {  	s20 =	smov.u32 s19;
	s19 =	sadd.s32 $0x1, s19  }
0x4ab: {  	v3 =	vsel vm0, v2, v3;
	v2 =	vld.msk [tilespmem:s17+$0x0 ss:$0x0], $0xffff;
	p3 =	sne.s32 s14, s19  }
.Ltmp149:
0x4ac: {  	(pc) =	sbr.rel @p3 .LBB2_197-.Ltmp149, $2  }
0x4ad: {  	_ =	sdelay $0x2  }
0x4ae: {  	vm0 =	veq.s32 v1, s18;
	s17 =	sadd.s32 $0x1, s17;
	s18 =	smov.u32 s20  }
.LBB2_198:
0x4af: {  	v4 =	vld.msk [tilespmem:s17+$0x0 ss:$0x0], $0xffff  }
0x4b0: {  	v5 =	vld [tilespmem:$0x300];
	_ =	sdelay $0x1  }
0x4b1: {  	v2 =	vsel @p2 vm0, v2, v3  }
0x4b2: {  	vm0 =	veq.s32 v1, s18;
	v1 =	vpsel p2, v2, v0  }
0x4b3: {  	v1 =	vsel vm0, v4, v1  }
0x4b4: {  	v1 =	vsub.f32 v5, v1;
	_ =	sdelay $0x1  }
0x4b5: {  	v1 =	vmul.f32 $1.442695020e+00, v1;
	_ =	sdelay $0x1  }
0x4b6: {  	(erf) = vpow2.f32 v1;
	_ =	sdelay $0x5  }
.Ltmp150:
0x4b7: {  	_ = 	snop;
	(pc) =	sbr.rel @!p0 .LBB2_202-.Ltmp150, $3  }
0x4b8: {  	_ =	sdelay $0x1  }
0x4b9: {  	v1 =	vpop (erf)  }
0x4ba: {  	s17 =	smov.u32 s13;
	v3 =	vimm.f32 $0.0e+00;
	s18 =	smov.u32 s16;
	[tilespmem:$0xB80] =	vst v1;
	v1 =	vld [tilespmem:$0x710]  }
0x4bb: {  	s19 =	sadd.s32 $0x1, s15  }
0x4bc: {  	p2 =	sne.s32 s14, s19  }
.Ltmp151:
0x4bd: {  	_ = 	snop;
	(pc) =	sbr.rel @!p2 .LBB2_200-.Ltmp151, $2  }
0x4be: {  	v2 =	vld.msk [tilespmem:s13+$0x0 ss:$0x0], $0xffff;
	_ =	sdelay $0x2  }
0x4bf: {  	s17 =	sadd.s32 $0x1, s13;
	p1 =	por $0x1, $0x1;
	v3 =	vimm.f32 $0.0e+00;
	s18 =	smov.u32 s15;
	vm0 =	veq.s32 v1, s16  }
.LBB2_201:
0x4c0: {  	s20 =	smov.u32 s19;
	s19 =	sadd.s32 $0x1, s19  }
0x4c1: {  	v3 =	vsel vm0, v2, v3;
	v2 =	vld.msk [tilespmem:s17+$0x0 ss:$0x0], $0xffff;
	p2 =	sne.s32 s14, s19  }
.Ltmp152:
0x4c2: {  	(pc) =	sbr.rel @p2 .LBB2_201-.Ltmp152, $2  }
0x4c3: {  	_ =	sdelay $0x2  }
0x4c4: {  	vm0 =	veq.s32 v1, s18;
	s17 =	sadd.s32 $0x1, s17;
	s18 =	smov.u32 s20  }
.LBB2_202:
0x4c5: {  	v4 =	vld.msk [tilespmem:s17+$0x0 ss:$0x0], $0xffff  }
0x4c6: {  	v5 =	vld [tilespmem:$0x310];
	_ =	sdelay $0x1  }
0x4c7: {  	v2 =	vsel @p1 vm0, v2, v3  }
0x4c8: {  	v0 =	vpsel p1, v2, v0;
	vm0 =	veq.s32 v1, s18  }
0x4c9: {  	v0 =	vsel vm0, v4, v0  }
0x4ca: {  	v0 =	vsub.f32 v5, v0;
	_ =	sdelay $0x1  }
0x4cb: {  	v0 =	vmul.f32 $1.442695020e+00, v0;
	_ =	sdelay $0x1  }
0x4cc: {  	(erf) = vpow2.f32 v0;
	_ =	sdelay $0x5  }
.Ltmp153:
0x4cd: {  	_ = 	snop;
	(pc) =	sbr.rel @!p0 .LBB2_206-.Ltmp153, $3  }
0x4ce: {  	_ =	sdelay $0x1  }
0x4cf: {  	s17 =	smov.u32 s13;
	v0 =	vpop (erf)  }
0x4d0: {  	v3 =	vimm.f32 $0.0e+00;
	p2 =	por $0x0, $0x0;
	p1 =	por $0x0, $0x0;
	v1 =	vld [tilespmem:$0x720];
	s18 =	smov.u32 s16;
	[tilespmem:$0xB90] =	vst v0;
	v0 =	vimm.f32 $0.0e+00  }
0x4d1: {  	s19 =	sadd.s32 $0x1, s15  }
0x4d2: {  	p3 =	sne.s32 s14, s19  }
.Ltmp154:
0x4d3: {  	_ = 	snop;
	(pc) =	sbr.rel @!p3 .LBB2_204-.Ltmp154, $2  }
0x4d4: {  	v2 =	vld.msk [tilespmem:s13+$0x0 ss:$0x0], $0xffff;
	_ =	sdelay $0x2  }
0x4d5: {  	s17 =	sadd.s32 $0x1, s13;
	p2 =	por $0x1, $0x1;
	v3 =	vimm.f32 $0.0e+00;
	s18 =	smov.u32 s15;
	vm0 =	veq.s32 v1, s16  }
.LBB2_205:
0x4d6: {  	s20 =	smov.u32 s19;
	s19 =	sadd.s32 $0x1, s19  }
0x4d7: {  	v3 =	vsel vm0, v2, v3;
	v2 =	vld.msk [tilespmem:s17+$0x0 ss:$0x0], $0xffff;
	p3 =	sne.s32 s14, s19  }
.Ltmp155:
0x4d8: {  	(pc) =	sbr.rel @p3 .LBB2_205-.Ltmp155, $2  }
0x4d9: {  	_ =	sdelay $0x2  }
0x4da: {  	vm0 =	veq.s32 v1, s18;
	s17 =	sadd.s32 $0x1, s17;
	s18 =	smov.u32 s20  }
.LBB2_206:
0x4db: {  	v4 =	vld.msk [tilespmem:s17+$0x0 ss:$0x0], $0xffff  }
0x4dc: {  	v5 =	vld [tilespmem:$0x320];
	_ =	sdelay $0x1  }
0x4dd: {  	v2 =	vsel @p2 vm0, v2, v3  }
0x4de: {  	vm0 =	veq.s32 v1, s18;
	v1 =	vpsel p2, v2, v0  }
0x4df: {  	v1 =	vsel vm0, v4, v1  }
0x4e0: {  	v1 =	vsub.f32 v5, v1;
	_ =	sdelay $0x1  }
0x4e1: {  	v1 =	vmul.f32 $1.442695020e+00, v1;
	_ =	sdelay $0x1  }
0x4e2: {  	(erf) = vpow2.f32 v1;
	_ =	sdelay $0x5  }
.Ltmp156:
0x4e3: {  	_ = 	snop;
	(pc) =	sbr.rel @!p0 .LBB2_210-.Ltmp156, $3  }
0x4e4: {  	_ =	sdelay $0x1  }
0x4e5: {  	v1 =	vpop (erf)  }
0x4e6: {  	s17 =	smov.u32 s13;
	v3 =	vimm.f32 $0.0e+00;
	s18 =	smov.u32 s16;
	[tilespmem:$0xBA0] =	vst v1;
	v1 =	vld [tilespmem:$0x730]  }
0x4e7: {  	s19 =	sadd.s32 $0x1, s15  }
0x4e8: {  	p2 =	sne.s32 s14, s19  }
.Ltmp157:
0x4e9: {  	_ = 	snop;
	(pc) =	sbr.rel @!p2 .LBB2_208-.Ltmp157, $2  }
0x4ea: {  	v2 =	vld.msk [tilespmem:s13+$0x0 ss:$0x0], $0xffff;
	_ =	sdelay $0x2  }
0x4eb: {  	s17 =	sadd.s32 $0x1, s13;
	p1 =	por $0x1, $0x1;
	v3 =	vimm.f32 $0.0e+00;
	s18 =	smov.u32 s15;
	vm0 =	veq.s32 v1, s16  }
.LBB2_209:
0x4ec: {  	s20 =	smov.u32 s19;
	s19 =	sadd.s32 $0x1, s19  }
0x4ed: {  	v3 =	vsel vm0, v2, v3;
	v2 =	vld.msk [tilespmem:s17+$0x0 ss:$0x0], $0xffff;
	p2 =	sne.s32 s14, s19  }
.Ltmp158:
0x4ee: {  	(pc) =	sbr.rel @p2 .LBB2_209-.Ltmp158, $2  }
0x4ef: {  	_ =	sdelay $0x2  }
0x4f0: {  	vm0 =	veq.s32 v1, s18;
	s17 =	sadd.s32 $0x1, s17;
	s18 =	smov.u32 s20  }
.LBB2_210:
0x4f1: {  	v4 =	vld.msk [tilespmem:s17+$0x0 ss:$0x0], $0xffff  }
0x4f2: {  	v5 =	vld [tilespmem:$0x330];
	_ =	sdelay $0x1  }
0x4f3: {  	v2 =	vsel @p1 vm0, v2, v3  }
0x4f4: {  	v0 =	vpsel p1, v2, v0;
	vm0 =	veq.s32 v1, s18  }
0x4f5: {  	v0 =	vsel vm0, v4, v0  }
0x4f6: {  	v0 =	vsub.f32 v5, v0;
	_ =	sdelay $0x1  }
0x4f7: {  	v0 =	vmul.f32 $1.442695020e+00, v0;
	_ =	sdelay $0x1  }
0x4f8: {  	(erf) = vpow2.f32 v0;
	_ =	sdelay $0x5  }
.Ltmp159:
0x4f9: {  	_ = 	snop;
	(pc) =	sbr.rel @!p0 .LBB2_214-.Ltmp159, $3  }
0x4fa: {  	_ =	sdelay $0x1  }
0x4fb: {  	s17 =	smov.u32 s13;
	v0 =	vpop (erf)  }
0x4fc: {  	v3 =	vimm.f32 $0.0e+00;
	p2 =	por $0x0, $0x0;
	p1 =	por $0x0, $0x0;
	v1 =	vld [tilespmem:$0x740];
	s18 =	smov.u32 s16;
	[tilespmem:$0xBB0] =	vst v0;
	v0 =	vimm.f32 $0.0e+00  }
0x4fd: {  	s19 =	sadd.s32 $0x1, s15  }
0x4fe: {  	p3 =	sne.s32 s14, s19  }
.Ltmp160:
0x4ff: {  	_ = 	snop;
	(pc) =	sbr.rel @!p3 .LBB2_212-.Ltmp160, $2  }
0x500: {  	v2 =	vld.msk [tilespmem:s13+$0x0 ss:$0x0], $0xffff;
	_ =	sdelay $0x2  }
0x501: {  	s17 =	sadd.s32 $0x1, s13;
	p2 =	por $0x1, $0x1;
	v3 =	vimm.f32 $0.0e+00;
	s18 =	smov.u32 s15;
	vm0 =	veq.s32 v1, s16  }
.LBB2_213:
0x502: {  	s20 =	smov.u32 s19;
	s19 =	sadd.s32 $0x1, s19  }
0x503: {  	v3 =	vsel vm0, v2, v3;
	v2 =	vld.msk [tilespmem:s17+$0x0 ss:$0x0], $0xffff;
	p3 =	sne.s32 s14, s19  }
.Ltmp161:
0x504: {  	(pc) =	sbr.rel @p3 .LBB2_213-.Ltmp161, $2  }
0x505: {  	_ =	sdelay $0x2  }
0x506: {  	vm0 =	veq.s32 v1, s18;
	s17 =	sadd.s32 $0x1, s17;
	s18 =	smov.u32 s20  }
.LBB2_214:
0x507: {  	v4 =	vld.msk [tilespmem:s17+$0x0 ss:$0x0], $0xffff  }
0x508: {  	v5 =	vld [tilespmem:$0x340];
	_ =	sdelay $0x1  }
0x509: {  	v2 =	vsel @p2 vm0, v2, v3  }
0x50a: {  	vm0 =	veq.s32 v1, s18;
	v1 =	vpsel p2, v2, v0  }
0x50b: {  	v1 =	vsel vm0, v4, v1  }
0x50c: {  	v1 =	vsub.f32 v5, v1;
	_ =	sdelay $0x1  }
0x50d: {  	v1 =	vmul.f32 $1.442695020e+00, v1;
	_ =	sdelay $0x1  }
0x50e: {  	(erf) = vpow2.f32 v1;
	_ =	sdelay $0x5  }
.Ltmp162:
0x50f: {  	_ = 	snop;
	(pc) =	sbr.rel @!p0 .LBB2_218-.Ltmp162, $3  }
0x510: {  	_ =	sdelay $0x1  }
0x511: {  	v1 =	vpop (erf)  }
0x512: {  	s17 =	smov.u32 s13;
	v3 =	vimm.f32 $0.0e+00;
	s18 =	smov.u32 s16;
	[tilespmem:$0xBC0] =	vst v1;
	v1 =	vld [tilespmem:$0x750]  }
0x513: {  	s19 =	sadd.s32 $0x1, s15  }
0x514: {  	p2 =	sne.s32 s14, s19  }
.Ltmp163:
0x515: {  	_ = 	snop;
	(pc) =	sbr.rel @!p2 .LBB2_216-.Ltmp163, $2  }
0x516: {  	v2 =	vld.msk [tilespmem:s13+$0x0 ss:$0x0], $0xffff;
	_ =	sdelay $0x2  }
0x517: {  	s17 =	sadd.s32 $0x1, s13;
	p1 =	por $0x1, $0x1;
	v3 =	vimm.f32 $0.0e+00;
	s18 =	smov.u32 s15;
	vm0 =	veq.s32 v1, s16  }
.LBB2_217:
0x518: {  	s20 =	smov.u32 s19;
	s19 =	sadd.s32 $0x1, s19  }
0x519: {  	v3 =	vsel vm0, v2, v3;
	v2 =	vld.msk [tilespmem:s17+$0x0 ss:$0x0], $0xffff;
	p2 =	sne.s32 s14, s19  }
.Ltmp164:
0x51a: {  	(pc) =	sbr.rel @p2 .LBB2_217-.Ltmp164, $2  }
0x51b: {  	_ =	sdelay $0x2  }
0x51c: {  	vm0 =	veq.s32 v1, s18;
	s17 =	sadd.s32 $0x1, s17;
	s18 =	smov.u32 s20  }
.LBB2_218:
0x51d: {  	v4 =	vld.msk [tilespmem:s17+$0x0 ss:$0x0], $0xffff  }
0x51e: {  	v5 =	vld [tilespmem:$0x350];
	_ =	sdelay $0x1  }
0x51f: {  	v2 =	vsel @p1 vm0, v2, v3  }
0x520: {  	v0 =	vpsel p1, v2, v0;
	vm0 =	veq.s32 v1, s18  }
0x521: {  	v0 =	vsel vm0, v4, v0  }
0x522: {  	v0 =	vsub.f32 v5, v0;
	_ =	sdelay $0x1  }
0x523: {  	v0 =	vmul.f32 $1.442695020e+00, v0;
	_ =	sdelay $0x1  }
0x524: {  	(erf) = vpow2.f32 v0;
	_ =	sdelay $0x5  }
.Ltmp165:
0x525: {  	_ = 	snop;
	(pc) =	sbr.rel @!p0 .LBB2_222-.Ltmp165, $3  }
0x526: {  	_ =	sdelay $0x1  }
0x527: {  	s17 =	smov.u32 s13;
	v0 =	vpop (erf)  }
0x528: {  	v3 =	vimm.f32 $0.0e+00;
	p2 =	por $0x0, $0x0;
	p1 =	por $0x0, $0x0;
	v1 =	vld [tilespmem:$0x760];
	s18 =	smov.u32 s16;
	[tilespmem:$0xBD0] =	vst v0;
	v0 =	vimm.f32 $0.0e+00  }
0x529: {  	s19 =	sadd.s32 $0x1, s15  }
0x52a: {  	p3 =	sne.s32 s14, s19  }
.Ltmp166:
0x52b: {  	_ = 	snop;
	(pc) =	sbr.rel @!p3 .LBB2_220-.Ltmp166, $2  }
0x52c: {  	v2 =	vld.msk [tilespmem:s13+$0x0 ss:$0x0], $0xffff;
	_ =	sdelay $0x2  }
0x52d: {  	s17 =	sadd.s32 $0x1, s13;
	p2 =	por $0x1, $0x1;
	v3 =	vimm.f32 $0.0e+00;
	s18 =	smov.u32 s15;
	vm0 =	veq.s32 v1, s16  }
.LBB2_221:
0x52e: {  	s20 =	smov.u32 s19;
	s19 =	sadd.s32 $0x1, s19  }
0x52f: {  	v3 =	vsel vm0, v2, v3;
	v2 =	vld.msk [tilespmem:s17+$0x0 ss:$0x0], $0xffff;
	p3 =	sne.s32 s14, s19  }
.Ltmp167:
0x530: {  	(pc) =	sbr.rel @p3 .LBB2_221-.Ltmp167, $2  }
0x531: {  	_ =	sdelay $0x2  }
0x532: {  	vm0 =	veq.s32 v1, s18;
	s17 =	sadd.s32 $0x1, s17;
	s18 =	smov.u32 s20  }
.LBB2_222:
0x533: {  	v4 =	vld.msk [tilespmem:s17+$0x0 ss:$0x0], $0xffff  }
0x534: {  	v5 =	vld [tilespmem:$0x360];
	_ =	sdelay $0x1  }
0x535: {  	v2 =	vsel @p2 vm0, v2, v3  }
0x536: {  	vm0 =	veq.s32 v1, s18;
	v1 =	vpsel p2, v2, v0  }
0x537: {  	v1 =	vsel vm0, v4, v1  }
0x538: {  	v1 =	vsub.f32 v5, v1;
	_ =	sdelay $0x1  }
0x539: {  	v1 =	vmul.f32 $1.442695020e+00, v1;
	_ =	sdelay $0x1  }
0x53a: {  	(erf) = vpow2.f32 v1;
	_ =	sdelay $0x5  }
.Ltmp168:
0x53b: {  	_ = 	snop;
	(pc) =	sbr.rel @!p0 .LBB2_226-.Ltmp168, $3  }
0x53c: {  	_ =	sdelay $0x1  }
0x53d: {  	v1 =	vpop (erf)  }
0x53e: {  	s17 =	smov.u32 s13;
	v3 =	vimm.f32 $0.0e+00;
	s18 =	smov.u32 s16;
	[tilespmem:$0xBE0] =	vst v1;
	v1 =	vld [tilespmem:$0x770]  }
0x53f: {  	s19 =	sadd.s32 $0x1, s15  }
0x540: {  	p2 =	sne.s32 s14, s19  }
.Ltmp169:
0x541: {  	_ = 	snop;
	(pc) =	sbr.rel @!p2 .LBB2_224-.Ltmp169, $2  }
0x542: {  	v2 =	vld.msk [tilespmem:s13+$0x0 ss:$0x0], $0xffff;
	_ =	sdelay $0x2  }
0x543: {  	s17 =	sadd.s32 $0x1, s13;
	p1 =	por $0x1, $0x1;
	v3 =	vimm.f32 $0.0e+00;
	s18 =	smov.u32 s15;
	vm0 =	veq.s32 v1, s16  }
.LBB2_225:
0x544: {  	s20 =	smov.u32 s19;
	s19 =	sadd.s32 $0x1, s19  }
0x545: {  	v3 =	vsel vm0, v2, v3;
	v2 =	vld.msk [tilespmem:s17+$0x0 ss:$0x0], $0xffff;
	p2 =	sne.s32 s14, s19  }
.Ltmp170:
0x546: {  	(pc) =	sbr.rel @p2 .LBB2_225-.Ltmp170, $2  }
0x547: {  	_ =	sdelay $0x2  }
0x548: {  	vm0 =	veq.s32 v1, s18;
	s17 =	sadd.s32 $0x1, s17;
	s18 =	smov.u32 s20  }
.LBB2_226:
0x549: {  	v4 =	vld.msk [tilespmem:s17+$0x0 ss:$0x0], $0xffff  }
0x54a: {  	v5 =	vld [tilespmem:$0x370];
	_ =	sdelay $0x1  }
0x54b: {  	v2 =	vsel @p1 vm0, v2, v3  }
0x54c: {  	v0 =	vpsel p1, v2, v0;
	vm0 =	veq.s32 v1, s18  }
0x54d: {  	v0 =	vsel vm0, v4, v0  }
0x54e: {  	v0 =	vsub.f32 v5, v0;
	_ =	sdelay $0x1  }
0x54f: {  	v0 =	vmul.f32 $1.442695020e+00, v0;
	_ =	sdelay $0x1  }
0x550: {  	(erf) = vpow2.f32 v0;
	_ =	sdelay $0x5  }
.Ltmp171:
0x551: {  	_ = 	snop;
	(pc) =	sbr.rel @!p0 .LBB2_230-.Ltmp171, $3  }
0x552: {  	_ =	sdelay $0x1  }
0x553: {  	s17 =	smov.u32 s13;
	v0 =	vpop (erf)  }
0x554: {  	v3 =	vimm.f32 $0.0e+00;
	p2 =	por $0x0, $0x0;
	p1 =	por $0x0, $0x0;
	v1 =	vld [tilespmem:$0x780];
	s18 =	smov.u32 s16;
	[tilespmem:$0xBF0] =	vst v0;
	v0 =	vimm.f32 $0.0e+00  }
0x555: {  	s19 =	sadd.s32 $0x1, s15  }
0x556: {  	p3 =	sne.s32 s14, s19  }
.Ltmp172:
0x557: {  	_ = 	snop;
	(pc) =	sbr.rel @!p3 .LBB2_228-.Ltmp172, $2  }
0x558: {  	v2 =	vld.msk [tilespmem:s13+$0x0 ss:$0x0], $0xffff;
	_ =	sdelay $0x2  }
0x559: {  	s17 =	sadd.s32 $0x1, s13;
	p2 =	por $0x1, $0x1;
	v3 =	vimm.f32 $0.0e+00;
	s18 =	smov.u32 s15;
	vm0 =	veq.s32 v1, s16  }
.LBB2_229:
0x55a: {  	s20 =	smov.u32 s19;
	s19 =	sadd.s32 $0x1, s19  }
0x55b: {  	v3 =	vsel vm0, v2, v3;
	v2 =	vld.msk [tilespmem:s17+$0x0 ss:$0x0], $0xffff;
	p3 =	sne.s32 s14, s19  }
.Ltmp173:
0x55c: {  	(pc) =	sbr.rel @p3 .LBB2_229-.Ltmp173, $2  }
0x55d: {  	_ =	sdelay $0x2  }
0x55e: {  	vm0 =	veq.s32 v1, s18;
	s17 =	sadd.s32 $0x1, s17;
	s18 =	smov.u32 s20  }
.LBB2_230:
0x55f: {  	v4 =	vld.msk [tilespmem:s17+$0x0 ss:$0x0], $0xffff  }
0x560: {  	v5 =	vld [tilespmem:$0x380];
	_ =	sdelay $0x1  }
0x561: {  	v2 =	vsel @p2 vm0, v2, v3  }
0x562: {  	vm0 =	veq.s32 v1, s18;
	v1 =	vpsel p2, v2, v0  }
0x563: {  	v1 =	vsel vm0, v4, v1  }
0x564: {  	v1 =	vsub.f32 v5, v1;
	_ =	sdelay $0x1  }
0x565: {  	v1 =	vmul.f32 $1.442695020e+00, v1;
	_ =	sdelay $0x1  }
0x566: {  	(erf) = vpow2.f32 v1;
	_ =	sdelay $0x5  }
.Ltmp174:
0x567: {  	_ = 	snop;
	(pc) =	sbr.rel @!p0 .LBB2_234-.Ltmp174, $3  }
0x568: {  	_ =	sdelay $0x1  }
0x569: {  	v1 =	vpop (erf)  }
0x56a: {  	s17 =	smov.u32 s13;
	v3 =	vimm.f32 $0.0e+00;
	s18 =	smov.u32 s16;
	[tilespmem:$0xC00] =	vst v1;
	v1 =	vld [tilespmem:$0x790]  }
0x56b: {  	s19 =	sadd.s32 $0x1, s15  }
0x56c: {  	p2 =	sne.s32 s14, s19  }
.Ltmp175:
0x56d: {  	_ = 	snop;
	(pc) =	sbr.rel @!p2 .LBB2_232-.Ltmp175, $2  }
0x56e: {  	v2 =	vld.msk [tilespmem:s13+$0x0 ss:$0x0], $0xffff;
	_ =	sdelay $0x2  }
0x56f: {  	s17 =	sadd.s32 $0x1, s13;
	p1 =	por $0x1, $0x1;
	v3 =	vimm.f32 $0.0e+00;
	s18 =	smov.u32 s15;
	vm0 =	veq.s32 v1, s16  }
.LBB2_233:
0x570: {  	s20 =	smov.u32 s19;
	s19 =	sadd.s32 $0x1, s19  }
0x571: {  	v3 =	vsel vm0, v2, v3;
	v2 =	vld.msk [tilespmem:s17+$0x0 ss:$0x0], $0xffff;
	p2 =	sne.s32 s14, s19  }
.Ltmp176:
0x572: {  	(pc) =	sbr.rel @p2 .LBB2_233-.Ltmp176, $2  }
0x573: {  	_ =	sdelay $0x2  }
0x574: {  	vm0 =	veq.s32 v1, s18;
	s17 =	sadd.s32 $0x1, s17;
	s18 =	smov.u32 s20  }
.LBB2_234:
0x575: {  	v4 =	vld.msk [tilespmem:s17+$0x0 ss:$0x0], $0xffff  }
0x576: {  	v5 =	vld [tilespmem:$0x390];
	_ =	sdelay $0x1  }
0x577: {  	v2 =	vsel @p1 vm0, v2, v3  }
0x578: {  	v0 =	vpsel p1, v2, v0;
	vm0 =	veq.s32 v1, s18  }
0x579: {  	v0 =	vsel vm0, v4, v0  }
0x57a: {  	v0 =	vsub.f32 v5, v0;
	_ =	sdelay $0x1  }
0x57b: {  	v0 =	vmul.f32 $1.442695020e+00, v0;
	_ =	sdelay $0x1  }
0x57c: {  	(erf) = vpow2.f32 v0;
	_ =	sdelay $0x5  }
.Ltmp177:
0x57d: {  	_ = 	snop;
	(pc) =	sbr.rel @!p0 .LBB2_238-.Ltmp177, $3  }
0x57e: {  	_ =	sdelay $0x1  }
0x57f: {  	s17 =	smov.u32 s13;
	v0 =	vpop (erf)  }
0x580: {  	v3 =	vimm.f32 $0.0e+00;
	p2 =	por $0x0, $0x0;
	p1 =	por $0x0, $0x0;
	v1 =	vld [tilespmem:$0x7A0];
	s18 =	smov.u32 s16;
	[tilespmem:$0xC10] =	vst v0;
	v0 =	vimm.f32 $0.0e+00  }
0x581: {  	s19 =	sadd.s32 $0x1, s15  }
0x582: {  	p3 =	sne.s32 s14, s19  }
.Ltmp178:
0x583: {  	_ = 	snop;
	(pc) =	sbr.rel @!p3 .LBB2_236-.Ltmp178, $2  }
0x584: {  	v2 =	vld.msk [tilespmem:s13+$0x0 ss:$0x0], $0xffff;
	_ =	sdelay $0x2  }
0x585: {  	s17 =	sadd.s32 $0x1, s13;
	p2 =	por $0x1, $0x1;
	v3 =	vimm.f32 $0.0e+00;
	s18 =	smov.u32 s15;
	vm0 =	veq.s32 v1, s16  }
.LBB2_237:
0x586: {  	s20 =	smov.u32 s19;
	s19 =	sadd.s32 $0x1, s19  }
0x587: {  	v3 =	vsel vm0, v2, v3;
	v2 =	vld.msk [tilespmem:s17+$0x0 ss:$0x0], $0xffff;
	p3 =	sne.s32 s14, s19  }
.Ltmp179:
0x588: {  	(pc) =	sbr.rel @p3 .LBB2_237-.Ltmp179, $2  }
0x589: {  	_ =	sdelay $0x2  }
0x58a: {  	vm0 =	veq.s32 v1, s18;
	s17 =	sadd.s32 $0x1, s17;
	s18 =	smov.u32 s20  }
.LBB2_238:
0x58b: {  	v4 =	vld.msk [tilespmem:s17+$0x0 ss:$0x0], $0xffff  }
0x58c: {  	v5 =	vld [tilespmem:$0x3A0];
	_ =	sdelay $0x1  }
0x58d: {  	v2 =	vsel @p2 vm0, v2, v3  }
0x58e: {  	vm0 =	veq.s32 v1, s18;
	v1 =	vpsel p2, v2, v0  }
0x58f: {  	v1 =	vsel vm0, v4, v1  }
0x590: {  	v1 =	vsub.f32 v5, v1;
	_ =	sdelay $0x1  }
0x591: {  	v1 =	vmul.f32 $1.442695020e+00, v1;
	_ =	sdelay $0x1  }
0x592: {  	(erf) = vpow2.f32 v1;
	_ =	sdelay $0x5  }
.Ltmp180:
0x593: {  	_ = 	snop;
	(pc) =	sbr.rel @!p0 .LBB2_242-.Ltmp180, $3  }
0x594: {  	_ =	sdelay $0x1  }
0x595: {  	v1 =	vpop (erf)  }
0x596: {  	s17 =	smov.u32 s13;
	v3 =	vimm.f32 $0.0e+00;
	s18 =	smov.u32 s16;
	[tilespmem:$0xC20] =	vst v1;
	v1 =	vld [tilespmem:$0x7B0]  }
0x597: {  	s19 =	sadd.s32 $0x1, s15  }
0x598: {  	p2 =	sne.s32 s14, s19  }
.Ltmp181:
0x599: {  	_ = 	snop;
	(pc) =	sbr.rel @!p2 .LBB2_240-.Ltmp181, $2  }
0x59a: {  	v2 =	vld.msk [tilespmem:s13+$0x0 ss:$0x0], $0xffff;
	_ =	sdelay $0x2  }
0x59b: {  	s17 =	sadd.s32 $0x1, s13;
	p1 =	por $0x1, $0x1;
	v3 =	vimm.f32 $0.0e+00;
	s18 =	smov.u32 s15;
	vm0 =	veq.s32 v1, s16  }
.LBB2_241:
0x59c: {  	s20 =	smov.u32 s19;
	s19 =	sadd.s32 $0x1, s19  }
0x59d: {  	v3 =	vsel vm0, v2, v3;
	v2 =	vld.msk [tilespmem:s17+$0x0 ss:$0x0], $0xffff;
	p2 =	sne.s32 s14, s19  }
.Ltmp182:
0x59e: {  	(pc) =	sbr.rel @p2 .LBB2_241-.Ltmp182, $2  }
0x59f: {  	_ =	sdelay $0x2  }
0x5a0: {  	vm0 =	veq.s32 v1, s18;
	s17 =	sadd.s32 $0x1, s17;
	s18 =	smov.u32 s20  }
.LBB2_242:
0x5a1: {  	v4 =	vld.msk [tilespmem:s17+$0x0 ss:$0x0], $0xffff  }
0x5a2: {  	v5 =	vld [tilespmem:$0x3B0];
	_ =	sdelay $0x1  }
0x5a3: {  	v2 =	vsel @p1 vm0, v2, v3  }
0x5a4: {  	v0 =	vpsel p1, v2, v0;
	vm0 =	veq.s32 v1, s18  }
0x5a5: {  	v0 =	vsel vm0, v4, v0  }
0x5a6: {  	v0 =	vsub.f32 v5, v0;
	_ =	sdelay $0x1  }
0x5a7: {  	v0 =	vmul.f32 $1.442695020e+00, v0;
	_ =	sdelay $0x1  }
0x5a8: {  	(erf) = vpow2.f32 v0;
	_ =	sdelay $0x5  }
.Ltmp183:
0x5a9: {  	_ = 	snop;
	(pc) =	sbr.rel @!p0 .LBB2_246-.Ltmp183, $3  }
0x5aa: {  	_ =	sdelay $0x1  }
0x5ab: {  	s17 =	smov.u32 s13;
	v0 =	vpop (erf)  }
0x5ac: {  	v3 =	vimm.f32 $0.0e+00;
	p2 =	por $0x0, $0x0;
	p1 =	por $0x0, $0x0;
	v1 =	vld [tilespmem:$0x7C0];
	s18 =	smov.u32 s16;
	[tilespmem:$0xC30] =	vst v0;
	v0 =	vimm.f32 $0.0e+00  }
0x5ad: {  	s19 =	sadd.s32 $0x1, s15  }
0x5ae: {  	p3 =	sne.s32 s14, s19  }
.Ltmp184:
0x5af: {  	_ = 	snop;
	(pc) =	sbr.rel @!p3 .LBB2_244-.Ltmp184, $2  }
0x5b0: {  	v2 =	vld.msk [tilespmem:s13+$0x0 ss:$0x0], $0xffff;
	_ =	sdelay $0x2  }
0x5b1: {  	s17 =	sadd.s32 $0x1, s13;
	p2 =	por $0x1, $0x1;
	v3 =	vimm.f32 $0.0e+00;
	s18 =	smov.u32 s15;
	vm0 =	veq.s32 v1, s16  }
.LBB2_245:
0x5b2: {  	s20 =	smov.u32 s19;
	s19 =	sadd.s32 $0x1, s19  }
0x5b3: {  	v3 =	vsel vm0, v2, v3;
	v2 =	vld.msk [tilespmem:s17+$0x0 ss:$0x0], $0xffff;
	p3 =	sne.s32 s14, s19  }
.Ltmp185:
0x5b4: {  	(pc) =	sbr.rel @p3 .LBB2_245-.Ltmp185, $2  }
0x5b5: {  	_ =	sdelay $0x2  }
0x5b6: {  	vm0 =	veq.s32 v1, s18;
	s17 =	sadd.s32 $0x1, s17;
	s18 =	smov.u32 s20  }
.LBB2_246:
0x5b7: {  	v4 =	vld.msk [tilespmem:s17+$0x0 ss:$0x0], $0xffff  }
0x5b8: {  	v5 =	vld [tilespmem:$0x3C0];
	_ =	sdelay $0x1  }
0x5b9: {  	v2 =	vsel @p2 vm0, v2, v3  }
0x5ba: {  	vm0 =	veq.s32 v1, s18;
	v1 =	vpsel p2, v2, v0  }
0x5bb: {  	v1 =	vsel vm0, v4, v1  }
0x5bc: {  	v1 =	vsub.f32 v5, v1;
	_ =	sdelay $0x1  }
0x5bd: {  	v1 =	vmul.f32 $1.442695020e+00, v1;
	_ =	sdelay $0x1  }
0x5be: {  	(erf) = vpow2.f32 v1;
	_ =	sdelay $0x5  }
.Ltmp186:
0x5bf: {  	_ = 	snop;
	(pc) =	sbr.rel @!p0 .LBB2_250-.Ltmp186, $3  }
0x5c0: {  	_ =	sdelay $0x1  }
0x5c1: {  	v1 =	vpop (erf)  }
0x5c2: {  	s17 =	smov.u32 s13;
	v3 =	vimm.f32 $0.0e+00;
	s18 =	smov.u32 s16;
	[tilespmem:$0xC40] =	vst v1;
	v1 =	vld [tilespmem:$0x7D0]  }
0x5c3: {  	s19 =	sadd.s32 $0x1, s15  }
0x5c4: {  	p2 =	sne.s32 s14, s19  }
.Ltmp187:
0x5c5: {  	_ = 	snop;
	(pc) =	sbr.rel @!p2 .LBB2_248-.Ltmp187, $2  }
0x5c6: {  	v2 =	vld.msk [tilespmem:s13+$0x0 ss:$0x0], $0xffff;
	_ =	sdelay $0x2  }
0x5c7: {  	s17 =	sadd.s32 $0x1, s13;
	p1 =	por $0x1, $0x1;
	v3 =	vimm.f32 $0.0e+00;
	s18 =	smov.u32 s15;
	vm0 =	veq.s32 v1, s16  }
.LBB2_249:
0x5c8: {  	s20 =	smov.u32 s19;
	s19 =	sadd.s32 $0x1, s19  }
0x5c9: {  	v3 =	vsel vm0, v2, v3;
	v2 =	vld.msk [tilespmem:s17+$0x0 ss:$0x0], $0xffff;
	p2 =	sne.s32 s14, s19  }
.Ltmp188:
0x5ca: {  	(pc) =	sbr.rel @p2 .LBB2_249-.Ltmp188, $2  }
0x5cb: {  	_ =	sdelay $0x2  }
0x5cc: {  	vm0 =	veq.s32 v1, s18;
	s17 =	sadd.s32 $0x1, s17;
	s18 =	smov.u32 s20  }
.LBB2_250:
0x5cd: {  	v4 =	vld.msk [tilespmem:s17+$0x0 ss:$0x0], $0xffff  }
0x5ce: {  	v5 =	vld [tilespmem:$0x3D0];
	_ =	sdelay $0x1  }
0x5cf: {  	v2 =	vsel @p1 vm0, v2, v3  }
0x5d0: {  	v0 =	vpsel p1, v2, v0;
	vm0 =	veq.s32 v1, s18  }
0x5d1: {  	v0 =	vsel vm0, v4, v0  }
0x5d2: {  	v0 =	vsub.f32 v5, v0;
	_ =	sdelay $0x1  }
0x5d3: {  	v0 =	vmul.f32 $1.442695020e+00, v0;
	_ =	sdelay $0x1  }
0x5d4: {  	(erf) = vpow2.f32 v0;
	_ =	sdelay $0x4  }
0x5d5: {  	p2 =	seq.s32 s14, s15  }
.Ltmp189:
0x5d6: {  	_ = 	snop;
	(pc) =	sbr.rel @p2 .LBB2_254-.Ltmp189, $3  }
0x5d7: {  	_ =	sdelay $0x1  }
0x5d8: {  	v0 =	vpop (erf)  }
0x5d9: {  	s17 =	smov.u32 s13;
	v3 =	vimm.f32 $0.0e+00;
	s19 =	smov.u32 s16;
	p1 =	por $0x0, $0x0;
	v1 =	vld [tilespmem:$0x7E0];
	[tilespmem:$0xC50] =	vst v0;
	v0 =	vimm.f32 $0.0e+00  }
0x5da: {  	s18 =	sadd.s32 $0x1, s15  }
0x5db: {  	p2 =	seq.s32 s14, s18  }
.Ltmp190:
0x5dc: {  	_ = 	snop;
	(pc) =	sbr.rel @p2 .LBB2_252-.Ltmp190, $2  }
0x5dd: {  	v2 =	vld.msk [tilespmem:s13+$0x0 ss:$0x0], $0xffff;
	_ =	sdelay $0x2  }
0x5de: {  	s17 =	sadd.s32 $0x1, s13;
	p1 =	por $0x1, $0x1;
	v3 =	vimm.f32 $0.0e+00;
	s19 =	smov.u32 s15;
	vm0 =	veq.s32 v1, s16  }
.LBB2_253:
0x5df: {  	s20 =	smov.u32 s18;
	s18 =	sadd.s32 $0x1, s18  }
0x5e0: {  	v3 =	vsel vm0, v2, v3;
	v2 =	vld.msk [tilespmem:s17+$0x0 ss:$0x0], $0xffff;
	p2 =	seq.s32 s14, s18  }
.Ltmp191:
0x5e1: {  	(pc) =	sbr.rel @!p2 .LBB2_253-.Ltmp191, $2  }
0x5e2: {  	_ =	sdelay $0x2  }
0x5e3: {  	vm0 =	veq.s32 v1, s19;
	s17 =	sadd.s32 $0x1, s17;
	s19 =	smov.u32 s20  }
.LBB2_254:
0x5e4: {  	_ =	sdelay $0x2  }
0x5e5: {  	v4 =	vld.msk [tilespmem:s17+$0x0 ss:$0x0], $0xffff  }
0x5e6: {  	vm15 =	veq.s32 v1, s19;
	v1 =	vld [tilespmem:$0x3E0];
	_ =	sdelay $0x1  }
0x5e7: {  	v2 =	vsel @p1 vm0, v2, v3  }
0x5e8: {  	v0 =	vpsel p1, v2, v0  }
0x5e9: {  	v0 =	vsel vm15, v4, v0  }
0x5ea: {  	v0 =	vsub.f32 v1, v0;
	_ =	sdelay $0x1  }
0x5eb: {  	v0 =	vmul.f32 $1.442695020e+00, v0;
	_ =	sdelay $0x1  }
0x5ec: {  	(erf) = vpow2.f32 v0;
	_ =	sdelay $0x5  }
.Ltmp192:
0x5ed: {  	_ = 	snop;
	(pc) =	sbr.rel @!p0 .LBB2_255-.Ltmp192, $3  }
0x5ee: {  	_ =	sdelay $0x1  }
0x5ef: {  	v0 =	vpop (erf)  }
0x5f0: {  	p1 =	por $0x0, $0x0;
	v1 =	vld [tilespmem:$0x7F0];
	[tilespmem:$0xC60] =	vst v0;
	v0 =	vimm.f32 $0.0e+00  }
0x5f1: {  	s17 =	sadd.s32 $0x1, s15  }
0x5f2: {  	p0 =	sne.s32 s14, s17  }
.Ltmp193:
0x5f3: {  	_ = 	snop;
	(pc) =	sbr.rel @!p0 .LBB2_257-.Ltmp193, $2  }
0x5f4: {  	v2 =	vld.msk [tilespmem:s13+$0x0 ss:$0x0], $0xffff;
	_ =	sdelay $0x2  }
0x5f5: {  	s13 =	sadd.s32 $0x1, s13;
	p1 =	por $0x1, $0x1;
	v3 =	vimm.f32 $0.0e+00;
	vm0 =	veq.s32 v1, s16  }
.LBB2_258:
0x5f6: {  	s16 =	smov.u32 s17;
	s17 =	sadd.s32 $0x1, s17  }
0x5f7: {  	v3 =	vsel vm0, v2, v3;
	v2 =	vld.msk [tilespmem:s13+$0x0 ss:$0x0], $0xffff;
	p0 =	sne.s32 s14, s17  }
.Ltmp194:
0x5f8: {  	(pc) =	sbr.rel @p0 .LBB2_258-.Ltmp194, $2  }
0x5f9: {  	_ =	sdelay $0x2  }
0x5fa: {  	vm0 =	veq.s32 v1, s15;
	s13 =	sadd.s32 $0x1, s13;
	s15 =	smov.u32 s16  }
0x5fb: {  	s16 =	smov.u32 s15  }
.LBB2_260:
0x5fc: {  	v4 =	vld.msk [tilespmem:s13+$0x0 ss:$0x0], $0xffff  }
.Ltmp195:
0x5fd: {  	_ = 	snop;
	(pc) =	sbr.rel .LBB2_261-.Ltmp195, $4  }
0x5fe: {  	_ = 	snop  }
0x5ff: {  	v2 =	vsel @p1 vm0, v2, v3  }
0x600: {  	vm15 =	veq.s32 v1, s16;
	v0 =	vpsel p1, v2, v0  }
0x601: {  	v0 =	vsel vm15, v4, v0  }
.LBB2_255:
.Ltmp196:
0x602: {  	(pc) =	sbr.rel .LBB2_260-.Ltmp196, $2  }
0x603: {  	_ =	sdelay $0x2  }
0x604: {  	v3 =	vimm.f32 $0.0e+00  }
.LBB2_4:
.Ltmp197:
0x605: {  	(pc) =	sbr.rel .LBB2_6-.Ltmp197, $2  }
0x606: {  	_ =	sdelay $0x2  }
0x607: {  	v3 =	vimm.f32 $0.0e+00;
	s18 =	smov.u32 s15  }
.LBB2_8:
.Ltmp198:
0x608: {  	(pc) =	sbr.rel .LBB2_10-.Ltmp198, $2  }
0x609: {  	_ =	sdelay $0x2  }
0x60a: {  	v3 =	vimm.f32 $0.0e+00;
	s18 =	smov.u32 s15  }
.LBB2_12:
.Ltmp199:
0x60b: {  	(pc) =	sbr.rel .LBB2_14-.Ltmp199, $2  }
0x60c: {  	_ =	sdelay $0x2  }
0x60d: {  	v3 =	vimm.f32 $0.0e+00;
	s18 =	smov.u32 s15  }
.LBB2_16:
.Ltmp200:
0x60e: {  	(pc) =	sbr.rel .LBB2_18-.Ltmp200, $2  }
0x60f: {  	_ =	sdelay $0x2  }
0x610: {  	v3 =	vimm.f32 $0.0e+00;
	s18 =	smov.u32 s15  }
.LBB2_20:
.Ltmp201:
0x611: {  	(pc) =	sbr.rel .LBB2_22-.Ltmp201, $2  }
0x612: {  	_ =	sdelay $0x2  }
0x613: {  	v3 =	vimm.f32 $0.0e+00;
	s18 =	smov.u32 s15  }
.LBB2_24:
.Ltmp202:
0x614: {  	(pc) =	sbr.rel .LBB2_26-.Ltmp202, $2  }
0x615: {  	_ =	sdelay $0x2  }
0x616: {  	v3 =	vimm.f32 $0.0e+00;
	s18 =	smov.u32 s15  }
.LBB2_28:
.Ltmp203:
0x617: {  	(pc) =	sbr.rel .LBB2_30-.Ltmp203, $2  }
0x618: {  	_ =	sdelay $0x2  }
0x619: {  	v3 =	vimm.f32 $0.0e+00;
	s18 =	smov.u32 s15  }
.LBB2_32:
.Ltmp204:
0x61a: {  	(pc) =	sbr.rel .LBB2_34-.Ltmp204, $2  }
0x61b: {  	_ =	sdelay $0x2  }
0x61c: {  	v3 =	vimm.f32 $0.0e+00;
	s18 =	smov.u32 s15  }
.LBB2_36:
.Ltmp205:
0x61d: {  	(pc) =	sbr.rel .LBB2_38-.Ltmp205, $2  }
0x61e: {  	_ =	sdelay $0x2  }
0x61f: {  	v3 =	vimm.f32 $0.0e+00;
	s18 =	smov.u32 s15  }
.LBB2_40:
.Ltmp206:
0x620: {  	(pc) =	sbr.rel .LBB2_42-.Ltmp206, $2  }
0x621: {  	_ =	sdelay $0x2  }
0x622: {  	v3 =	vimm.f32 $0.0e+00;
	s18 =	smov.u32 s15  }
.LBB2_44:
.Ltmp207:
0x623: {  	(pc) =	sbr.rel .LBB2_46-.Ltmp207, $2  }
0x624: {  	_ =	sdelay $0x2  }
0x625: {  	v3 =	vimm.f32 $0.0e+00;
	s18 =	smov.u32 s15  }
.LBB2_48:
.Ltmp208:
0x626: {  	(pc) =	sbr.rel .LBB2_50-.Ltmp208, $2  }
0x627: {  	_ =	sdelay $0x2  }
0x628: {  	v3 =	vimm.f32 $0.0e+00;
	s18 =	smov.u32 s15  }
.LBB2_52:
.Ltmp209:
0x629: {  	(pc) =	sbr.rel .LBB2_54-.Ltmp209, $2  }
0x62a: {  	_ =	sdelay $0x2  }
0x62b: {  	v3 =	vimm.f32 $0.0e+00;
	s18 =	smov.u32 s15  }
.LBB2_56:
.Ltmp210:
0x62c: {  	(pc) =	sbr.rel .LBB2_58-.Ltmp210, $2  }
0x62d: {  	_ =	sdelay $0x2  }
0x62e: {  	v3 =	vimm.f32 $0.0e+00;
	s18 =	smov.u32 s15  }
.LBB2_60:
.Ltmp211:
0x62f: {  	(pc) =	sbr.rel .LBB2_62-.Ltmp211, $2  }
0x630: {  	_ =	sdelay $0x2  }
0x631: {  	v3 =	vimm.f32 $0.0e+00;
	s18 =	smov.u32 s15  }
.LBB2_64:
.Ltmp212:
0x632: {  	(pc) =	sbr.rel .LBB2_66-.Ltmp212, $2  }
0x633: {  	_ =	sdelay $0x2  }
0x634: {  	v3 =	vimm.f32 $0.0e+00;
	s18 =	smov.u32 s15  }
.LBB2_68:
.Ltmp213:
0x635: {  	(pc) =	sbr.rel .LBB2_70-.Ltmp213, $2  }
0x636: {  	_ =	sdelay $0x2  }
0x637: {  	v3 =	vimm.f32 $0.0e+00;
	s18 =	smov.u32 s15  }
.LBB2_72:
.Ltmp214:
0x638: {  	(pc) =	sbr.rel .LBB2_74-.Ltmp214, $2  }
0x639: {  	_ =	sdelay $0x2  }
0x63a: {  	v3 =	vimm.f32 $0.0e+00;
	s18 =	smov.u32 s15  }
.LBB2_76:
.Ltmp215:
0x63b: {  	(pc) =	sbr.rel .LBB2_78-.Ltmp215, $2  }
0x63c: {  	_ =	sdelay $0x2  }
0x63d: {  	v3 =	vimm.f32 $0.0e+00;
	s18 =	smov.u32 s15  }
.LBB2_80:
.Ltmp216:
0x63e: {  	(pc) =	sbr.rel .LBB2_82-.Ltmp216, $2  }
0x63f: {  	_ =	sdelay $0x2  }
0x640: {  	v3 =	vimm.f32 $0.0e+00;
	s18 =	smov.u32 s15  }
.LBB2_84:
.Ltmp217:
0x641: {  	(pc) =	sbr.rel .LBB2_86-.Ltmp217, $2  }
0x642: {  	_ =	sdelay $0x2  }
0x643: {  	v3 =	vimm.f32 $0.0e+00;
	s18 =	smov.u32 s15  }
.LBB2_88:
.Ltmp218:
0x644: {  	(pc) =	sbr.rel .LBB2_90-.Ltmp218, $2  }
0x645: {  	_ =	sdelay $0x2  }
0x646: {  	v3 =	vimm.f32 $0.0e+00;
	s18 =	smov.u32 s15  }
.LBB2_92:
.Ltmp219:
0x647: {  	(pc) =	sbr.rel .LBB2_94-.Ltmp219, $2  }
0x648: {  	_ =	sdelay $0x2  }
0x649: {  	v3 =	vimm.f32 $0.0e+00;
	s18 =	smov.u32 s15  }
.LBB2_96:
.Ltmp220:
0x64a: {  	(pc) =	sbr.rel .LBB2_98-.Ltmp220, $2  }
0x64b: {  	_ =	sdelay $0x2  }
0x64c: {  	v3 =	vimm.f32 $0.0e+00;
	s18 =	smov.u32 s15  }
.LBB2_100:
.Ltmp221:
0x64d: {  	(pc) =	sbr.rel .LBB2_102-.Ltmp221, $2  }
0x64e: {  	_ =	sdelay $0x2  }
0x64f: {  	v3 =	vimm.f32 $0.0e+00;
	s18 =	smov.u32 s15  }
.LBB2_104:
.Ltmp222:
0x650: {  	(pc) =	sbr.rel .LBB2_106-.Ltmp222, $2  }
0x651: {  	_ =	sdelay $0x2  }
0x652: {  	v3 =	vimm.f32 $0.0e+00;
	s18 =	smov.u32 s15  }
.LBB2_108:
.Ltmp223:
0x653: {  	(pc) =	sbr.rel .LBB2_110-.Ltmp223, $2  }
0x654: {  	_ =	sdelay $0x2  }
0x655: {  	v3 =	vimm.f32 $0.0e+00;
	s18 =	smov.u32 s15  }
.LBB2_112:
.Ltmp224:
0x656: {  	(pc) =	sbr.rel .LBB2_114-.Ltmp224, $2  }
0x657: {  	_ =	sdelay $0x2  }
0x658: {  	v3 =	vimm.f32 $0.0e+00;
	s18 =	smov.u32 s15  }
.LBB2_116:
.Ltmp225:
0x659: {  	(pc) =	sbr.rel .LBB2_118-.Ltmp225, $2  }
0x65a: {  	_ =	sdelay $0x2  }
0x65b: {  	v3 =	vimm.f32 $0.0e+00;
	s18 =	smov.u32 s15  }
.LBB2_120:
.Ltmp226:
0x65c: {  	(pc) =	sbr.rel .LBB2_122-.Ltmp226, $2  }
0x65d: {  	_ =	sdelay $0x2  }
0x65e: {  	v3 =	vimm.f32 $0.0e+00;
	s18 =	smov.u32 s15  }
.LBB2_124:
.Ltmp227:
0x65f: {  	(pc) =	sbr.rel .LBB2_126-.Ltmp227, $2  }
0x660: {  	_ =	sdelay $0x2  }
0x661: {  	v3 =	vimm.f32 $0.0e+00;
	s18 =	smov.u32 s15  }
.LBB2_128:
.Ltmp228:
0x662: {  	(pc) =	sbr.rel .LBB2_130-.Ltmp228, $2  }
0x663: {  	_ =	sdelay $0x2  }
0x664: {  	v3 =	vimm.f32 $0.0e+00;
	s18 =	smov.u32 s15  }
.LBB2_132:
.Ltmp229:
0x665: {  	(pc) =	sbr.rel .LBB2_134-.Ltmp229, $2  }
0x666: {  	_ =	sdelay $0x2  }
0x667: {  	v3 =	vimm.f32 $0.0e+00;
	s18 =	smov.u32 s15  }
.LBB2_136:
.Ltmp230:
0x668: {  	(pc) =	sbr.rel .LBB2_138-.Ltmp230, $2  }
0x669: {  	_ =	sdelay $0x2  }
0x66a: {  	v3 =	vimm.f32 $0.0e+00;
	s18 =	smov.u32 s15  }
.LBB2_140:
.Ltmp231:
0x66b: {  	(pc) =	sbr.rel .LBB2_142-.Ltmp231, $2  }
0x66c: {  	_ =	sdelay $0x2  }
0x66d: {  	v3 =	vimm.f32 $0.0e+00;
	s18 =	smov.u32 s15  }
.LBB2_144:
.Ltmp232:
0x66e: {  	(pc) =	sbr.rel .LBB2_146-.Ltmp232, $2  }
0x66f: {  	_ =	sdelay $0x2  }
0x670: {  	v3 =	vimm.f32 $0.0e+00;
	s18 =	smov.u32 s15  }
.LBB2_148:
.Ltmp233:
0x671: {  	(pc) =	sbr.rel .LBB2_150-.Ltmp233, $2  }
0x672: {  	_ =	sdelay $0x2  }
0x673: {  	v3 =	vimm.f32 $0.0e+00;
	s18 =	smov.u32 s15  }
.LBB2_152:
.Ltmp234:
0x674: {  	(pc) =	sbr.rel .LBB2_154-.Ltmp234, $2  }
0x675: {  	_ =	sdelay $0x2  }
0x676: {  	v3 =	vimm.f32 $0.0e+00;
	s18 =	smov.u32 s15  }
.LBB2_156:
.Ltmp235:
0x677: {  	(pc) =	sbr.rel .LBB2_158-.Ltmp235, $2  }
0x678: {  	_ =	sdelay $0x2  }
0x679: {  	v3 =	vimm.f32 $0.0e+00;
	s18 =	smov.u32 s15  }
.LBB2_160:
.Ltmp236:
0x67a: {  	(pc) =	sbr.rel .LBB2_162-.Ltmp236, $2  }
0x67b: {  	_ =	sdelay $0x2  }
0x67c: {  	v3 =	vimm.f32 $0.0e+00;
	s18 =	smov.u32 s15  }
.LBB2_164:
.Ltmp237:
0x67d: {  	(pc) =	sbr.rel .LBB2_166-.Ltmp237, $2  }
0x67e: {  	_ =	sdelay $0x2  }
0x67f: {  	v3 =	vimm.f32 $0.0e+00;
	s18 =	smov.u32 s15  }
.LBB2_168:
.Ltmp238:
0x680: {  	(pc) =	sbr.rel .LBB2_170-.Ltmp238, $2  }
0x681: {  	_ =	sdelay $0x2  }
0x682: {  	v3 =	vimm.f32 $0.0e+00;
	s18 =	smov.u32 s15  }
.LBB2_172:
.Ltmp239:
0x683: {  	(pc) =	sbr.rel .LBB2_174-.Ltmp239, $2  }
0x684: {  	_ =	sdelay $0x2  }
0x685: {  	v3 =	vimm.f32 $0.0e+00;
	s18 =	smov.u32 s15  }
.LBB2_176:
.Ltmp240:
0x686: {  	(pc) =	sbr.rel .LBB2_178-.Ltmp240, $2  }
0x687: {  	_ =	sdelay $0x2  }
0x688: {  	v3 =	vimm.f32 $0.0e+00;
	s18 =	smov.u32 s15  }
.LBB2_180:
.Ltmp241:
0x689: {  	(pc) =	sbr.rel .LBB2_182-.Ltmp241, $2  }
0x68a: {  	_ =	sdelay $0x2  }
0x68b: {  	v3 =	vimm.f32 $0.0e+00;
	s18 =	smov.u32 s15  }
.LBB2_184:
.Ltmp242:
0x68c: {  	(pc) =	sbr.rel .LBB2_186-.Ltmp242, $2  }
0x68d: {  	_ =	sdelay $0x2  }
0x68e: {  	v3 =	vimm.f32 $0.0e+00;
	s18 =	smov.u32 s15  }
.LBB2_188:
.Ltmp243:
0x68f: {  	(pc) =	sbr.rel .LBB2_190-.Ltmp243, $2  }
0x690: {  	_ =	sdelay $0x2  }
0x691: {  	v3 =	vimm.f32 $0.0e+00;
	s18 =	smov.u32 s15  }
.LBB2_192:
.Ltmp244:
0x692: {  	(pc) =	sbr.rel .LBB2_194-.Ltmp244, $2  }
0x693: {  	_ =	sdelay $0x2  }
0x694: {  	v3 =	vimm.f32 $0.0e+00;
	s18 =	smov.u32 s15  }
.LBB2_196:
.Ltmp245:
0x695: {  	(pc) =	sbr.rel .LBB2_198-.Ltmp245, $2  }
0x696: {  	_ =	sdelay $0x2  }
0x697: {  	v3 =	vimm.f32 $0.0e+00;
	s18 =	smov.u32 s15  }
.LBB2_200:
.Ltmp246:
0x698: {  	(pc) =	sbr.rel .LBB2_202-.Ltmp246, $2  }
0x699: {  	_ =	sdelay $0x2  }
0x69a: {  	v3 =	vimm.f32 $0.0e+00;
	s18 =	smov.u32 s15  }
.LBB2_204:
.Ltmp247:
0x69b: {  	(pc) =	sbr.rel .LBB2_206-.Ltmp247, $2  }
0x69c: {  	_ =	sdelay $0x2  }
0x69d: {  	v3 =	vimm.f32 $0.0e+00;
	s18 =	smov.u32 s15  }
.LBB2_208:
.Ltmp248:
0x69e: {  	(pc) =	sbr.rel .LBB2_210-.Ltmp248, $2  }
0x69f: {  	_ =	sdelay $0x2  }
0x6a0: {  	v3 =	vimm.f32 $0.0e+00;
	s18 =	smov.u32 s15  }
.LBB2_212:
.Ltmp249:
0x6a1: {  	(pc) =	sbr.rel .LBB2_214-.Ltmp249, $2  }
0x6a2: {  	_ =	sdelay $0x2  }
0x6a3: {  	v3 =	vimm.f32 $0.0e+00;
	s18 =	smov.u32 s15  }
.LBB2_216:
.Ltmp250:
0x6a4: {  	(pc) =	sbr.rel .LBB2_218-.Ltmp250, $2  }
0x6a5: {  	_ =	sdelay $0x2  }
0x6a6: {  	v3 =	vimm.f32 $0.0e+00;
	s18 =	smov.u32 s15  }
.LBB2_220:
.Ltmp251:
0x6a7: {  	(pc) =	sbr.rel .LBB2_222-.Ltmp251, $2  }
0x6a8: {  	_ =	sdelay $0x2  }
0x6a9: {  	v3 =	vimm.f32 $0.0e+00;
	s18 =	smov.u32 s15  }
.LBB2_224:
.Ltmp252:
0x6aa: {  	(pc) =	sbr.rel .LBB2_226-.Ltmp252, $2  }
0x6ab: {  	_ =	sdelay $0x2  }
0x6ac: {  	v3 =	vimm.f32 $0.0e+00;
	s18 =	smov.u32 s15  }
.LBB2_228:
.Ltmp253:
0x6ad: {  	(pc) =	sbr.rel .LBB2_230-.Ltmp253, $2  }
0x6ae: {  	_ =	sdelay $0x2  }
0x6af: {  	v3 =	vimm.f32 $0.0e+00;
	s18 =	smov.u32 s15  }
.LBB2_232:
.Ltmp254:
0x6b0: {  	(pc) =	sbr.rel .LBB2_234-.Ltmp254, $2  }
0x6b1: {  	_ =	sdelay $0x2  }
0x6b2: {  	v3 =	vimm.f32 $0.0e+00;
	s18 =	smov.u32 s15  }
.LBB2_236:
.Ltmp255:
0x6b3: {  	(pc) =	sbr.rel .LBB2_238-.Ltmp255, $2  }
0x6b4: {  	_ =	sdelay $0x2  }
0x6b5: {  	v3 =	vimm.f32 $0.0e+00;
	s18 =	smov.u32 s15  }
.LBB2_240:
.Ltmp256:
0x6b6: {  	(pc) =	sbr.rel .LBB2_242-.Ltmp256, $2  }
0x6b7: {  	_ =	sdelay $0x2  }
0x6b8: {  	v3 =	vimm.f32 $0.0e+00;
	s18 =	smov.u32 s15  }
.LBB2_244:
.Ltmp257:
0x6b9: {  	(pc) =	sbr.rel .LBB2_246-.Ltmp257, $2  }
0x6ba: {  	_ =	sdelay $0x2  }
0x6bb: {  	v3 =	vimm.f32 $0.0e+00;
	s18 =	smov.u32 s15  }
.LBB2_248:
.Ltmp258:
0x6bc: {  	(pc) =	sbr.rel .LBB2_250-.Ltmp258, $2  }
0x6bd: {  	_ =	sdelay $0x2  }
0x6be: {  	v3 =	vimm.f32 $0.0e+00;
	s18 =	smov.u32 s15  }
.LBB2_252:
.Ltmp259:
0x6bf: {  	(pc) =	sbr.rel .LBB2_254-.Ltmp259, $2  }
0x6c0: {  	_ =	sdelay $0x2  }
0x6c1: {  	v3 =	vimm.f32 $0.0e+00;
	s19 =	smov.u32 s15  }
.LBB2_257:
.Ltmp260:
0x6c2: {  	(pc) =	sbr.rel .LBB2_260-.Ltmp260, $2  }
0x6c3: {  	_ =	sdelay $0x2  }
0x6c4: {  	v3 =	vimm.f32 $0.0e+00;
	s16 =	smov.u32 s15  }
.LBB2_262:
0x6c5: {  	_ =	sfence.sel $0x180000  }
0x6c6: {  	[bflag:$0x0] =	sbarrier.arrive $0xFFFF  }
0x6c7: {  	p0 =	sne.s32 s1, $0x0;
	_ =	strace $0x90000047  }
0x6c8: {  	s0 =	sadd.s32 @!p0 $0x100000, s0;
	[bflag:$0x2] =	sbarrier.arrive $0xFFFF  }
0x6c9: {  	[sflag:s0] =	ssyncadd.tile.s32 @!p0 $0x1;
	_ =	shalt  }
.Lfunc_end2:
_tile_overlayer_lowered:
.L_overlay_start_2:
0x6ca: {  	(tag) =	ssettag $0x2  }
0x6cb: {  	s0 =	rddreg [dreg:$0x0];
	s2 =	stileid.u32  }
0x6cc: {  	s1 =	rddreg [dreg:$0x1];
	p0 =	sne.s32 s2, $0x0  }
0x6cd: {  	s3 =	rddreg [dreg:$0x2];
	[bflag:$0x3] =	sbarrier.arrive $0xFFFF;
	s2 =	simm.s32 @!p0 $0x1C01  }
0x6ce: {  	[timem:s3], [sflag:s2] =	dma.local @!p0 [hbm:s0], s1  }
0x6cf: {  	s0 =	simm.s32 @!p0 $0x1  }
0x6d0: {  	_ =	swait.ge @!p0 [sflag:s0], s1  }
0x6d1: {  	s1 =	ssub.s32 @!p0 $0x0, s1;
	[sflag:s0] =	ssyncset.done @!p0 $0x0  }
0x6d2: {  	[sflag:s0] =	ssyncadd.s32 @!p0 s1  }
0x6d3: {  	[bflag:$0x3] =	sbarrier.arrive $0xFFFF  }
0x6d4: {  	_ =	shalt  }

</sc_bundles>
